<compile_context>
chip_gen: v7x
topology: tpu7x:2x2x1
jax: 0.10.2.dev20260603
libtpu: 0.0.44.dev20260713+nightly
codegen_flags: <defaults>
</compile_context>

<pallas_src>
import functools

import jax
import jax.numpy as jnp
from jax import lax
from jax.experimental import pallas as pl
from jax.experimental.pallas import tpu as pltpu
from jax.experimental.pallas import tpu_sc as plsc

NC = 2
NS = 16
NW = NC * NS
LANES = 16

N = 10000
E = 320000
C = 80
EW = E // NW
G = EW // C
NPAD = 10240
RPS = NPAD // NS
NROW = N // 8
PPAD = NPAD // 8

NB = 12
PD = 8


def _sc_mesh():
    return plsc.VectorSubcoreMesh(
        core_axis_name="c", subcore_axis_name="s",
        num_cores=NC, num_subcores=NS)


def _deg_body(e_hbm, out_hbm, dst_slab, ones_v, stage, acc, sem):
    c = lax.axis_index("c")
    s = lax.axis_index("s")
    wid = c * NS + s
    dst_load = pltpu.async_copy(e_hbm.at[1].at[wid], dst_slab, sem)

    def zrow(i, _):
        stage[i] = jnp.zeros((LANES,), jnp.float32)
        return 0
    lax.fori_loop(0, RPS, zrow, 0)

    def orow(i, _):
        ones_v[i] = jnp.ones((LANES,), jnp.float32)
        return 0
    lax.fori_loop(0, C, orow, 0)

    pltpu.sync_copy(stage, acc.at[pl.ds(s * RPS, RPS)])
    dst_load.wait()
    plsc.subcore_barrier()

    def drain():
        pltpu.make_async_copy(out_hbm.at[pl.ds(0, C)], ones_v, sem).wait()

    def chunk_a(g, _):
        pltpu.async_copy(ones_v, acc.at[dst_slab.at[g]], sem, add=True)
        return 0

    def chunk_b(g, _):
        pltpu.async_copy(ones_v, acc.at[dst_slab.at[g]], sem, add=True)
        drain()
        return 0
    lax.fori_loop(0, NB, chunk_a, 0)
    lax.fori_loop(NB, G, chunk_b, 0)
    for _ in range(NB):
        drain()
    plsc.subcore_barrier()

    pltpu.sync_copy(acc.at[pl.ds(s * RPS, RPS)],
                    out_hbm.at[pl.ds(wid * RPS, RPS)])


@functools.lru_cache(maxsize=None)
def _deg_kernel():
    return pl.kernel(
        _deg_body,
        out_type=jax.ShapeDtypeStruct((NC * NPAD, LANES), jnp.float32),
        mesh=_sc_mesh(),
        scratch_types=[
            pltpu.VMEM((G, C), jnp.int32),
            pltpu.VMEM((C, LANES), jnp.float32),
            pltpu.VMEM((RPS, LANES), jnp.float32),
            pltpu.VMEM_SHARED((NPAD, LANES), jnp.float32),
            pltpu.SemaphoreType.DMA,
        ],
        compiler_params=pltpu.CompilerParams(use_tc_tiling_on_sc=False),
    )


def _deg_call(e3):
    return _deg_kernel()(e3)


def _agg_body(hs_hbm, e_hbm, out_hbm,
              src_slab, dst_slab, rows, stage, acc, gsem, ssem, zsem):
    c = lax.axis_index("c")
    s = lax.axis_index("s")
    wid = c * NS + s
    src_load = pltpu.async_copy(e_hbm.at[0].at[wid], src_slab, zsem)
    dst_load = pltpu.async_copy(e_hbm.at[1].at[wid], dst_slab, zsem)

    def zrow(i, _):
        stage[i] = jnp.zeros((LANES,), jnp.float32)
        return 0
    lax.fori_loop(0, RPS, zrow, 0)
    src_load.wait()
    dst_load.wait()

    def fire_gather(g, b):
        pltpu.async_copy(hs_hbm.at[src_slab.at[g]], rows.at[b], gsem.at[b])

    def drain(sem_arr, b):
        pltpu.make_async_copy(hs_hbm.at[pl.ds(0, C)], rows.at[b],
                              sem_arr.at[b]).wait()

    def scat(g, b):
        pltpu.async_copy(rows.at[b], acc.at[dst_slab.at[g]], ssem.at[b],
                         add=True)

    zero_copy = pltpu.async_copy(stage, acc.at[pl.ds(s * RPS, RPS)], zsem)
    for g in range(PD):
        fire_gather(jnp.int32(g), jnp.int32(g))
    zero_copy.wait()
    plsc.subcore_barrier()

    def body_a(g, _):
        b = lax.rem(g, NB)
        drain(gsem, b)
        scat(g, b)
        gp = g + PD
        fire_gather(gp, lax.rem(gp, NB))
        return 0

    def body_b(g, _):
        b = lax.rem(g, NB)
        drain(gsem, b)
        scat(g, b)
        gp = g + PD
        bp = lax.rem(gp, NB)
        drain(ssem, bp)
        fire_gather(gp, bp)
        return 0

    def body_c(g, _):
        b = lax.rem(g, NB)
        drain(gsem, b)
        scat(g, b)
        return 0
    lax.fori_loop(0, NB - PD, body_a, 0)
    lax.fori_loop(NB - PD, G - PD, body_b, 0)
    lax.fori_loop(G - PD, G, body_c, 0)
    for k in range(NB):
        drain(ssem, jnp.int32((G - NB + k) % NB))
    plsc.subcore_barrier()

    pltpu.sync_copy(acc.at[pl.ds(s * RPS, RPS)],
                    out_hbm.at[pl.ds(wid * RPS, RPS)])


@functools.lru_cache(maxsize=None)
def _agg_kernel():
    return pl.kernel(
        _agg_body,
        out_type=jax.ShapeDtypeStruct((NC * NPAD, LANES), jnp.float32),
        mesh=_sc_mesh(),
        scratch_types=[
            pltpu.VMEM((G, C), jnp.int32),
            pltpu.VMEM((G, C), jnp.int32),
            pltpu.VMEM((NB, C, LANES), jnp.float32),
            pltpu.VMEM((RPS, LANES), jnp.float32),
            pltpu.VMEM_SHARED((NPAD, LANES), jnp.float32),
            pltpu.SemaphoreType.DMA((NB,)),
            pltpu.SemaphoreType.DMA((NB,)),
            pltpu.SemaphoreType.DMA,
        ],
        compiler_params=pltpu.CompilerParams(use_tc_tiling_on_sc=False),
    )


def _agg_call(hs, e3):
    return _agg_kernel()(hs, e3)


def _tc1_body(degp_ref, x3_ref, w_ref, dinv_ref, hs_ref):
    deg = degp_ref[0:NROW, :] + degp_ref[PPAD:PPAD + NROW, :] + 1.0
    dinv = lax.rsqrt(deg)
    dinv_ref[...] = dinv
    for a in range(8):
        h = jnp.dot(x3_ref[:, a, :], w_ref[...],
                    preferred_element_type=jnp.float32)
        hs_ref[:, 16 * a:16 * (a + 1)] = h * dinv[:, 16 * a:16 * (a + 1)]


def _tc1(degp, x3, w):
    return pl.pallas_call(
        _tc1_body,
        out_shape=[
            jax.ShapeDtypeStruct((NROW, 128), jnp.float32),
            jax.ShapeDtypeStruct((NROW, 128), jnp.float32),
        ],
    )(degp, x3, w)


def _rep8(v):
    return jnp.concatenate([v] * 8, axis=0)


def _ln_relu(t, mavg_ref, g_ref, be_ref):
    hi = lax.Precision.HIGHEST
    mavg = mavg_ref[...]
    mu = jnp.dot(t, mavg, precision=hi, preferred_element_type=jnp.float32)
    d = t - mu
    var = jnp.dot(d * d, mavg, precision=hi,
                  preferred_element_type=jnp.float32)
    tn = d * lax.rsqrt(var + 1e-5) * _rep8(g_ref[...])[None, :] \
        + _rep8(be_ref[...])[None, :]
    return jnp.maximum(tn, 0.0)


def _tc_mid_body(aggp_ref, hs_ref, dinv_ref, b_ref, g_ref, be_ref,
                 wb_ref, mavg_ref, out_ref):
    dinv = dinv_ref[...]
    t = (aggp_ref[0:NROW, :] + aggp_ref[PPAD:PPAD + NROW, :] + hs_ref[...]) \
        * dinv + _rep8(b_ref[...])[None, :]
    r = _ln_relu(t, mavg_ref, g_ref, be_ref)
    out_ref[...] = jnp.dot(r, wb_ref[...],
                           preferred_element_type=jnp.float32) * dinv


def _tc_mid(aggp, hs, dinv, b, g, be, wb, mavg):
    return pl.pallas_call(
        _tc_mid_body,
        out_shape=jax.ShapeDtypeStruct((NROW, 128), jnp.float32),
    )(aggp, hs, dinv, b, g, be, wb, mavg)


def _tc_final_body(aggp_ref, hs_ref, dinv_ref, b_ref, g_ref, be_ref,
                   mavg_ref, f_ref, wl_ref, bl_ref, out_ref):
    hi = lax.Precision.HIGHEST
    t = (aggp_ref[0:NROW, :] + aggp_ref[PPAD:PPAD + NROW, :] + hs_ref[...]) \
        * dinv_ref[...] + _rep8(b_ref[...])[None, :]
    r = _ln_relu(t, mavg_ref, g_ref, be_ref)
    srow = jnp.sum(r, axis=0, keepdims=True)
    pooled = jnp.dot(srow, f_ref[...], precision=hi,
                     preferred_element_type=jnp.float32) * (1.0 / N)
    out_ref[...] = jnp.dot(pooled, wl_ref[...],
                           preferred_element_type=jnp.float32) \
        + bl_ref[...][None, :]


def _tc_final(aggp, hs, dinv, b, g, be, mavg, f, wl, bl):
    return pl.pallas_call(
        _tc_final_body,
        out_shape=jax.ShapeDtypeStruct((1, 25), jnp.float32),
    )(aggp, hs, dinv, b, g, be, mavg, f, wl, bl)


def kernel(x, edge_index, W1, b1, g1, be1, W2, b2, g2, be2, W3, b3, g3, be3,
           Wl, bl):
    e3 = edge_index.reshape(2, NW, G, C)
    x3 = x.reshape(NROW, 8, 128)
    eye8 = jnp.eye(8, dtype=jnp.float32)
    mavg = jnp.kron(eye8, jnp.full((16, 16), 1.0 / 16, jnp.float32))
    fmat = jnp.kron(jnp.ones((8, 1), jnp.float32),
                    jnp.eye(16, dtype=jnp.float32))

    degp = _deg_call(e3).reshape(NC * PPAD, 128)
    dinv, hs = _tc1(degp, x3, W1)

    aggp = _agg_call(hs.reshape(N, LANES), e3).reshape(NC * PPAD, 128)
    hs = _tc_mid(aggp, hs, dinv, b1, g1, be1, jnp.kron(eye8, W2), mavg)

    aggp = _agg_call(hs.reshape(N, LANES), e3).reshape(NC * PPAD, 128)
    hs = _tc_mid(aggp, hs, dinv, b2, g2, be2, jnp.kron(eye8, W3), mavg)

    aggp = _agg_call(hs.reshape(N, LANES), e3).reshape(NC * PPAD, 128)
    out = _tc_final(aggp, hs, dinv, b3, g3, be3, mavg, fmat, Wl, bl)
    return out.reshape(25)

# --- scband reference (transcript-rebuilt; emitter-appended) ---
"""Pipeline reference for scband-gcn-graph2-6090263626388 (READ-ONLY COPY).

The authoritative reference and input builder live on the scoring server;
editing this copy changes nothing except your own understanding.
"""

import jax, jax.numpy as jnp
import numpy as np

N = 10000
E = 320000
D_IN = 128
H = 16
OUT = 25


def setup_inputs(seed: int = 0) -> dict:
    key = jax.random.key(seed)
    ks = jax.random.split(key, 18)
    x = jax.random.normal(ks[0], (N, D_IN), dtype=jnp.float32)
    edge_index = jax.random.randint(ks[1], (2, E), 0, N, dtype=jnp.int32)
    W1 = jax.random.normal(ks[2], (D_IN, H), dtype=jnp.float32) * 0.05
    b1 = jnp.zeros((H,), dtype=jnp.float32)
    g1 = jnp.ones((H,), dtype=jnp.float32)
    be1 = jnp.zeros((H,), dtype=jnp.float32)
    W2 = jax.random.normal(ks[3], (H, H), dtype=jnp.float32) * 0.1
    b2 = jnp.zeros((H,), dtype=jnp.float32)
    g2 = jnp.ones((H,), dtype=jnp.float32)
    be2 = jnp.zeros((H,), dtype=jnp.float32)
    W3 = jax.random.normal(ks[4], (H, H), dtype=jnp.float32) * 0.1
    b3 = jnp.zeros((H,), dtype=jnp.float32)
    g3 = jnp.ones((H,), dtype=jnp.float32)
    be3 = jnp.zeros((H,), dtype=jnp.float32)
    Wl = jax.random.normal(ks[5], (H, OUT), dtype=jnp.float32) * 0.1
    bl = jnp.zeros((OUT,), dtype=jnp.float32)
    return {"x": x, "edge_index": edge_index, "W1": W1, "b1": b1, "g1": g1, "be1": be1,
            "W2": W2, "b2": b2, "g2": g2, "be2": be2,
            "W3": W3, "b3": b3, "g3": g3, "be3": be3, "Wl": Wl, "bl": bl}


def _gcn_conv(x, edge_index, W, b):
    n = x.shape[0]
    loop = jnp.arange(n, dtype=edge_index.dtype)
    src = jnp.concatenate([edge_index[0], loop])
    dst = jnp.concatenate([edge_index[1], loop])
    ones = jnp.ones(src.shape[0], dtype=x.dtype)
    deg = jax.ops.segment_sum(ones, dst, num_segments=n)
    dinv = jnp.where(deg > 0, deg ** -0.5, 0.0)
    norm = dinv[src] * dinv[dst]
    h = x @ W
    msg = h[src] * norm[:, None]
    out = jax.ops.segment_sum(msg, dst, num_segments=n)
    return out + b


def _layer_norm(x, g, b, eps=1e-5):
    mu = jnp.mean(x, axis=-1, keepdims=True)
    var = jnp.mean((x - mu) ** 2, axis=-1, keepdims=True)
    return (x - mu) / jnp.sqrt(var + eps) * g + b


def reference(x, edge_index, W1, b1, g1, be1, W2, b2, g2, be2, W3, b3, g3, be3, Wl, bl):
    h = jax.nn.relu(_layer_norm(_gcn_conv(x, edge_index, W1, b1), g1, be1))
    h = jax.nn.relu(_layer_norm(_gcn_conv(h, edge_index, W2, b2), g2, be2))
    h = jax.nn.relu(_layer_norm(_gcn_conv(h, edge_index, W3, b3), g3, be3))
    pooled = jnp.mean(h, axis=0)
    return pooled @ Wl + bl

if __name__ == "__main__":
    import jax
    _d = setup_inputs()
    print(jax.jit(kernel)(*tuple(_d.values())))

</pallas_src>

<mosaic_0001>
#map = affine_map<(d0, d1) -> (0, 0, 0, 0)>
#map1 = affine_map<(d0, d1) -> (0, 0)>
module attributes {stable_mosaic.version = 14 : i64} {
  func.func @_deg_body(%arg0: i32, %arg1: i32, %arg2: memref<2x32x125x80xi32, #tpu.memory_space<hbm>>, %arg3: memref<20480x16xf32, #tpu.memory_space<hbm>>, %arg4: memref<125x80xi32, #tpu.memory_space<vmem>>, %arg5: memref<80x16xf32, #tpu.memory_space<vmem>>, %arg6: memref<640x16xf32, #tpu.memory_space<vmem>>, %arg7: memref<10240x16xf32, #tpu.memory_space<vmem_shared>>, %arg8: memref<!tpu.dma_semaphore, #tpu.memory_space<semaphore_mem>>) attributes {dimension_semantics = [#tpu.dimension_semantics<core_parallel>, #tpu.dimension_semantics<subcore_parallel>], iteration_bounds = array<i64: 2, 16>, scalar_prefetch = 0 : i64, scratch_operands = 5 : i64, tpu.core_type = #tpu.core_type<sc_vector_subcore>, window_params = [{transform_indices = #map}, {transform_indices = #map1}]} {
    %mul3A = arith.constant 16 : i32
    %mul3A_0 = arith.muli %arg0, %mul3A : i32
    %add3A = arith.addi %mul3A_0, %arg1 : i32
    %dma_start3A = arith.constant 1 : i32
    %dma_start3A_1 = arith.constant 0 : i32
    %dma_start3A_2 = arith.constant 0 : i32
    %dma_start3A_3 = arith.constant 0 : i32
    %dma_start3A_4 = tpu.memref_slice %arg2[%dma_start3A, %dma_start3A_1, %dma_start3A_2, %dma_start3A_3] : memref<2x32x125x80xi32, #tpu.memory_space<hbm>> -> memref<1x32x125x80xi32, #tpu.memory_space<hbm>>
    %dma_start3A_5 = tpu.memref_squeeze %dma_start3A_4 : memref<1x32x125x80xi32, #tpu.memory_space<hbm>> -> memref<32x125x80xi32, #tpu.memory_space<hbm>>
    %dma_start3A_6 = arith.constant 0 : i32
    %dma_start3A_7 = arith.constant 0 : i32
    %dma_start3A_8 = tpu.memref_slice %dma_start3A_5[%add3A, %dma_start3A_6, %dma_start3A_7] : memref<32x125x80xi32, #tpu.memory_space<hbm>> -> memref<1x125x80xi32, #tpu.memory_space<hbm>>
    %dma_start3A_9 = tpu.memref_squeeze %dma_start3A_8 : memref<1x125x80xi32, #tpu.memory_space<hbm>> -> memref<125x80xi32, #tpu.memory_space<hbm>>
    %dma_start3A_10 = arith.constant 0 : i32
    %dma_start3A_11 = arith.constant 0 : i32
    %dma_start3A_12 = arith.constant 0 : i32
    %dma_start3A_13 = tpu.memref_slice %arg2[%dma_start3A, %dma_start3A_10, %dma_start3A_11, %dma_start3A_12] : memref<2x32x125x80xi32, #tpu.memory_space<hbm>> -> memref<1x32x125x80xi32, #tpu.memory_space<hbm>>
    %dma_start3A_14 = tpu.memref_squeeze %dma_start3A_13 : memref<1x32x125x80xi32, #tpu.memory_space<hbm>> -> memref<32x125x80xi32, #tpu.memory_space<hbm>>
    %dma_start3A_15 = arith.constant 0 : i32
    %dma_start3A_16 = arith.constant 0 : i32
    %dma_start3A_17 = tpu.memref_slice %dma_start3A_14[%add3A, %dma_start3A_15, %dma_start3A_16] : memref<32x125x80xi32, #tpu.memory_space<hbm>> -> memref<1x125x80xi32, #tpu.memory_space<hbm>>
    %dma_start3A_18 = tpu.memref_squeeze %dma_start3A_17 : memref<1x125x80xi32, #tpu.memory_space<hbm>> -> memref<125x80xi32, #tpu.memory_space<hbm>>
    tpu.enqueue_dma source(%dma_start3A_18 : memref<125x80xi32, #tpu.memory_space<hbm>>) target(%arg4 : memref<125x80xi32, #tpu.memory_space<vmem>>) target_semaphore(%arg8 : memref<!tpu.dma_semaphore, #tpu.memory_space<semaphore_mem>>)
    %scan3A = arith.constant 0 : i32
    %scan3A_19 = arith.constant 0 : i32
    %scan3A_20 = arith.constant 640 : i32
    %scan3A_21 = arith.addi %scan3A_19, %scan3A_20 : i32
    %scan3A_22 = arith.constant 1 : i32
    %scan3A_23 = scf.for %scan3A_143 = %scan3A_19 to %scan3A_21 step %scan3A_22 iter_args(%scan3A_144 = %scan3A) -> (i32)  : i32 {
      %broadcast_in_dim3A = arith.constant 0.000000e+00 : f32
      %broadcast_in_dim3A_145 = vector.broadcast %broadcast_in_dim3A : f32 to vector<16xf32>
      %swap3A = arith.index_cast %scan3A_143 : i32 to index
      %swap3A_146 = arith.constant 0 : index
      %swap3A_147 = tpu.vector_load %arg6[%swap3A, %swap3A_146] {strides = array<i32>} : memref<640x16xf32, #tpu.memory_space<vmem>>, vector<1x16xf32>,
      %swap3A_148 = vector.shape_cast %swap3A_147 : vector<1x16xf32> to vector<16xf32>
      %swap3A_149 = vector.shape_cast %broadcast_in_dim3A_145 : vector<16xf32> to vector<1x16xf32>
      tpu.vector_store %arg6[%swap3A, %swap3A_146], %swap3A_149 {strides = array<i32>} : memref<640x16xf32, #tpu.memory_space<vmem>>, vector<1x16xf32>,
      %scan3A_150 = arith.constant 0 : i32
      scf.yield %scan3A_150 : i32
    }
    %scan3A_24 = arith.constant 640 : i32
    %scan3A_25 = arith.constant 0 : i32
    %scan3A_26 = arith.constant 0 : i32
    %scan3A_27 = arith.constant 80 : i32
    %scan3A_28 = arith.addi %scan3A_26, %scan3A_27 : i32
    %scan3A_29 = arith.constant 1 : i32
    %scan3A_30 = scf.for %scan3A_143 = %scan3A_26 to %scan3A_28 step %scan3A_29 iter_args(%scan3A_144 = %scan3A_25) -> (i32)  : i32 {
      %broadcast_in_dim3A = arith.constant 1.000000e+00 : f32
      %broadcast_in_dim3A_145 = vector.broadcast %broadcast_in_dim3A : f32 to vector<16xf32>
      %swap3A = arith.index_cast %scan3A_143 : i32 to index
      %swap3A_146 = arith.constant 0 : index
      %swap3A_147 = tpu.vector_load %arg5[%swap3A, %swap3A_146] {strides = array<i32>} : memref<80x16xf32, #tpu.memory_space<vmem>>, vector<1x16xf32>,
      %swap3A_148 = vector.shape_cast %swap3A_147 : vector<1x16xf32> to vector<16xf32>
      %swap3A_149 = vector.shape_cast %broadcast_in_dim3A_145 : vector<16xf32> to vector<1x16xf32>
      tpu.vector_store %arg5[%swap3A, %swap3A_146], %swap3A_149 {strides = array<i32>} : memref<80x16xf32, #tpu.memory_space<vmem>>, vector<1x16xf32>,
      %scan3A_150 = arith.constant 0 : i32
      scf.yield %scan3A_150 : i32
    }
    %scan3A_31 = arith.constant 80 : i32
    %mul3A_32 = arith.constant 640 : i32
    %mul3A_33 = arith.muli %arg1, %mul3A_32 : i32
    "tpu.region"() ({
      %run_scoped3A = tpu.sem_alloc : memref<!tpu.dma_semaphore, #tpu.memory_space<semaphore_mem>>
      %dma_start3A_143 = arith.constant 0 : i32
      %dma_start3A_144 = tpu.memref_slice %arg7[%mul3A_33, %dma_start3A_143] : memref<10240x16xf32, #tpu.memory_space<vmem_shared>> -> memref<640x16xf32, #tpu.memory_space<vmem_shared>>
      %dma_start3A_145 = arith.constant 0 : i32
      %dma_start3A_146 = tpu.memref_slice %arg7[%mul3A_33, %dma_start3A_145] : memref<10240x16xf32, #tpu.memory_space<vmem_shared>> -> memref<640x16xf32, #tpu.memory_space<vmem_shared>>
      tpu.enqueue_dma source(%arg6 : memref<640x16xf32, #tpu.memory_space<vmem>>) target(%dma_start3A_146 : memref<640x16xf32, #tpu.memory_space<vmem_shared>>) target_semaphore(%run_scoped3A : memref<!tpu.dma_semaphore, #tpu.memory_space<semaphore_mem>>)
      %dma_wait3A_147 = arith.constant 0 : i32
      %dma_wait3A_148 = tpu.memref_slice %arg7[%mul3A_33, %dma_wait3A_147] : memref<10240x16xf32, #tpu.memory_space<vmem_shared>> -> memref<640x16xf32, #tpu.memory_space<vmem_shared>>
      %dma_wait3A_149 = arith.constant 0 : i32
      %dma_wait3A_150 = tpu.memref_slice %arg7[%mul3A_33, %dma_wait3A_149] : memref<10240x16xf32, #tpu.memory_space<vmem_shared>> -> memref<640x16xf32, #tpu.memory_space<vmem_shared>>
      tpu.wait_dma2 semaphore(%run_scoped3A : memref<!tpu.dma_semaphore, #tpu.memory_space<semaphore_mem>>) src(%arg6 : memref<640x16xf32, #tpu.memory_space<vmem>>) dst(%dma_wait3A_150 : memref<640x16xf32, #tpu.memory_space<vmem_shared>>)
      tpu.yield
    }) : () -> ()
    %dma_wait3A = arith.constant 1 : i32
    %dma_wait3A_34 = arith.constant 0 : i32
    %dma_wait3A_35 = arith.constant 0 : i32
    %dma_wait3A_36 = arith.constant 0 : i32
    %dma_wait3A_37 = tpu.memref_slice %arg2[%dma_wait3A, %dma_wait3A_34, %dma_wait3A_35, %dma_wait3A_36] : memref<2x32x125x80xi32, #tpu.memory_space<hbm>> -> memref<1x32x125x80xi32, #tpu.memory_space<hbm>>
    %dma_wait3A_38 = tpu.memref_squeeze %dma_wait3A_37 : memref<1x32x125x80xi32, #tpu.memory_space<hbm>> -> memref<32x125x80xi32, #tpu.memory_space<hbm>>
    %dma_wait3A_39 = arith.constant 0 : i32
    %dma_wait3A_40 = arith.constant 0 : i32
    %dma_wait3A_41 = tpu.memref_slice %dma_wait3A_38[%add3A, %dma_wait3A_39, %dma_wait3A_40] : memref<32x125x80xi32, #tpu.memory_space<hbm>> -> memref<1x125x80xi32, #tpu.memory_space<hbm>>
    %dma_wait3A_42 = tpu.memref_squeeze %dma_wait3A_41 : memref<1x125x80xi32, #tpu.memory_space<hbm>> -> memref<125x80xi32, #tpu.memory_space<hbm>>
    %dma_wait3A_43 = arith.constant 0 : i32
    %dma_wait3A_44 = arith.constant 0 : i32
    %dma_wait3A_45 = arith.constant 0 : i32
    %dma_wait3A_46 = tpu.memref_slice %arg2[%dma_wait3A, %dma_wait3A_43, %dma_wait3A_44, %dma_wait3A_45] : memref<2x32x125x80xi32, #tpu.memory_space<hbm>> -> memref<1x32x125x80xi32, #tpu.memory_space<hbm>>
    %dma_wait3A_47 = tpu.memref_squeeze %dma_wait3A_46 : memref<1x32x125x80xi32, #tpu.memory_space<hbm>> -> memref<32x125x80xi32, #tpu.memory_space<hbm>>
    %dma_wait3A_48 = arith.constant 0 : i32
    %dma_wait3A_49 = arith.constant 0 : i32
    %dma_wait3A_50 = tpu.memref_slice %dma_wait3A_47[%add3A, %dma_wait3A_48, %dma_wait3A_49] : memref<32x125x80xi32, #tpu.memory_space<hbm>> -> memref<1x125x80xi32, #tpu.memory_space<hbm>>
    %dma_wait3A_51 = tpu.memref_squeeze %dma_wait3A_50 : memref<1x125x80xi32, #tpu.memory_space<hbm>> -> memref<125x80xi32, #tpu.memory_space<hbm>>
    tpu.wait_dma2 semaphore(%arg8 : memref<!tpu.dma_semaphore, #tpu.memory_space<semaphore_mem>>) src(%dma_wait3A_51 : memref<125x80xi32, #tpu.memory_space<hbm>>) dst(%arg4 : memref<125x80xi32, #tpu.memory_space<vmem>>)
    %barrier3A = arith.constant 0 : index
    tpu.barrier barrier_id(%barrier3A)
    %scan3A_52 = arith.constant 0 : i32
    %scan3A_53 = arith.constant 0 : i32
    %scan3A_54 = arith.constant 12 : i32
    %scan3A_55 = arith.addi %scan3A_53, %scan3A_54 : i32
    %scan3A_56 = arith.constant 1 : i32
    %scan3A_57 = scf.for %scan3A_143 = %scan3A_53 to %scan3A_55 step %scan3A_56 iter_args(%scan3A_144 = %scan3A_52) -> (i32)  : i32 {
      %dma_start3A_145 = arith.constant 0 : i32
      %dma_start3A_146 = tpu.memref_slice %arg4[%scan3A_143, %dma_start3A_145] : memref<125x80xi32, #tpu.memory_space<vmem>> -> memref<1x80xi32, #tpu.memory_space<vmem>>
      %dma_start3A_147 = tpu.memref_squeeze %dma_start3A_146 : memref<1x80xi32, #tpu.memory_space<vmem>> -> memref<80xi32, #tpu.memory_space<vmem>>
      %dma_start3A_148 = arith.constant 0 : i32
      %dma_start3A_149 = arith.constant 0 : i32
      %dma_start3A_150 = tpu.memref_slice %arg7[%dma_start3A_148, %dma_start3A_149] : memref<10240x16xf32, #tpu.memory_space<vmem_shared>> -> memref<10240x16xf32, #tpu.memory_space<vmem_shared>>
      tpu.enqueue_indirect_dma source(%arg5 : memref<80x16xf32, #tpu.memory_space<vmem>>) target(%dma_start3A_150 : memref<10240x16xf32, #tpu.memory_space<vmem_shared>>) offsets(%dma_start3A_147 : memref<80xi32, #tpu.memory_space<vmem>>) semaphore(%arg8 : memref<!tpu.dma_semaphore, #tpu.memory_space<semaphore_mem>>) {add = true}
      %scan3A_151 = arith.constant 0 : i32
      scf.yield %scan3A_151 : i32
    }
    %scan3A_58 = arith.constant 12 : i32
    %scan3A_59 = arith.constant 0 : i32
    %scan3A_60 = arith.constant 12 : i32
    %scan3A_61 = arith.constant 113 : i32
    %scan3A_62 = arith.addi %scan3A_60, %scan3A_61 : i32
    %scan3A_63 = arith.constant 1 : i32
    %scan3A_64 = scf.for %scan3A_143 = %scan3A_60 to %scan3A_62 step %scan3A_63 iter_args(%scan3A_144 = %scan3A_59) -> (i32)  : i32 {
      %dma_start3A_145 = arith.constant 0 : i32
      %dma_start3A_146 = tpu.memref_slice %arg4[%scan3A_143, %dma_start3A_145] : memref<125x80xi32, #tpu.memory_space<vmem>> -> memref<1x80xi32, #tpu.memory_space<vmem>>
      %dma_start3A_147 = tpu.memref_squeeze %dma_start3A_146 : memref<1x80xi32, #tpu.memory_space<vmem>> -> memref<80xi32, #tpu.memory_space<vmem>>
      %dma_start3A_148 = arith.constant 0 : i32
      %dma_start3A_149 = arith.constant 0 : i32
      %dma_start3A_150 = tpu.memref_slice %arg7[%dma_start3A_148, %dma_start3A_149] : memref<10240x16xf32, #tpu.memory_space<vmem_shared>> -> memref<10240x16xf32, #tpu.memory_space<vmem_shared>>
      tpu.enqueue_indirect_dma source(%arg5 : memref<80x16xf32, #tpu.memory_space<vmem>>) target(%dma_start3A_150 : memref<10240x16xf32, #tpu.memory_space<vmem_shared>>) offsets(%dma_start3A_147 : memref<80xi32, #tpu.memory_space<vmem>>) semaphore(%arg8 : memref<!tpu.dma_semaphore, #tpu.memory_space<semaphore_mem>>) {add = true}
      %dma_wait3A_151 = arith.constant 0 : i32
      %dma_wait3A_152 = arith.constant 0 : i32
      %dma_wait3A_153 = tpu.memref_slice %arg3[%dma_wait3A_151, %dma_wait3A_152] : memref<20480x16xf32, #tpu.memory_space<hbm>> -> memref<80x16xf32, #tpu.memory_space<hbm>>
      %dma_wait3A_154 = arith.constant 0 : i32
      %dma_wait3A_155 = arith.constant 0 : i32
      %dma_wait3A_156 = tpu.memref_slice %arg3[%dma_wait3A_154, %dma_wait3A_155] : memref<20480x16xf32, #tpu.memory_space<hbm>> -> memref<80x16xf32, #tpu.memory_space<hbm>>
      tpu.wait_dma2 semaphore(%arg8 : memref<!tpu.dma_semaphore, #tpu.memory_space<semaphore_mem>>) src(%dma_wait3A_156 : memref<80x16xf32, #tpu.memory_space<hbm>>) dst(%arg5 : memref<80x16xf32, #tpu.memory_space<vmem>>)
      %scan3A_157 = arith.constant 0 : i32
      scf.yield %scan3A_157 : i32
    }
    %scan3A_65 = arith.constant 113 : i32
    %dma_wait3A_66 = arith.constant 0 : i32
    %dma_wait3A_67 = arith.constant 0 : i32
    %dma_wait3A_68 = tpu.memref_slice %arg3[%dma_wait3A_66, %dma_wait3A_67] : memref<20480x16xf32, #tpu.memory_space<hbm>> -> memref<80x16xf32, #tpu.memory_space<hbm>>
    %dma_wait3A_69 = arith.constant 0 : i32
    %dma_wait3A_70 = arith.constant 0 : i32
    %dma_wait3A_71 = tpu.memref_slice %arg3[%dma_wait3A_69, %dma_wait3A_70] : memref<20480x16xf32, #tpu.memory_space<hbm>> -> memref<80x16xf32, #tpu.memory_space<hbm>>
    tpu.wait_dma2 semaphore(%arg8 : memref<!tpu.dma_semaphore, #tpu.memory_space<semaphore_mem>>) src(%dma_wait3A_71 : memref<80x16xf32, #tpu.memory_space<hbm>>) dst(%arg5 : memref<80x16xf32, #tpu.memory_space<vmem>>)
    %dma_wait3A_72 = arith.constant 0 : i32
    %dma_wait3A_73 = arith.constant 0 : i32
    %dma_wait3A_74 = tpu.memref_slice %arg3[%dma_wait3A_72, %dma_wait3A_73] : memref<20480x16xf32, #tpu.memory_space<hbm>> -> memref<80x16xf32, #tpu.memory_space<hbm>>
    %dma_wait3A_75 = arith.constant 0 : i32
    %dma_wait3A_76 = arith.constant 0 : i32
    %dma_wait3A_77 = tpu.memref_slice %arg3[%dma_wait3A_75, %dma_wait3A_76] : memref<20480x16xf32, #tpu.memory_space<hbm>> -> memref<80x16xf32, #tpu.memory_space<hbm>>
    tpu.wait_dma2 semaphore(%arg8 : memref<!tpu.dma_semaphore, #tpu.memory_space<semaphore_mem>>) src(%dma_wait3A_77 : memref<80x16xf32, #tpu.memory_space<hbm>>) dst(%arg5 : memref<80x16xf32, #tpu.memory_space<vmem>>)
    %dma_wait3A_78 = arith.constant 0 : i32
    %dma_wait3A_79 = arith.constant 0 : i32
    %dma_wait3A_80 = tpu.memref_slice %arg3[%dma_wait3A_78, %dma_wait3A_79] : memref<20480x16xf32, #tpu.memory_space<hbm>> -> memref<80x16xf32, #tpu.memory_space<hbm>>
    %dma_wait3A_81 = arith.constant 0 : i32
    %dma_wait3A_82 = arith.constant 0 : i32
    %dma_wait3A_83 = tpu.memref_slice %arg3[%dma_wait3A_81, %dma_wait3A_82] : memref<20480x16xf32, #tpu.memory_space<hbm>> -> memref<80x16xf32, #tpu.memory_space<hbm>>
    tpu.wait_dma2 semaphore(%arg8 : memref<!tpu.dma_semaphore, #tpu.memory_space<semaphore_mem>>) src(%dma_wait3A_83 : memref<80x16xf32, #tpu.memory_space<hbm>>) dst(%arg5 : memref<80x16xf32, #tpu.memory_space<vmem>>)
    %dma_wait3A_84 = arith.constant 0 : i32
    %dma_wait3A_85 = arith.constant 0 : i32
    %dma_wait3A_86 = tpu.memref_slice %arg3[%dma_wait3A_84, %dma_wait3A_85] : memref<20480x16xf32, #tpu.memory_space<hbm>> -> memref<80x16xf32, #tpu.memory_space<hbm>>
    %dma_wait3A_87 = arith.constant 0 : i32
    %dma_wait3A_88 = arith.constant 0 : i32
    %dma_wait3A_89 = tpu.memref_slice %arg3[%dma_wait3A_87, %dma_wait3A_88] : memref<20480x16xf32, #tpu.memory_space<hbm>> -> memref<80x16xf32, #tpu.memory_space<hbm>>
    tpu.wait_dma2 semaphore(%arg8 : memref<!tpu.dma_semaphore, #tpu.memory_space<semaphore_mem>>) src(%dma_wait3A_89 : memref<80x16xf32, #tpu.memory_space<hbm>>) dst(%arg5 : memref<80x16xf32, #tpu.memory_space<vmem>>)
    %dma_wait3A_90 = arith.constant 0 : i32
    %dma_wait3A_91 = arith.constant 0 : i32
    %dma_wait3A_92 = tpu.memref_slice %arg3[%dma_wait3A_90, %dma_wait3A_91] : memref<20480x16xf32, #tpu.memory_space<hbm>> -> memref<80x16xf32, #tpu.memory_space<hbm>>
    %dma_wait3A_93 = arith.constant 0 : i32
    %dma_wait3A_94 = arith.constant 0 : i32
    %dma_wait3A_95 = tpu.memref_slice %arg3[%dma_wait3A_93, %dma_wait3A_94] : memref<20480x16xf32, #tpu.memory_space<hbm>> -> memref<80x16xf32, #tpu.memory_space<hbm>>
    tpu.wait_dma2 semaphore(%arg8 : memref<!tpu.dma_semaphore, #tpu.memory_space<semaphore_mem>>) src(%dma_wait3A_95 : memref<80x16xf32, #tpu.memory_space<hbm>>) dst(%arg5 : memref<80x16xf32, #tpu.memory_space<vmem>>)
    %dma_wait3A_96 = arith.constant 0 : i32
    %dma_wait3A_97 = arith.constant 0 : i32
    %dma_wait3A_98 = tpu.memref_slice %arg3[%dma_wait3A_96, %dma_wait3A_97] : memref<20480x16xf32, #tpu.memory_space<hbm>> -> memref<80x16xf32, #tpu.memory_space<hbm>>
    %dma_wait3A_99 = arith.constant 0 : i32
    %dma_wait3A_100 = arith.constant 0 : i32
    %dma_wait3A_101 = tpu.memref_slice %arg3[%dma_wait3A_99, %dma_wait3A_100] : memref<20480x16xf32, #tpu.memory_space<hbm>> -> memref<80x16xf32, #tpu.memory_space<hbm>>
    tpu.wait_dma2 semaphore(%arg8 : memref<!tpu.dma_semaphore, #tpu.memory_space<semaphore_mem>>) src(%dma_wait3A_101 : memref<80x16xf32, #tpu.memory_space<hbm>>) dst(%arg5 : memref<80x16xf32, #tpu.memory_space<vmem>>)
    %dma_wait3A_102 = arith.constant 0 : i32
    %dma_wait3A_103 = arith.constant 0 : i32
    %dma_wait3A_104 = tpu.memref_slice %arg3[%dma_wait3A_102, %dma_wait3A_103] : memref<20480x16xf32, #tpu.memory_space<hbm>> -> memref<80x16xf32, #tpu.memory_space<hbm>>
    %dma_wait3A_105 = arith.constant 0 : i32
    %dma_wait3A_106 = arith.constant 0 : i32
    %dma_wait3A_107 = tpu.memref_slice %arg3[%dma_wait3A_105, %dma_wait3A_106] : memref<20480x16xf32, #tpu.memory_space<hbm>> -> memref<80x16xf32, #tpu.memory_space<hbm>>
    tpu.wait_dma2 semaphore(%arg8 : memref<!tpu.dma_semaphore, #tpu.memory_space<semaphore_mem>>) src(%dma_wait3A_107 : memref<80x16xf32, #tpu.memory_space<hbm>>) dst(%arg5 : memref<80x16xf32, #tpu.memory_space<vmem>>)
    %dma_wait3A_108 = arith.constant 0 : i32
    %dma_wait3A_109 = arith.constant 0 : i32
    %dma_wait3A_110 = tpu.memref_slice %arg3[%dma_wait3A_108, %dma_wait3A_109] : memref<20480x16xf32, #tpu.memory_space<hbm>> -> memref<80x16xf32, #tpu.memory_space<hbm>>
    %dma_wait3A_111 = arith.constant 0 : i32
    %dma_wait3A_112 = arith.constant 0 : i32
    %dma_wait3A_113 = tpu.memref_slice %arg3[%dma_wait3A_111, %dma_wait3A_112] : memref<20480x16xf32, #tpu.memory_space<hbm>> -> memref<80x16xf32, #tpu.memory_space<hbm>>
    tpu.wait_dma2 semaphore(%arg8 : memref<!tpu.dma_semaphore, #tpu.memory_space<semaphore_mem>>) src(%dma_wait3A_113 : memref<80x16xf32, #tpu.memory_space<hbm>>) dst(%arg5 : memref<80x16xf32, #tpu.memory_space<vmem>>)
    %dma_wait3A_114 = arith.constant 0 : i32
    %dma_wait3A_115 = arith.constant 0 : i32
    %dma_wait3A_116 = tpu.memref_slice %arg3[%dma_wait3A_114, %dma_wait3A_115] : memref<20480x16xf32, #tpu.memory_space<hbm>> -> memref<80x16xf32, #tpu.memory_space<hbm>>
    %dma_wait3A_117 = arith.constant 0 : i32
    %dma_wait3A_118 = arith.constant 0 : i32
    %dma_wait3A_119 = tpu.memref_slice %arg3[%dma_wait3A_117, %dma_wait3A_118] : memref<20480x16xf32, #tpu.memory_space<hbm>> -> memref<80x16xf32, #tpu.memory_space<hbm>>
    tpu.wait_dma2 semaphore(%arg8 : memref<!tpu.dma_semaphore, #tpu.memory_space<semaphore_mem>>) src(%dma_wait3A_119 : memref<80x16xf32, #tpu.memory_space<hbm>>) dst(%arg5 : memref<80x16xf32, #tpu.memory_space<vmem>>)
    %dma_wait3A_120 = arith.constant 0 : i32
    %dma_wait3A_121 = arith.constant 0 : i32
    %dma_wait3A_122 = tpu.memref_slice %arg3[%dma_wait3A_120, %dma_wait3A_121] : memref<20480x16xf32, #tpu.memory_space<hbm>> -> memref<80x16xf32, #tpu.memory_space<hbm>>
    %dma_wait3A_123 = arith.constant 0 : i32
    %dma_wait3A_124 = arith.constant 0 : i32
    %dma_wait3A_125 = tpu.memref_slice %arg3[%dma_wait3A_123, %dma_wait3A_124] : memref<20480x16xf32, #tpu.memory_space<hbm>> -> memref<80x16xf32, #tpu.memory_space<hbm>>
    tpu.wait_dma2 semaphore(%arg8 : memref<!tpu.dma_semaphore, #tpu.memory_space<semaphore_mem>>) src(%dma_wait3A_125 : memref<80x16xf32, #tpu.memory_space<hbm>>) dst(%arg5 : memref<80x16xf32, #tpu.memory_space<vmem>>)
    %dma_wait3A_126 = arith.constant 0 : i32
    %dma_wait3A_127 = arith.constant 0 : i32
    %dma_wait3A_128 = tpu.memref_slice %arg3[%dma_wait3A_126, %dma_wait3A_127] : memref<20480x16xf32, #tpu.memory_space<hbm>> -> memref<80x16xf32, #tpu.memory_space<hbm>>
    %dma_wait3A_129 = arith.constant 0 : i32
    %dma_wait3A_130 = arith.constant 0 : i32
    %dma_wait3A_131 = tpu.memref_slice %arg3[%dma_wait3A_129, %dma_wait3A_130] : memref<20480x16xf32, #tpu.memory_space<hbm>> -> memref<80x16xf32, #tpu.memory_space<hbm>>
    tpu.wait_dma2 semaphore(%arg8 : memref<!tpu.dma_semaphore, #tpu.memory_space<semaphore_mem>>) src(%dma_wait3A_131 : memref<80x16xf32, #tpu.memory_space<hbm>>) dst(%arg5 : memref<80x16xf32, #tpu.memory_space<vmem>>)
    %dma_wait3A_132 = arith.constant 0 : i32
    %dma_wait3A_133 = arith.constant 0 : i32
    %dma_wait3A_134 = tpu.memref_slice %arg3[%dma_wait3A_132, %dma_wait3A_133] : memref<20480x16xf32, #tpu.memory_space<hbm>> -> memref<80x16xf32, #tpu.memory_space<hbm>>
    %dma_wait3A_135 = arith.constant 0 : i32
    %dma_wait3A_136 = arith.constant 0 : i32
    %dma_wait3A_137 = tpu.memref_slice %arg3[%dma_wait3A_135, %dma_wait3A_136] : memref<20480x16xf32, #tpu.memory_space<hbm>> -> memref<80x16xf32, #tpu.memory_space<hbm>>
    tpu.wait_dma2 semaphore(%arg8 : memref<!tpu.dma_semaphore, #tpu.memory_space<semaphore_mem>>) src(%dma_wait3A_137 : memref<80x16xf32, #tpu.memory_space<hbm>>) dst(%arg5 : memref<80x16xf32, #tpu.memory_space<vmem>>)
    %barrier3A_138 = arith.constant 0 : index
    tpu.barrier barrier_id(%barrier3A_138)
    %mul3A_139 = arith.constant 640 : i32
    %mul3A_140 = arith.muli %arg1, %mul3A_139 : i32
    %mul3A_141 = arith.constant 640 : i32
    %mul3A_142 = arith.muli %add3A, %mul3A_141 : i32
    "tpu.region"() ({
      %run_scoped3A = tpu.sem_alloc : memref<!tpu.dma_semaphore, #tpu.memory_space<semaphore_mem>>
      %dma_start3A_143 = arith.constant 0 : i32
      %dma_start3A_144 = tpu.memref_slice %arg3[%mul3A_142, %dma_start3A_143] : memref<20480x16xf32, #tpu.memory_space<hbm>> -> memref<640x16xf32, #tpu.memory_space<hbm>>
      %dma_start3A_145 = arith.constant 0 : i32
      %dma_start3A_146 = tpu.memref_slice %arg7[%mul3A_140, %dma_start3A_145] : memref<10240x16xf32, #tpu.memory_space<vmem_shared>> -> memref<640x16xf32, #tpu.memory_space<vmem_shared>>
      tpu.enqueue_dma source(%dma_start3A_146 : memref<640x16xf32, #tpu.memory_space<vmem_shared>>) target(%dma_start3A_144 : memref<640x16xf32, #tpu.memory_space<hbm>>) target_semaphore(%run_scoped3A : memref<!tpu.dma_semaphore, #tpu.memory_space<semaphore_mem>>)
      %dma_wait3A_147 = arith.constant 0 : i32
      %dma_wait3A_148 = tpu.memref_slice %arg3[%mul3A_142, %dma_wait3A_147] : memref<20480x16xf32, #tpu.memory_space<hbm>> -> memref<640x16xf32, #tpu.memory_space<hbm>>
      %dma_wait3A_149 = arith.constant 0 : i32
      %dma_wait3A_150 = tpu.memref_slice %arg7[%mul3A_140, %dma_wait3A_149] : memref<10240x16xf32, #tpu.memory_space<vmem_shared>> -> memref<640x16xf32, #tpu.memory_space<vmem_shared>>
      tpu.wait_dma2 semaphore(%run_scoped3A : memref<!tpu.dma_semaphore, #tpu.memory_space<semaphore_mem>>) src(%dma_wait3A_150 : memref<640x16xf32, #tpu.memory_space<vmem_shared>>) dst(%dma_wait3A_148 : memref<640x16xf32, #tpu.memory_space<hbm>>)
      tpu.yield
    }) : () -> ()
    return
  }
}

#map = affine_map<(d0, d1) -> (0, 0)>
#map1 = affine_map<(d0, d1) -> (0, 0, 0, 0)>
module attributes {stable_mosaic.version = 14 : i64} {
  func.func @_agg_body(%arg0: i32, %arg1: i32, %arg2: memref<10000x16xf32, #tpu.memory_space<hbm>>, %arg3: memref<2x32x125x80xi32, #tpu.memory_space<hbm>>, %arg4: memref<20480x16xf32, #tpu.memory_space<hbm>>, %arg5: memref<125x80xi32, #tpu.memory_space<vmem>>, %arg6: memref<125x80xi32, #tpu.memory_space<vmem>>, %arg7: memref<12x80x16xf32, #tpu.memory_space<vmem>>, %arg8: memref<640x16xf32, #tpu.memory_space<vmem>>, %arg9: memref<10240x16xf32, #tpu.memory_space<vmem_shared>>, %arg10: memref<12x!tpu.dma_semaphore, #tpu.memory_space<semaphore_mem>>, %arg11: memref<12x!tpu.dma_semaphore, #tpu.memory_space<semaphore_mem>>, %arg12: memref<!tpu.dma_semaphore, #tpu.memory_space<semaphore_mem>>) attributes {dimension_semantics = [#tpu.dimension_semantics<core_parallel>, #tpu.dimension_semantics<subcore_parallel>], iteration_bounds = array<i64: 2, 16>, scalar_prefetch = 0 : i64, scratch_operands = 8 : i64, tpu.core_type = #tpu.core_type<sc_vector_subcore>, window_params = [{transform_indices = #map}, {transform_indices = #map1}, {transform_indices = #map}]} {
    %mul3A = arith.constant 16 : i32
    %mul3A_0 = arith.muli %arg0, %mul3A : i32
    %add3A = arith.addi %mul3A_0, %arg1 : i32
    %dma_start3A = arith.constant 0 : i32
    %dma_start3A_1 = arith.constant 0 : i32
    %dma_start3A_2 = arith.constant 0 : i32
    %dma_start3A_3 = arith.constant 0 : i32
    %dma_start3A_4 = tpu.memref_slice %arg3[%dma_start3A, %dma_start3A_1, %dma_start3A_2, %dma_start3A_3] : memref<2x32x125x80xi32, #tpu.memory_space<hbm>> -> memref<1x32x125x80xi32, #tpu.memory_space<hbm>>
    %dma_start3A_5 = tpu.memref_squeeze %dma_start3A_4 : memref<1x32x125x80xi32, #tpu.memory_space<hbm>> -> memref<32x125x80xi32, #tpu.memory_space<hbm>>
    %dma_start3A_6 = arith.constant 0 : i32
    %dma_start3A_7 = arith.constant 0 : i32
    %dma_start3A_8 = tpu.memref_slice %dma_start3A_5[%add3A, %dma_start3A_6, %dma_start3A_7] : memref<32x125x80xi32, #tpu.memory_space<hbm>> -> memref<1x125x80xi32, #tpu.memory_space<hbm>>
    %dma_start3A_9 = tpu.memref_squeeze %dma_start3A_8 : memref<1x125x80xi32, #tpu.memory_space<hbm>> -> memref<125x80xi32, #tpu.memory_space<hbm>>
    %dma_start3A_10 = arith.constant 0 : i32
    %dma_start3A_11 = arith.constant 0 : i32
    %dma_start3A_12 = arith.constant 0 : i32
    %dma_start3A_13 = tpu.memref_slice %arg3[%dma_start3A, %dma_start3A_10, %dma_start3A_11, %dma_start3A_12] : memref<2x32x125x80xi32, #tpu.memory_space<hbm>> -> memref<1x32x125x80xi32, #tpu.memory_space<hbm>>
    %dma_start3A_14 = tpu.memref_squeeze %dma_start3A_13 : memref<1x32x125x80xi32, #tpu.memory_space<hbm>> -> memref<32x125x80xi32, #tpu.memory_space<hbm>>
    %dma_start3A_15 = arith.constant 0 : i32
    %dma_start3A_16 = arith.constant 0 : i32
    %dma_start3A_17 = tpu.memref_slice %dma_start3A_14[%add3A, %dma_start3A_15, %dma_start3A_16] : memref<32x125x80xi32, #tpu.memory_space<hbm>> -> memref<1x125x80xi32, #tpu.memory_space<hbm>>
    %dma_start3A_18 = tpu.memref_squeeze %dma_start3A_17 : memref<1x125x80xi32, #tpu.memory_space<hbm>> -> memref<125x80xi32, #tpu.memory_space<hbm>>
    tpu.enqueue_dma source(%dma_start3A_18 : memref<125x80xi32, #tpu.memory_space<hbm>>) target(%arg5 : memref<125x80xi32, #tpu.memory_space<vmem>>) target_semaphore(%arg12 : memref<!tpu.dma_semaphore, #tpu.memory_space<semaphore_mem>>)
    %dma_start3A_19 = arith.constant 1 : i32
    %dma_start3A_20 = arith.constant 0 : i32
    %dma_start3A_21 = arith.constant 0 : i32
    %dma_start3A_22 = arith.constant 0 : i32
    %dma_start3A_23 = tpu.memref_slice %arg3[%dma_start3A_19, %dma_start3A_20, %dma_start3A_21, %dma_start3A_22] : memref<2x32x125x80xi32, #tpu.memory_space<hbm>> -> memref<1x32x125x80xi32, #tpu.memory_space<hbm>>
    %dma_start3A_24 = tpu.memref_squeeze %dma_start3A_23 : memref<1x32x125x80xi32, #tpu.memory_space<hbm>> -> memref<32x125x80xi32, #tpu.memory_space<hbm>>
    %dma_start3A_25 = arith.constant 0 : i32
    %dma_start3A_26 = arith.constant 0 : i32
    %dma_start3A_27 = tpu.memref_slice %dma_start3A_24[%add3A, %dma_start3A_25, %dma_start3A_26] : memref<32x125x80xi32, #tpu.memory_space<hbm>> -> memref<1x125x80xi32, #tpu.memory_space<hbm>>
    %dma_start3A_28 = tpu.memref_squeeze %dma_start3A_27 : memref<1x125x80xi32, #tpu.memory_space<hbm>> -> memref<125x80xi32, #tpu.memory_space<hbm>>
    %dma_start3A_29 = arith.constant 0 : i32
    %dma_start3A_30 = arith.constant 0 : i32
    %dma_start3A_31 = arith.constant 0 : i32
    %dma_start3A_32 = tpu.memref_slice %arg3[%dma_start3A_19, %dma_start3A_29, %dma_start3A_30, %dma_start3A_31] : memref<2x32x125x80xi32, #tpu.memory_space<hbm>> -> memref<1x32x125x80xi32, #tpu.memory_space<hbm>>
    %dma_start3A_33 = tpu.memref_squeeze %dma_start3A_32 : memref<1x32x125x80xi32, #tpu.memory_space<hbm>> -> memref<32x125x80xi32, #tpu.memory_space<hbm>>
    %dma_start3A_34 = arith.constant 0 : i32
    %dma_start3A_35 = arith.constant 0 : i32
    %dma_start3A_36 = tpu.memref_slice %dma_start3A_33[%add3A, %dma_start3A_34, %dma_start3A_35] : memref<32x125x80xi32, #tpu.memory_space<hbm>> -> memref<1x125x80xi32, #tpu.memory_space<hbm>>
    %dma_start3A_37 = tpu.memref_squeeze %dma_start3A_36 : memref<1x125x80xi32, #tpu.memory_space<hbm>> -> memref<125x80xi32, #tpu.memory_space<hbm>>
    tpu.enqueue_dma source(%dma_start3A_37 : memref<125x80xi32, #tpu.memory_space<hbm>>) target(%arg6 : memref<125x80xi32, #tpu.memory_space<vmem>>) target_semaphore(%arg12 : memref<!tpu.dma_semaphore, #tpu.memory_space<semaphore_mem>>)
    %scan3A = arith.constant 0 : i32
    %scan3A_38 = arith.constant 0 : i32
    %scan3A_39 = arith.constant 640 : i32
    %scan3A_40 = arith.addi %scan3A_38, %scan3A_39 : i32
    %scan3A_41 = arith.constant 1 : i32
    %scan3A_42 = scf.for %scan3A_453 = %scan3A_38 to %scan3A_40 step %scan3A_41 iter_args(%scan3A_454 = %scan3A) -> (i32)  : i32 {
      %broadcast_in_dim3A = arith.constant 0.000000e+00 : f32
      %broadcast_in_dim3A_455 = vector.broadcast %broadcast_in_dim3A : f32 to vector<16xf32>
      %swap3A = arith.index_cast %scan3A_453 : i32 to index
      %swap3A_456 = arith.constant 0 : index
      %swap3A_457 = tpu.vector_load %arg8[%swap3A, %swap3A_456] {strides = array<i32>} : memref<640x16xf32, #tpu.memory_space<vmem>>, vector<1x16xf32>,
      %swap3A_458 = vector.shape_cast %swap3A_457 : vector<1x16xf32> to vector<16xf32>
      %swap3A_459 = vector.shape_cast %broadcast_in_dim3A_455 : vector<16xf32> to vector<1x16xf32>
      tpu.vector_store %arg8[%swap3A, %swap3A_456], %swap3A_459 {strides = array<i32>} : memref<640x16xf32, #tpu.memory_space<vmem>>, vector<1x16xf32>,
      %scan3A_460 = arith.constant 0 : i32
      scf.yield %scan3A_460 : i32
    }
    %scan3A_43 = arith.constant 640 : i32
    %dma_wait3A = arith.constant 0 : i32
    %dma_wait3A_44 = arith.constant 0 : i32
    %dma_wait3A_45 = arith.constant 0 : i32
    %dma_wait3A_46 = arith.constant 0 : i32
    %dma_wait3A_47 = tpu.memref_slice %arg3[%dma_wait3A, %dma_wait3A_44, %dma_wait3A_45, %dma_wait3A_46] : memref<2x32x125x80xi32, #tpu.memory_space<hbm>> -> memref<1x32x125x80xi32, #tpu.memory_space<hbm>>
    %dma_wait3A_48 = tpu.memref_squeeze %dma_wait3A_47 : memref<1x32x125x80xi32, #tpu.memory_space<hbm>> -> memref<32x125x80xi32, #tpu.memory_space<hbm>>
    %dma_wait3A_49 = arith.constant 0 : i32
    %dma_wait3A_50 = arith.constant 0 : i32
    %dma_wait3A_51 = tpu.memref_slice %dma_wait3A_48[%add3A, %dma_wait3A_49, %dma_wait3A_50] : memref<32x125x80xi32, #tpu.memory_space<hbm>> -> memref<1x125x80xi32, #tpu.memory_space<hbm>>
    %dma_wait3A_52 = tpu.memref_squeeze %dma_wait3A_51 : memref<1x125x80xi32, #tpu.memory_space<hbm>> -> memref<125x80xi32, #tpu.memory_space<hbm>>
    %dma_wait3A_53 = arith.constant 0 : i32
    %dma_wait3A_54 = arith.constant 0 : i32
    %dma_wait3A_55 = arith.constant 0 : i32
    %dma_wait3A_56 = tpu.memref_slice %arg3[%dma_wait3A, %dma_wait3A_53, %dma_wait3A_54, %dma_wait3A_55] : memref<2x32x125x80xi32, #tpu.memory_space<hbm>> -> memref<1x32x125x80xi32, #tpu.memory_space<hbm>>
    %dma_wait3A_57 = tpu.memref_squeeze %dma_wait3A_56 : memref<1x32x125x80xi32, #tpu.memory_space<hbm>> -> memref<32x125x80xi32, #tpu.memory_space<hbm>>
    %dma_wait3A_58 = arith.constant 0 : i32
    %dma_wait3A_59 = arith.constant 0 : i32
    %dma_wait3A_60 = tpu.memref_slice %dma_wait3A_57[%add3A, %dma_wait3A_58, %dma_wait3A_59] : memref<32x125x80xi32, #tpu.memory_space<hbm>> -> memref<1x125x80xi32, #tpu.memory_space<hbm>>
    %dma_wait3A_61 = tpu.memref_squeeze %dma_wait3A_60 : memref<1x125x80xi32, #tpu.memory_space<hbm>> -> memref<125x80xi32, #tpu.memory_space<hbm>>
    tpu.wait_dma2 semaphore(%arg12 : memref<!tpu.dma_semaphore, #tpu.memory_space<semaphore_mem>>) src(%dma_wait3A_61 : memref<125x80xi32, #tpu.memory_space<hbm>>) dst(%arg5 : memref<125x80xi32, #tpu.memory_space<vmem>>)
    %dma_wait3A_62 = arith.constant 1 : i32
    %dma_wait3A_63 = arith.constant 0 : i32
    %dma_wait3A_64 = arith.constant 0 : i32
    %dma_wait3A_65 = arith.constant 0 : i32
    %dma_wait3A_66 = tpu.memref_slice %arg3[%dma_wait3A_62, %dma_wait3A_63, %dma_wait3A_64, %dma_wait3A_65] : memref<2x32x125x80xi32, #tpu.memory_space<hbm>> -> memref<1x32x125x80xi32, #tpu.memory_space<hbm>>
    %dma_wait3A_67 = tpu.memref_squeeze %dma_wait3A_66 : memref<1x32x125x80xi32, #tpu.memory_space<hbm>> -> memref<32x125x80xi32, #tpu.memory_space<hbm>>
    %dma_wait3A_68 = arith.constant 0 : i32
    %dma_wait3A_69 = arith.constant 0 : i32
    %dma_wait3A_70 = tpu.memref_slice %dma_wait3A_67[%add3A, %dma_wait3A_68, %dma_wait3A_69] : memref<32x125x80xi32, #tpu.memory_space<hbm>> -> memref<1x125x80xi32, #tpu.memory_space<hbm>>
    %dma_wait3A_71 = tpu.memref_squeeze %dma_wait3A_70 : memref<1x125x80xi32, #tpu.memory_space<hbm>> -> memref<125x80xi32, #tpu.memory_space<hbm>>
    %dma_wait3A_72 = arith.constant 0 : i32
    %dma_wait3A_73 = arith.constant 0 : i32
    %dma_wait3A_74 = arith.constant 0 : i32
    %dma_wait3A_75 = tpu.memref_slice %arg3[%dma_wait3A_62, %dma_wait3A_72, %dma_wait3A_73, %dma_wait3A_74] : memref<2x32x125x80xi32, #tpu.memory_space<hbm>> -> memref<1x32x125x80xi32, #tpu.memory_space<hbm>>
    %dma_wait3A_76 = tpu.memref_squeeze %dma_wait3A_75 : memref<1x32x125x80xi32, #tpu.memory_space<hbm>> -> memref<32x125x80xi32, #tpu.memory_space<hbm>>
    %dma_wait3A_77 = arith.constant 0 : i32
    %dma_wait3A_78 = arith.constant 0 : i32
    %dma_wait3A_79 = tpu.memref_slice %dma_wait3A_76[%add3A, %dma_wait3A_77, %dma_wait3A_78] : memref<32x125x80xi32, #tpu.memory_space<hbm>> -> memref<1x125x80xi32, #tpu.memory_space<hbm>>
    %dma_wait3A_80 = tpu.memref_squeeze %dma_wait3A_79 : memref<1x125x80xi32, #tpu.memory_space<hbm>> -> memref<125x80xi32, #tpu.memory_space<hbm>>
    tpu.wait_dma2 semaphore(%arg12 : memref<!tpu.dma_semaphore, #tpu.memory_space<semaphore_mem>>) src(%dma_wait3A_80 : memref<125x80xi32, #tpu.memory_space<hbm>>) dst(%arg6 : memref<125x80xi32, #tpu.memory_space<vmem>>)
    %mul3A_81 = arith.constant 640 : i32
    %mul3A_82 = arith.muli %arg1, %mul3A_81 : i32
    %dma_start3A_83 = arith.constant 0 : i32
    %dma_start3A_84 = tpu.memref_slice %arg9[%mul3A_82, %dma_start3A_83] : memref<10240x16xf32, #tpu.memory_space<vmem_shared>> -> memref<640x16xf32, #tpu.memory_space<vmem_shared>>
    %dma_start3A_85 = arith.constant 0 : i32
    %dma_start3A_86 = tpu.memref_slice %arg9[%mul3A_82, %dma_start3A_85] : memref<10240x16xf32, #tpu.memory_space<vmem_shared>> -> memref<640x16xf32, #tpu.memory_space<vmem_shared>>
    tpu.enqueue_dma source(%arg8 : memref<640x16xf32, #tpu.memory_space<vmem>>) target(%dma_start3A_86 : memref<640x16xf32, #tpu.memory_space<vmem_shared>>) target_semaphore(%arg12 : memref<!tpu.dma_semaphore, #tpu.memory_space<semaphore_mem>>)
    %dma_start3A_87 = arith.constant 0 : i32
    %dma_start3A_88 = arith.constant 0 : i32
    %dma_start3A_89 = arith.constant 0 : i32
    %dma_start3A_90 = arith.constant 0 : i32
    %dma_start3A_91 = arith.constant 0 : i32
    %dma_start3A_92 = tpu.memref_slice %arg7[%dma_start3A_88, %dma_start3A_90, %dma_start3A_91] : memref<12x80x16xf32, #tpu.memory_space<vmem>> -> memref<1x80x16xf32, #tpu.memory_space<vmem>>
    %dma_start3A_93 = tpu.memref_squeeze %dma_start3A_92 : memref<1x80x16xf32, #tpu.memory_space<vmem>> -> memref<80x16xf32, #tpu.memory_space<vmem>>
    %dma_start3A_94 = arith.constant 0 : i32
    %dma_start3A_95 = tpu.memref_slice %arg5[%dma_start3A_87, %dma_start3A_94] : memref<125x80xi32, #tpu.memory_space<vmem>> -> memref<1x80xi32, #tpu.memory_space<vmem>>
    %dma_start3A_96 = tpu.memref_squeeze %dma_start3A_95 : memref<1x80xi32, #tpu.memory_space<vmem>> -> memref<80xi32, #tpu.memory_space<vmem>>
    %dma_start3A_97 = arith.constant 0 : i32
    %dma_start3A_98 = arith.constant 0 : i32
    %dma_start3A_99 = tpu.memref_slice %arg2[%dma_start3A_97, %dma_start3A_98] : memref<10000x16xf32, #tpu.memory_space<hbm>> -> memref<10000x16xf32, #tpu.memory_space<hbm>>
    %dma_start3A_100 = tpu.memref_slice %arg10[%dma_start3A_89] : memref<12x!tpu.dma_semaphore, #tpu.memory_space<semaphore_mem>> -> memref<1x!tpu.dma_semaphore, #tpu.memory_space<semaphore_mem>>
    %dma_start3A_101 = tpu.memref_squeeze %dma_start3A_100 : memref<1x!tpu.dma_semaphore, #tpu.memory_space<semaphore_mem>> -> memref<!tpu.dma_semaphore, #tpu.memory_space<semaphore_mem>>
    tpu.enqueue_indirect_dma source(%dma_start3A_99 : memref<10000x16xf32, #tpu.memory_space<hbm>>) target(%dma_start3A_93 : memref<80x16xf32, #tpu.memory_space<vmem>>) offsets(%dma_start3A_96 : memref<80xi32, #tpu.memory_space<vmem>>) semaphore(%dma_start3A_101 : memref<!tpu.dma_semaphore, #tpu.memory_space<semaphore_mem>>)
    %dma_start3A_102 = arith.constant 1 : i32
    %dma_start3A_103 = arith.constant 1 : i32
    %dma_start3A_104 = arith.constant 1 : i32
    %dma_start3A_105 = arith.constant 0 : i32
    %dma_start3A_106 = arith.constant 0 : i32
    %dma_start3A_107 = tpu.memref_slice %arg7[%dma_start3A_103, %dma_start3A_105, %dma_start3A_106] : memref<12x80x16xf32, #tpu.memory_space<vmem>> -> memref<1x80x16xf32, #tpu.memory_space<vmem>>
    %dma_start3A_108 = tpu.memref_squeeze %dma_start3A_107 : memref<1x80x16xf32, #tpu.memory_space<vmem>> -> memref<80x16xf32, #tpu.memory_space<vmem>>
    %dma_start3A_109 = arith.constant 0 : i32
    %dma_start3A_110 = tpu.memref_slice %arg5[%dma_start3A_102, %dma_start3A_109] : memref<125x80xi32, #tpu.memory_space<vmem>> -> memref<1x80xi32, #tpu.memory_space<vmem>>
    %dma_start3A_111 = tpu.memref_squeeze %dma_start3A_110 : memref<1x80xi32, #tpu.memory_space<vmem>> -> memref<80xi32, #tpu.memory_space<vmem>>
    %dma_start3A_112 = arith.constant 0 : i32
    %dma_start3A_113 = arith.constant 0 : i32
    %dma_start3A_114 = tpu.memref_slice %arg2[%dma_start3A_112, %dma_start3A_113] : memref<10000x16xf32, #tpu.memory_space<hbm>> -> memref<10000x16xf32, #tpu.memory_space<hbm>>
    %dma_start3A_115 = tpu.memref_slice %arg10[%dma_start3A_104] : memref<12x!tpu.dma_semaphore, #tpu.memory_space<semaphore_mem>> -> memref<1x!tpu.dma_semaphore, #tpu.memory_space<semaphore_mem>>
    %dma_start3A_116 = tpu.memref_squeeze %dma_start3A_115 : memref<1x!tpu.dma_semaphore, #tpu.memory_space<semaphore_mem>> -> memref<!tpu.dma_semaphore, #tpu.memory_space<semaphore_mem>>
    tpu.enqueue_indirect_dma source(%dma_start3A_114 : memref<10000x16xf32, #tpu.memory_space<hbm>>) target(%dma_start3A_108 : memref<80x16xf32, #tpu.memory_space<vmem>>) offsets(%dma_start3A_111 : memref<80xi32, #tpu.memory_space<vmem>>) semaphore(%dma_start3A_116 : memref<!tpu.dma_semaphore, #tpu.memory_space<semaphore_mem>>)
    %dma_start3A_117 = arith.constant 2 : i32
    %dma_start3A_118 = arith.constant 2 : i32
    %dma_start3A_119 = arith.constant 2 : i32
    %dma_start3A_120 = arith.constant 0 : i32
    %dma_start3A_121 = arith.constant 0 : i32
    %dma_start3A_122 = tpu.memref_slice %arg7[%dma_start3A_118, %dma_start3A_120, %dma_start3A_121] : memref<12x80x16xf32, #tpu.memory_space<vmem>> -> memref<1x80x16xf32, #tpu.memory_space<vmem>>
    %dma_start3A_123 = tpu.memref_squeeze %dma_start3A_122 : memref<1x80x16xf32, #tpu.memory_space<vmem>> -> memref<80x16xf32, #tpu.memory_space<vmem>>
    %dma_start3A_124 = arith.constant 0 : i32
    %dma_start3A_125 = tpu.memref_slice %arg5[%dma_start3A_117, %dma_start3A_124] : memref<125x80xi32, #tpu.memory_space<vmem>> -> memref<1x80xi32, #tpu.memory_space<vmem>>
    %dma_start3A_126 = tpu.memref_squeeze %dma_start3A_125 : memref<1x80xi32, #tpu.memory_space<vmem>> -> memref<80xi32, #tpu.memory_space<vmem>>
    %dma_start3A_127 = arith.constant 0 : i32
    %dma_start3A_128 = arith.constant 0 : i32
    %dma_start3A_129 = tpu.memref_slice %arg2[%dma_start3A_127, %dma_start3A_128] : memref<10000x16xf32, #tpu.memory_space<hbm>> -> memref<10000x16xf32, #tpu.memory_space<hbm>>
    %dma_start3A_130 = tpu.memref_slice %arg10[%dma_start3A_119] : memref<12x!tpu.dma_semaphore, #tpu.memory_space<semaphore_mem>> -> memref<1x!tpu.dma_semaphore, #tpu.memory_space<semaphore_mem>>
    %dma_start3A_131 = tpu.memref_squeeze %dma_start3A_130 : memref<1x!tpu.dma_semaphore, #tpu.memory_space<semaphore_mem>> -> memref<!tpu.dma_semaphore, #tpu.memory_space<semaphore_mem>>
    tpu.enqueue_indirect_dma source(%dma_start3A_129 : memref<10000x16xf32, #tpu.memory_space<hbm>>) target(%dma_start3A_123 : memref<80x16xf32, #tpu.memory_space<vmem>>) offsets(%dma_start3A_126 : memref<80xi32, #tpu.memory_space<vmem>>) semaphore(%dma_start3A_131 : memref<!tpu.dma_semaphore, #tpu.memory_space<semaphore_mem>>)
    %dma_start3A_132 = arith.constant 3 : i32
    %dma_start3A_133 = arith.constant 3 : i32
    %dma_start3A_134 = arith.constant 3 : i32
    %dma_start3A_135 = arith.constant 0 : i32
    %dma_start3A_136 = arith.constant 0 : i32
    %dma_start3A_137 = tpu.memref_slice %arg7[%dma_start3A_133, %dma_start3A_135, %dma_start3A_136] : memref<12x80x16xf32, #tpu.memory_space<vmem>> -> memref<1x80x16xf32, #tpu.memory_space<vmem>>
    %dma_start3A_138 = tpu.memref_squeeze %dma_start3A_137 : memref<1x80x16xf32, #tpu.memory_space<vmem>> -> memref<80x16xf32, #tpu.memory_space<vmem>>
    %dma_start3A_139 = arith.constant 0 : i32
    %dma_start3A_140 = tpu.memref_slice %arg5[%dma_start3A_132, %dma_start3A_139] : memref<125x80xi32, #tpu.memory_space<vmem>> -> memref<1x80xi32, #tpu.memory_space<vmem>>
    %dma_start3A_141 = tpu.memref_squeeze %dma_start3A_140 : memref<1x80xi32, #tpu.memory_space<vmem>> -> memref<80xi32, #tpu.memory_space<vmem>>
    %dma_start3A_142 = arith.constant 0 : i32
    %dma_start3A_143 = arith.constant 0 : i32
    %dma_start3A_144 = tpu.memref_slice %arg2[%dma_start3A_142, %dma_start3A_143] : memref<10000x16xf32, #tpu.memory_space<hbm>> -> memref<10000x16xf32, #tpu.memory_space<hbm>>
    %dma_start3A_145 = tpu.memref_slice %arg10[%dma_start3A_134] : memref<12x!tpu.dma_semaphore, #tpu.memory_space<semaphore_mem>> -> memref<1x!tpu.dma_semaphore, #tpu.memory_space<semaphore_mem>>
    %dma_start3A_146 = tpu.memref_squeeze %dma_start3A_145 : memref<1x!tpu.dma_semaphore, #tpu.memory_space<semaphore_mem>> -> memref<!tpu.dma_semaphore, #tpu.memory_space<semaphore_mem>>
    tpu.enqueue_indirect_dma source(%dma_start3A_144 : memref<10000x16xf32, #tpu.memory_space<hbm>>) target(%dma_start3A_138 : memref<80x16xf32, #tpu.memory_space<vmem>>) offsets(%dma_start3A_141 : memref<80xi32, #tpu.memory_space<vmem>>) semaphore(%dma_start3A_146 : memref<!tpu.dma_semaphore, #tpu.memory_space<semaphore_mem>>)
    %dma_start3A_147 = arith.constant 4 : i32
    %dma_start3A_148 = arith.constant 4 : i32
    %dma_start3A_149 = arith.constant 4 : i32
    %dma_start3A_150 = arith.constant 0 : i32
    %dma_start3A_151 = arith.constant 0 : i32
    %dma_start3A_152 = tpu.memref_slice %arg7[%dma_start3A_148, %dma_start3A_150, %dma_start3A_151] : memref<12x80x16xf32, #tpu.memory_space<vmem>> -> memref<1x80x16xf32, #tpu.memory_space<vmem>>
    %dma_start3A_153 = tpu.memref_squeeze %dma_start3A_152 : memref<1x80x16xf32, #tpu.memory_space<vmem>> -> memref<80x16xf32, #tpu.memory_space<vmem>>
    %dma_start3A_154 = arith.constant 0 : i32
    %dma_start3A_155 = tpu.memref_slice %arg5[%dma_start3A_147, %dma_start3A_154] : memref<125x80xi32, #tpu.memory_space<vmem>> -> memref<1x80xi32, #tpu.memory_space<vmem>>
    %dma_start3A_156 = tpu.memref_squeeze %dma_start3A_155 : memref<1x80xi32, #tpu.memory_space<vmem>> -> memref<80xi32, #tpu.memory_space<vmem>>
    %dma_start3A_157 = arith.constant 0 : i32
    %dma_start3A_158 = arith.constant 0 : i32
    %dma_start3A_159 = tpu.memref_slice %arg2[%dma_start3A_157, %dma_start3A_158] : memref<10000x16xf32, #tpu.memory_space<hbm>> -> memref<10000x16xf32, #tpu.memory_space<hbm>>
    %dma_start3A_160 = tpu.memref_slice %arg10[%dma_start3A_149] : memref<12x!tpu.dma_semaphore, #tpu.memory_space<semaphore_mem>> -> memref<1x!tpu.dma_semaphore, #tpu.memory_space<semaphore_mem>>
    %dma_start3A_161 = tpu.memref_squeeze %dma_start3A_160 : memref<1x!tpu.dma_semaphore, #tpu.memory_space<semaphore_mem>> -> memref<!tpu.dma_semaphore, #tpu.memory_space<semaphore_mem>>
    tpu.enqueue_indirect_dma source(%dma_start3A_159 : memref<10000x16xf32, #tpu.memory_space<hbm>>) target(%dma_start3A_153 : memref<80x16xf32, #tpu.memory_space<vmem>>) offsets(%dma_start3A_156 : memref<80xi32, #tpu.memory_space<vmem>>) semaphore(%dma_start3A_161 : memref<!tpu.dma_semaphore, #tpu.memory_space<semaphore_mem>>)
    %dma_start3A_162 = arith.constant 5 : i32
    %dma_start3A_163 = arith.constant 5 : i32
    %dma_start3A_164 = arith.constant 5 : i32
    %dma_start3A_165 = arith.constant 0 : i32
    %dma_start3A_166 = arith.constant 0 : i32
    %dma_start3A_167 = tpu.memref_slice %arg7[%dma_start3A_163, %dma_start3A_165, %dma_start3A_166] : memref<12x80x16xf32, #tpu.memory_space<vmem>> -> memref<1x80x16xf32, #tpu.memory_space<vmem>>
    %dma_start3A_168 = tpu.memref_squeeze %dma_start3A_167 : memref<1x80x16xf32, #tpu.memory_space<vmem>> -> memref<80x16xf32, #tpu.memory_space<vmem>>
    %dma_start3A_169 = arith.constant 0 : i32
    %dma_start3A_170 = tpu.memref_slice %arg5[%dma_start3A_162, %dma_start3A_169] : memref<125x80xi32, #tpu.memory_space<vmem>> -> memref<1x80xi32, #tpu.memory_space<vmem>>
    %dma_start3A_171 = tpu.memref_squeeze %dma_start3A_170 : memref<1x80xi32, #tpu.memory_space<vmem>> -> memref<80xi32, #tpu.memory_space<vmem>>
    %dma_start3A_172 = arith.constant 0 : i32
    %dma_start3A_173 = arith.constant 0 : i32
    %dma_start3A_174 = tpu.memref_slice %arg2[%dma_start3A_172, %dma_start3A_173] : memref<10000x16xf32, #tpu.memory_space<hbm>> -> memref<10000x16xf32, #tpu.memory_space<hbm>>
    %dma_start3A_175 = tpu.memref_slice %arg10[%dma_start3A_164] : memref<12x!tpu.dma_semaphore, #tpu.memory_space<semaphore_mem>> -> memref<1x!tpu.dma_semaphore, #tpu.memory_space<semaphore_mem>>
    %dma_start3A_176 = tpu.memref_squeeze %dma_start3A_175 : memref<1x!tpu.dma_semaphore, #tpu.memory_space<semaphore_mem>> -> memref<!tpu.dma_semaphore, #tpu.memory_space<semaphore_mem>>
    tpu.enqueue_indirect_dma source(%dma_start3A_174 : memref<10000x16xf32, #tpu.memory_space<hbm>>) target(%dma_start3A_168 : memref<80x16xf32, #tpu.memory_space<vmem>>) offsets(%dma_start3A_171 : memref<80xi32, #tpu.memory_space<vmem>>) semaphore(%dma_start3A_176 : memref<!tpu.dma_semaphore, #tpu.memory_space<semaphore_mem>>)
    %dma_start3A_177 = arith.constant 6 : i32
    %dma_start3A_178 = arith.constant 6 : i32
    %dma_start3A_179 = arith.constant 6 : i32
    %dma_start3A_180 = arith.constant 0 : i32
    %dma_start3A_181 = arith.constant 0 : i32
    %dma_start3A_182 = tpu.memref_slice %arg7[%dma_start3A_178, %dma_start3A_180, %dma_start3A_181] : memref<12x80x16xf32, #tpu.memory_space<vmem>> -> memref<1x80x16xf32, #tpu.memory_space<vmem>>
    %dma_start3A_183 = tpu.memref_squeeze %dma_start3A_182 : memref<1x80x16xf32, #tpu.memory_space<vmem>> -> memref<80x16xf32, #tpu.memory_space<vmem>>
    %dma_start3A_184 = arith.constant 0 : i32
    %dma_start3A_185 = tpu.memref_slice %arg5[%dma_start3A_177, %dma_start3A_184] : memref<125x80xi32, #tpu.memory_space<vmem>> -> memref<1x80xi32, #tpu.memory_space<vmem>>
    %dma_start3A_186 = tpu.memref_squeeze %dma_start3A_185 : memref<1x80xi32, #tpu.memory_space<vmem>> -> memref<80xi32, #tpu.memory_space<vmem>>
    %dma_start3A_187 = arith.constant 0 : i32
    %dma_start3A_188 = arith.constant 0 : i32
    %dma_start3A_189 = tpu.memref_slice %arg2[%dma_start3A_187, %dma_start3A_188] : memref<10000x16xf32, #tpu.memory_space<hbm>> -> memref<10000x16xf32, #tpu.memory_space<hbm>>
    %dma_start3A_190 = tpu.memref_slice %arg10[%dma_start3A_179] : memref<12x!tpu.dma_semaphore, #tpu.memory_space<semaphore_mem>> -> memref<1x!tpu.dma_semaphore, #tpu.memory_space<semaphore_mem>>
    %dma_start3A_191 = tpu.memref_squeeze %dma_start3A_190 : memref<1x!tpu.dma_semaphore, #tpu.memory_space<semaphore_mem>> -> memref<!tpu.dma_semaphore, #tpu.memory_space<semaphore_mem>>
    tpu.enqueue_indirect_dma source(%dma_start3A_189 : memref<10000x16xf32, #tpu.memory_space<hbm>>) target(%dma_start3A_183 : memref<80x16xf32, #tpu.memory_space<vmem>>) offsets(%dma_start3A_186 : memref<80xi32, #tpu.memory_space<vmem>>) semaphore(%dma_start3A_191 : memref<!tpu.dma_semaphore, #tpu.memory_space<semaphore_mem>>)
    %dma_start3A_192 = arith.constant 7 : i32
    %dma_start3A_193 = arith.constant 7 : i32
    %dma_start3A_194 = arith.constant 7 : i32
    %dma_start3A_195 = arith.constant 0 : i32
    %dma_start3A_196 = arith.constant 0 : i32
    %dma_start3A_197 = tpu.memref_slice %arg7[%dma_start3A_193, %dma_start3A_195, %dma_start3A_196] : memref<12x80x16xf32, #tpu.memory_space<vmem>> -> memref<1x80x16xf32, #tpu.memory_space<vmem>>
    %dma_start3A_198 = tpu.memref_squeeze %dma_start3A_197 : memref<1x80x16xf32, #tpu.memory_space<vmem>> -> memref<80x16xf32, #tpu.memory_space<vmem>>
    %dma_start3A_199 = arith.constant 0 : i32
    %dma_start3A_200 = tpu.memref_slice %arg5[%dma_start3A_192, %dma_start3A_199] : memref<125x80xi32, #tpu.memory_space<vmem>> -> memref<1x80xi32, #tpu.memory_space<vmem>>
    %dma_start3A_201 = tpu.memref_squeeze %dma_start3A_200 : memref<1x80xi32, #tpu.memory_space<vmem>> -> memref<80xi32, #tpu.memory_space<vmem>>
    %dma_start3A_202 = arith.constant 0 : i32
    %dma_start3A_203 = arith.constant 0 : i32
    %dma_start3A_204 = tpu.memref_slice %arg2[%dma_start3A_202, %dma_start3A_203] : memref<10000x16xf32, #tpu.memory_space<hbm>> -> memref<10000x16xf32, #tpu.memory_space<hbm>>
    %dma_start3A_205 = tpu.memref_slice %arg10[%dma_start3A_194] : memref<12x!tpu.dma_semaphore, #tpu.memory_space<semaphore_mem>> -> memref<1x!tpu.dma_semaphore, #tpu.memory_space<semaphore_mem>>
    %dma_start3A_206 = tpu.memref_squeeze %dma_start3A_205 : memref<1x!tpu.dma_semaphore, #tpu.memory_space<semaphore_mem>> -> memref<!tpu.dma_semaphore, #tpu.memory_space<semaphore_mem>>
    tpu.enqueue_indirect_dma source(%dma_start3A_204 : memref<10000x16xf32, #tpu.memory_space<hbm>>) target(%dma_start3A_198 : memref<80x16xf32, #tpu.memory_space<vmem>>) offsets(%dma_start3A_201 : memref<80xi32, #tpu.memory_space<vmem>>) semaphore(%dma_start3A_206 : memref<!tpu.dma_semaphore, #tpu.memory_space<semaphore_mem>>)
    %dma_wait3A_207 = arith.constant 0 : i32
    %dma_wait3A_208 = tpu.memref_slice %arg9[%mul3A_82, %dma_wait3A_207] : memref<10240x16xf32, #tpu.memory_space<vmem_shared>> -> memref<640x16xf32, #tpu.memory_space<vmem_shared>>
    %dma_wait3A_209 = arith.constant 0 : i32
    %dma_wait3A_210 = tpu.memref_slice %arg9[%mul3A_82, %dma_wait3A_209] : memref<10240x16xf32, #tpu.memory_space<vmem_shared>> -> memref<640x16xf32, #tpu.memory_space<vmem_shared>>
    tpu.wait_dma2 semaphore(%arg12 : memref<!tpu.dma_semaphore, #tpu.memory_space<semaphore_mem>>) src(%arg8 : memref<640x16xf32, #tpu.memory_space<vmem>>) dst(%dma_wait3A_210 : memref<640x16xf32, #tpu.memory_space<vmem_shared>>)
    %barrier3A = arith.constant 0 : index
    tpu.barrier barrier_id(%barrier3A)
    %scan3A_211 = arith.constant 0 : i32
    %scan3A_212 = arith.constant 0 : i32
    %scan3A_213 = arith.constant 4 : i32
    %scan3A_214 = arith.addi %scan3A_212, %scan3A_213 : i32
    %scan3A_215 = arith.constant 1 : i32
    %scan3A_216 = scf.for %scan3A_453 = %scan3A_212 to %scan3A_214 step %scan3A_215 iter_args(%scan3A_454 = %scan3A_211) -> (i32)  : i32 {
      %rem3A = arith.constant 12 : i32
      %rem3A_455 = arith.remsi %scan3A_453, %rem3A : i32
      %dma_wait3A_456 = arith.constant 0 : i32
      %dma_wait3A_457 = arith.constant 0 : i32
      %dma_wait3A_458 = tpu.memref_slice %arg7[%rem3A_455, %dma_wait3A_456, %dma_wait3A_457] : memref<12x80x16xf32, #tpu.memory_space<vmem>> -> memref<1x80x16xf32, #tpu.memory_space<vmem>>
      %dma_wait3A_459 = tpu.memref_squeeze %dma_wait3A_458 : memref<1x80x16xf32, #tpu.memory_space<vmem>> -> memref<80x16xf32, #tpu.memory_space<vmem>>
      %dma_wait3A_460 = arith.constant 0 : i32
      %dma_wait3A_461 = arith.constant 0 : i32
      %dma_wait3A_462 = tpu.memref_slice %arg2[%dma_wait3A_460, %dma_wait3A_461] : memref<10000x16xf32, #tpu.memory_space<hbm>> -> memref<80x16xf32, #tpu.memory_space<hbm>>
      %dma_wait3A_463 = tpu.memref_slice %arg10[%rem3A_455] : memref<12x!tpu.dma_semaphore, #tpu.memory_space<semaphore_mem>> -> memref<1x!tpu.dma_semaphore, #tpu.memory_space<semaphore_mem>>
      %dma_wait3A_464 = tpu.memref_squeeze %dma_wait3A_463 : memref<1x!tpu.dma_semaphore, #tpu.memory_space<semaphore_mem>> -> memref<!tpu.dma_semaphore, #tpu.memory_space<semaphore_mem>>
      %dma_wait3A_465 = arith.constant 0 : i32
      %dma_wait3A_466 = arith.constant 0 : i32
      %dma_wait3A_467 = tpu.memref_slice %arg7[%rem3A_455, %dma_wait3A_465, %dma_wait3A_466] : memref<12x80x16xf32, #tpu.memory_space<vmem>> -> memref<1x80x16xf32, #tpu.memory_space<vmem>>
      %dma_wait3A_468 = tpu.memref_squeeze %dma_wait3A_467 : memref<1x80x16xf32, #tpu.memory_space<vmem>> -> memref<80x16xf32, #tpu.memory_space<vmem>>
      %dma_wait3A_469 = arith.constant 0 : i32
      %dma_wait3A_470 = arith.constant 0 : i32
      %dma_wait3A_471 = tpu.memref_slice %arg2[%dma_wait3A_469, %dma_wait3A_470] : memref<10000x16xf32, #tpu.memory_space<hbm>> -> memref<80x16xf32, #tpu.memory_space<hbm>>
      tpu.wait_dma2 semaphore(%dma_wait3A_464 : memref<!tpu.dma_semaphore, #tpu.memory_space<semaphore_mem>>) src(%dma_wait3A_471 : memref<80x16xf32, #tpu.memory_space<hbm>>) dst(%dma_wait3A_468 : memref<80x16xf32, #tpu.memory_space<vmem>>)
      %dma_start3A_472 = arith.constant 0 : i32
      %dma_start3A_473 = arith.constant 0 : i32
      %dma_start3A_474 = tpu.memref_slice %arg7[%rem3A_455, %dma_start3A_472, %dma_start3A_473] : memref<12x80x16xf32, #tpu.memory_space<vmem>> -> memref<1x80x16xf32, #tpu.memory_space<vmem>>
      %dma_start3A_475 = tpu.memref_squeeze %dma_start3A_474 : memref<1x80x16xf32, #tpu.memory_space<vmem>> -> memref<80x16xf32, #tpu.memory_space<vmem>>
      %dma_start3A_476 = arith.constant 0 : i32
      %dma_start3A_477 = tpu.memref_slice %arg6[%scan3A_453, %dma_start3A_476] : memref<125x80xi32, #tpu.memory_space<vmem>> -> memref<1x80xi32, #tpu.memory_space<vmem>>
      %dma_start3A_478 = tpu.memref_squeeze %dma_start3A_477 : memref<1x80xi32, #tpu.memory_space<vmem>> -> memref<80xi32, #tpu.memory_space<vmem>>
      %dma_start3A_479 = arith.constant 0 : i32
      %dma_start3A_480 = arith.constant 0 : i32
      %dma_start3A_481 = tpu.memref_slice %arg9[%dma_start3A_479, %dma_start3A_480] : memref<10240x16xf32, #tpu.memory_space<vmem_shared>> -> memref<10240x16xf32, #tpu.memory_space<vmem_shared>>
      %dma_start3A_482 = tpu.memref_slice %arg11[%rem3A_455] : memref<12x!tpu.dma_semaphore, #tpu.memory_space<semaphore_mem>> -> memref<1x!tpu.dma_semaphore, #tpu.memory_space<semaphore_mem>>
      %dma_start3A_483 = tpu.memref_squeeze %dma_start3A_482 : memref<1x!tpu.dma_semaphore, #tpu.memory_space<semaphore_mem>> -> memref<!tpu.dma_semaphore, #tpu.memory_space<semaphore_mem>>
      tpu.enqueue_indirect_dma source(%dma_start3A_475 : memref<80x16xf32, #tpu.memory_space<vmem>>) target(%dma_start3A_481 : memref<10240x16xf32, #tpu.memory_space<vmem_shared>>) offsets(%dma_start3A_478 : memref<80xi32, #tpu.memory_space<vmem>>) semaphore(%dma_start3A_483 : memref<!tpu.dma_semaphore, #tpu.memory_space<semaphore_mem>>) {add = true}
      %add3A_484 = arith.constant 8 : i32
      %add3A_485 = arith.addi %scan3A_453, %add3A_484 : i32
      %rem3A_486 = arith.constant 12 : i32
      %rem3A_487 = arith.remsi %add3A_485, %rem3A_486 : i32
      %dma_start3A_488 = arith.constant 0 : i32
      %dma_start3A_489 = arith.constant 0 : i32
      %dma_start3A_490 = tpu.memref_slice %arg7[%rem3A_487, %dma_start3A_488, %dma_start3A_489] : memref<12x80x16xf32, #tpu.memory_space<vmem>> -> memref<1x80x16xf32, #tpu.memory_space<vmem>>
      %dma_start3A_491 = tpu.memref_squeeze %dma_start3A_490 : memref<1x80x16xf32, #tpu.memory_space<vmem>> -> memref<80x16xf32, #tpu.memory_space<vmem>>
      %dma_start3A_492 = arith.constant 0 : i32
      %dma_start3A_493 = tpu.memref_slice %arg5[%add3A_485, %dma_start3A_492] : memref<125x80xi32, #tpu.memory_space<vmem>> -> memref<1x80xi32, #tpu.memory_space<vmem>>
      %dma_start3A_494 = tpu.memref_squeeze %dma_start3A_493 : memref<1x80xi32, #tpu.memory_space<vmem>> -> memref<80xi32, #tpu.memory_space<vmem>>
      %dma_start3A_495 = arith.constant 0 : i32
      %dma_start3A_496 = arith.constant 0 : i32
      %dma_start3A_497 = tpu.memref_slice %arg2[%dma_start3A_495, %dma_start3A_496] : memref<10000x16xf32, #tpu.memory_space<hbm>> -> memref<10000x16xf32, #tpu.memory_space<hbm>>
      %dma_start3A_498 = tpu.memref_slice %arg10[%rem3A_487] : memref<12x!tpu.dma_semaphore, #tpu.memory_space<semaphore_mem>> -> memref<1x!tpu.dma_semaphore, #tpu.memory_space<semaphore_mem>>
      %dma_start3A_499 = tpu.memref_squeeze %dma_start3A_498 : memref<1x!tpu.dma_semaphore, #tpu.memory_space<semaphore_mem>> -> memref<!tpu.dma_semaphore, #tpu.memory_space<semaphore_mem>>
      tpu.enqueue_indirect_dma source(%dma_start3A_497 : memref<10000x16xf32, #tpu.memory_space<hbm>>) target(%dma_start3A_491 : memref<80x16xf32, #tpu.memory_space<vmem>>) offsets(%dma_start3A_494 : memref<80xi32, #tpu.memory_space<vmem>>) semaphore(%dma_start3A_499 : memref<!tpu.dma_semaphore, #tpu.memory_space<semaphore_mem>>)
      %scan3A_500 = arith.constant 0 : i32
      scf.yield %scan3A_500 : i32
    }
    %scan3A_217 = arith.constant 4 : i32
    %scan3A_218 = arith.constant 0 : i32
    %scan3A_219 = arith.constant 4 : i32
    %scan3A_220 = arith.constant 113 : i32
    %scan3A_221 = arith.addi %scan3A_219, %scan3A_220 : i32
    %scan3A_222 = arith.constant 1 : i32
    %scan3A_223 = scf.for %scan3A_453 = %scan3A_219 to %scan3A_221 step %scan3A_222 iter_args(%scan3A_454 = %scan3A_218) -> (i32)  : i32 {
      %rem3A = arith.constant 12 : i32
      %rem3A_455 = arith.remsi %scan3A_453, %rem3A : i32
      %dma_wait3A_456 = arith.constant 0 : i32
      %dma_wait3A_457 = arith.constant 0 : i32
      %dma_wait3A_458 = tpu.memref_slice %arg7[%rem3A_455, %dma_wait3A_456, %dma_wait3A_457] : memref<12x80x16xf32, #tpu.memory_space<vmem>> -> memref<1x80x16xf32, #tpu.memory_space<vmem>>
      %dma_wait3A_459 = tpu.memref_squeeze %dma_wait3A_458 : memref<1x80x16xf32, #tpu.memory_space<vmem>> -> memref<80x16xf32, #tpu.memory_space<vmem>>
      %dma_wait3A_460 = arith.constant 0 : i32
      %dma_wait3A_461 = arith.constant 0 : i32
      %dma_wait3A_462 = tpu.memref_slice %arg2[%dma_wait3A_460, %dma_wait3A_461] : memref<10000x16xf32, #tpu.memory_space<hbm>> -> memref<80x16xf32, #tpu.memory_space<hbm>>
      %dma_wait3A_463 = tpu.memref_slice %arg10[%rem3A_455] : memref<12x!tpu.dma_semaphore, #tpu.memory_space<semaphore_mem>> -> memref<1x!tpu.dma_semaphore, #tpu.memory_space<semaphore_mem>>
      %dma_wait3A_464 = tpu.memref_squeeze %dma_wait3A_463 : memref<1x!tpu.dma_semaphore, #tpu.memory_space<semaphore_mem>> -> memref<!tpu.dma_semaphore, #tpu.memory_space<semaphore_mem>>
      %dma_wait3A_465 = arith.constant 0 : i32
      %dma_wait3A_466 = arith.constant 0 : i32
      %dma_wait3A_467 = tpu.memref_slice %arg7[%rem3A_455, %dma_wait3A_465, %dma_wait3A_466] : memref<12x80x16xf32, #tpu.memory_space<vmem>> -> memref<1x80x16xf32, #tpu.memory_space<vmem>>
      %dma_wait3A_468 = tpu.memref_squeeze %dma_wait3A_467 : memref<1x80x16xf32, #tpu.memory_space<vmem>> -> memref<80x16xf32, #tpu.memory_space<vmem>>
      %dma_wait3A_469 = arith.constant 0 : i32
      %dma_wait3A_470 = arith.constant 0 : i32
      %dma_wait3A_471 = tpu.memref_slice %arg2[%dma_wait3A_469, %dma_wait3A_470] : memref<10000x16xf32, #tpu.memory_space<hbm>> -> memref<80x16xf32, #tpu.memory_space<hbm>>
      tpu.wait_dma2 semaphore(%dma_wait3A_464 : memref<!tpu.dma_semaphore, #tpu.memory_space<semaphore_mem>>) src(%dma_wait3A_471 : memref<80x16xf32, #tpu.memory_space<hbm>>) dst(%dma_wait3A_468 : memref<80x16xf32, #tpu.memory_space<vmem>>)
      %dma_start3A_472 = arith.constant 0 : i32
      %dma_start3A_473 = arith.constant 0 : i32
      %dma_start3A_474 = tpu.memref_slice %arg7[%rem3A_455, %dma_start3A_472, %dma_start3A_473] : memref<12x80x16xf32, #tpu.memory_space<vmem>> -> memref<1x80x16xf32, #tpu.memory_space<vmem>>
      %dma_start3A_475 = tpu.memref_squeeze %dma_start3A_474 : memref<1x80x16xf32, #tpu.memory_space<vmem>> -> memref<80x16xf32, #tpu.memory_space<vmem>>
      %dma_start3A_476 = arith.constant 0 : i32
      %dma_start3A_477 = tpu.memref_slice %arg6[%scan3A_453, %dma_start3A_476] : memref<125x80xi32, #tpu.memory_space<vmem>> -> memref<1x80xi32, #tpu.memory_space<vmem>>
      %dma_start3A_478 = tpu.memref_squeeze %dma_start3A_477 : memref<1x80xi32, #tpu.memory_space<vmem>> -> memref<80xi32, #tpu.memory_space<vmem>>
      %dma_start3A_479 = arith.constant 0 : i32
      %dma_start3A_480 = arith.constant 0 : i32
      %dma_start3A_481 = tpu.memref_slice %arg9[%dma_start3A_479, %dma_start3A_480] : memref<10240x16xf32, #tpu.memory_space<vmem_shared>> -> memref<10240x16xf32, #tpu.memory_space<vmem_shared>>
      %dma_start3A_482 = tpu.memref_slice %arg11[%rem3A_455] : memref<12x!tpu.dma_semaphore, #tpu.memory_space<semaphore_mem>> -> memref<1x!tpu.dma_semaphore, #tpu.memory_space<semaphore_mem>>
      %dma_start3A_483 = tpu.memref_squeeze %dma_start3A_482 : memref<1x!tpu.dma_semaphore, #tpu.memory_space<semaphore_mem>> -> memref<!tpu.dma_semaphore, #tpu.memory_space<semaphore_mem>>
      tpu.enqueue_indirect_dma source(%dma_start3A_475 : memref<80x16xf32, #tpu.memory_space<vmem>>) target(%dma_start3A_481 : memref<10240x16xf32, #tpu.memory_space<vmem_shared>>) offsets(%dma_start3A_478 : memref<80xi32, #tpu.memory_space<vmem>>) semaphore(%dma_start3A_483 : memref<!tpu.dma_semaphore, #tpu.memory_space<semaphore_mem>>) {add = true}
      %add3A_484 = arith.constant 8 : i32
      %add3A_485 = arith.addi %scan3A_453, %add3A_484 : i32
      %rem3A_486 = arith.constant 12 : i32
      %rem3A_487 = arith.remsi %add3A_485, %rem3A_486 : i32
      %dma_wait3A_488 = arith.constant 0 : i32
      %dma_wait3A_489 = arith.constant 0 : i32
      %dma_wait3A_490 = tpu.memref_slice %arg7[%rem3A_487, %dma_wait3A_488, %dma_wait3A_489] : memref<12x80x16xf32, #tpu.memory_space<vmem>> -> memref<1x80x16xf32, #tpu.memory_space<vmem>>
      %dma_wait3A_491 = tpu.memref_squeeze %dma_wait3A_490 : memref<1x80x16xf32, #tpu.memory_space<vmem>> -> memref<80x16xf32, #tpu.memory_space<vmem>>
      %dma_wait3A_492 = arith.constant 0 : i32
      %dma_wait3A_493 = arith.constant 0 : i32
      %dma_wait3A_494 = tpu.memref_slice %arg2[%dma_wait3A_492, %dma_wait3A_493] : memref<10000x16xf32, #tpu.memory_space<hbm>> -> memref<80x16xf32, #tpu.memory_space<hbm>>
      %dma_wait3A_495 = tpu.memref_slice %arg11[%rem3A_487] : memref<12x!tpu.dma_semaphore, #tpu.memory_space<semaphore_mem>> -> memref<1x!tpu.dma_semaphore, #tpu.memory_space<semaphore_mem>>
      %dma_wait3A_496 = tpu.memref_squeeze %dma_wait3A_495 : memref<1x!tpu.dma_semaphore, #tpu.memory_space<semaphore_mem>> -> memref<!tpu.dma_semaphore, #tpu.memory_space<semaphore_mem>>
      %dma_wait3A_497 = arith.constant 0 : i32
      %dma_wait3A_498 = arith.constant 0 : i32
      %dma_wait3A_499 = tpu.memref_slice %arg7[%rem3A_487, %dma_wait3A_497, %dma_wait3A_498] : memref<12x80x16xf32, #tpu.memory_space<vmem>> -> memref<1x80x16xf32, #tpu.memory_space<vmem>>
      %dma_wait3A_500 = tpu.memref_squeeze %dma_wait3A_499 : memref<1x80x16xf32, #tpu.memory_space<vmem>> -> memref<80x16xf32, #tpu.memory_space<vmem>>
      %dma_wait3A_501 = arith.constant 0 : i32
      %dma_wait3A_502 = arith.constant 0 : i32
      %dma_wait3A_503 = tpu.memref_slice %arg2[%dma_wait3A_501, %dma_wait3A_502] : memref<10000x16xf32, #tpu.memory_space<hbm>> -> memref<80x16xf32, #tpu.memory_space<hbm>>
      tpu.wait_dma2 semaphore(%dma_wait3A_496 : memref<!tpu.dma_semaphore, #tpu.memory_space<semaphore_mem>>) src(%dma_wait3A_503 : memref<80x16xf32, #tpu.memory_space<hbm>>) dst(%dma_wait3A_500 : memref<80x16xf32, #tpu.memory_space<vmem>>)
      %dma_start3A_504 = arith.constant 0 : i32
      %dma_start3A_505 = arith.constant 0 : i32
      %dma_start3A_506 = tpu.memref_slice %arg7[%rem3A_487, %dma_start3A_504, %dma_start3A_505] : memref<12x80x16xf32, #tpu.memory_space<vmem>> -> memref<1x80x16xf32, #tpu.memory_space<vmem>>
      %dma_start3A_507 = tpu.memref_squeeze %dma_start3A_506 : memref<1x80x16xf32, #tpu.memory_space<vmem>> -> memref<80x16xf32, #tpu.memory_space<vmem>>
      %dma_start3A_508 = arith.constant 0 : i32
      %dma_start3A_509 = tpu.memref_slice %arg5[%add3A_485, %dma_start3A_508] : memref<125x80xi32, #tpu.memory_space<vmem>> -> memref<1x80xi32, #tpu.memory_space<vmem>>
      %dma_start3A_510 = tpu.memref_squeeze %dma_start3A_509 : memref<1x80xi32, #tpu.memory_space<vmem>> -> memref<80xi32, #tpu.memory_space<vmem>>
      %dma_start3A_511 = arith.constant 0 : i32
      %dma_start3A_512 = arith.constant 0 : i32
      %dma_start3A_513 = tpu.memref_slice %arg2[%dma_start3A_511, %dma_start3A_512] : memref<10000x16xf32, #tpu.memory_space<hbm>> -> memref<10000x16xf32, #tpu.memory_space<hbm>>
      %dma_start3A_514 = tpu.memref_slice %arg10[%rem3A_487] : memref<12x!tpu.dma_semaphore, #tpu.memory_space<semaphore_mem>> -> memref<1x!tpu.dma_semaphore, #tpu.memory_space<semaphore_mem>>
      %dma_start3A_515 = tpu.memref_squeeze %dma_start3A_514 : memref<1x!tpu.dma_semaphore, #tpu.memory_space<semaphore_mem>> -> memref<!tpu.dma_semaphore, #tpu.memory_space<semaphore_mem>>
      tpu.enqueue_indirect_dma source(%dma_start3A_513 : memref<10000x16xf32, #tpu.memory_space<hbm>>) target(%dma_start3A_507 : memref<80x16xf32, #tpu.memory_space<vmem>>) offsets(%dma_start3A_510 : memref<80xi32, #tpu.memory_space<vmem>>) semaphore(%dma_start3A_515 : memref<!tpu.dma_semaphore, #tpu.memory_space<semaphore_mem>>)
      %scan3A_516 = arith.constant 0 : i32
      scf.yield %scan3A_516 : i32
    }
    %scan3A_224 = arith.constant 113 : i32
    %scan3A_225 = arith.constant 0 : i32
    %scan3A_226 = arith.constant 117 : i32
    %scan3A_227 = arith.constant 8 : i32
    %scan3A_228 = arith.addi %scan3A_226, %scan3A_227 : i32
    %scan3A_229 = arith.constant 1 : i32
    %scan3A_230 = scf.for %scan3A_453 = %scan3A_226 to %scan3A_228 step %scan3A_229 iter_args(%scan3A_454 = %scan3A_225) -> (i32)  : i32 {
      %rem3A = arith.constant 12 : i32
      %rem3A_455 = arith.remsi %scan3A_453, %rem3A : i32
      %dma_wait3A_456 = arith.constant 0 : i32
      %dma_wait3A_457 = arith.constant 0 : i32
      %dma_wait3A_458 = tpu.memref_slice %arg7[%rem3A_455, %dma_wait3A_456, %dma_wait3A_457] : memref<12x80x16xf32, #tpu.memory_space<vmem>> -> memref<1x80x16xf32, #tpu.memory_space<vmem>>
      %dma_wait3A_459 = tpu.memref_squeeze %dma_wait3A_458 : memref<1x80x16xf32, #tpu.memory_space<vmem>> -> memref<80x16xf32, #tpu.memory_space<vmem>>
      %dma_wait3A_460 = arith.constant 0 : i32
      %dma_wait3A_461 = arith.constant 0 : i32
      %dma_wait3A_462 = tpu.memref_slice %arg2[%dma_wait3A_460, %dma_wait3A_461] : memref<10000x16xf32, #tpu.memory_space<hbm>> -> memref<80x16xf32, #tpu.memory_space<hbm>>
      %dma_wait3A_463 = tpu.memref_slice %arg10[%rem3A_455] : memref<12x!tpu.dma_semaphore, #tpu.memory_space<semaphore_mem>> -> memref<1x!tpu.dma_semaphore, #tpu.memory_space<semaphore_mem>>
      %dma_wait3A_464 = tpu.memref_squeeze %dma_wait3A_463 : memref<1x!tpu.dma_semaphore, #tpu.memory_space<semaphore_mem>> -> memref<!tpu.dma_semaphore, #tpu.memory_space<semaphore_mem>>
      %dma_wait3A_465 = arith.constant 0 : i32
      %dma_wait3A_466 = arith.constant 0 : i32
      %dma_wait3A_467 = tpu.memref_slice %arg7[%rem3A_455, %dma_wait3A_465, %dma_wait3A_466] : memref<12x80x16xf32, #tpu.memory_space<vmem>> -> memref<1x80x16xf32, #tpu.memory_space<vmem>>
      %dma_wait3A_468 = tpu.memref_squeeze %dma_wait3A_467 : memref<1x80x16xf32, #tpu.memory_space<vmem>> -> memref<80x16xf32, #tpu.memory_space<vmem>>
      %dma_wait3A_469 = arith.constant 0 : i32
      %dma_wait3A_470 = arith.constant 0 : i32
      %dma_wait3A_471 = tpu.memref_slice %arg2[%dma_wait3A_469, %dma_wait3A_470] : memref<10000x16xf32, #tpu.memory_space<hbm>> -> memref<80x16xf32, #tpu.memory_space<hbm>>
      tpu.wait_dma2 semaphore(%dma_wait3A_464 : memref<!tpu.dma_semaphore, #tpu.memory_space<semaphore_mem>>) src(%dma_wait3A_471 : memref<80x16xf32, #tpu.memory_space<hbm>>) dst(%dma_wait3A_468 : memref<80x16xf32, #tpu.memory_space<vmem>>)
      %dma_start3A_472 = arith.constant 0 : i32
      %dma_start3A_473 = arith.constant 0 : i32
      %dma_start3A_474 = tpu.memref_slice %arg7[%rem3A_455, %dma_start3A_472, %dma_start3A_473] : memref<12x80x16xf32, #tpu.memory_space<vmem>> -> memref<1x80x16xf32, #tpu.memory_space<vmem>>
      %dma_start3A_475 = tpu.memref_squeeze %dma_start3A_474 : memref<1x80x16xf32, #tpu.memory_space<vmem>> -> memref<80x16xf32, #tpu.memory_space<vmem>>
      %dma_start3A_476 = arith.constant 0 : i32
      %dma_start3A_477 = tpu.memref_slice %arg6[%scan3A_453, %dma_start3A_476] : memref<125x80xi32, #tpu.memory_space<vmem>> -> memref<1x80xi32, #tpu.memory_space<vmem>>
      %dma_start3A_478 = tpu.memref_squeeze %dma_start3A_477 : memref<1x80xi32, #tpu.memory_space<vmem>> -> memref<80xi32, #tpu.memory_space<vmem>>
      %dma_start3A_479 = arith.constant 0 : i32
      %dma_start3A_480 = arith.constant 0 : i32
      %dma_start3A_481 = tpu.memref_slice %arg9[%dma_start3A_479, %dma_start3A_480] : memref<10240x16xf32, #tpu.memory_space<vmem_shared>> -> memref<10240x16xf32, #tpu.memory_space<vmem_shared>>
      %dma_start3A_482 = tpu.memref_slice %arg11[%rem3A_455] : memref<12x!tpu.dma_semaphore, #tpu.memory_space<semaphore_mem>> -> memref<1x!tpu.dma_semaphore, #tpu.memory_space<semaphore_mem>>
      %dma_start3A_483 = tpu.memref_squeeze %dma_start3A_482 : memref<1x!tpu.dma_semaphore, #tpu.memory_space<semaphore_mem>> -> memref<!tpu.dma_semaphore, #tpu.memory_space<semaphore_mem>>
      tpu.enqueue_indirect_dma source(%dma_start3A_475 : memref<80x16xf32, #tpu.memory_space<vmem>>) target(%dma_start3A_481 : memref<10240x16xf32, #tpu.memory_space<vmem_shared>>) offsets(%dma_start3A_478 : memref<80xi32, #tpu.memory_space<vmem>>) semaphore(%dma_start3A_483 : memref<!tpu.dma_semaphore, #tpu.memory_space<semaphore_mem>>) {add = true}
      %scan3A_484 = arith.constant 0 : i32
      scf.yield %scan3A_484 : i32
    }
    %scan3A_231 = arith.constant 8 : i32
    %dma_wait3A_232 = arith.constant 5 : i32
    %dma_wait3A_233 = arith.constant 5 : i32
    %dma_wait3A_234 = arith.constant 0 : i32
    %dma_wait3A_235 = arith.constant 0 : i32
    %dma_wait3A_236 = tpu.memref_slice %arg7[%dma_wait3A_232, %dma_wait3A_234, %dma_wait3A_235] : memref<12x80x16xf32, #tpu.memory_space<vmem>> -> memref<1x80x16xf32, #tpu.memory_space<vmem>>
    %dma_wait3A_237 = tpu.memref_squeeze %dma_wait3A_236 : memref<1x80x16xf32, #tpu.memory_space<vmem>> -> memref<80x16xf32, #tpu.memory_space<vmem>>
    %dma_wait3A_238 = arith.constant 0 : i32
    %dma_wait3A_239 = arith.constant 0 : i32
    %dma_wait3A_240 = tpu.memref_slice %arg2[%dma_wait3A_238, %dma_wait3A_239] : memref<10000x16xf32, #tpu.memory_space<hbm>> -> memref<80x16xf32, #tpu.memory_space<hbm>>
    %dma_wait3A_241 = tpu.memref_slice %arg11[%dma_wait3A_233] : memref<12x!tpu.dma_semaphore, #tpu.memory_space<semaphore_mem>> -> memref<1x!tpu.dma_semaphore, #tpu.memory_space<semaphore_mem>>
    %dma_wait3A_242 = tpu.memref_squeeze %dma_wait3A_241 : memref<1x!tpu.dma_semaphore, #tpu.memory_space<semaphore_mem>> -> memref<!tpu.dma_semaphore, #tpu.memory_space<semaphore_mem>>
    %dma_wait3A_243 = arith.constant 0 : i32
    %dma_wait3A_244 = arith.constant 0 : i32
    %dma_wait3A_245 = tpu.memref_slice %arg7[%dma_wait3A_232, %dma_wait3A_243, %dma_wait3A_244] : memref<12x80x16xf32, #tpu.memory_space<vmem>> -> memref<1x80x16xf32, #tpu.memory_space<vmem>>
    %dma_wait3A_246 = tpu.memref_squeeze %dma_wait3A_245 : memref<1x80x16xf32, #tpu.memory_space<vmem>> -> memref<80x16xf32, #tpu.memory_space<vmem>>
    %dma_wait3A_247 = arith.constant 0 : i32
    %dma_wait3A_248 = arith.constant 0 : i32
    %dma_wait3A_249 = tpu.memref_slice %arg2[%dma_wait3A_247, %dma_wait3A_248] : memref<10000x16xf32, #tpu.memory_space<hbm>> -> memref<80x16xf32, #tpu.memory_space<hbm>>
    tpu.wait_dma2 semaphore(%dma_wait3A_242 : memref<!tpu.dma_semaphore, #tpu.memory_space<semaphore_mem>>) src(%dma_wait3A_249 : memref<80x16xf32, #tpu.memory_space<hbm>>) dst(%dma_wait3A_246 : memref<80x16xf32, #tpu.memory_space<vmem>>)
    %dma_wait3A_250 = arith.constant 6 : i32
    %dma_wait3A_251 = arith.constant 6 : i32
    %dma_wait3A_252 = arith.constant 0 : i32
    %dma_wait3A_253 = arith.constant 0 : i32
    %dma_wait3A_254 = tpu.memref_slice %arg7[%dma_wait3A_250, %dma_wait3A_252, %dma_wait3A_253] : memref<12x80x16xf32, #tpu.memory_space<vmem>> -> memref<1x80x16xf32, #tpu.memory_space<vmem>>
    %dma_wait3A_255 = tpu.memref_squeeze %dma_wait3A_254 : memref<1x80x16xf32, #tpu.memory_space<vmem>> -> memref<80x16xf32, #tpu.memory_space<vmem>>
    %dma_wait3A_256 = arith.constant 0 : i32
    %dma_wait3A_257 = arith.constant 0 : i32
    %dma_wait3A_258 = tpu.memref_slice %arg2[%dma_wait3A_256, %dma_wait3A_257] : memref<10000x16xf32, #tpu.memory_space<hbm>> -> memref<80x16xf32, #tpu.memory_space<hbm>>
    %dma_wait3A_259 = tpu.memref_slice %arg11[%dma_wait3A_251] : memref<12x!tpu.dma_semaphore, #tpu.memory_space<semaphore_mem>> -> memref<1x!tpu.dma_semaphore, #tpu.memory_space<semaphore_mem>>
    %dma_wait3A_260 = tpu.memref_squeeze %dma_wait3A_259 : memref<1x!tpu.dma_semaphore, #tpu.memory_space<semaphore_mem>> -> memref<!tpu.dma_semaphore, #tpu.memory_space<semaphore_mem>>
    %dma_wait3A_261 = arith.constant 0 : i32
    %dma_wait3A_262 = arith.constant 0 : i32
    %dma_wait3A_263 = tpu.memref_slice %arg7[%dma_wait3A_250, %dma_wait3A_261, %dma_wait3A_262] : memref<12x80x16xf32, #tpu.memory_space<vmem>> -> memref<1x80x16xf32, #tpu.memory_space<vmem>>
    %dma_wait3A_264 = tpu.memref_squeeze %dma_wait3A_263 : memref<1x80x16xf32, #tpu.memory_space<vmem>> -> memref<80x16xf32, #tpu.memory_space<vmem>>
    %dma_wait3A_265 = arith.constant 0 : i32
    %dma_wait3A_266 = arith.constant 0 : i32
    %dma_wait3A_267 = tpu.memref_slice %arg2[%dma_wait3A_265, %dma_wait3A_266] : memref<10000x16xf32, #tpu.memory_space<hbm>> -> memref<80x16xf32, #tpu.memory_space<hbm>>
    tpu.wait_dma2 semaphore(%dma_wait3A_260 : memref<!tpu.dma_semaphore, #tpu.memory_space<semaphore_mem>>) src(%dma_wait3A_267 : memref<80x16xf32, #tpu.memory_space<hbm>>) dst(%dma_wait3A_264 : memref<80x16xf32, #tpu.memory_space<vmem>>)
    %dma_wait3A_268 = arith.constant 7 : i32
    %dma_wait3A_269 = arith.constant 7 : i32
    %dma_wait3A_270 = arith.constant 0 : i32
    %dma_wait3A_271 = arith.constant 0 : i32
    %dma_wait3A_272 = tpu.memref_slice %arg7[%dma_wait3A_268, %dma_wait3A_270, %dma_wait3A_271] : memref<12x80x16xf32, #tpu.memory_space<vmem>> -> memref<1x80x16xf32, #tpu.memory_space<vmem>>
    %dma_wait3A_273 = tpu.memref_squeeze %dma_wait3A_272 : memref<1x80x16xf32, #tpu.memory_space<vmem>> -> memref<80x16xf32, #tpu.memory_space<vmem>>
    %dma_wait3A_274 = arith.constant 0 : i32
    %dma_wait3A_275 = arith.constant 0 : i32
    %dma_wait3A_276 = tpu.memref_slice %arg2[%dma_wait3A_274, %dma_wait3A_275] : memref<10000x16xf32, #tpu.memory_space<hbm>> -> memref<80x16xf32, #tpu.memory_space<hbm>>
    %dma_wait3A_277 = tpu.memref_slice %arg11[%dma_wait3A_269] : memref<12x!tpu.dma_semaphore, #tpu.memory_space<semaphore_mem>> -> memref<1x!tpu.dma_semaphore, #tpu.memory_space<semaphore_mem>>
    %dma_wait3A_278 = tpu.memref_squeeze %dma_wait3A_277 : memref<1x!tpu.dma_semaphore, #tpu.memory_space<semaphore_mem>> -> memref<!tpu.dma_semaphore, #tpu.memory_space<semaphore_mem>>
    %dma_wait3A_279 = arith.constant 0 : i32
    %dma_wait3A_280 = arith.constant 0 : i32
    %dma_wait3A_281 = tpu.memref_slice %arg7[%dma_wait3A_268, %dma_wait3A_279, %dma_wait3A_280] : memref<12x80x16xf32, #tpu.memory_space<vmem>> -> memref<1x80x16xf32, #tpu.memory_space<vmem>>
    %dma_wait3A_282 = tpu.memref_squeeze %dma_wait3A_281 : memref<1x80x16xf32, #tpu.memory_space<vmem>> -> memref<80x16xf32, #tpu.memory_space<vmem>>
    %dma_wait3A_283 = arith.constant 0 : i32
    %dma_wait3A_284 = arith.constant 0 : i32
    %dma_wait3A_285 = tpu.memref_slice %arg2[%dma_wait3A_283, %dma_wait3A_284] : memref<10000x16xf32, #tpu.memory_space<hbm>> -> memref<80x16xf32, #tpu.memory_space<hbm>>
    tpu.wait_dma2 semaphore(%dma_wait3A_278 : memref<!tpu.dma_semaphore, #tpu.memory_space<semaphore_mem>>) src(%dma_wait3A_285 : memref<80x16xf32, #tpu.memory_space<hbm>>) dst(%dma_wait3A_282 : memref<80x16xf32, #tpu.memory_space<vmem>>)
    %dma_wait3A_286 = arith.constant 8 : i32
    %dma_wait3A_287 = arith.constant 8 : i32
    %dma_wait3A_288 = arith.constant 0 : i32
    %dma_wait3A_289 = arith.constant 0 : i32
    %dma_wait3A_290 = tpu.memref_slice %arg7[%dma_wait3A_286, %dma_wait3A_288, %dma_wait3A_289] : memref<12x80x16xf32, #tpu.memory_space<vmem>> -> memref<1x80x16xf32, #tpu.memory_space<vmem>>
    %dma_wait3A_291 = tpu.memref_squeeze %dma_wait3A_290 : memref<1x80x16xf32, #tpu.memory_space<vmem>> -> memref<80x16xf32, #tpu.memory_space<vmem>>
    %dma_wait3A_292 = arith.constant 0 : i32
    %dma_wait3A_293 = arith.constant 0 : i32
    %dma_wait3A_294 = tpu.memref_slice %arg2[%dma_wait3A_292, %dma_wait3A_293] : memref<10000x16xf32, #tpu.memory_space<hbm>> -> memref<80x16xf32, #tpu.memory_space<hbm>>
    %dma_wait3A_295 = tpu.memref_slice %arg11[%dma_wait3A_287] : memref<12x!tpu.dma_semaphore, #tpu.memory_space<semaphore_mem>> -> memref<1x!tpu.dma_semaphore, #tpu.memory_space<semaphore_mem>>
    %dma_wait3A_296 = tpu.memref_squeeze %dma_wait3A_295 : memref<1x!tpu.dma_semaphore, #tpu.memory_space<semaphore_mem>> -> memref<!tpu.dma_semaphore, #tpu.memory_space<semaphore_mem>>
    %dma_wait3A_297 = arith.constant 0 : i32
    %dma_wait3A_298 = arith.constant 0 : i32
    %dma_wait3A_299 = tpu.memref_slice %arg7[%dma_wait3A_286, %dma_wait3A_297, %dma_wait3A_298] : memref<12x80x16xf32, #tpu.memory_space<vmem>> -> memref<1x80x16xf32, #tpu.memory_space<vmem>>
    %dma_wait3A_300 = tpu.memref_squeeze %dma_wait3A_299 : memref<1x80x16xf32, #tpu.memory_space<vmem>> -> memref<80x16xf32, #tpu.memory_space<vmem>>
    %dma_wait3A_301 = arith.constant 0 : i32
    %dma_wait3A_302 = arith.constant 0 : i32
    %dma_wait3A_303 = tpu.memref_slice %arg2[%dma_wait3A_301, %dma_wait3A_302] : memref<10000x16xf32, #tpu.memory_space<hbm>> -> memref<80x16xf32, #tpu.memory_space<hbm>>
    tpu.wait_dma2 semaphore(%dma_wait3A_296 : memref<!tpu.dma_semaphore, #tpu.memory_space<semaphore_mem>>) src(%dma_wait3A_303 : memref<80x16xf32, #tpu.memory_space<hbm>>) dst(%dma_wait3A_300 : memref<80x16xf32, #tpu.memory_space<vmem>>)
    %dma_wait3A_304 = arith.constant 9 : i32
    %dma_wait3A_305 = arith.constant 9 : i32
    %dma_wait3A_306 = arith.constant 0 : i32
    %dma_wait3A_307 = arith.constant 0 : i32
    %dma_wait3A_308 = tpu.memref_slice %arg7[%dma_wait3A_304, %dma_wait3A_306, %dma_wait3A_307] : memref<12x80x16xf32, #tpu.memory_space<vmem>> -> memref<1x80x16xf32, #tpu.memory_space<vmem>>
    %dma_wait3A_309 = tpu.memref_squeeze %dma_wait3A_308 : memref<1x80x16xf32, #tpu.memory_space<vmem>> -> memref<80x16xf32, #tpu.memory_space<vmem>>
    %dma_wait3A_310 = arith.constant 0 : i32
    %dma_wait3A_311 = arith.constant 0 : i32
    %dma_wait3A_312 = tpu.memref_slice %arg2[%dma_wait3A_310, %dma_wait3A_311] : memref<10000x16xf32, #tpu.memory_space<hbm>> -> memref<80x16xf32, #tpu.memory_space<hbm>>
    %dma_wait3A_313 = tpu.memref_slice %arg11[%dma_wait3A_305] : memref<12x!tpu.dma_semaphore, #tpu.memory_space<semaphore_mem>> -> memref<1x!tpu.dma_semaphore, #tpu.memory_space<semaphore_mem>>
    %dma_wait3A_314 = tpu.memref_squeeze %dma_wait3A_313 : memref<1x!tpu.dma_semaphore, #tpu.memory_space<semaphore_mem>> -> memref<!tpu.dma_semaphore, #tpu.memory_space<semaphore_mem>>
    %dma_wait3A_315 = arith.constant 0 : i32
    %dma_wait3A_316 = arith.constant 0 : i32
    %dma_wait3A_317 = tpu.memref_slice %arg7[%dma_wait3A_304, %dma_wait3A_315, %dma_wait3A_316] : memref<12x80x16xf32, #tpu.memory_space<vmem>> -> memref<1x80x16xf32, #tpu.memory_space<vmem>>
    %dma_wait3A_318 = tpu.memref_squeeze %dma_wait3A_317 : memref<1x80x16xf32, #tpu.memory_space<vmem>> -> memref<80x16xf32, #tpu.memory_space<vmem>>
    %dma_wait3A_319 = arith.constant 0 : i32
    %dma_wait3A_320 = arith.constant 0 : i32
    %dma_wait3A_321 = tpu.memref_slice %arg2[%dma_wait3A_319, %dma_wait3A_320] : memref<10000x16xf32, #tpu.memory_space<hbm>> -> memref<80x16xf32, #tpu.memory_space<hbm>>
    tpu.wait_dma2 semaphore(%dma_wait3A_314 : memref<!tpu.dma_semaphore, #tpu.memory_space<semaphore_mem>>) src(%dma_wait3A_321 : memref<80x16xf32, #tpu.memory_space<hbm>>) dst(%dma_wait3A_318 : memref<80x16xf32, #tpu.memory_space<vmem>>)
    %dma_wait3A_322 = arith.constant 10 : i32
    %dma_wait3A_323 = arith.constant 10 : i32
    %dma_wait3A_324 = arith.constant 0 : i32
    %dma_wait3A_325 = arith.constant 0 : i32
    %dma_wait3A_326 = tpu.memref_slice %arg7[%dma_wait3A_322, %dma_wait3A_324, %dma_wait3A_325] : memref<12x80x16xf32, #tpu.memory_space<vmem>> -> memref<1x80x16xf32, #tpu.memory_space<vmem>>
    %dma_wait3A_327 = tpu.memref_squeeze %dma_wait3A_326 : memref<1x80x16xf32, #tpu.memory_space<vmem>> -> memref<80x16xf32, #tpu.memory_space<vmem>>
    %dma_wait3A_328 = arith.constant 0 : i32
    %dma_wait3A_329 = arith.constant 0 : i32
    %dma_wait3A_330 = tpu.memref_slice %arg2[%dma_wait3A_328, %dma_wait3A_329] : memref<10000x16xf32, #tpu.memory_space<hbm>> -> memref<80x16xf32, #tpu.memory_space<hbm>>
    %dma_wait3A_331 = tpu.memref_slice %arg11[%dma_wait3A_323] : memref<12x!tpu.dma_semaphore, #tpu.memory_space<semaphore_mem>> -> memref<1x!tpu.dma_semaphore, #tpu.memory_space<semaphore_mem>>
    %dma_wait3A_332 = tpu.memref_squeeze %dma_wait3A_331 : memref<1x!tpu.dma_semaphore, #tpu.memory_space<semaphore_mem>> -> memref<!tpu.dma_semaphore, #tpu.memory_space<semaphore_mem>>
    %dma_wait3A_333 = arith.constant 0 : i32
    %dma_wait3A_334 = arith.constant 0 : i32
    %dma_wait3A_335 = tpu.memref_slice %arg7[%dma_wait3A_322, %dma_wait3A_333, %dma_wait3A_334] : memref<12x80x16xf32, #tpu.memory_space<vmem>> -> memref<1x80x16xf32, #tpu.memory_space<vmem>>
    %dma_wait3A_336 = tpu.memref_squeeze %dma_wait3A_335 : memref<1x80x16xf32, #tpu.memory_space<vmem>> -> memref<80x16xf32, #tpu.memory_space<vmem>>
    %dma_wait3A_337 = arith.constant 0 : i32
    %dma_wait3A_338 = arith.constant 0 : i32
    %dma_wait3A_339 = tpu.memref_slice %arg2[%dma_wait3A_337, %dma_wait3A_338] : memref<10000x16xf32, #tpu.memory_space<hbm>> -> memref<80x16xf32, #tpu.memory_space<hbm>>
    tpu.wait_dma2 semaphore(%dma_wait3A_332 : memref<!tpu.dma_semaphore, #tpu.memory_space<semaphore_mem>>) src(%dma_wait3A_339 : memref<80x16xf32, #tpu.memory_space<hbm>>) dst(%dma_wait3A_336 : memref<80x16xf32, #tpu.memory_space<vmem>>)
    %dma_wait3A_340 = arith.constant 11 : i32
    %dma_wait3A_341 = arith.constant 11 : i32
    %dma_wait3A_342 = arith.constant 0 : i32
    %dma_wait3A_343 = arith.constant 0 : i32
    %dma_wait3A_344 = tpu.memref_slice %arg7[%dma_wait3A_340, %dma_wait3A_342, %dma_wait3A_343] : memref<12x80x16xf32, #tpu.memory_space<vmem>> -> memref<1x80x16xf32, #tpu.memory_space<vmem>>
    %dma_wait3A_345 = tpu.memref_squeeze %dma_wait3A_344 : memref<1x80x16xf32, #tpu.memory_space<vmem>> -> memref<80x16xf32, #tpu.memory_space<vmem>>
    %dma_wait3A_346 = arith.constant 0 : i32
    %dma_wait3A_347 = arith.constant 0 : i32
    %dma_wait3A_348 = tpu.memref_slice %arg2[%dma_wait3A_346, %dma_wait3A_347] : memref<10000x16xf32, #tpu.memory_space<hbm>> -> memref<80x16xf32, #tpu.memory_space<hbm>>
    %dma_wait3A_349 = tpu.memref_slice %arg11[%dma_wait3A_341] : memref<12x!tpu.dma_semaphore, #tpu.memory_space<semaphore_mem>> -> memref<1x!tpu.dma_semaphore, #tpu.memory_space<semaphore_mem>>
    %dma_wait3A_350 = tpu.memref_squeeze %dma_wait3A_349 : memref<1x!tpu.dma_semaphore, #tpu.memory_space<semaphore_mem>> -> memref<!tpu.dma_semaphore, #tpu.memory_space<semaphore_mem>>
    %dma_wait3A_351 = arith.constant 0 : i32
    %dma_wait3A_352 = arith.constant 0 : i32
    %dma_wait3A_353 = tpu.memref_slice %arg7[%dma_wait3A_340, %dma_wait3A_351, %dma_wait3A_352] : memref<12x80x16xf32, #tpu.memory_space<vmem>> -> memref<1x80x16xf32, #tpu.memory_space<vmem>>
    %dma_wait3A_354 = tpu.memref_squeeze %dma_wait3A_353 : memref<1x80x16xf32, #tpu.memory_space<vmem>> -> memref<80x16xf32, #tpu.memory_space<vmem>>
    %dma_wait3A_355 = arith.constant 0 : i32
    %dma_wait3A_356 = arith.constant 0 : i32
    %dma_wait3A_357 = tpu.memref_slice %arg2[%dma_wait3A_355, %dma_wait3A_356] : memref<10000x16xf32, #tpu.memory_space<hbm>> -> memref<80x16xf32, #tpu.memory_space<hbm>>
    tpu.wait_dma2 semaphore(%dma_wait3A_350 : memref<!tpu.dma_semaphore, #tpu.memory_space<semaphore_mem>>) src(%dma_wait3A_357 : memref<80x16xf32, #tpu.memory_space<hbm>>) dst(%dma_wait3A_354 : memref<80x16xf32, #tpu.memory_space<vmem>>)
    %dma_wait3A_358 = arith.constant 0 : i32
    %dma_wait3A_359 = arith.constant 0 : i32
    %dma_wait3A_360 = arith.constant 0 : i32
    %dma_wait3A_361 = arith.constant 0 : i32
    %dma_wait3A_362 = tpu.memref_slice %arg7[%dma_wait3A_358, %dma_wait3A_360, %dma_wait3A_361] : memref<12x80x16xf32, #tpu.memory_space<vmem>> -> memref<1x80x16xf32, #tpu.memory_space<vmem>>
    %dma_wait3A_363 = tpu.memref_squeeze %dma_wait3A_362 : memref<1x80x16xf32, #tpu.memory_space<vmem>> -> memref<80x16xf32, #tpu.memory_space<vmem>>
    %dma_wait3A_364 = arith.constant 0 : i32
    %dma_wait3A_365 = arith.constant 0 : i32
    %dma_wait3A_366 = tpu.memref_slice %arg2[%dma_wait3A_364, %dma_wait3A_365] : memref<10000x16xf32, #tpu.memory_space<hbm>> -> memref<80x16xf32, #tpu.memory_space<hbm>>
    %dma_wait3A_367 = tpu.memref_slice %arg11[%dma_wait3A_359] : memref<12x!tpu.dma_semaphore, #tpu.memory_space<semaphore_mem>> -> memref<1x!tpu.dma_semaphore, #tpu.memory_space<semaphore_mem>>
    %dma_wait3A_368 = tpu.memref_squeeze %dma_wait3A_367 : memref<1x!tpu.dma_semaphore, #tpu.memory_space<semaphore_mem>> -> memref<!tpu.dma_semaphore, #tpu.memory_space<semaphore_mem>>
    %dma_wait3A_369 = arith.constant 0 : i32
    %dma_wait3A_370 = arith.constant 0 : i32
    %dma_wait3A_371 = tpu.memref_slice %arg7[%dma_wait3A_358, %dma_wait3A_369, %dma_wait3A_370] : memref<12x80x16xf32, #tpu.memory_space<vmem>> -> memref<1x80x16xf32, #tpu.memory_space<vmem>>
    %dma_wait3A_372 = tpu.memref_squeeze %dma_wait3A_371 : memref<1x80x16xf32, #tpu.memory_space<vmem>> -> memref<80x16xf32, #tpu.memory_space<vmem>>
    %dma_wait3A_373 = arith.constant 0 : i32
    %dma_wait3A_374 = arith.constant 0 : i32
    %dma_wait3A_375 = tpu.memref_slice %arg2[%dma_wait3A_373, %dma_wait3A_374] : memref<10000x16xf32, #tpu.memory_space<hbm>> -> memref<80x16xf32, #tpu.memory_space<hbm>>
    tpu.wait_dma2 semaphore(%dma_wait3A_368 : memref<!tpu.dma_semaphore, #tpu.memory_space<semaphore_mem>>) src(%dma_wait3A_375 : memref<80x16xf32, #tpu.memory_space<hbm>>) dst(%dma_wait3A_372 : memref<80x16xf32, #tpu.memory_space<vmem>>)
    %dma_wait3A_376 = arith.constant 1 : i32
    %dma_wait3A_377 = arith.constant 1 : i32
    %dma_wait3A_378 = arith.constant 0 : i32
    %dma_wait3A_379 = arith.constant 0 : i32
    %dma_wait3A_380 = tpu.memref_slice %arg7[%dma_wait3A_376, %dma_wait3A_378, %dma_wait3A_379] : memref<12x80x16xf32, #tpu.memory_space<vmem>> -> memref<1x80x16xf32, #tpu.memory_space<vmem>>
    %dma_wait3A_381 = tpu.memref_squeeze %dma_wait3A_380 : memref<1x80x16xf32, #tpu.memory_space<vmem>> -> memref<80x16xf32, #tpu.memory_space<vmem>>
    %dma_wait3A_382 = arith.constant 0 : i32
    %dma_wait3A_383 = arith.constant 0 : i32
    %dma_wait3A_384 = tpu.memref_slice %arg2[%dma_wait3A_382, %dma_wait3A_383] : memref<10000x16xf32, #tpu.memory_space<hbm>> -> memref<80x16xf32, #tpu.memory_space<hbm>>
    %dma_wait3A_385 = tpu.memref_slice %arg11[%dma_wait3A_377] : memref<12x!tpu.dma_semaphore, #tpu.memory_space<semaphore_mem>> -> memref<1x!tpu.dma_semaphore, #tpu.memory_space<semaphore_mem>>
    %dma_wait3A_386 = tpu.memref_squeeze %dma_wait3A_385 : memref<1x!tpu.dma_semaphore, #tpu.memory_space<semaphore_mem>> -> memref<!tpu.dma_semaphore, #tpu.memory_space<semaphore_mem>>
    %dma_wait3A_387 = arith.constant 0 : i32
    %dma_wait3A_388 = arith.constant 0 : i32
    %dma_wait3A_389 = tpu.memref_slice %arg7[%dma_wait3A_376, %dma_wait3A_387, %dma_wait3A_388] : memref<12x80x16xf32, #tpu.memory_space<vmem>> -> memref<1x80x16xf32, #tpu.memory_space<vmem>>
    %dma_wait3A_390 = tpu.memref_squeeze %dma_wait3A_389 : memref<1x80x16xf32, #tpu.memory_space<vmem>> -> memref<80x16xf32, #tpu.memory_space<vmem>>
    %dma_wait3A_391 = arith.constant 0 : i32
    %dma_wait3A_392 = arith.constant 0 : i32
    %dma_wait3A_393 = tpu.memref_slice %arg2[%dma_wait3A_391, %dma_wait3A_392] : memref<10000x16xf32, #tpu.memory_space<hbm>> -> memref<80x16xf32, #tpu.memory_space<hbm>>
    tpu.wait_dma2 semaphore(%dma_wait3A_386 : memref<!tpu.dma_semaphore, #tpu.memory_space<semaphore_mem>>) src(%dma_wait3A_393 : memref<80x16xf32, #tpu.memory_space<hbm>>) dst(%dma_wait3A_390 : memref<80x16xf32, #tpu.memory_space<vmem>>)
    %dma_wait3A_394 = arith.constant 2 : i32
    %dma_wait3A_395 = arith.constant 2 : i32
    %dma_wait3A_396 = arith.constant 0 : i32
    %dma_wait3A_397 = arith.constant 0 : i32
    %dma_wait3A_398 = tpu.memref_slice %arg7[%dma_wait3A_394, %dma_wait3A_396, %dma_wait3A_397] : memref<12x80x16xf32, #tpu.memory_space<vmem>> -> memref<1x80x16xf32, #tpu.memory_space<vmem>>
    %dma_wait3A_399 = tpu.memref_squeeze %dma_wait3A_398 : memref<1x80x16xf32, #tpu.memory_space<vmem>> -> memref<80x16xf32, #tpu.memory_space<vmem>>
    %dma_wait3A_400 = arith.constant 0 : i32
    %dma_wait3A_401 = arith.constant 0 : i32
    %dma_wait3A_402 = tpu.memref_slice %arg2[%dma_wait3A_400, %dma_wait3A_401] : memref<10000x16xf32, #tpu.memory_space<hbm>> -> memref<80x16xf32, #tpu.memory_space<hbm>>
    %dma_wait3A_403 = tpu.memref_slice %arg11[%dma_wait3A_395] : memref<12x!tpu.dma_semaphore, #tpu.memory_space<semaphore_mem>> -> memref<1x!tpu.dma_semaphore, #tpu.memory_space<semaphore_mem>>
    %dma_wait3A_404 = tpu.memref_squeeze %dma_wait3A_403 : memref<1x!tpu.dma_semaphore, #tpu.memory_space<semaphore_mem>> -> memref<!tpu.dma_semaphore, #tpu.memory_space<semaphore_mem>>
    %dma_wait3A_405 = arith.constant 0 : i32
    %dma_wait3A_406 = arith.constant 0 : i32
    %dma_wait3A_407 = tpu.memref_slice %arg7[%dma_wait3A_394, %dma_wait3A_405, %dma_wait3A_406] : memref<12x80x16xf32, #tpu.memory_space<vmem>> -> memref<1x80x16xf32, #tpu.memory_space<vmem>>
    %dma_wait3A_408 = tpu.memref_squeeze %dma_wait3A_407 : memref<1x80x16xf32, #tpu.memory_space<vmem>> -> memref<80x16xf32, #tpu.memory_space<vmem>>
    %dma_wait3A_409 = arith.constant 0 : i32
    %dma_wait3A_410 = arith.constant 0 : i32
    %dma_wait3A_411 = tpu.memref_slice %arg2[%dma_wait3A_409, %dma_wait3A_410] : memref<10000x16xf32, #tpu.memory_space<hbm>> -> memref<80x16xf32, #tpu.memory_space<hbm>>
    tpu.wait_dma2 semaphore(%dma_wait3A_404 : memref<!tpu.dma_semaphore, #tpu.memory_space<semaphore_mem>>) src(%dma_wait3A_411 : memref<80x16xf32, #tpu.memory_space<hbm>>) dst(%dma_wait3A_408 : memref<80x16xf32, #tpu.memory_space<vmem>>)
    %dma_wait3A_412 = arith.constant 3 : i32
    %dma_wait3A_413 = arith.constant 3 : i32
    %dma_wait3A_414 = arith.constant 0 : i32
    %dma_wait3A_415 = arith.constant 0 : i32
    %dma_wait3A_416 = tpu.memref_slice %arg7[%dma_wait3A_412, %dma_wait3A_414, %dma_wait3A_415] : memref<12x80x16xf32, #tpu.memory_space<vmem>> -> memref<1x80x16xf32, #tpu.memory_space<vmem>>
    %dma_wait3A_417 = tpu.memref_squeeze %dma_wait3A_416 : memref<1x80x16xf32, #tpu.memory_space<vmem>> -> memref<80x16xf32, #tpu.memory_space<vmem>>
    %dma_wait3A_418 = arith.constant 0 : i32
    %dma_wait3A_419 = arith.constant 0 : i32
    %dma_wait3A_420 = tpu.memref_slice %arg2[%dma_wait3A_418, %dma_wait3A_419] : memref<10000x16xf32, #tpu.memory_space<hbm>> -> memref<80x16xf32, #tpu.memory_space<hbm>>
    %dma_wait3A_421 = tpu.memref_slice %arg11[%dma_wait3A_413] : memref<12x!tpu.dma_semaphore, #tpu.memory_space<semaphore_mem>> -> memref<1x!tpu.dma_semaphore, #tpu.memory_space<semaphore_mem>>
    %dma_wait3A_422 = tpu.memref_squeeze %dma_wait3A_421 : memref<1x!tpu.dma_semaphore, #tpu.memory_space<semaphore_mem>> -> memref<!tpu.dma_semaphore, #tpu.memory_space<semaphore_mem>>
    %dma_wait3A_423 = arith.constant 0 : i32
    %dma_wait3A_424 = arith.constant 0 : i32
    %dma_wait3A_425 = tpu.memref_slice %arg7[%dma_wait3A_412, %dma_wait3A_423, %dma_wait3A_424] : memref<12x80x16xf32, #tpu.memory_space<vmem>> -> memref<1x80x16xf32, #tpu.memory_space<vmem>>
    %dma_wait3A_426 = tpu.memref_squeeze %dma_wait3A_425 : memref<1x80x16xf32, #tpu.memory_space<vmem>> -> memref<80x16xf32, #tpu.memory_space<vmem>>
    %dma_wait3A_427 = arith.constant 0 : i32
    %dma_wait3A_428 = arith.constant 0 : i32
    %dma_wait3A_429 = tpu.memref_slice %arg2[%dma_wait3A_427, %dma_wait3A_428] : memref<10000x16xf32, #tpu.memory_space<hbm>> -> memref<80x16xf32, #tpu.memory_space<hbm>>
    tpu.wait_dma2 semaphore(%dma_wait3A_422 : memref<!tpu.dma_semaphore, #tpu.memory_space<semaphore_mem>>) src(%dma_wait3A_429 : memref<80x16xf32, #tpu.memory_space<hbm>>) dst(%dma_wait3A_426 : memref<80x16xf32, #tpu.memory_space<vmem>>)
    %dma_wait3A_430 = arith.constant 4 : i32
    %dma_wait3A_431 = arith.constant 4 : i32
    %dma_wait3A_432 = arith.constant 0 : i32
    %dma_wait3A_433 = arith.constant 0 : i32
    %dma_wait3A_434 = tpu.memref_slice %arg7[%dma_wait3A_430, %dma_wait3A_432, %dma_wait3A_433] : memref<12x80x16xf32, #tpu.memory_space<vmem>> -> memref<1x80x16xf32, #tpu.memory_space<vmem>>
    %dma_wait3A_435 = tpu.memref_squeeze %dma_wait3A_434 : memref<1x80x16xf32, #tpu.memory_space<vmem>> -> memref<80x16xf32, #tpu.memory_space<vmem>>
    %dma_wait3A_436 = arith.constant 0 : i32
    %dma_wait3A_437 = arith.constant 0 : i32
    %dma_wait3A_438 = tpu.memref_slice %arg2[%dma_wait3A_436, %dma_wait3A_437] : memref<10000x16xf32, #tpu.memory_space<hbm>> -> memref<80x16xf32, #tpu.memory_space<hbm>>
    %dma_wait3A_439 = tpu.memref_slice %arg11[%dma_wait3A_431] : memref<12x!tpu.dma_semaphore, #tpu.memory_space<semaphore_mem>> -> memref<1x!tpu.dma_semaphore, #tpu.memory_space<semaphore_mem>>
    %dma_wait3A_440 = tpu.memref_squeeze %dma_wait3A_439 : memref<1x!tpu.dma_semaphore, #tpu.memory_space<semaphore_mem>> -> memref<!tpu.dma_semaphore, #tpu.memory_space<semaphore_mem>>
    %dma_wait3A_441 = arith.constant 0 : i32
    %dma_wait3A_442 = arith.constant 0 : i32
    %dma_wait3A_443 = tpu.memref_slice %arg7[%dma_wait3A_430, %dma_wait3A_441, %dma_wait3A_442] : memref<12x80x16xf32, #tpu.memory_space<vmem>> -> memref<1x80x16xf32, #tpu.memory_space<vmem>>
    %dma_wait3A_444 = tpu.memref_squeeze %dma_wait3A_443 : memref<1x80x16xf32, #tpu.memory_space<vmem>> -> memref<80x16xf32, #tpu.memory_space<vmem>>
    %dma_wait3A_445 = arith.constant 0 : i32
    %dma_wait3A_446 = arith.constant 0 : i32
    %dma_wait3A_447 = tpu.memref_slice %arg2[%dma_wait3A_445, %dma_wait3A_446] : memref<10000x16xf32, #tpu.memory_space<hbm>> -> memref<80x16xf32, #tpu.memory_space<hbm>>
    tpu.wait_dma2 semaphore(%dma_wait3A_440 : memref<!tpu.dma_semaphore, #tpu.memory_space<semaphore_mem>>) src(%dma_wait3A_447 : memref<80x16xf32, #tpu.memory_space<hbm>>) dst(%dma_wait3A_444 : memref<80x16xf32, #tpu.memory_space<vmem>>)
    %barrier3A_448 = arith.constant 0 : index
    tpu.barrier barrier_id(%barrier3A_448)
    %mul3A_449 = arith.constant 640 : i32
    %mul3A_450 = arith.muli %arg1, %mul3A_449 : i32
    %mul3A_451 = arith.constant 640 : i32
    %mul3A_452 = arith.muli %add3A, %mul3A_451 : i32
    "tpu.region"() ({
      %run_scoped3A = tpu.sem_alloc : memref<!tpu.dma_semaphore, #tpu.memory_space<semaphore_mem>>
      %dma_start3A_453 = arith.constant 0 : i32
      %dma_start3A_454 = tpu.memref_slice %arg4[%mul3A_452, %dma_start3A_453] : memref<20480x16xf32, #tpu.memory_space<hbm>> -> memref<640x16xf32, #tpu.memory_space<hbm>>
      %dma_start3A_455 = arith.constant 0 : i32
      %dma_start3A_456 = tpu.memref_slice %arg9[%mul3A_450, %dma_start3A_455] : memref<10240x16xf32, #tpu.memory_space<vmem_shared>> -> memref<640x16xf32, #tpu.memory_space<vmem_shared>>
      tpu.enqueue_dma source(%dma_start3A_456 : memref<640x16xf32, #tpu.memory_space<vmem_shared>>) target(%dma_start3A_454 : memref<640x16xf32, #tpu.memory_space<hbm>>) target_semaphore(%run_scoped3A : memref<!tpu.dma_semaphore, #tpu.memory_space<semaphore_mem>>)
      %dma_wait3A_457 = arith.constant 0 : i32
      %dma_wait3A_458 = tpu.memref_slice %arg4[%mul3A_452, %dma_wait3A_457] : memref<20480x16xf32, #tpu.memory_space<hbm>> -> memref<640x16xf32, #tpu.memory_space<hbm>>
      %dma_wait3A_459 = arith.constant 0 : i32
      %dma_wait3A_460 = tpu.memref_slice %arg9[%mul3A_450, %dma_wait3A_459] : memref<10240x16xf32, #tpu.memory_space<vmem_shared>> -> memref<640x16xf32, #tpu.memory_space<vmem_shared>>
      tpu.wait_dma2 semaphore(%run_scoped3A : memref<!tpu.dma_semaphore, #tpu.memory_space<semaphore_mem>>) src(%dma_wait3A_460 : memref<640x16xf32, #tpu.memory_space<vmem_shared>>) dst(%dma_wait3A_458 : memref<640x16xf32, #tpu.memory_space<hbm>>)
      tpu.yield
    }) : () -> ()
    return
  }
}

#map = affine_map<(d0, d1) -> (0, 0)>
#map1 = affine_map<(d0, d1) -> (0, 0, 0, 0)>
module attributes {stable_mosaic.version = 14 : i64} {
  func.func @_agg_body(%arg0: i32, %arg1: i32, %arg2: memref<10000x16xf32, #tpu.memory_space<hbm>>, %arg3: memref<2x32x125x80xi32, #tpu.memory_space<hbm>>, %arg4: memref<20480x16xf32, #tpu.memory_space<hbm>>, %arg5: memref<125x80xi32, #tpu.memory_space<vmem>>, %arg6: memref<125x80xi32, #tpu.memory_space<vmem>>, %arg7: memref<12x80x16xf32, #tpu.memory_space<vmem>>, %arg8: memref<640x16xf32, #tpu.memory_space<vmem>>, %arg9: memref<10240x16xf32, #tpu.memory_space<vmem_shared>>, %arg10: memref<12x!tpu.dma_semaphore, #tpu.memory_space<semaphore_mem>>, %arg11: memref<12x!tpu.dma_semaphore, #tpu.memory_space<semaphore_mem>>, %arg12: memref<!tpu.dma_semaphore, #tpu.memory_space<semaphore_mem>>) attributes {dimension_semantics = [#tpu.dimension_semantics<core_parallel>, #tpu.dimension_semantics<subcore_parallel>], iteration_bounds = array<i64: 2, 16>, scalar_prefetch = 0 : i64, scratch_operands = 8 : i64, tpu.core_type = #tpu.core_type<sc_vector_subcore>, window_params = [{transform_indices = #map}, {transform_indices = #map1}, {transform_indices = #map}]} {
    %mul3A = arith.constant 16 : i32
    %mul3A_0 = arith.muli %arg0, %mul3A : i32
    %add3A = arith.addi %mul3A_0, %arg1 : i32
    %dma_start3A = arith.constant 0 : i32
    %dma_start3A_1 = arith.constant 0 : i32
    %dma_start3A_2 = arith.constant 0 : i32
    %dma_start3A_3 = arith.constant 0 : i32
    %dma_start3A_4 = tpu.memref_slice %arg3[%dma_start3A, %dma_start3A_1, %dma_start3A_2, %dma_start3A_3] : memref<2x32x125x80xi32, #tpu.memory_space<hbm>> -> memref<1x32x125x80xi32, #tpu.memory_space<hbm>>
    %dma_start3A_5 = tpu.memref_squeeze %dma_start3A_4 : memref<1x32x125x80xi32, #tpu.memory_space<hbm>> -> memref<32x125x80xi32, #tpu.memory_space<hbm>>
    %dma_start3A_6 = arith.constant 0 : i32
    %dma_start3A_7 = arith.constant 0 : i32
    %dma_start3A_8 = tpu.memref_slice %dma_start3A_5[%add3A, %dma_start3A_6, %dma_start3A_7] : memref<32x125x80xi32, #tpu.memory_space<hbm>> -> memref<1x125x80xi32, #tpu.memory_space<hbm>>
    %dma_start3A_9 = tpu.memref_squeeze %dma_start3A_8 : memref<1x125x80xi32, #tpu.memory_space<hbm>> -> memref<125x80xi32, #tpu.memory_space<hbm>>
    %dma_start3A_10 = arith.constant 0 : i32
    %dma_start3A_11 = arith.constant 0 : i32
    %dma_start3A_12 = arith.constant 0 : i32
    %dma_start3A_13 = tpu.memref_slice %arg3[%dma_start3A, %dma_start3A_10, %dma_start3A_11, %dma_start3A_12] : memref<2x32x125x80xi32, #tpu.memory_space<hbm>> -> memref<1x32x125x80xi32, #tpu.memory_space<hbm>>
    %dma_start3A_14 = tpu.memref_squeeze %dma_start3A_13 : memref<1x32x125x80xi32, #tpu.memory_space<hbm>> -> memref<32x125x80xi32, #tpu.memory_space<hbm>>
    %dma_start3A_15 = arith.constant 0 : i32
    %dma_start3A_16 = arith.constant 0 : i32
    %dma_start3A_17 = tpu.memref_slice %dma_start3A_14[%add3A, %dma_start3A_15, %dma_start3A_16] : memref<32x125x80xi32, #tpu.memory_space<hbm>> -> memref<1x125x80xi32, #tpu.memory_space<hbm>>
    %dma_start3A_18 = tpu.memref_squeeze %dma_start3A_17 : memref<1x125x80xi32, #tpu.memory_space<hbm>> -> memref<125x80xi32, #tpu.memory_space<hbm>>
    tpu.enqueue_dma source(%dma_start3A_18 : memref<125x80xi32, #tpu.memory_space<hbm>>) target(%arg5 : memref<125x80xi32, #tpu.memory_space<vmem>>) target_semaphore(%arg12 : memref<!tpu.dma_semaphore, #tpu.memory_space<semaphore_mem>>)
    %dma_start3A_19 = arith.constant 1 : i32
    %dma_start3A_20 = arith.constant 0 : i32
    %dma_start3A_21 = arith.constant 0 : i32
    %dma_start3A_22 = arith.constant 0 : i32
    %dma_start3A_23 = tpu.memref_slice %arg3[%dma_start3A_19, %dma_start3A_20, %dma_start3A_21, %dma_start3A_22] : memref<2x32x125x80xi32, #tpu.memory_space<hbm>> -> memref<1x32x125x80xi32, #tpu.memory_space<hbm>>
    %dma_start3A_24 = tpu.memref_squeeze %dma_start3A_23 : memref<1x32x125x80xi32, #tpu.memory_space<hbm>> -> memref<32x125x80xi32, #tpu.memory_space<hbm>>
    %dma_start3A_25 = arith.constant 0 : i32
    %dma_start3A_26 = arith.constant 0 : i32
    %dma_start3A_27 = tpu.memref_slice %dma_start3A_24[%add3A, %dma_start3A_25, %dma_start3A_26] : memref<32x125x80xi32, #tpu.memory_space<hbm>> -> memref<1x125x80xi32, #tpu.memory_space<hbm>>
    %dma_start3A_28 = tpu.memref_squeeze %dma_start3A_27 : memref<1x125x80xi32, #tpu.memory_space<hbm>> -> memref<125x80xi32, #tpu.memory_space<hbm>>
    %dma_start3A_29 = arith.constant 0 : i32
    %dma_start3A_30 = arith.constant 0 : i32
    %dma_start3A_31 = arith.constant 0 : i32
    %dma_start3A_32 = tpu.memref_slice %arg3[%dma_start3A_19, %dma_start3A_29, %dma_start3A_30, %dma_start3A_31] : memref<2x32x125x80xi32, #tpu.memory_space<hbm>> -> memref<1x32x125x80xi32, #tpu.memory_space<hbm>>
    %dma_start3A_33 = tpu.memref_squeeze %dma_start3A_32 : memref<1x32x125x80xi32, #tpu.memory_space<hbm>> -> memref<32x125x80xi32, #tpu.memory_space<hbm>>
    %dma_start3A_34 = arith.constant 0 : i32
    %dma_start3A_35 = arith.constant 0 : i32
    %dma_start3A_36 = tpu.memref_slice %dma_start3A_33[%add3A, %dma_start3A_34, %dma_start3A_35] : memref<32x125x80xi32, #tpu.memory_space<hbm>> -> memref<1x125x80xi32, #tpu.memory_space<hbm>>
    %dma_start3A_37 = tpu.memref_squeeze %dma_start3A_36 : memref<1x125x80xi32, #tpu.memory_space<hbm>> -> memref<125x80xi32, #tpu.memory_space<hbm>>
    tpu.enqueue_dma source(%dma_start3A_37 : memref<125x80xi32, #tpu.memory_space<hbm>>) target(%arg6 : memref<125x80xi32, #tpu.memory_space<vmem>>) target_semaphore(%arg12 : memref<!tpu.dma_semaphore, #tpu.memory_space<semaphore_mem>>)
    %scan3A = arith.constant 0 : i32
    %scan3A_38 = arith.constant 0 : i32
    %scan3A_39 = arith.constant 640 : i32
    %scan3A_40 = arith.addi %scan3A_38, %scan3A_39 : i32
    %scan3A_41 = arith.constant 1 : i32
    %scan3A_42 = scf.for %scan3A_453 = %scan3A_38 to %scan3A_40 step %scan3A_41 iter_args(%scan3A_454 = %scan3A) -> (i32)  : i32 {
      %broadcast_in_dim3A = arith.constant 0.000000e+00 : f32
      %broadcast_in_dim3A_455 = vector.broadcast %broadcast_in_dim3A : f32 to vector<16xf32>
      %swap3A = arith.index_cast %scan3A_453 : i32 to index
      %swap3A_456 = arith.constant 0 : index
      %swap3A_457 = tpu.vector_load %arg8[%swap3A, %swap3A_456] {strides = array<i32>} : memref<640x16xf32, #tpu.memory_space<vmem>>, vector<1x16xf32>,
      %swap3A_458 = vector.shape_cast %swap3A_457 : vector<1x16xf32> to vector<16xf32>
      %swap3A_459 = vector.shape_cast %broadcast_in_dim3A_455 : vector<16xf32> to vector<1x16xf32>
      tpu.vector_store %arg8[%swap3A, %swap3A_456], %swap3A_459 {strides = array<i32>} : memref<640x16xf32, #tpu.memory_space<vmem>>, vector<1x16xf32>,
      %scan3A_460 = arith.constant 0 : i32
      scf.yield %scan3A_460 : i32
    }
    %scan3A_43 = arith.constant 640 : i32
    %dma_wait3A = arith.constant 0 : i32
    %dma_wait3A_44 = arith.constant 0 : i32
    %dma_wait3A_45 = arith.constant 0 : i32
    %dma_wait3A_46 = arith.constant 0 : i32
    %dma_wait3A_47 = tpu.memref_slice %arg3[%dma_wait3A, %dma_wait3A_44, %dma_wait3A_45, %dma_wait3A_46] : memref<2x32x125x80xi32, #tpu.memory_space<hbm>> -> memref<1x32x125x80xi32, #tpu.memory_space<hbm>>
    %dma_wait3A_48 = tpu.memref_squeeze %dma_wait3A_47 : memref<1x32x125x80xi32, #tpu.memory_space<hbm>> -> memref<32x125x80xi32, #tpu.memory_space<hbm>>
    %dma_wait3A_49 = arith.constant 0 : i32
    %dma_wait3A_50 = arith.constant 0 : i32
    %dma_wait3A_51 = tpu.memref_slice %dma_wait3A_48[%add3A, %dma_wait3A_49, %dma_wait3A_50] : memref<32x125x80xi32, #tpu.memory_space<hbm>> -> memref<1x125x80xi32, #tpu.memory_space<hbm>>
    %dma_wait3A_52 = tpu.memref_squeeze %dma_wait3A_51 : memref<1x125x80xi32, #tpu.memory_space<hbm>> -> memref<125x80xi32, #tpu.memory_space<hbm>>
    %dma_wait3A_53 = arith.constant 0 : i32
    %dma_wait3A_54 = arith.constant 0 : i32
    %dma_wait3A_55 = arith.constant 0 : i32
    %dma_wait3A_56 = tpu.memref_slice %arg3[%dma_wait3A, %dma_wait3A_53, %dma_wait3A_54, %dma_wait3A_55] : memref<2x32x125x80xi32, #tpu.memory_space<hbm>> -> memref<1x32x125x80xi32, #tpu.memory_space<hbm>>
    %dma_wait3A_57 = tpu.memref_squeeze %dma_wait3A_56 : memref<1x32x125x80xi32, #tpu.memory_space<hbm>> -> memref<32x125x80xi32, #tpu.memory_space<hbm>>
    %dma_wait3A_58 = arith.constant 0 : i32
    %dma_wait3A_59 = arith.constant 0 : i32
    %dma_wait3A_60 = tpu.memref_slice %dma_wait3A_57[%add3A, %dma_wait3A_58, %dma_wait3A_59] : memref<32x125x80xi32, #tpu.memory_space<hbm>> -> memref<1x125x80xi32, #tpu.memory_space<hbm>>
    %dma_wait3A_61 = tpu.memref_squeeze %dma_wait3A_60 : memref<1x125x80xi32, #tpu.memory_space<hbm>> -> memref<125x80xi32, #tpu.memory_space<hbm>>
    tpu.wait_dma2 semaphore(%arg12 : memref<!tpu.dma_semaphore, #tpu.memory_space<semaphore_mem>>) src(%dma_wait3A_61 : memref<125x80xi32, #tpu.memory_space<hbm>>) dst(%arg5 : memref<125x80xi32, #tpu.memory_space<vmem>>)
    %dma_wait3A_62 = arith.constant 1 : i32
    %dma_wait3A_63 = arith.constant 0 : i32
    %dma_wait3A_64 = arith.constant 0 : i32
    %dma_wait3A_65 = arith.constant 0 : i32
    %dma_wait3A_66 = tpu.memref_slice %arg3[%dma_wait3A_62, %dma_wait3A_63, %dma_wait3A_64, %dma_wait3A_65] : memref<2x32x125x80xi32, #tpu.memory_space<hbm>> -> memref<1x32x125x80xi32, #tpu.memory_space<hbm>>
    %dma_wait3A_67 = tpu.memref_squeeze %dma_wait3A_66 : memref<1x32x125x80xi32, #tpu.memory_space<hbm>> -> memref<32x125x80xi32, #tpu.memory_space<hbm>>
    %dma_wait3A_68 = arith.constant 0 : i32
    %dma_wait3A_69 = arith.constant 0 : i32
    %dma_wait3A_70 = tpu.memref_slice %dma_wait3A_67[%add3A, %dma_wait3A_68, %dma_wait3A_69] : memref<32x125x80xi32, #tpu.memory_space<hbm>> -> memref<1x125x80xi32, #tpu.memory_space<hbm>>
    %dma_wait3A_71 = tpu.memref_squeeze %dma_wait3A_70 : memref<1x125x80xi32, #tpu.memory_space<hbm>> -> memref<125x80xi32, #tpu.memory_space<hbm>>
    %dma_wait3A_72 = arith.constant 0 : i32
    %dma_wait3A_73 = arith.constant 0 : i32
    %dma_wait3A_74 = arith.constant 0 : i32
    %dma_wait3A_75 = tpu.memref_slice %arg3[%dma_wait3A_62, %dma_wait3A_72, %dma_wait3A_73, %dma_wait3A_74] : memref<2x32x125x80xi32, #tpu.memory_space<hbm>> -> memref<1x32x125x80xi32, #tpu.memory_space<hbm>>
    %dma_wait3A_76 = tpu.memref_squeeze %dma_wait3A_75 : memref<1x32x125x80xi32, #tpu.memory_space<hbm>> -> memref<32x125x80xi32, #tpu.memory_space<hbm>>
    %dma_wait3A_77 = arith.constant 0 : i32
    %dma_wait3A_78 = arith.constant 0 : i32
    %dma_wait3A_79 = tpu.memref_slice %dma_wait3A_76[%add3A, %dma_wait3A_77, %dma_wait3A_78] : memref<32x125x80xi32, #tpu.memory_space<hbm>> -> memref<1x125x80xi32, #tpu.memory_space<hbm>>
    %dma_wait3A_80 = tpu.memref_squeeze %dma_wait3A_79 : memref<1x125x80xi32, #tpu.memory_space<hbm>> -> memref<125x80xi32, #tpu.memory_space<hbm>>
    tpu.wait_dma2 semaphore(%arg12 : memref<!tpu.dma_semaphore, #tpu.memory_space<semaphore_mem>>) src(%dma_wait3A_80 : memref<125x80xi32, #tpu.memory_space<hbm>>) dst(%arg6 : memref<125x80xi32, #tpu.memory_space<vmem>>)
    %mul3A_81 = arith.constant 640 : i32
    %mul3A_82 = arith.muli %arg1, %mul3A_81 : i32
    %dma_start3A_83 = arith.constant 0 : i32
    %dma_start3A_84 = tpu.memref_slice %arg9[%mul3A_82, %dma_start3A_83] : memref<10240x16xf32, #tpu.memory_space<vmem_shared>> -> memref<640x16xf32, #tpu.memory_space<vmem_shared>>
    %dma_start3A_85 = arith.constant 0 : i32
    %dma_start3A_86 = tpu.memref_slice %arg9[%mul3A_82, %dma_start3A_85] : memref<10240x16xf32, #tpu.memory_space<vmem_shared>> -> memref<640x16xf32, #tpu.memory_space<vmem_shared>>
    tpu.enqueue_dma source(%arg8 : memref<640x16xf32, #tpu.memory_space<vmem>>) target(%dma_start3A_86 : memref<640x16xf32, #tpu.memory_space<vmem_shared>>) target_semaphore(%arg12 : memref<!tpu.dma_semaphore, #tpu.memory_space<semaphore_mem>>)
    %dma_start3A_87 = arith.constant 0 : i32
    %dma_start3A_88 = arith.constant 0 : i32
    %dma_start3A_89 = arith.constant 0 : i32
    %dma_start3A_90 = arith.constant 0 : i32
    %dma_start3A_91 = arith.constant 0 : i32
    %dma_start3A_92 = tpu.memref_slice %arg7[%dma_start3A_88, %dma_start3A_90, %dma_start3A_91] : memref<12x80x16xf32, #tpu.memory_space<vmem>> -> memref<1x80x16xf32, #tpu.memory_space<vmem>>
    %dma_start3A_93 = tpu.memref_squeeze %dma_start3A_92 : memref<1x80x16xf32, #tpu.memory_space<vmem>> -> memref<80x16xf32, #tpu.memory_space<vmem>>
    %dma_start3A_94 = arith.constant 0 : i32
    %dma_start3A_95 = tpu.memref_slice %arg5[%dma_start3A_87, %dma_start3A_94] : memref<125x80xi32, #tpu.memory_space<vmem>> -> memref<1x80xi32, #tpu.memory_space<vmem>>
    %dma_start3A_96 = tpu.memref_squeeze %dma_start3A_95 : memref<1x80xi32, #tpu.memory_space<vmem>> -> memref<80xi32, #tpu.memory_space<vmem>>
    %dma_start3A_97 = arith.constant 0 : i32
    %dma_start3A_98 = arith.constant 0 : i32
    %dma_start3A_99 = tpu.memref_slice %arg2[%dma_start3A_97, %dma_start3A_98] : memref<10000x16xf32, #tpu.memory_space<hbm>> -> memref<10000x16xf32, #tpu.memory_space<hbm>>
    %dma_start3A_100 = tpu.memref_slice %arg10[%dma_start3A_89] : memref<12x!tpu.dma_semaphore, #tpu.memory_space<semaphore_mem>> -> memref<1x!tpu.dma_semaphore, #tpu.memory_space<semaphore_mem>>
    %dma_start3A_101 = tpu.memref_squeeze %dma_start3A_100 : memref<1x!tpu.dma_semaphore, #tpu.memory_space<semaphore_mem>> -> memref<!tpu.dma_semaphore, #tpu.memory_space<semaphore_mem>>
    tpu.enqueue_indirect_dma source(%dma_start3A_99 : memref<10000x16xf32, #tpu.memory_space<hbm>>) target(%dma_start3A_93 : memref<80x16xf32, #tpu.memory_space<vmem>>) offsets(%dma_start3A_96 : memref<80xi32, #tpu.memory_space<vmem>>) semaphore(%dma_start3A_101 : memref<!tpu.dma_semaphore, #tpu.memory_space<semaphore_mem>>)
    %dma_start3A_102 = arith.constant 1 : i32
    %dma_start3A_103 = arith.constant 1 : i32
    %dma_start3A_104 = arith.constant 1 : i32
    %dma_start3A_105 = arith.constant 0 : i32
    %dma_start3A_106 = arith.constant 0 : i32
    %dma_start3A_107 = tpu.memref_slice %arg7[%dma_start3A_103, %dma_start3A_105, %dma_start3A_106] : memref<12x80x16xf32, #tpu.memory_space<vmem>> -> memref<1x80x16xf32, #tpu.memory_space<vmem>>
    %dma_start3A_108 = tpu.memref_squeeze %dma_start3A_107 : memref<1x80x16xf32, #tpu.memory_space<vmem>> -> memref<80x16xf32, #tpu.memory_space<vmem>>
    %dma_start3A_109 = arith.constant 0 : i32
    %dma_start3A_110 = tpu.memref_slice %arg5[%dma_start3A_102, %dma_start3A_109] : memref<125x80xi32, #tpu.memory_space<vmem>> -> memref<1x80xi32, #tpu.memory_space<vmem>>
    %dma_start3A_111 = tpu.memref_squeeze %dma_start3A_110 : memref<1x80xi32, #tpu.memory_space<vmem>> -> memref<80xi32, #tpu.memory_space<vmem>>
    %dma_start3A_112 = arith.constant 0 : i32
    %dma_start3A_113 = arith.constant 0 : i32
    %dma_start3A_114 = tpu.memref_slice %arg2[%dma_start3A_112, %dma_start3A_113] : memref<10000x16xf32, #tpu.memory_space<hbm>> -> memref<10000x16xf32, #tpu.memory_space<hbm>>
    %dma_start3A_115 = tpu.memref_slice %arg10[%dma_start3A_104] : memref<12x!tpu.dma_semaphore, #tpu.memory_space<semaphore_mem>> -> memref<1x!tpu.dma_semaphore, #tpu.memory_space<semaphore_mem>>
    %dma_start3A_116 = tpu.memref_squeeze %dma_start3A_115 : memref<1x!tpu.dma_semaphore, #tpu.memory_space<semaphore_mem>> -> memref<!tpu.dma_semaphore, #tpu.memory_space<semaphore_mem>>
    tpu.enqueue_indirect_dma source(%dma_start3A_114 : memref<10000x16xf32, #tpu.memory_space<hbm>>) target(%dma_start3A_108 : memref<80x16xf32, #tpu.memory_space<vmem>>) offsets(%dma_start3A_111 : memref<80xi32, #tpu.memory_space<vmem>>) semaphore(%dma_start3A_116 : memref<!tpu.dma_semaphore, #tpu.memory_space<semaphore_mem>>)
    %dma_start3A_117 = arith.constant 2 : i32
    %dma_start3A_118 = arith.constant 2 : i32
    %dma_start3A_119 = arith.constant 2 : i32
    %dma_start3A_120 = arith.constant 0 : i32
    %dma_start3A_121 = arith.constant 0 : i32
    %dma_start3A_122 = tpu.memref_slice %arg7[%dma_start3A_118, %dma_start3A_120, %dma_start3A_121] : memref<12x80x16xf32, #tpu.memory_space<vmem>> -> memref<1x80x16xf32, #tpu.memory_space<vmem>>
    %dma_start3A_123 = tpu.memref_squeeze %dma_start3A_122 : memref<1x80x16xf32, #tpu.memory_space<vmem>> -> memref<80x16xf32, #tpu.memory_space<vmem>>
    %dma_start3A_124 = arith.constant 0 : i32
    %dma_start3A_125 = tpu.memref_slice %arg5[%dma_start3A_117, %dma_start3A_124] : memref<125x80xi32, #tpu.memory_space<vmem>> -> memref<1x80xi32, #tpu.memory_space<vmem>>
    %dma_start3A_126 = tpu.memref_squeeze %dma_start3A_125 : memref<1x80xi32, #tpu.memory_space<vmem>> -> memref<80xi32, #tpu.memory_space<vmem>>
    %dma_start3A_127 = arith.constant 0 : i32
    %dma_start3A_128 = arith.constant 0 : i32
    %dma_start3A_129 = tpu.memref_slice %arg2[%dma_start3A_127, %dma_start3A_128] : memref<10000x16xf32, #tpu.memory_space<hbm>> -> memref<10000x16xf32, #tpu.memory_space<hbm>>
    %dma_start3A_130 = tpu.memref_slice %arg10[%dma_start3A_119] : memref<12x!tpu.dma_semaphore, #tpu.memory_space<semaphore_mem>> -> memref<1x!tpu.dma_semaphore, #tpu.memory_space<semaphore_mem>>
    %dma_start3A_131 = tpu.memref_squeeze %dma_start3A_130 : memref<1x!tpu.dma_semaphore, #tpu.memory_space<semaphore_mem>> -> memref<!tpu.dma_semaphore, #tpu.memory_space<semaphore_mem>>
    tpu.enqueue_indirect_dma source(%dma_start3A_129 : memref<10000x16xf32, #tpu.memory_space<hbm>>) target(%dma_start3A_123 : memref<80x16xf32, #tpu.memory_space<vmem>>) offsets(%dma_start3A_126 : memref<80xi32, #tpu.memory_space<vmem>>) semaphore(%dma_start3A_131 : memref<!tpu.dma_semaphore, #tpu.memory_space<semaphore_mem>>)
    %dma_start3A_132 = arith.constant 3 : i32
    %dma_start3A_133 = arith.constant 3 : i32
    %dma_start3A_134 = arith.constant 3 : i32
    %dma_start3A_135 = arith.constant 0 : i32
    %dma_start3A_136 = arith.constant 0 : i32
    %dma_start3A_137 = tpu.memref_slice %arg7[%dma_start3A_133, %dma_start3A_135, %dma_start3A_136] : memref<12x80x16xf32, #tpu.memory_space<vmem>> -> memref<1x80x16xf32, #tpu.memory_space<vmem>>
    %dma_start3A_138 = tpu.memref_squeeze %dma_start3A_137 : memref<1x80x16xf32, #tpu.memory_space<vmem>> -> memref<80x16xf32, #tpu.memory_space<vmem>>
    %dma_start3A_139 = arith.constant 0 : i32
    %dma_start3A_140 = tpu.memref_slice %arg5[%dma_start3A_132, %dma_start3A_139] : memref<125x80xi32, #tpu.memory_space<vmem>> -> memref<1x80xi32, #tpu.memory_space<vmem>>
    %dma_start3A_141 = tpu.memref_squeeze %dma_start3A_140 : memref<1x80xi32, #tpu.memory_space<vmem>> -> memref<80xi32, #tpu.memory_space<vmem>>
    %dma_start3A_142 = arith.constant 0 : i32
    %dma_start3A_143 = arith.constant 0 : i32
    %dma_start3A_144 = tpu.memref_slice %arg2[%dma_start3A_142, %dma_start3A_143] : memref<10000x16xf32, #tpu.memory_space<hbm>> -> memref<10000x16xf32, #tpu.memory_space<hbm>>
    %dma_start3A_145 = tpu.memref_slice %arg10[%dma_start3A_134] : memref<12x!tpu.dma_semaphore, #tpu.memory_space<semaphore_mem>> -> memref<1x!tpu.dma_semaphore, #tpu.memory_space<semaphore_mem>>
    %dma_start3A_146 = tpu.memref_squeeze %dma_start3A_145 : memref<1x!tpu.dma_semaphore, #tpu.memory_space<semaphore_mem>> -> memref<!tpu.dma_semaphore, #tpu.memory_space<semaphore_mem>>
    tpu.enqueue_indirect_dma source(%dma_start3A_144 : memref<10000x16xf32, #tpu.memory_space<hbm>>) target(%dma_start3A_138 : memref<80x16xf32, #tpu.memory_space<vmem>>) offsets(%dma_start3A_141 : memref<80xi32, #tpu.memory_space<vmem>>) semaphore(%dma_start3A_146 : memref<!tpu.dma_semaphore, #tpu.memory_space<semaphore_mem>>)
    %dma_start3A_147 = arith.constant 4 : i32
    %dma_start3A_148 = arith.constant 4 : i32
    %dma_start3A_149 = arith.constant 4 : i32
    %dma_start3A_150 = arith.constant 0 : i32
    %dma_start3A_151 = arith.constant 0 : i32
    %dma_start3A_152 = tpu.memref_slice %arg7[%dma_start3A_148, %dma_start3A_150, %dma_start3A_151] : memref<12x80x16xf32, #tpu.memory_space<vmem>> -> memref<1x80x16xf32, #tpu.memory_space<vmem>>
    %dma_start3A_153 = tpu.memref_squeeze %dma_start3A_152 : memref<1x80x16xf32, #tpu.memory_space<vmem>> -> memref<80x16xf32, #tpu.memory_space<vmem>>
    %dma_start3A_154 = arith.constant 0 : i32
    %dma_start3A_155 = tpu.memref_slice %arg5[%dma_start3A_147, %dma_start3A_154] : memref<125x80xi32, #tpu.memory_space<vmem>> -> memref<1x80xi32, #tpu.memory_space<vmem>>
    %dma_start3A_156 = tpu.memref_squeeze %dma_start3A_155 : memref<1x80xi32, #tpu.memory_space<vmem>> -> memref<80xi32, #tpu.memory_space<vmem>>
    %dma_start3A_157 = arith.constant 0 : i32
    %dma_start3A_158 = arith.constant 0 : i32
    %dma_start3A_159 = tpu.memref_slice %arg2[%dma_start3A_157, %dma_start3A_158] : memref<10000x16xf32, #tpu.memory_space<hbm>> -> memref<10000x16xf32, #tpu.memory_space<hbm>>
    %dma_start3A_160 = tpu.memref_slice %arg10[%dma_start3A_149] : memref<12x!tpu.dma_semaphore, #tpu.memory_space<semaphore_mem>> -> memref<1x!tpu.dma_semaphore, #tpu.memory_space<semaphore_mem>>
    %dma_start3A_161 = tpu.memref_squeeze %dma_start3A_160 : memref<1x!tpu.dma_semaphore, #tpu.memory_space<semaphore_mem>> -> memref<!tpu.dma_semaphore, #tpu.memory_space<semaphore_mem>>
    tpu.enqueue_indirect_dma source(%dma_start3A_159 : memref<10000x16xf32, #tpu.memory_space<hbm>>) target(%dma_start3A_153 : memref<80x16xf32, #tpu.memory_space<vmem>>) offsets(%dma_start3A_156 : memref<80xi32, #tpu.memory_space<vmem>>) semaphore(%dma_start3A_161 : memref<!tpu.dma_semaphore, #tpu.memory_space<semaphore_mem>>)
    %dma_start3A_162 = arith.constant 5 : i32
    %dma_start3A_163 = arith.constant 5 : i32
    %dma_start3A_164 = arith.constant 5 : i32
    %dma_start3A_165 = arith.constant 0 : i32
    %dma_start3A_166 = arith.constant 0 : i32
    %dma_start3A_167 = tpu.memref_slice %arg7[%dma_start3A_163, %dma_start3A_165, %dma_start3A_166] : memref<12x80x16xf32, #tpu.memory_space<vmem>> -> memref<1x80x16xf32, #tpu.memory_space<vmem>>
    %dma_start3A_168 = tpu.memref_squeeze %dma_start3A_167 : memref<1x80x16xf32, #tpu.memory_space<vmem>> -> memref<80x16xf32, #tpu.memory_space<vmem>>
    %dma_start3A_169 = arith.constant 0 : i32
    %dma_start3A_170 = tpu.memref_slice %arg5[%dma_start3A_162, %dma_start3A_169] : memref<125x80xi32, #tpu.memory_space<vmem>> -> memref<1x80xi32, #tpu.memory_space<vmem>>
    %dma_start3A_171 = tpu.memref_squeeze %dma_start3A_170 : memref<1x80xi32, #tpu.memory_space<vmem>> -> memref<80xi32, #tpu.memory_space<vmem>>
    %dma_start3A_172 = arith.constant 0 : i32
    %dma_start3A_173 = arith.constant 0 : i32
    %dma_start3A_174 = tpu.memref_slice %arg2[%dma_start3A_172, %dma_start3A_173] : memref<10000x16xf32, #tpu.memory_space<hbm>> -> memref<10000x16xf32, #tpu.memory_space<hbm>>
    %dma_start3A_175 = tpu.memref_slice %arg10[%dma_start3A_164] : memref<12x!tpu.dma_semaphore, #tpu.memory_space<semaphore_mem>> -> memref<1x!tpu.dma_semaphore, #tpu.memory_space<semaphore_mem>>
    %dma_start3A_176 = tpu.memref_squeeze %dma_start3A_175 : memref<1x!tpu.dma_semaphore, #tpu.memory_space<semaphore_mem>> -> memref<!tpu.dma_semaphore, #tpu.memory_space<semaphore_mem>>
    tpu.enqueue_indirect_dma source(%dma_start3A_174 : memref<10000x16xf32, #tpu.memory_space<hbm>>) target(%dma_start3A_168 : memref<80x16xf32, #tpu.memory_space<vmem>>) offsets(%dma_start3A_171 : memref<80xi32, #tpu.memory_space<vmem>>) semaphore(%dma_start3A_176 : memref<!tpu.dma_semaphore, #tpu.memory_space<semaphore_mem>>)
    %dma_start3A_177 = arith.constant 6 : i32
    %dma_start3A_178 = arith.constant 6 : i32
    %dma_start3A_179 = arith.constant 6 : i32
    %dma_start3A_180 = arith.constant 0 : i32
    %dma_start3A_181 = arith.constant 0 : i32
    %dma_start3A_182 = tpu.memref_slice %arg7[%dma_start3A_178, %dma_start3A_180, %dma_start3A_181] : memref<12x80x16xf32, #tpu.memory_space<vmem>> -> memref<1x80x16xf32, #tpu.memory_space<vmem>>
    %dma_start3A_183 = tpu.memref_squeeze %dma_start3A_182 : memref<1x80x16xf32, #tpu.memory_space<vmem>> -> memref<80x16xf32, #tpu.memory_space<vmem>>
    %dma_start3A_184 = arith.constant 0 : i32
    %dma_start3A_185 = tpu.memref_slice %arg5[%dma_start3A_177, %dma_start3A_184] : memref<125x80xi32, #tpu.memory_space<vmem>> -> memref<1x80xi32, #tpu.memory_space<vmem>>
    %dma_start3A_186 = tpu.memref_squeeze %dma_start3A_185 : memref<1x80xi32, #tpu.memory_space<vmem>> -> memref<80xi32, #tpu.memory_space<vmem>>
    %dma_start3A_187 = arith.constant 0 : i32
    %dma_start3A_188 = arith.constant 0 : i32
    %dma_start3A_189 = tpu.memref_slice %arg2[%dma_start3A_187, %dma_start3A_188] : memref<10000x16xf32, #tpu.memory_space<hbm>> -> memref<10000x16xf32, #tpu.memory_space<hbm>>
    %dma_start3A_190 = tpu.memref_slice %arg10[%dma_start3A_179] : memref<12x!tpu.dma_semaphore, #tpu.memory_space<semaphore_mem>> -> memref<1x!tpu.dma_semaphore, #tpu.memory_space<semaphore_mem>>
    %dma_start3A_191 = tpu.memref_squeeze %dma_start3A_190 : memref<1x!tpu.dma_semaphore, #tpu.memory_space<semaphore_mem>> -> memref<!tpu.dma_semaphore, #tpu.memory_space<semaphore_mem>>
    tpu.enqueue_indirect_dma source(%dma_start3A_189 : memref<10000x16xf32, #tpu.memory_space<hbm>>) target(%dma_start3A_183 : memref<80x16xf32, #tpu.memory_space<vmem>>) offsets(%dma_start3A_186 : memref<80xi32, #tpu.memory_space<vmem>>) semaphore(%dma_start3A_191 : memref<!tpu.dma_semaphore, #tpu.memory_space<semaphore_mem>>)
    %dma_start3A_192 = arith.constant 7 : i32
    %dma_start3A_193 = arith.constant 7 : i32
    %dma_start3A_194 = arith.constant 7 : i32
    %dma_start3A_195 = arith.constant 0 : i32
    %dma_start3A_196 = arith.constant 0 : i32
    %dma_start3A_197 = tpu.memref_slice %arg7[%dma_start3A_193, %dma_start3A_195, %dma_start3A_196] : memref<12x80x16xf32, #tpu.memory_space<vmem>> -> memref<1x80x16xf32, #tpu.memory_space<vmem>>
    %dma_start3A_198 = tpu.memref_squeeze %dma_start3A_197 : memref<1x80x16xf32, #tpu.memory_space<vmem>> -> memref<80x16xf32, #tpu.memory_space<vmem>>
    %dma_start3A_199 = arith.constant 0 : i32
    %dma_start3A_200 = tpu.memref_slice %arg5[%dma_start3A_192, %dma_start3A_199] : memref<125x80xi32, #tpu.memory_space<vmem>> -> memref<1x80xi32, #tpu.memory_space<vmem>>
    %dma_start3A_201 = tpu.memref_squeeze %dma_start3A_200 : memref<1x80xi32, #tpu.memory_space<vmem>> -> memref<80xi32, #tpu.memory_space<vmem>>
    %dma_start3A_202 = arith.constant 0 : i32
    %dma_start3A_203 = arith.constant 0 : i32
    %dma_start3A_204 = tpu.memref_slice %arg2[%dma_start3A_202, %dma_start3A_203] : memref<10000x16xf32, #tpu.memory_space<hbm>> -> memref<10000x16xf32, #tpu.memory_space<hbm>>
    %dma_start3A_205 = tpu.memref_slice %arg10[%dma_start3A_194] : memref<12x!tpu.dma_semaphore, #tpu.memory_space<semaphore_mem>> -> memref<1x!tpu.dma_semaphore, #tpu.memory_space<semaphore_mem>>
    %dma_start3A_206 = tpu.memref_squeeze %dma_start3A_205 : memref<1x!tpu.dma_semaphore, #tpu.memory_space<semaphore_mem>> -> memref<!tpu.dma_semaphore, #tpu.memory_space<semaphore_mem>>
    tpu.enqueue_indirect_dma source(%dma_start3A_204 : memref<10000x16xf32, #tpu.memory_space<hbm>>) target(%dma_start3A_198 : memref<80x16xf32, #tpu.memory_space<vmem>>) offsets(%dma_start3A_201 : memref<80xi32, #tpu.memory_space<vmem>>) semaphore(%dma_start3A_206 : memref<!tpu.dma_semaphore, #tpu.memory_space<semaphore_mem>>)
    %dma_wait3A_207 = arith.constant 0 : i32
    %dma_wait3A_208 = tpu.memref_slice %arg9[%mul3A_82, %dma_wait3A_207] : memref<10240x16xf32, #tpu.memory_space<vmem_shared>> -> memref<640x16xf32, #tpu.memory_space<vmem_shared>>
    %dma_wait3A_209 = arith.constant 0 : i32
    %dma_wait3A_210 = tpu.memref_slice %arg9[%mul3A_82, %dma_wait3A_209] : memref<10240x16xf32, #tpu.memory_space<vmem_shared>> -> memref<640x16xf32, #tpu.memory_space<vmem_shared>>
    tpu.wait_dma2 semaphore(%arg12 : memref<!tpu.dma_semaphore, #tpu.memory_space<semaphore_mem>>) src(%arg8 : memref<640x16xf32, #tpu.memory_space<vmem>>) dst(%dma_wait3A_210 : memref<640x16xf32, #tpu.memory_space<vmem_shared>>)
    %barrier3A = arith.constant 0 : index
    tpu.barrier barrier_id(%barrier3A)
    %scan3A_211 = arith.constant 0 : i32
    %scan3A_212 = arith.constant 0 : i32
    %scan3A_213 = arith.constant 4 : i32
    %scan3A_214 = arith.addi %scan3A_212, %scan3A_213 : i32
    %scan3A_215 = arith.constant 1 : i32
    %scan3A_216 = scf.for %scan3A_453 = %scan3A_212 to %scan3A_214 step %scan3A_215 iter_args(%scan3A_454 = %scan3A_211) -> (i32)  : i32 {
      %rem3A = arith.constant 12 : i32
      %rem3A_455 = arith.remsi %scan3A_453, %rem3A : i32
      %dma_wait3A_456 = arith.constant 0 : i32
      %dma_wait3A_457 = arith.constant 0 : i32
      %dma_wait3A_458 = tpu.memref_slice %arg7[%rem3A_455, %dma_wait3A_456, %dma_wait3A_457] : memref<12x80x16xf32, #tpu.memory_space<vmem>> -> memref<1x80x16xf32, #tpu.memory_space<vmem>>
      %dma_wait3A_459 = tpu.memref_squeeze %dma_wait3A_458 : memref<1x80x16xf32, #tpu.memory_space<vmem>> -> memref<80x16xf32, #tpu.memory_space<vmem>>
      %dma_wait3A_460 = arith.constant 0 : i32
      %dma_wait3A_461 = arith.constant 0 : i32
      %dma_wait3A_462 = tpu.memref_slice %arg2[%dma_wait3A_460, %dma_wait3A_461] : memref<10000x16xf32, #tpu.memory_space<hbm>> -> memref<80x16xf32, #tpu.memory_space<hbm>>
      %dma_wait3A_463 = tpu.memref_slice %arg10[%rem3A_455] : memref<12x!tpu.dma_semaphore, #tpu.memory_space<semaphore_mem>> -> memref<1x!tpu.dma_semaphore, #tpu.memory_space<semaphore_mem>>
      %dma_wait3A_464 = tpu.memref_squeeze %dma_wait3A_463 : memref<1x!tpu.dma_semaphore, #tpu.memory_space<semaphore_mem>> -> memref<!tpu.dma_semaphore, #tpu.memory_space<semaphore_mem>>
      %dma_wait3A_465 = arith.constant 0 : i32
      %dma_wait3A_466 = arith.constant 0 : i32
      %dma_wait3A_467 = tpu.memref_slice %arg7[%rem3A_455, %dma_wait3A_465, %dma_wait3A_466] : memref<12x80x16xf32, #tpu.memory_space<vmem>> -> memref<1x80x16xf32, #tpu.memory_space<vmem>>
      %dma_wait3A_468 = tpu.memref_squeeze %dma_wait3A_467 : memref<1x80x16xf32, #tpu.memory_space<vmem>> -> memref<80x16xf32, #tpu.memory_space<vmem>>
      %dma_wait3A_469 = arith.constant 0 : i32
      %dma_wait3A_470 = arith.constant 0 : i32
      %dma_wait3A_471 = tpu.memref_slice %arg2[%dma_wait3A_469, %dma_wait3A_470] : memref<10000x16xf32, #tpu.memory_space<hbm>> -> memref<80x16xf32, #tpu.memory_space<hbm>>
      tpu.wait_dma2 semaphore(%dma_wait3A_464 : memref<!tpu.dma_semaphore, #tpu.memory_space<semaphore_mem>>) src(%dma_wait3A_471 : memref<80x16xf32, #tpu.memory_space<hbm>>) dst(%dma_wait3A_468 : memref<80x16xf32, #tpu.memory_space<vmem>>)
      %dma_start3A_472 = arith.constant 0 : i32
      %dma_start3A_473 = arith.constant 0 : i32
      %dma_start3A_474 = tpu.memref_slice %arg7[%rem3A_455, %dma_start3A_472, %dma_start3A_473] : memref<12x80x16xf32, #tpu.memory_space<vmem>> -> memref<1x80x16xf32, #tpu.memory_space<vmem>>
      %dma_start3A_475 = tpu.memref_squeeze %dma_start3A_474 : memref<1x80x16xf32, #tpu.memory_space<vmem>> -> memref<80x16xf32, #tpu.memory_space<vmem>>
      %dma_start3A_476 = arith.constant 0 : i32
      %dma_start3A_477 = tpu.memref_slice %arg6[%scan3A_453, %dma_start3A_476] : memref<125x80xi32, #tpu.memory_space<vmem>> -> memref<1x80xi32, #tpu.memory_space<vmem>>
      %dma_start3A_478 = tpu.memref_squeeze %dma_start3A_477 : memref<1x80xi32, #tpu.memory_space<vmem>> -> memref<80xi32, #tpu.memory_space<vmem>>
      %dma_start3A_479 = arith.constant 0 : i32
      %dma_start3A_480 = arith.constant 0 : i32
      %dma_start3A_481 = tpu.memref_slice %arg9[%dma_start3A_479, %dma_start3A_480] : memref<10240x16xf32, #tpu.memory_space<vmem_shared>> -> memref<10240x16xf32, #tpu.memory_space<vmem_shared>>
      %dma_start3A_482 = tpu.memref_slice %arg11[%rem3A_455] : memref<12x!tpu.dma_semaphore, #tpu.memory_space<semaphore_mem>> -> memref<1x!tpu.dma_semaphore, #tpu.memory_space<semaphore_mem>>
      %dma_start3A_483 = tpu.memref_squeeze %dma_start3A_482 : memref<1x!tpu.dma_semaphore, #tpu.memory_space<semaphore_mem>> -> memref<!tpu.dma_semaphore, #tpu.memory_space<semaphore_mem>>
      tpu.enqueue_indirect_dma source(%dma_start3A_475 : memref<80x16xf32, #tpu.memory_space<vmem>>) target(%dma_start3A_481 : memref<10240x16xf32, #tpu.memory_space<vmem_shared>>) offsets(%dma_start3A_478 : memref<80xi32, #tpu.memory_space<vmem>>) semaphore(%dma_start3A_483 : memref<!tpu.dma_semaphore, #tpu.memory_space<semaphore_mem>>) {add = true}
      %add3A_484 = arith.constant 8 : i32
      %add3A_485 = arith.addi %scan3A_453, %add3A_484 : i32
      %rem3A_486 = arith.constant 12 : i32
      %rem3A_487 = arith.remsi %add3A_485, %rem3A_486 : i32
      %dma_start3A_488 = arith.constant 0 : i32
      %dma_start3A_489 = arith.constant 0 : i32
      %dma_start3A_490 = tpu.memref_slice %arg7[%rem3A_487, %dma_start3A_488, %dma_start3A_489] : memref<12x80x16xf32, #tpu.memory_space<vmem>> -> memref<1x80x16xf32, #tpu.memory_space<vmem>>
      %dma_start3A_491 = tpu.memref_squeeze %dma_start3A_490 : memref<1x80x16xf32, #tpu.memory_space<vmem>> -> memref<80x16xf32, #tpu.memory_space<vmem>>
      %dma_start3A_492 = arith.constant 0 : i32
      %dma_start3A_493 = tpu.memref_slice %arg5[%add3A_485, %dma_start3A_492] : memref<125x80xi32, #tpu.memory_space<vmem>> -> memref<1x80xi32, #tpu.memory_space<vmem>>
      %dma_start3A_494 = tpu.memref_squeeze %dma_start3A_493 : memref<1x80xi32, #tpu.memory_space<vmem>> -> memref<80xi32, #tpu.memory_space<vmem>>
      %dma_start3A_495 = arith.constant 0 : i32
      %dma_start3A_496 = arith.constant 0 : i32
      %dma_start3A_497 = tpu.memref_slice %arg2[%dma_start3A_495, %dma_start3A_496] : memref<10000x16xf32, #tpu.memory_space<hbm>> -> memref<10000x16xf32, #tpu.memory_space<hbm>>
      %dma_start3A_498 = tpu.memref_slice %arg10[%rem3A_487] : memref<12x!tpu.dma_semaphore, #tpu.memory_space<semaphore_mem>> -> memref<1x!tpu.dma_semaphore, #tpu.memory_space<semaphore_mem>>
      %dma_start3A_499 = tpu.memref_squeeze %dma_start3A_498 : memref<1x!tpu.dma_semaphore, #tpu.memory_space<semaphore_mem>> -> memref<!tpu.dma_semaphore, #tpu.memory_space<semaphore_mem>>
      tpu.enqueue_indirect_dma source(%dma_start3A_497 : memref<10000x16xf32, #tpu.memory_space<hbm>>) target(%dma_start3A_491 : memref<80x16xf32, #tpu.memory_space<vmem>>) offsets(%dma_start3A_494 : memref<80xi32, #tpu.memory_space<vmem>>) semaphore(%dma_start3A_499 : memref<!tpu.dma_semaphore, #tpu.memory_space<semaphore_mem>>)
      %scan3A_500 = arith.constant 0 : i32
      scf.yield %scan3A_500 : i32
    }
    %scan3A_217 = arith.constant 4 : i32
    %scan3A_218 = arith.constant 0 : i32
    %scan3A_219 = arith.constant 4 : i32
    %scan3A_220 = arith.constant 113 : i32
    %scan3A_221 = arith.addi %scan3A_219, %scan3A_220 : i32
    %scan3A_222 = arith.constant 1 : i32
    %scan3A_223 = scf.for %scan3A_453 = %scan3A_219 to %scan3A_221 step %scan3A_222 iter_args(%scan3A_454 = %scan3A_218) -> (i32)  : i32 {
      %rem3A = arith.constant 12 : i32
      %rem3A_455 = arith.remsi %scan3A_453, %rem3A : i32
      %dma_wait3A_456 = arith.constant 0 : i32
      %dma_wait3A_457 = arith.constant 0 : i32
      %dma_wait3A_458 = tpu.memref_slice %arg7[%rem3A_455, %dma_wait3A_456, %dma_wait3A_457] : memref<12x80x16xf32, #tpu.memory_space<vmem>> -> memref<1x80x16xf32, #tpu.memory_space<vmem>>
      %dma_wait3A_459 = tpu.memref_squeeze %dma_wait3A_458 : memref<1x80x16xf32, #tpu.memory_space<vmem>> -> memref<80x16xf32, #tpu.memory_space<vmem>>
      %dma_wait3A_460 = arith.constant 0 : i32
      %dma_wait3A_461 = arith.constant 0 : i32
      %dma_wait3A_462 = tpu.memref_slice %arg2[%dma_wait3A_460, %dma_wait3A_461] : memref<10000x16xf32, #tpu.memory_space<hbm>> -> memref<80x16xf32, #tpu.memory_space<hbm>>
      %dma_wait3A_463 = tpu.memref_slice %arg10[%rem3A_455] : memref<12x!tpu.dma_semaphore, #tpu.memory_space<semaphore_mem>> -> memref<1x!tpu.dma_semaphore, #tpu.memory_space<semaphore_mem>>
      %dma_wait3A_464 = tpu.memref_squeeze %dma_wait3A_463 : memref<1x!tpu.dma_semaphore, #tpu.memory_space<semaphore_mem>> -> memref<!tpu.dma_semaphore, #tpu.memory_space<semaphore_mem>>
      %dma_wait3A_465 = arith.constant 0 : i32
      %dma_wait3A_466 = arith.constant 0 : i32
      %dma_wait3A_467 = tpu.memref_slice %arg7[%rem3A_455, %dma_wait3A_465, %dma_wait3A_466] : memref<12x80x16xf32, #tpu.memory_space<vmem>> -> memref<1x80x16xf32, #tpu.memory_space<vmem>>
      %dma_wait3A_468 = tpu.memref_squeeze %dma_wait3A_467 : memref<1x80x16xf32, #tpu.memory_space<vmem>> -> memref<80x16xf32, #tpu.memory_space<vmem>>
      %dma_wait3A_469 = arith.constant 0 : i32
      %dma_wait3A_470 = arith.constant 0 : i32
      %dma_wait3A_471 = tpu.memref_slice %arg2[%dma_wait3A_469, %dma_wait3A_470] : memref<10000x16xf32, #tpu.memory_space<hbm>> -> memref<80x16xf32, #tpu.memory_space<hbm>>
      tpu.wait_dma2 semaphore(%dma_wait3A_464 : memref<!tpu.dma_semaphore, #tpu.memory_space<semaphore_mem>>) src(%dma_wait3A_471 : memref<80x16xf32, #tpu.memory_space<hbm>>) dst(%dma_wait3A_468 : memref<80x16xf32, #tpu.memory_space<vmem>>)
      %dma_start3A_472 = arith.constant 0 : i32
      %dma_start3A_473 = arith.constant 0 : i32
      %dma_start3A_474 = tpu.memref_slice %arg7[%rem3A_455, %dma_start3A_472, %dma_start3A_473] : memref<12x80x16xf32, #tpu.memory_space<vmem>> -> memref<1x80x16xf32, #tpu.memory_space<vmem>>
      %dma_start3A_475 = tpu.memref_squeeze %dma_start3A_474 : memref<1x80x16xf32, #tpu.memory_space<vmem>> -> memref<80x16xf32, #tpu.memory_space<vmem>>
      %dma_start3A_476 = arith.constant 0 : i32
      %dma_start3A_477 = tpu.memref_slice %arg6[%scan3A_453, %dma_start3A_476] : memref<125x80xi32, #tpu.memory_space<vmem>> -> memref<1x80xi32, #tpu.memory_space<vmem>>
      %dma_start3A_478 = tpu.memref_squeeze %dma_start3A_477 : memref<1x80xi32, #tpu.memory_space<vmem>> -> memref<80xi32, #tpu.memory_space<vmem>>
      %dma_start3A_479 = arith.constant 0 : i32
      %dma_start3A_480 = arith.constant 0 : i32
      %dma_start3A_481 = tpu.memref_slice %arg9[%dma_start3A_479, %dma_start3A_480] : memref<10240x16xf32, #tpu.memory_space<vmem_shared>> -> memref<10240x16xf32, #tpu.memory_space<vmem_shared>>
      %dma_start3A_482 = tpu.memref_slice %arg11[%rem3A_455] : memref<12x!tpu.dma_semaphore, #tpu.memory_space<semaphore_mem>> -> memref<1x!tpu.dma_semaphore, #tpu.memory_space<semaphore_mem>>
      %dma_start3A_483 = tpu.memref_squeeze %dma_start3A_482 : memref<1x!tpu.dma_semaphore, #tpu.memory_space<semaphore_mem>> -> memref<!tpu.dma_semaphore, #tpu.memory_space<semaphore_mem>>
      tpu.enqueue_indirect_dma source(%dma_start3A_475 : memref<80x16xf32, #tpu.memory_space<vmem>>) target(%dma_start3A_481 : memref<10240x16xf32, #tpu.memory_space<vmem_shared>>) offsets(%dma_start3A_478 : memref<80xi32, #tpu.memory_space<vmem>>) semaphore(%dma_start3A_483 : memref<!tpu.dma_semaphore, #tpu.memory_space<semaphore_mem>>) {add = true}
      %add3A_484 = arith.constant 8 : i32
      %add3A_485 = arith.addi %scan3A_453, %add3A_484 : i32
      %rem3A_486 = arith.constant 12 : i32
      %rem3A_487 = arith.remsi %add3A_485, %rem3A_486 : i32
      %dma_wait3A_488 = arith.constant 0 : i32
      %dma_wait3A_489 = arith.constant 0 : i32
      %dma_wait3A_490 = tpu.memref_slice %arg7[%rem3A_487, %dma_wait3A_488, %dma_wait3A_489] : memref<12x80x16xf32, #tpu.memory_space<vmem>> -> memref<1x80x16xf32, #tpu.memory_space<vmem>>
      %dma_wait3A_491 = tpu.memref_squeeze %dma_wait3A_490 : memref<1x80x16xf32, #tpu.memory_space<vmem>> -> memref<80x16xf32, #tpu.memory_space<vmem>>
      %dma_wait3A_492 = arith.constant 0 : i32
      %dma_wait3A_493 = arith.constant 0 : i32
      %dma_wait3A_494 = tpu.memref_slice %arg2[%dma_wait3A_492, %dma_wait3A_493] : memref<10000x16xf32, #tpu.memory_space<hbm>> -> memref<80x16xf32, #tpu.memory_space<hbm>>
      %dma_wait3A_495 = tpu.memref_slice %arg11[%rem3A_487] : memref<12x!tpu.dma_semaphore, #tpu.memory_space<semaphore_mem>> -> memref<1x!tpu.dma_semaphore, #tpu.memory_space<semaphore_mem>>
      %dma_wait3A_496 = tpu.memref_squeeze %dma_wait3A_495 : memref<1x!tpu.dma_semaphore, #tpu.memory_space<semaphore_mem>> -> memref<!tpu.dma_semaphore, #tpu.memory_space<semaphore_mem>>
      %dma_wait3A_497 = arith.constant 0 : i32
      %dma_wait3A_498 = arith.constant 0 : i32
      %dma_wait3A_499 = tpu.memref_slice %arg7[%rem3A_487, %dma_wait3A_497, %dma_wait3A_498] : memref<12x80x16xf32, #tpu.memory_space<vmem>> -> memref<1x80x16xf32, #tpu.memory_space<vmem>>
      %dma_wait3A_500 = tpu.memref_squeeze %dma_wait3A_499 : memref<1x80x16xf32, #tpu.memory_space<vmem>> -> memref<80x16xf32, #tpu.memory_space<vmem>>
      %dma_wait3A_501 = arith.constant 0 : i32
      %dma_wait3A_502 = arith.constant 0 : i32
      %dma_wait3A_503 = tpu.memref_slice %arg2[%dma_wait3A_501, %dma_wait3A_502] : memref<10000x16xf32, #tpu.memory_space<hbm>> -> memref<80x16xf32, #tpu.memory_space<hbm>>
      tpu.wait_dma2 semaphore(%dma_wait3A_496 : memref<!tpu.dma_semaphore, #tpu.memory_space<semaphore_mem>>) src(%dma_wait3A_503 : memref<80x16xf32, #tpu.memory_space<hbm>>) dst(%dma_wait3A_500 : memref<80x16xf32, #tpu.memory_space<vmem>>)
      %dma_start3A_504 = arith.constant 0 : i32
      %dma_start3A_505 = arith.constant 0 : i32
      %dma_start3A_506 = tpu.memref_slice %arg7[%rem3A_487, %dma_start3A_504, %dma_start3A_505] : memref<12x80x16xf32, #tpu.memory_space<vmem>> -> memref<1x80x16xf32, #tpu.memory_space<vmem>>
      %dma_start3A_507 = tpu.memref_squeeze %dma_start3A_506 : memref<1x80x16xf32, #tpu.memory_space<vmem>> -> memref<80x16xf32, #tpu.memory_space<vmem>>
      %dma_start3A_508 = arith.constant 0 : i32
      %dma_start3A_509 = tpu.memref_slice %arg5[%add3A_485, %dma_start3A_508] : memref<125x80xi32, #tpu.memory_space<vmem>> -> memref<1x80xi32, #tpu.memory_space<vmem>>
      %dma_start3A_510 = tpu.memref_squeeze %dma_start3A_509 : memref<1x80xi32, #tpu.memory_space<vmem>> -> memref<80xi32, #tpu.memory_space<vmem>>
      %dma_start3A_511 = arith.constant 0 : i32
      %dma_start3A_512 = arith.constant 0 : i32
      %dma_start3A_513 = tpu.memref_slice %arg2[%dma_start3A_511, %dma_start3A_512] : memref<10000x16xf32, #tpu.memory_space<hbm>> -> memref<10000x16xf32, #tpu.memory_space<hbm>>
      %dma_start3A_514 = tpu.memref_slice %arg10[%rem3A_487] : memref<12x!tpu.dma_semaphore, #tpu.memory_space<semaphore_mem>> -> memref<1x!tpu.dma_semaphore, #tpu.memory_space<semaphore_mem>>
      %dma_start3A_515 = tpu.memref_squeeze %dma_start3A_514 : memref<1x!tpu.dma_semaphore, #tpu.memory_space<semaphore_mem>> -> memref<!tpu.dma_semaphore, #tpu.memory_space<semaphore_mem>>
      tpu.enqueue_indirect_dma source(%dma_start3A_513 : memref<10000x16xf32, #tpu.memory_space<hbm>>) target(%dma_start3A_507 : memref<80x16xf32, #tpu.memory_space<vmem>>) offsets(%dma_start3A_510 : memref<80xi32, #tpu.memory_space<vmem>>) semaphore(%dma_start3A_515 : memref<!tpu.dma_semaphore, #tpu.memory_space<semaphore_mem>>)
      %scan3A_516 = arith.constant 0 : i32
      scf.yield %scan3A_516 : i32
    }
    %scan3A_224 = arith.constant 113 : i32
    %scan3A_225 = arith.constant 0 : i32
    %scan3A_226 = arith.constant 117 : i32
    %scan3A_227 = arith.constant 8 : i32
    %scan3A_228 = arith.addi %scan3A_226, %scan3A_227 : i32
    %scan3A_229 = arith.constant 1 : i32
    %scan3A_230 = scf.for %scan3A_453 = %scan3A_226 to %scan3A_228 step %scan3A_229 iter_args(%scan3A_454 = %scan3A_225) -> (i32)  : i32 {
      %rem3A = arith.constant 12 : i32
      %rem3A_455 = arith.remsi %scan3A_453, %rem3A : i32
      %dma_wait3A_456 = arith.constant 0 : i32
      %dma_wait3A_457 = arith.constant 0 : i32
      %dma_wait3A_458 = tpu.memref_slice %arg7[%rem3A_455, %dma_wait3A_456, %dma_wait3A_457] : memref<12x80x16xf32, #tpu.memory_space<vmem>> -> memref<1x80x16xf32, #tpu.memory_space<vmem>>
      %dma_wait3A_459 = tpu.memref_squeeze %dma_wait3A_458 : memref<1x80x16xf32, #tpu.memory_space<vmem>> -> memref<80x16xf32, #tpu.memory_space<vmem>>
      %dma_wait3A_460 = arith.constant 0 : i32
      %dma_wait3A_461 = arith.constant 0 : i32
      %dma_wait3A_462 = tpu.memref_slice %arg2[%dma_wait3A_460, %dma_wait3A_461] : memref<10000x16xf32, #tpu.memory_space<hbm>> -> memref<80x16xf32, #tpu.memory_space<hbm>>
      %dma_wait3A_463 = tpu.memref_slice %arg10[%rem3A_455] : memref<12x!tpu.dma_semaphore, #tpu.memory_space<semaphore_mem>> -> memref<1x!tpu.dma_semaphore, #tpu.memory_space<semaphore_mem>>
      %dma_wait3A_464 = tpu.memref_squeeze %dma_wait3A_463 : memref<1x!tpu.dma_semaphore, #tpu.memory_space<semaphore_mem>> -> memref<!tpu.dma_semaphore, #tpu.memory_space<semaphore_mem>>
      %dma_wait3A_465 = arith.constant 0 : i32
      %dma_wait3A_466 = arith.constant 0 : i32
      %dma_wait3A_467 = tpu.memref_slice %arg7[%rem3A_455, %dma_wait3A_465, %dma_wait3A_466] : memref<12x80x16xf32, #tpu.memory_space<vmem>> -> memref<1x80x16xf32, #tpu.memory_space<vmem>>
      %dma_wait3A_468 = tpu.memref_squeeze %dma_wait3A_467 : memref<1x80x16xf32, #tpu.memory_space<vmem>> -> memref<80x16xf32, #tpu.memory_space<vmem>>
      %dma_wait3A_469 = arith.constant 0 : i32
      %dma_wait3A_470 = arith.constant 0 : i32
      %dma_wait3A_471 = tpu.memref_slice %arg2[%dma_wait3A_469, %dma_wait3A_470] : memref<10000x16xf32, #tpu.memory_space<hbm>> -> memref<80x16xf32, #tpu.memory_space<hbm>>
      tpu.wait_dma2 semaphore(%dma_wait3A_464 : memref<!tpu.dma_semaphore, #tpu.memory_space<semaphore_mem>>) src(%dma_wait3A_471 : memref<80x16xf32, #tpu.memory_space<hbm>>) dst(%dma_wait3A_468 : memref<80x16xf32, #tpu.memory_space<vmem>>)
      %dma_start3A_472 = arith.constant 0 : i32
      %dma_start3A_473 = arith.constant 0 : i32
      %dma_start3A_474 = tpu.memref_slice %arg7[%rem3A_455, %dma_start3A_472, %dma_start3A_473] : memref<12x80x16xf32, #tpu.memory_space<vmem>> -> memref<1x80x16xf32, #tpu.memory_space<vmem>>
      %dma_start3A_475 = tpu.memref_squeeze %dma_start3A_474 : memref<1x80x16xf32, #tpu.memory_space<vmem>> -> memref<80x16xf32, #tpu.memory_space<vmem>>
      %dma_start3A_476 = arith.constant 0 : i32
      %dma_start3A_477 = tpu.memref_slice %arg6[%scan3A_453, %dma_start3A_476] : memref<125x80xi32, #tpu.memory_space<vmem>> -> memref<1x80xi32, #tpu.memory_space<vmem>>
      %dma_start3A_478 = tpu.memref_squeeze %dma_start3A_477 : memref<1x80xi32, #tpu.memory_space<vmem>> -> memref<80xi32, #tpu.memory_space<vmem>>
      %dma_start3A_479 = arith.constant 0 : i32
      %dma_start3A_480 = arith.constant 0 : i32
      %dma_start3A_481 = tpu.memref_slice %arg9[%dma_start3A_479, %dma_start3A_480] : memref<10240x16xf32, #tpu.memory_space<vmem_shared>> -> memref<10240x16xf32, #tpu.memory_space<vmem_shared>>
      %dma_start3A_482 = tpu.memref_slice %arg11[%rem3A_455] : memref<12x!tpu.dma_semaphore, #tpu.memory_space<semaphore_mem>> -> memref<1x!tpu.dma_semaphore, #tpu.memory_space<semaphore_mem>>
      %dma_start3A_483 = tpu.memref_squeeze %dma_start3A_482 : memref<1x!tpu.dma_semaphore, #tpu.memory_space<semaphore_mem>> -> memref<!tpu.dma_semaphore, #tpu.memory_space<semaphore_mem>>
      tpu.enqueue_indirect_dma source(%dma_start3A_475 : memref<80x16xf32, #tpu.memory_space<vmem>>) target(%dma_start3A_481 : memref<10240x16xf32, #tpu.memory_space<vmem_shared>>) offsets(%dma_start3A_478 : memref<80xi32, #tpu.memory_space<vmem>>) semaphore(%dma_start3A_483 : memref<!tpu.dma_semaphore, #tpu.memory_space<semaphore_mem>>) {add = true}
      %scan3A_484 = arith.constant 0 : i32
      scf.yield %scan3A_484 : i32
    }
    %scan3A_231 = arith.constant 8 : i32
    %dma_wait3A_232 = arith.constant 5 : i32
    %dma_wait3A_233 = arith.constant 5 : i32
    %dma_wait3A_234 = arith.constant 0 : i32
    %dma_wait3A_235 = arith.constant 0 : i32
    %dma_wait3A_236 = tpu.memref_slice %arg7[%dma_wait3A_232, %dma_wait3A_234, %dma_wait3A_235] : memref<12x80x16xf32, #tpu.memory_space<vmem>> -> memref<1x80x16xf32, #tpu.memory_space<vmem>>
    %dma_wait3A_237 = tpu.memref_squeeze %dma_wait3A_236 : memref<1x80x16xf32, #tpu.memory_space<vmem>> -> memref<80x16xf32, #tpu.memory_space<vmem>>
    %dma_wait3A_238 = arith.constant 0 : i32
    %dma_wait3A_239 = arith.constant 0 : i32
    %dma_wait3A_240 = tpu.memref_slice %arg2[%dma_wait3A_238, %dma_wait3A_239] : memref<10000x16xf32, #tpu.memory_space<hbm>> -> memref<80x16xf32, #tpu.memory_space<hbm>>
    %dma_wait3A_241 = tpu.memref_slice %arg11[%dma_wait3A_233] : memref<12x!tpu.dma_semaphore, #tpu.memory_space<semaphore_mem>> -> memref<1x!tpu.dma_semaphore, #tpu.memory_space<semaphore_mem>>
    %dma_wait3A_242 = tpu.memref_squeeze %dma_wait3A_241 : memref<1x!tpu.dma_semaphore, #tpu.memory_space<semaphore_mem>> -> memref<!tpu.dma_semaphore, #tpu.memory_space<semaphore_mem>>
    %dma_wait3A_243 = arith.constant 0 : i32
    %dma_wait3A_244 = arith.constant 0 : i32
    %dma_wait3A_245 = tpu.memref_slice %arg7[%dma_wait3A_232, %dma_wait3A_243, %dma_wait3A_244] : memref<12x80x16xf32, #tpu.memory_space<vmem>> -> memref<1x80x16xf32, #tpu.memory_space<vmem>>
    %dma_wait3A_246 = tpu.memref_squeeze %dma_wait3A_245 : memref<1x80x16xf32, #tpu.memory_space<vmem>> -> memref<80x16xf32, #tpu.memory_space<vmem>>
    %dma_wait3A_247 = arith.constant 0 : i32
    %dma_wait3A_248 = arith.constant 0 : i32
    %dma_wait3A_249 = tpu.memref_slice %arg2[%dma_wait3A_247, %dma_wait3A_248] : memref<10000x16xf32, #tpu.memory_space<hbm>> -> memref<80x16xf32, #tpu.memory_space<hbm>>
    tpu.wait_dma2 semaphore(%dma_wait3A_242 : memref<!tpu.dma_semaphore, #tpu.memory_space<semaphore_mem>>) src(%dma_wait3A_249 : memref<80x16xf32, #tpu.memory_space<hbm>>) dst(%dma_wait3A_246 : memref<80x16xf32, #tpu.memory_space<vmem>>)
    %dma_wait3A_250 = arith.constant 6 : i32
    %dma_wait3A_251 = arith.constant 6 : i32
    %dma_wait3A_252 = arith.constant 0 : i32
    %dma_wait3A_253 = arith.constant 0 : i32
    %dma_wait3A_254 = tpu.memref_slice %arg7[%dma_wait3A_250, %dma_wait3A_252, %dma_wait3A_253] : memref<12x80x16xf32, #tpu.memory_space<vmem>> -> memref<1x80x16xf32, #tpu.memory_space<vmem>>
    %dma_wait3A_255 = tpu.memref_squeeze %dma_wait3A_254 : memref<1x80x16xf32, #tpu.memory_space<vmem>> -> memref<80x16xf32, #tpu.memory_space<vmem>>
    %dma_wait3A_256 = arith.constant 0 : i32
    %dma_wait3A_257 = arith.constant 0 : i32
    %dma_wait3A_258 = tpu.memref_slice %arg2[%dma_wait3A_256, %dma_wait3A_257] : memref<10000x16xf32, #tpu.memory_space<hbm>> -> memref<80x16xf32, #tpu.memory_space<hbm>>
    %dma_wait3A_259 = tpu.memref_slice %arg11[%dma_wait3A_251] : memref<12x!tpu.dma_semaphore, #tpu.memory_space<semaphore_mem>> -> memref<1x!tpu.dma_semaphore, #tpu.memory_space<semaphore_mem>>
    %dma_wait3A_260 = tpu.memref_squeeze %dma_wait3A_259 : memref<1x!tpu.dma_semaphore, #tpu.memory_space<semaphore_mem>> -> memref<!tpu.dma_semaphore, #tpu.memory_space<semaphore_mem>>
    %dma_wait3A_261 = arith.constant 0 : i32
    %dma_wait3A_262 = arith.constant 0 : i32
    %dma_wait3A_263 = tpu.memref_slice %arg7[%dma_wait3A_250, %dma_wait3A_261, %dma_wait3A_262] : memref<12x80x16xf32, #tpu.memory_space<vmem>> -> memref<1x80x16xf32, #tpu.memory_space<vmem>>
    %dma_wait3A_264 = tpu.memref_squeeze %dma_wait3A_263 : memref<1x80x16xf32, #tpu.memory_space<vmem>> -> memref<80x16xf32, #tpu.memory_space<vmem>>
    %dma_wait3A_265 = arith.constant 0 : i32
    %dma_wait3A_266 = arith.constant 0 : i32
    %dma_wait3A_267 = tpu.memref_slice %arg2[%dma_wait3A_265, %dma_wait3A_266] : memref<10000x16xf32, #tpu.memory_space<hbm>> -> memref<80x16xf32, #tpu.memory_space<hbm>>
    tpu.wait_dma2 semaphore(%dma_wait3A_260 : memref<!tpu.dma_semaphore, #tpu.memory_space<semaphore_mem>>) src(%dma_wait3A_267 : memref<80x16xf32, #tpu.memory_space<hbm>>) dst(%dma_wait3A_264 : memref<80x16xf32, #tpu.memory_space<vmem>>)
    %dma_wait3A_268 = arith.constant 7 : i32
    %dma_wait3A_269 = arith.constant 7 : i32
    %dma_wait3A_270 = arith.constant 0 : i32
    %dma_wait3A_271 = arith.constant 0 : i32
    %dma_wait3A_272 = tpu.memref_slice %arg7[%dma_wait3A_268, %dma_wait3A_270, %dma_wait3A_271] : memref<12x80x16xf32, #tpu.memory_space<vmem>> -> memref<1x80x16xf32, #tpu.memory_space<vmem>>
    %dma_wait3A_273 = tpu.memref_squeeze %dma_wait3A_272 : memref<1x80x16xf32, #tpu.memory_space<vmem>> -> memref<80x16xf32, #tpu.memory_space<vmem>>
    %dma_wait3A_274 = arith.constant 0 : i32
    %dma_wait3A_275 = arith.constant 0 : i32
    %dma_wait3A_276 = tpu.memref_slice %arg2[%dma_wait3A_274, %dma_wait3A_275] : memref<10000x16xf32, #tpu.memory_space<hbm>> -> memref<80x16xf32, #tpu.memory_space<hbm>>
    %dma_wait3A_277 = tpu.memref_slice %arg11[%dma_wait3A_269] : memref<12x!tpu.dma_semaphore, #tpu.memory_space<semaphore_mem>> -> memref<1x!tpu.dma_semaphore, #tpu.memory_space<semaphore_mem>>
    %dma_wait3A_278 = tpu.memref_squeeze %dma_wait3A_277 : memref<1x!tpu.dma_semaphore, #tpu.memory_space<semaphore_mem>> -> memref<!tpu.dma_semaphore, #tpu.memory_space<semaphore_mem>>
    %dma_wait3A_279 = arith.constant 0 : i32
    %dma_wait3A_280 = arith.constant 0 : i32
    %dma_wait3A_281 = tpu.memref_slice %arg7[%dma_wait3A_268, %dma_wait3A_279, %dma_wait3A_280] : memref<12x80x16xf32, #tpu.memory_space<vmem>> -> memref<1x80x16xf32, #tpu.memory_space<vmem>>
    %dma_wait3A_282 = tpu.memref_squeeze %dma_wait3A_281 : memref<1x80x16xf32, #tpu.memory_space<vmem>> -> memref<80x16xf32, #tpu.memory_space<vmem>>
    %dma_wait3A_283 = arith.constant 0 : i32
    %dma_wait3A_284 = arith.constant 0 : i32
    %dma_wait3A_285 = tpu.memref_slice %arg2[%dma_wait3A_283, %dma_wait3A_284] : memref<10000x16xf32, #tpu.memory_space<hbm>> -> memref<80x16xf32, #tpu.memory_space<hbm>>
    tpu.wait_dma2 semaphore(%dma_wait3A_278 : memref<!tpu.dma_semaphore, #tpu.memory_space<semaphore_mem>>) src(%dma_wait3A_285 : memref<80x16xf32, #tpu.memory_space<hbm>>) dst(%dma_wait3A_282 : memref<80x16xf32, #tpu.memory_space<vmem>>)
    %dma_wait3A_286 = arith.constant 8 : i32
    %dma_wait3A_287 = arith.constant 8 : i32
    %dma_wait3A_288 = arith.constant 0 : i32
    %dma_wait3A_289 = arith.constant 0 : i32
    %dma_wait3A_290 = tpu.memref_slice %arg7[%dma_wait3A_286, %dma_wait3A_288, %dma_wait3A_289] : memref<12x80x16xf32, #tpu.memory_space<vmem>> -> memref<1x80x16xf32, #tpu.memory_space<vmem>>
    %dma_wait3A_291 = tpu.memref_squeeze %dma_wait3A_290 : memref<1x80x16xf32, #tpu.memory_space<vmem>> -> memref<80x16xf32, #tpu.memory_space<vmem>>
    %dma_wait3A_292 = arith.constant 0 : i32
    %dma_wait3A_293 = arith.constant 0 : i32
    %dma_wait3A_294 = tpu.memref_slice %arg2[%dma_wait3A_292, %dma_wait3A_293] : memref<10000x16xf32, #tpu.memory_space<hbm>> -> memref<80x16xf32, #tpu.memory_space<hbm>>
    %dma_wait3A_295 = tpu.memref_slice %arg11[%dma_wait3A_287] : memref<12x!tpu.dma_semaphore, #tpu.memory_space<semaphore_mem>> -> memref<1x!tpu.dma_semaphore, #tpu.memory_space<semaphore_mem>>
    %dma_wait3A_296 = tpu.memref_squeeze %dma_wait3A_295 : memref<1x!tpu.dma_semaphore, #tpu.memory_space<semaphore_mem>> -> memref<!tpu.dma_semaphore, #tpu.memory_space<semaphore_mem>>
    %dma_wait3A_297 = arith.constant 0 : i32
    %dma_wait3A_298 = arith.constant 0 : i32
    %dma_wait3A_299 = tpu.memref_slice %arg7[%dma_wait3A_286, %dma_wait3A_297, %dma_wait3A_298] : memref<12x80x16xf32, #tpu.memory_space<vmem>> -> memref<1x80x16xf32, #tpu.memory_space<vmem>>
    %dma_wait3A_300 = tpu.memref_squeeze %dma_wait3A_299 : memref<1x80x16xf32, #tpu.memory_space<vmem>> -> memref<80x16xf32, #tpu.memory_space<vmem>>
    %dma_wait3A_301 = arith.constant 0 : i32
    %dma_wait3A_302 = arith.constant 0 : i32
    %dma_wait3A_303 = tpu.memref_slice %arg2[%dma_wait3A_301, %dma_wait3A_302] : memref<10000x16xf32, #tpu.memory_space<hbm>> -> memref<80x16xf32, #tpu.memory_space<hbm>>
    tpu.wait_dma2 semaphore(%dma_wait3A_296 : memref<!tpu.dma_semaphore, #tpu.memory_space<semaphore_mem>>) src(%dma_wait3A_303 : memref<80x16xf32, #tpu.memory_space<hbm>>) dst(%dma_wait3A_300 : memref<80x16xf32, #tpu.memory_space<vmem>>)
    %dma_wait3A_304 = arith.constant 9 : i32
    %dma_wait3A_305 = arith.constant 9 : i32
    %dma_wait3A_306 = arith.constant 0 : i32
    %dma_wait3A_307 = arith.constant 0 : i32
    %dma_wait3A_308 = tpu.memref_slice %arg7[%dma_wait3A_304, %dma_wait3A_306, %dma_wait3A_307] : memref<12x80x16xf32, #tpu.memory_space<vmem>> -> memref<1x80x16xf32, #tpu.memory_space<vmem>>
    %dma_wait3A_309 = tpu.memref_squeeze %dma_wait3A_308 : memref<1x80x16xf32, #tpu.memory_space<vmem>> -> memref<80x16xf32, #tpu.memory_space<vmem>>
    %dma_wait3A_310 = arith.constant 0 : i32
    %dma_wait3A_311 = arith.constant 0 : i32
    %dma_wait3A_312 = tpu.memref_slice %arg2[%dma_wait3A_310, %dma_wait3A_311] : memref<10000x16xf32, #tpu.memory_space<hbm>> -> memref<80x16xf32, #tpu.memory_space<hbm>>
    %dma_wait3A_313 = tpu.memref_slice %arg11[%dma_wait3A_305] : memref<12x!tpu.dma_semaphore, #tpu.memory_space<semaphore_mem>> -> memref<1x!tpu.dma_semaphore, #tpu.memory_space<semaphore_mem>>
    %dma_wait3A_314 = tpu.memref_squeeze %dma_wait3A_313 : memref<1x!tpu.dma_semaphore, #tpu.memory_space<semaphore_mem>> -> memref<!tpu.dma_semaphore, #tpu.memory_space<semaphore_mem>>
    %dma_wait3A_315 = arith.constant 0 : i32
    %dma_wait3A_316 = arith.constant 0 : i32
    %dma_wait3A_317 = tpu.memref_slice %arg7[%dma_wait3A_304, %dma_wait3A_315, %dma_wait3A_316] : memref<12x80x16xf32, #tpu.memory_space<vmem>> -> memref<1x80x16xf32, #tpu.memory_space<vmem>>
    %dma_wait3A_318 = tpu.memref_squeeze %dma_wait3A_317 : memref<1x80x16xf32, #tpu.memory_space<vmem>> -> memref<80x16xf32, #tpu.memory_space<vmem>>
    %dma_wait3A_319 = arith.constant 0 : i32
    %dma_wait3A_320 = arith.constant 0 : i32
    %dma_wait3A_321 = tpu.memref_slice %arg2[%dma_wait3A_319, %dma_wait3A_320] : memref<10000x16xf32, #tpu.memory_space<hbm>> -> memref<80x16xf32, #tpu.memory_space<hbm>>
    tpu.wait_dma2 semaphore(%dma_wait3A_314 : memref<!tpu.dma_semaphore, #tpu.memory_space<semaphore_mem>>) src(%dma_wait3A_321 : memref<80x16xf32, #tpu.memory_space<hbm>>) dst(%dma_wait3A_318 : memref<80x16xf32, #tpu.memory_space<vmem>>)
    %dma_wait3A_322 = arith.constant 10 : i32
    %dma_wait3A_323 = arith.constant 10 : i32
    %dma_wait3A_324 = arith.constant 0 : i32
    %dma_wait3A_325 = arith.constant 0 : i32
    %dma_wait3A_326 = tpu.memref_slice %arg7[%dma_wait3A_322, %dma_wait3A_324, %dma_wait3A_325] : memref<12x80x16xf32, #tpu.memory_space<vmem>> -> memref<1x80x16xf32, #tpu.memory_space<vmem>>
    %dma_wait3A_327 = tpu.memref_squeeze %dma_wait3A_326 : memref<1x80x16xf32, #tpu.memory_space<vmem>> -> memref<80x16xf32, #tpu.memory_space<vmem>>
    %dma_wait3A_328 = arith.constant 0 : i32
    %dma_wait3A_329 = arith.constant 0 : i32
    %dma_wait3A_330 = tpu.memref_slice %arg2[%dma_wait3A_328, %dma_wait3A_329] : memref<10000x16xf32, #tpu.memory_space<hbm>> -> memref<80x16xf32, #tpu.memory_space<hbm>>
    %dma_wait3A_331 = tpu.memref_slice %arg11[%dma_wait3A_323] : memref<12x!tpu.dma_semaphore, #tpu.memory_space<semaphore_mem>> -> memref<1x!tpu.dma_semaphore, #tpu.memory_space<semaphore_mem>>
    %dma_wait3A_332 = tpu.memref_squeeze %dma_wait3A_331 : memref<1x!tpu.dma_semaphore, #tpu.memory_space<semaphore_mem>> -> memref<!tpu.dma_semaphore, #tpu.memory_space<semaphore_mem>>
    %dma_wait3A_333 = arith.constant 0 : i32
    %dma_wait3A_334 = arith.constant 0 : i32
    %dma_wait3A_335 = tpu.memref_slice %arg7[%dma_wait3A_322, %dma_wait3A_333, %dma_wait3A_334] : memref<12x80x16xf32, #tpu.memory_space<vmem>> -> memref<1x80x16xf32, #tpu.memory_space<vmem>>
    %dma_wait3A_336 = tpu.memref_squeeze %dma_wait3A_335 : memref<1x80x16xf32, #tpu.memory_space<vmem>> -> memref<80x16xf32, #tpu.memory_space<vmem>>
    %dma_wait3A_337 = arith.constant 0 : i32
    %dma_wait3A_338 = arith.constant 0 : i32
    %dma_wait3A_339 = tpu.memref_slice %arg2[%dma_wait3A_337, %dma_wait3A_338] : memref<10000x16xf32, #tpu.memory_space<hbm>> -> memref<80x16xf32, #tpu.memory_space<hbm>>
    tpu.wait_dma2 semaphore(%dma_wait3A_332 : memref<!tpu.dma_semaphore, #tpu.memory_space<semaphore_mem>>) src(%dma_wait3A_339 : memref<80x16xf32, #tpu.memory_space<hbm>>) dst(%dma_wait3A_336 : memref<80x16xf32, #tpu.memory_space<vmem>>)
    %dma_wait3A_340 = arith.constant 11 : i32
    %dma_wait3A_341 = arith.constant 11 : i32
    %dma_wait3A_342 = arith.constant 0 : i32
    %dma_wait3A_343 = arith.constant 0 : i32
    %dma_wait3A_344 = tpu.memref_slice %arg7[%dma_wait3A_340, %dma_wait3A_342, %dma_wait3A_343] : memref<12x80x16xf32, #tpu.memory_space<vmem>> -> memref<1x80x16xf32, #tpu.memory_space<vmem>>
    %dma_wait3A_345 = tpu.memref_squeeze %dma_wait3A_344 : memref<1x80x16xf32, #tpu.memory_space<vmem>> -> memref<80x16xf32, #tpu.memory_space<vmem>>
    %dma_wait3A_346 = arith.constant 0 : i32
    %dma_wait3A_347 = arith.constant 0 : i32
    %dma_wait3A_348 = tpu.memref_slice %arg2[%dma_wait3A_346, %dma_wait3A_347] : memref<10000x16xf32, #tpu.memory_space<hbm>> -> memref<80x16xf32, #tpu.memory_space<hbm>>
    %dma_wait3A_349 = tpu.memref_slice %arg11[%dma_wait3A_341] : memref<12x!tpu.dma_semaphore, #tpu.memory_space<semaphore_mem>> -> memref<1x!tpu.dma_semaphore, #tpu.memory_space<semaphore_mem>>
    %dma_wait3A_350 = tpu.memref_squeeze %dma_wait3A_349 : memref<1x!tpu.dma_semaphore, #tpu.memory_space<semaphore_mem>> -> memref<!tpu.dma_semaphore, #tpu.memory_space<semaphore_mem>>
    %dma_wait3A_351 = arith.constant 0 : i32
    %dma_wait3A_352 = arith.constant 0 : i32
    %dma_wait3A_353 = tpu.memref_slice %arg7[%dma_wait3A_340, %dma_wait3A_351, %dma_wait3A_352] : memref<12x80x16xf32, #tpu.memory_space<vmem>> -> memref<1x80x16xf32, #tpu.memory_space<vmem>>
    %dma_wait3A_354 = tpu.memref_squeeze %dma_wait3A_353 : memref<1x80x16xf32, #tpu.memory_space<vmem>> -> memref<80x16xf32, #tpu.memory_space<vmem>>
    %dma_wait3A_355 = arith.constant 0 : i32
    %dma_wait3A_356 = arith.constant 0 : i32
    %dma_wait3A_357 = tpu.memref_slice %arg2[%dma_wait3A_355, %dma_wait3A_356] : memref<10000x16xf32, #tpu.memory_space<hbm>> -> memref<80x16xf32, #tpu.memory_space<hbm>>
    tpu.wait_dma2 semaphore(%dma_wait3A_350 : memref<!tpu.dma_semaphore, #tpu.memory_space<semaphore_mem>>) src(%dma_wait3A_357 : memref<80x16xf32, #tpu.memory_space<hbm>>) dst(%dma_wait3A_354 : memref<80x16xf32, #tpu.memory_space<vmem>>)
    %dma_wait3A_358 = arith.constant 0 : i32
    %dma_wait3A_359 = arith.constant 0 : i32
    %dma_wait3A_360 = arith.constant 0 : i32
    %dma_wait3A_361 = arith.constant 0 : i32
    %dma_wait3A_362 = tpu.memref_slice %arg7[%dma_wait3A_358, %dma_wait3A_360, %dma_wait3A_361] : memref<12x80x16xf32, #tpu.memory_space<vmem>> -> memref<1x80x16xf32, #tpu.memory_space<vmem>>
    %dma_wait3A_363 = tpu.memref_squeeze %dma_wait3A_362 : memref<1x80x16xf32, #tpu.memory_space<vmem>> -> memref<80x16xf32, #tpu.memory_space<vmem>>
    %dma_wait3A_364 = arith.constant 0 : i32
    %dma_wait3A_365 = arith.constant 0 : i32
    %dma_wait3A_366 = tpu.memref_slice %arg2[%dma_wait3A_364, %dma_wait3A_365] : memref<10000x16xf32, #tpu.memory_space<hbm>> -> memref<80x16xf32, #tpu.memory_space<hbm>>
    %dma_wait3A_367 = tpu.memref_slice %arg11[%dma_wait3A_359] : memref<12x!tpu.dma_semaphore, #tpu.memory_space<semaphore_mem>> -> memref<1x!tpu.dma_semaphore, #tpu.memory_space<semaphore_mem>>
    %dma_wait3A_368 = tpu.memref_squeeze %dma_wait3A_367 : memref<1x!tpu.dma_semaphore, #tpu.memory_space<semaphore_mem>> -> memref<!tpu.dma_semaphore, #tpu.memory_space<semaphore_mem>>
    %dma_wait3A_369 = arith.constant 0 : i32
    %dma_wait3A_370 = arith.constant 0 : i32
    %dma_wait3A_371 = tpu.memref_slice %arg7[%dma_wait3A_358, %dma_wait3A_369, %dma_wait3A_370] : memref<12x80x16xf32, #tpu.memory_space<vmem>> -> memref<1x80x16xf32, #tpu.memory_space<vmem>>
    %dma_wait3A_372 = tpu.memref_squeeze %dma_wait3A_371 : memref<1x80x16xf32, #tpu.memory_space<vmem>> -> memref<80x16xf32, #tpu.memory_space<vmem>>
    %dma_wait3A_373 = arith.constant 0 : i32
    %dma_wait3A_374 = arith.constant 0 : i32
    %dma_wait3A_375 = tpu.memref_slice %arg2[%dma_wait3A_373, %dma_wait3A_374] : memref<10000x16xf32, #tpu.memory_space<hbm>> -> memref<80x16xf32, #tpu.memory_space<hbm>>
    tpu.wait_dma2 semaphore(%dma_wait3A_368 : memref<!tpu.dma_semaphore, #tpu.memory_space<semaphore_mem>>) src(%dma_wait3A_375 : memref<80x16xf32, #tpu.memory_space<hbm>>) dst(%dma_wait3A_372 : memref<80x16xf32, #tpu.memory_space<vmem>>)
    %dma_wait3A_376 = arith.constant 1 : i32
    %dma_wait3A_377 = arith.constant 1 : i32
    %dma_wait3A_378 = arith.constant 0 : i32
    %dma_wait3A_379 = arith.constant 0 : i32
    %dma_wait3A_380 = tpu.memref_slice %arg7[%dma_wait3A_376, %dma_wait3A_378, %dma_wait3A_379] : memref<12x80x16xf32, #tpu.memory_space<vmem>> -> memref<1x80x16xf32, #tpu.memory_space<vmem>>
    %dma_wait3A_381 = tpu.memref_squeeze %dma_wait3A_380 : memref<1x80x16xf32, #tpu.memory_space<vmem>> -> memref<80x16xf32, #tpu.memory_space<vmem>>
    %dma_wait3A_382 = arith.constant 0 : i32
    %dma_wait3A_383 = arith.constant 0 : i32
    %dma_wait3A_384 = tpu.memref_slice %arg2[%dma_wait3A_382, %dma_wait3A_383] : memref<10000x16xf32, #tpu.memory_space<hbm>> -> memref<80x16xf32, #tpu.memory_space<hbm>>
    %dma_wait3A_385 = tpu.memref_slice %arg11[%dma_wait3A_377] : memref<12x!tpu.dma_semaphore, #tpu.memory_space<semaphore_mem>> -> memref<1x!tpu.dma_semaphore, #tpu.memory_space<semaphore_mem>>
    %dma_wait3A_386 = tpu.memref_squeeze %dma_wait3A_385 : memref<1x!tpu.dma_semaphore, #tpu.memory_space<semaphore_mem>> -> memref<!tpu.dma_semaphore, #tpu.memory_space<semaphore_mem>>
    %dma_wait3A_387 = arith.constant 0 : i32
    %dma_wait3A_388 = arith.constant 0 : i32
    %dma_wait3A_389 = tpu.memref_slice %arg7[%dma_wait3A_376, %dma_wait3A_387, %dma_wait3A_388] : memref<12x80x16xf32, #tpu.memory_space<vmem>> -> memref<1x80x16xf32, #tpu.memory_space<vmem>>
    %dma_wait3A_390 = tpu.memref_squeeze %dma_wait3A_389 : memref<1x80x16xf32, #tpu.memory_space<vmem>> -> memref<80x16xf32, #tpu.memory_space<vmem>>
    %dma_wait3A_391 = arith.constant 0 : i32
    %dma_wait3A_392 = arith.constant 0 : i32
    %dma_wait3A_393 = tpu.memref_slice %arg2[%dma_wait3A_391, %dma_wait3A_392] : memref<10000x16xf32, #tpu.memory_space<hbm>> -> memref<80x16xf32, #tpu.memory_space<hbm>>
    tpu.wait_dma2 semaphore(%dma_wait3A_386 : memref<!tpu.dma_semaphore, #tpu.memory_space<semaphore_mem>>) src(%dma_wait3A_393 : memref<80x16xf32, #tpu.memory_space<hbm>>) dst(%dma_wait3A_390 : memref<80x16xf32, #tpu.memory_space<vmem>>)
    %dma_wait3A_394 = arith.constant 2 : i32
    %dma_wait3A_395 = arith.constant 2 : i32
    %dma_wait3A_396 = arith.constant 0 : i32
    %dma_wait3A_397 = arith.constant 0 : i32
    %dma_wait3A_398 = tpu.memref_slice %arg7[%dma_wait3A_394, %dma_wait3A_396, %dma_wait3A_397] : memref<12x80x16xf32, #tpu.memory_space<vmem>> -> memref<1x80x16xf32, #tpu.memory_space<vmem>>
    %dma_wait3A_399 = tpu.memref_squeeze %dma_wait3A_398 : memref<1x80x16xf32, #tpu.memory_space<vmem>> -> memref<80x16xf32, #tpu.memory_space<vmem>>
    %dma_wait3A_400 = arith.constant 0 : i32
    %dma_wait3A_401 = arith.constant 0 : i32
    %dma_wait3A_402 = tpu.memref_slice %arg2[%dma_wait3A_400, %dma_wait3A_401] : memref<10000x16xf32, #tpu.memory_space<hbm>> -> memref<80x16xf32, #tpu.memory_space<hbm>>
    %dma_wait3A_403 = tpu.memref_slice %arg11[%dma_wait3A_395] : memref<12x!tpu.dma_semaphore, #tpu.memory_space<semaphore_mem>> -> memref<1x!tpu.dma_semaphore, #tpu.memory_space<semaphore_mem>>
    %dma_wait3A_404 = tpu.memref_squeeze %dma_wait3A_403 : memref<1x!tpu.dma_semaphore, #tpu.memory_space<semaphore_mem>> -> memref<!tpu.dma_semaphore, #tpu.memory_space<semaphore_mem>>
    %dma_wait3A_405 = arith.constant 0 : i32
    %dma_wait3A_406 = arith.constant 0 : i32
    %dma_wait3A_407 = tpu.memref_slice %arg7[%dma_wait3A_394, %dma_wait3A_405, %dma_wait3A_406] : memref<12x80x16xf32, #tpu.memory_space<vmem>> -> memref<1x80x16xf32, #tpu.memory_space<vmem>>
    %dma_wait3A_408 = tpu.memref_squeeze %dma_wait3A_407 : memref<1x80x16xf32, #tpu.memory_space<vmem>> -> memref<80x16xf32, #tpu.memory_space<vmem>>
    %dma_wait3A_409 = arith.constant 0 : i32
    %dma_wait3A_410 = arith.constant 0 : i32
    %dma_wait3A_411 = tpu.memref_slice %arg2[%dma_wait3A_409, %dma_wait3A_410] : memref<10000x16xf32, #tpu.memory_space<hbm>> -> memref<80x16xf32, #tpu.memory_space<hbm>>
    tpu.wait_dma2 semaphore(%dma_wait3A_404 : memref<!tpu.dma_semaphore, #tpu.memory_space<semaphore_mem>>) src(%dma_wait3A_411 : memref<80x16xf32, #tpu.memory_space<hbm>>) dst(%dma_wait3A_408 : memref<80x16xf32, #tpu.memory_space<vmem>>)
    %dma_wait3A_412 = arith.constant 3 : i32
    %dma_wait3A_413 = arith.constant 3 : i32
    %dma_wait3A_414 = arith.constant 0 : i32
    %dma_wait3A_415 = arith.constant 0 : i32
    %dma_wait3A_416 = tpu.memref_slice %arg7[%dma_wait3A_412, %dma_wait3A_414, %dma_wait3A_415] : memref<12x80x16xf32, #tpu.memory_space<vmem>> -> memref<1x80x16xf32, #tpu.memory_space<vmem>>
    %dma_wait3A_417 = tpu.memref_squeeze %dma_wait3A_416 : memref<1x80x16xf32, #tpu.memory_space<vmem>> -> memref<80x16xf32, #tpu.memory_space<vmem>>
    %dma_wait3A_418 = arith.constant 0 : i32
    %dma_wait3A_419 = arith.constant 0 : i32
    %dma_wait3A_420 = tpu.memref_slice %arg2[%dma_wait3A_418, %dma_wait3A_419] : memref<10000x16xf32, #tpu.memory_space<hbm>> -> memref<80x16xf32, #tpu.memory_space<hbm>>
    %dma_wait3A_421 = tpu.memref_slice %arg11[%dma_wait3A_413] : memref<12x!tpu.dma_semaphore, #tpu.memory_space<semaphore_mem>> -> memref<1x!tpu.dma_semaphore, #tpu.memory_space<semaphore_mem>>
    %dma_wait3A_422 = tpu.memref_squeeze %dma_wait3A_421 : memref<1x!tpu.dma_semaphore, #tpu.memory_space<semaphore_mem>> -> memref<!tpu.dma_semaphore, #tpu.memory_space<semaphore_mem>>
    %dma_wait3A_423 = arith.constant 0 : i32
    %dma_wait3A_424 = arith.constant 0 : i32
    %dma_wait3A_425 = tpu.memref_slice %arg7[%dma_wait3A_412, %dma_wait3A_423, %dma_wait3A_424] : memref<12x80x16xf32, #tpu.memory_space<vmem>> -> memref<1x80x16xf32, #tpu.memory_space<vmem>>
    %dma_wait3A_426 = tpu.memref_squeeze %dma_wait3A_425 : memref<1x80x16xf32, #tpu.memory_space<vmem>> -> memref<80x16xf32, #tpu.memory_space<vmem>>
    %dma_wait3A_427 = arith.constant 0 : i32
    %dma_wait3A_428 = arith.constant 0 : i32
    %dma_wait3A_429 = tpu.memref_slice %arg2[%dma_wait3A_427, %dma_wait3A_428] : memref<10000x16xf32, #tpu.memory_space<hbm>> -> memref<80x16xf32, #tpu.memory_space<hbm>>
    tpu.wait_dma2 semaphore(%dma_wait3A_422 : memref<!tpu.dma_semaphore, #tpu.memory_space<semaphore_mem>>) src(%dma_wait3A_429 : memref<80x16xf32, #tpu.memory_space<hbm>>) dst(%dma_wait3A_426 : memref<80x16xf32, #tpu.memory_space<vmem>>)
    %dma_wait3A_430 = arith.constant 4 : i32
    %dma_wait3A_431 = arith.constant 4 : i32
    %dma_wait3A_432 = arith.constant 0 : i32
    %dma_wait3A_433 = arith.constant 0 : i32
    %dma_wait3A_434 = tpu.memref_slice %arg7[%dma_wait3A_430, %dma_wait3A_432, %dma_wait3A_433] : memref<12x80x16xf32, #tpu.memory_space<vmem>> -> memref<1x80x16xf32, #tpu.memory_space<vmem>>
    %dma_wait3A_435 = tpu.memref_squeeze %dma_wait3A_434 : memref<1x80x16xf32, #tpu.memory_space<vmem>> -> memref<80x16xf32, #tpu.memory_space<vmem>>
    %dma_wait3A_436 = arith.constant 0 : i32
    %dma_wait3A_437 = arith.constant 0 : i32
    %dma_wait3A_438 = tpu.memref_slice %arg2[%dma_wait3A_436, %dma_wait3A_437] : memref<10000x16xf32, #tpu.memory_space<hbm>> -> memref<80x16xf32, #tpu.memory_space<hbm>>
    %dma_wait3A_439 = tpu.memref_slice %arg11[%dma_wait3A_431] : memref<12x!tpu.dma_semaphore, #tpu.memory_space<semaphore_mem>> -> memref<1x!tpu.dma_semaphore, #tpu.memory_space<semaphore_mem>>
    %dma_wait3A_440 = tpu.memref_squeeze %dma_wait3A_439 : memref<1x!tpu.dma_semaphore, #tpu.memory_space<semaphore_mem>> -> memref<!tpu.dma_semaphore, #tpu.memory_space<semaphore_mem>>
    %dma_wait3A_441 = arith.constant 0 : i32
    %dma_wait3A_442 = arith.constant 0 : i32
    %dma_wait3A_443 = tpu.memref_slice %arg7[%dma_wait3A_430, %dma_wait3A_441, %dma_wait3A_442] : memref<12x80x16xf32, #tpu.memory_space<vmem>> -> memref<1x80x16xf32, #tpu.memory_space<vmem>>
    %dma_wait3A_444 = tpu.memref_squeeze %dma_wait3A_443 : memref<1x80x16xf32, #tpu.memory_space<vmem>> -> memref<80x16xf32, #tpu.memory_space<vmem>>
    %dma_wait3A_445 = arith.constant 0 : i32
    %dma_wait3A_446 = arith.constant 0 : i32
    %dma_wait3A_447 = tpu.memref_slice %arg2[%dma_wait3A_445, %dma_wait3A_446] : memref<10000x16xf32, #tpu.memory_space<hbm>> -> memref<80x16xf32, #tpu.memory_space<hbm>>
    tpu.wait_dma2 semaphore(%dma_wait3A_440 : memref<!tpu.dma_semaphore, #tpu.memory_space<semaphore_mem>>) src(%dma_wait3A_447 : memref<80x16xf32, #tpu.memory_space<hbm>>) dst(%dma_wait3A_444 : memref<80x16xf32, #tpu.memory_space<vmem>>)
    %barrier3A_448 = arith.constant 0 : index
    tpu.barrier barrier_id(%barrier3A_448)
    %mul3A_449 = arith.constant 640 : i32
    %mul3A_450 = arith.muli %arg1, %mul3A_449 : i32
    %mul3A_451 = arith.constant 640 : i32
    %mul3A_452 = arith.muli %add3A, %mul3A_451 : i32
    "tpu.region"() ({
      %run_scoped3A = tpu.sem_alloc : memref<!tpu.dma_semaphore, #tpu.memory_space<semaphore_mem>>
      %dma_start3A_453 = arith.constant 0 : i32
      %dma_start3A_454 = tpu.memref_slice %arg4[%mul3A_452, %dma_start3A_453] : memref<20480x16xf32, #tpu.memory_space<hbm>> -> memref<640x16xf32, #tpu.memory_space<hbm>>
      %dma_start3A_455 = arith.constant 0 : i32
      %dma_start3A_456 = tpu.memref_slice %arg9[%mul3A_450, %dma_start3A_455] : memref<10240x16xf32, #tpu.memory_space<vmem_shared>> -> memref<640x16xf32, #tpu.memory_space<vmem_shared>>
      tpu.enqueue_dma source(%dma_start3A_456 : memref<640x16xf32, #tpu.memory_space<vmem_shared>>) target(%dma_start3A_454 : memref<640x16xf32, #tpu.memory_space<hbm>>) target_semaphore(%run_scoped3A : memref<!tpu.dma_semaphore, #tpu.memory_space<semaphore_mem>>)
      %dma_wait3A_457 = arith.constant 0 : i32
      %dma_wait3A_458 = tpu.memref_slice %arg4[%mul3A_452, %dma_wait3A_457] : memref<20480x16xf32, #tpu.memory_space<hbm>> -> memref<640x16xf32, #tpu.memory_space<hbm>>
      %dma_wait3A_459 = arith.constant 0 : i32
      %dma_wait3A_460 = tpu.memref_slice %arg9[%mul3A_450, %dma_wait3A_459] : memref<10240x16xf32, #tpu.memory_space<vmem_shared>> -> memref<640x16xf32, #tpu.memory_space<vmem_shared>>
      tpu.wait_dma2 semaphore(%run_scoped3A : memref<!tpu.dma_semaphore, #tpu.memory_space<semaphore_mem>>) src(%dma_wait3A_460 : memref<640x16xf32, #tpu.memory_space<vmem_shared>>) dst(%dma_wait3A_458 : memref<640x16xf32, #tpu.memory_space<hbm>>)
      tpu.yield
    }) : () -> ()
    return
  }
}

#map = affine_map<(d0, d1) -> (0, 0)>
#map1 = affine_map<(d0, d1) -> (0, 0, 0, 0)>
module attributes {stable_mosaic.version = 14 : i64} {
  func.func @_agg_body(%arg0: i32, %arg1: i32, %arg2: memref<10000x16xf32, #tpu.memory_space<hbm>>, %arg3: memref<2x32x125x80xi32, #tpu.memory_space<hbm>>, %arg4: memref<20480x16xf32, #tpu.memory_space<hbm>>, %arg5: memref<125x80xi32, #tpu.memory_space<vmem>>, %arg6: memref<125x80xi32, #tpu.memory_space<vmem>>, %arg7: memref<12x80x16xf32, #tpu.memory_space<vmem>>, %arg8: memref<640x16xf32, #tpu.memory_space<vmem>>, %arg9: memref<10240x16xf32, #tpu.memory_space<vmem_shared>>, %arg10: memref<12x!tpu.dma_semaphore, #tpu.memory_space<semaphore_mem>>, %arg11: memref<12x!tpu.dma_semaphore, #tpu.memory_space<semaphore_mem>>, %arg12: memref<!tpu.dma_semaphore, #tpu.memory_space<semaphore_mem>>) attributes {dimension_semantics = [#tpu.dimension_semantics<core_parallel>, #tpu.dimension_semantics<subcore_parallel>], iteration_bounds = array<i64: 2, 16>, scalar_prefetch = 0 : i64, scratch_operands = 8 : i64, tpu.core_type = #tpu.core_type<sc_vector_subcore>, window_params = [{transform_indices = #map}, {transform_indices = #map1}, {transform_indices = #map}]} {
    %mul3A = arith.constant 16 : i32
    %mul3A_0 = arith.muli %arg0, %mul3A : i32
    %add3A = arith.addi %mul3A_0, %arg1 : i32
    %dma_start3A = arith.constant 0 : i32
    %dma_start3A_1 = arith.constant 0 : i32
    %dma_start3A_2 = arith.constant 0 : i32
    %dma_start3A_3 = arith.constant 0 : i32
    %dma_start3A_4 = tpu.memref_slice %arg3[%dma_start3A, %dma_start3A_1, %dma_start3A_2, %dma_start3A_3] : memref<2x32x125x80xi32, #tpu.memory_space<hbm>> -> memref<1x32x125x80xi32, #tpu.memory_space<hbm>>
    %dma_start3A_5 = tpu.memref_squeeze %dma_start3A_4 : memref<1x32x125x80xi32, #tpu.memory_space<hbm>> -> memref<32x125x80xi32, #tpu.memory_space<hbm>>
    %dma_start3A_6 = arith.constant 0 : i32
    %dma_start3A_7 = arith.constant 0 : i32
    %dma_start3A_8 = tpu.memref_slice %dma_start3A_5[%add3A, %dma_start3A_6, %dma_start3A_7] : memref<32x125x80xi32, #tpu.memory_space<hbm>> -> memref<1x125x80xi32, #tpu.memory_space<hbm>>
    %dma_start3A_9 = tpu.memref_squeeze %dma_start3A_8 : memref<1x125x80xi32, #tpu.memory_space<hbm>> -> memref<125x80xi32, #tpu.memory_space<hbm>>
    %dma_start3A_10 = arith.constant 0 : i32
    %dma_start3A_11 = arith.constant 0 : i32
    %dma_start3A_12 = arith.constant 0 : i32
    %dma_start3A_13 = tpu.memref_slice %arg3[%dma_start3A, %dma_start3A_10, %dma_start3A_11, %dma_start3A_12] : memref<2x32x125x80xi32, #tpu.memory_space<hbm>> -> memref<1x32x125x80xi32, #tpu.memory_space<hbm>>
    %dma_start3A_14 = tpu.memref_squeeze %dma_start3A_13 : memref<1x32x125x80xi32, #tpu.memory_space<hbm>> -> memref<32x125x80xi32, #tpu.memory_space<hbm>>
    %dma_start3A_15 = arith.constant 0 : i32
    %dma_start3A_16 = arith.constant 0 : i32
    %dma_start3A_17 = tpu.memref_slice %dma_start3A_14[%add3A, %dma_start3A_15, %dma_start3A_16] : memref<32x125x80xi32, #tpu.memory_space<hbm>> -> memref<1x125x80xi32, #tpu.memory_space<hbm>>
    %dma_start3A_18 = tpu.memref_squeeze %dma_start3A_17 : memref<1x125x80xi32, #tpu.memory_space<hbm>> -> memref<125x80xi32, #tpu.memory_space<hbm>>
    tpu.enqueue_dma source(%dma_start3A_18 : memref<125x80xi32, #tpu.memory_space<hbm>>) target(%arg5 : memref<125x80xi32, #tpu.memory_space<vmem>>) target_semaphore(%arg12 : memref<!tpu.dma_semaphore, #tpu.memory_space<semaphore_mem>>)
    %dma_start3A_19 = arith.constant 1 : i32
    %dma_start3A_20 = arith.constant 0 : i32
    %dma_start3A_21 = arith.constant 0 : i32
    %dma_start3A_22 = arith.constant 0 : i32
    %dma_start3A_23 = tpu.memref_slice %arg3[%dma_start3A_19, %dma_start3A_20, %dma_start3A_21, %dma_start3A_22] : memref<2x32x125x80xi32, #tpu.memory_space<hbm>> -> memref<1x32x125x80xi32, #tpu.memory_space<hbm>>
    %dma_start3A_24 = tpu.memref_squeeze %dma_start3A_23 : memref<1x32x125x80xi32, #tpu.memory_space<hbm>> -> memref<32x125x80xi32, #tpu.memory_space<hbm>>
    %dma_start3A_25 = arith.constant 0 : i32
    %dma_start3A_26 = arith.constant 0 : i32
    %dma_start3A_27 = tpu.memref_slice %dma_start3A_24[%add3A, %dma_start3A_25, %dma_start3A_26] : memref<32x125x80xi32, #tpu.memory_space<hbm>> -> memref<1x125x80xi32, #tpu.memory_space<hbm>>
    %dma_start3A_28 = tpu.memref_squeeze %dma_start3A_27 : memref<1x125x80xi32, #tpu.memory_space<hbm>> -> memref<125x80xi32, #tpu.memory_space<hbm>>
    %dma_start3A_29 = arith.constant 0 : i32
    %dma_start3A_30 = arith.constant 0 : i32
    %dma_start3A_31 = arith.constant 0 : i32
    %dma_start3A_32 = tpu.memref_slice %arg3[%dma_start3A_19, %dma_start3A_29, %dma_start3A_30, %dma_start3A_31] : memref<2x32x125x80xi32, #tpu.memory_space<hbm>> -> memref<1x32x125x80xi32, #tpu.memory_space<hbm>>
    %dma_start3A_33 = tpu.memref_squeeze %dma_start3A_32 : memref<1x32x125x80xi32, #tpu.memory_space<hbm>> -> memref<32x125x80xi32, #tpu.memory_space<hbm>>
    %dma_start3A_34 = arith.constant 0 : i32
    %dma_start3A_35 = arith.constant 0 : i32
    %dma_start3A_36 = tpu.memref_slice %dma_start3A_33[%add3A, %dma_start3A_34, %dma_start3A_35] : memref<32x125x80xi32, #tpu.memory_space<hbm>> -> memref<1x125x80xi32, #tpu.memory_space<hbm>>
    %dma_start3A_37 = tpu.memref_squeeze %dma_start3A_36 : memref<1x125x80xi32, #tpu.memory_space<hbm>> -> memref<125x80xi32, #tpu.memory_space<hbm>>
    tpu.enqueue_dma source(%dma_start3A_37 : memref<125x80xi32, #tpu.memory_space<hbm>>) target(%arg6 : memref<125x80xi32, #tpu.memory_space<vmem>>) target_semaphore(%arg12 : memref<!tpu.dma_semaphore, #tpu.memory_space<semaphore_mem>>)
    %scan3A = arith.constant 0 : i32
    %scan3A_38 = arith.constant 0 : i32
    %scan3A_39 = arith.constant 640 : i32
    %scan3A_40 = arith.addi %scan3A_38, %scan3A_39 : i32
    %scan3A_41 = arith.constant 1 : i32
    %scan3A_42 = scf.for %scan3A_453 = %scan3A_38 to %scan3A_40 step %scan3A_41 iter_args(%scan3A_454 = %scan3A) -> (i32)  : i32 {
      %broadcast_in_dim3A = arith.constant 0.000000e+00 : f32
      %broadcast_in_dim3A_455 = vector.broadcast %broadcast_in_dim3A : f32 to vector<16xf32>
      %swap3A = arith.index_cast %scan3A_453 : i32 to index
      %swap3A_456 = arith.constant 0 : index
      %swap3A_457 = tpu.vector_load %arg8[%swap3A, %swap3A_456] {strides = array<i32>} : memref<640x16xf32, #tpu.memory_space<vmem>>, vector<1x16xf32>,
      %swap3A_458 = vector.shape_cast %swap3A_457 : vector<1x16xf32> to vector<16xf32>
      %swap3A_459 = vector.shape_cast %broadcast_in_dim3A_455 : vector<16xf32> to vector<1x16xf32>
      tpu.vector_store %arg8[%swap3A, %swap3A_456], %swap3A_459 {strides = array<i32>} : memref<640x16xf32, #tpu.memory_space<vmem>>, vector<1x16xf32>,
      %scan3A_460 = arith.constant 0 : i32
      scf.yield %scan3A_460 : i32
    }
    %scan3A_43 = arith.constant 640 : i32
    %dma_wait3A = arith.constant 0 : i32
    %dma_wait3A_44 = arith.constant 0 : i32
    %dma_wait3A_45 = arith.constant 0 : i32
    %dma_wait3A_46 = arith.constant 0 : i32
    %dma_wait3A_47 = tpu.memref_slice %arg3[%dma_wait3A, %dma_wait3A_44, %dma_wait3A_45, %dma_wait3A_46] : memref<2x32x125x80xi32, #tpu.memory_space<hbm>> -> memref<1x32x125x80xi32, #tpu.memory_space<hbm>>
    %dma_wait3A_48 = tpu.memref_squeeze %dma_wait3A_47 : memref<1x32x125x80xi32, #tpu.memory_space<hbm>> -> memref<32x125x80xi32, #tpu.memory_space<hbm>>
    %dma_wait3A_49 = arith.constant 0 : i32
    %dma_wait3A_50 = arith.constant 0 : i32
    %dma_wait3A_51 = tpu.memref_slice %dma_wait3A_48[%add3A, %dma_wait3A_49, %dma_wait3A_50] : memref<32x125x80xi32, #tpu.memory_space<hbm>> -> memref<1x125x80xi32, #tpu.memory_space<hbm>>
    %dma_wait3A_52 = tpu.memref_squeeze %dma_wait3A_51 : memref<1x125x80xi32, #tpu.memory_space<hbm>> -> memref<125x80xi32, #tpu.memory_space<hbm>>
    %dma_wait3A_53 = arith.constant 0 : i32
    %dma_wait3A_54 = arith.constant 0 : i32
    %dma_wait3A_55 = arith.constant 0 : i32
    %dma_wait3A_56 = tpu.memref_slice %arg3[%dma_wait3A, %dma_wait3A_53, %dma_wait3A_54, %dma_wait3A_55] : memref<2x32x125x80xi32, #tpu.memory_space<hbm>> -> memref<1x32x125x80xi32, #tpu.memory_space<hbm>>
    %dma_wait3A_57 = tpu.memref_squeeze %dma_wait3A_56 : memref<1x32x125x80xi32, #tpu.memory_space<hbm>> -> memref<32x125x80xi32, #tpu.memory_space<hbm>>
    %dma_wait3A_58 = arith.constant 0 : i32
    %dma_wait3A_59 = arith.constant 0 : i32
    %dma_wait3A_60 = tpu.memref_slice %dma_wait3A_57[%add3A, %dma_wait3A_58, %dma_wait3A_59] : memref<32x125x80xi32, #tpu.memory_space<hbm>> -> memref<1x125x80xi32, #tpu.memory_space<hbm>>
    %dma_wait3A_61 = tpu.memref_squeeze %dma_wait3A_60 : memref<1x125x80xi32, #tpu.memory_space<hbm>> -> memref<125x80xi32, #tpu.memory_space<hbm>>
    tpu.wait_dma2 semaphore(%arg12 : memref<!tpu.dma_semaphore, #tpu.memory_space<semaphore_mem>>) src(%dma_wait3A_61 : memref<125x80xi32, #tpu.memory_space<hbm>>) dst(%arg5 : memref<125x80xi32, #tpu.memory_space<vmem>>)
    %dma_wait3A_62 = arith.constant 1 : i32
    %dma_wait3A_63 = arith.constant 0 : i32
    %dma_wait3A_64 = arith.constant 0 : i32
    %dma_wait3A_65 = arith.constant 0 : i32
    %dma_wait3A_66 = tpu.memref_slice %arg3[%dma_wait3A_62, %dma_wait3A_63, %dma_wait3A_64, %dma_wait3A_65] : memref<2x32x125x80xi32, #tpu.memory_space<hbm>> -> memref<1x32x125x80xi32, #tpu.memory_space<hbm>>
    %dma_wait3A_67 = tpu.memref_squeeze %dma_wait3A_66 : memref<1x32x125x80xi32, #tpu.memory_space<hbm>> -> memref<32x125x80xi32, #tpu.memory_space<hbm>>
    %dma_wait3A_68 = arith.constant 0 : i32
    %dma_wait3A_69 = arith.constant 0 : i32
    %dma_wait3A_70 = tpu.memref_slice %dma_wait3A_67[%add3A, %dma_wait3A_68, %dma_wait3A_69] : memref<32x125x80xi32, #tpu.memory_space<hbm>> -> memref<1x125x80xi32, #tpu.memory_space<hbm>>
    %dma_wait3A_71 = tpu.memref_squeeze %dma_wait3A_70 : memref<1x125x80xi32, #tpu.memory_space<hbm>> -> memref<125x80xi32, #tpu.memory_space<hbm>>
    %dma_wait3A_72 = arith.constant 0 : i32
    %dma_wait3A_73 = arith.constant 0 : i32
    %dma_wait3A_74 = arith.constant 0 : i32
    %dma_wait3A_75 = tpu.memref_slice %arg3[%dma_wait3A_62, %dma_wait3A_72, %dma_wait3A_73, %dma_wait3A_74] : memref<2x32x125x80xi32, #tpu.memory_space<hbm>> -> memref<1x32x125x80xi32, #tpu.memory_space<hbm>>
    %dma_wait3A_76 = tpu.memref_squeeze %dma_wait3A_75 : memref<1x32x125x80xi32, #tpu.memory_space<hbm>> -> memref<32x125x80xi32, #tpu.memory_space<hbm>>
    %dma_wait3A_77 = arith.constant 0 : i32
    %dma_wait3A_78 = arith.constant 0 : i32
    %dma_wait3A_79 = tpu.memref_slice %dma_wait3A_76[%add3A, %dma_wait3A_77, %dma_wait3A_78] : memref<32x125x80xi32, #tpu.memory_space<hbm>> -> memref<1x125x80xi32, #tpu.memory_space<hbm>>
    %dma_wait3A_80 = tpu.memref_squeeze %dma_wait3A_79 : memref<1x125x80xi32, #tpu.memory_space<hbm>> -> memref<125x80xi32, #tpu.memory_space<hbm>>
    tpu.wait_dma2 semaphore(%arg12 : memref<!tpu.dma_semaphore, #tpu.memory_space<semaphore_mem>>) src(%dma_wait3A_80 : memref<125x80xi32, #tpu.memory_space<hbm>>) dst(%arg6 : memref<125x80xi32, #tpu.memory_space<vmem>>)
    %mul3A_81 = arith.constant 640 : i32
    %mul3A_82 = arith.muli %arg1, %mul3A_81 : i32
    %dma_start3A_83 = arith.constant 0 : i32
    %dma_start3A_84 = tpu.memref_slice %arg9[%mul3A_82, %dma_start3A_83] : memref<10240x16xf32, #tpu.memory_space<vmem_shared>> -> memref<640x16xf32, #tpu.memory_space<vmem_shared>>
    %dma_start3A_85 = arith.constant 0 : i32
    %dma_start3A_86 = tpu.memref_slice %arg9[%mul3A_82, %dma_start3A_85] : memref<10240x16xf32, #tpu.memory_space<vmem_shared>> -> memref<640x16xf32, #tpu.memory_space<vmem_shared>>
    tpu.enqueue_dma source(%arg8 : memref<640x16xf32, #tpu.memory_space<vmem>>) target(%dma_start3A_86 : memref<640x16xf32, #tpu.memory_space<vmem_shared>>) target_semaphore(%arg12 : memref<!tpu.dma_semaphore, #tpu.memory_space<semaphore_mem>>)
    %dma_start3A_87 = arith.constant 0 : i32
    %dma_start3A_88 = arith.constant 0 : i32
    %dma_start3A_89 = arith.constant 0 : i32
    %dma_start3A_90 = arith.constant 0 : i32
    %dma_start3A_91 = arith.constant 0 : i32
    %dma_start3A_92 = tpu.memref_slice %arg7[%dma_start3A_88, %dma_start3A_90, %dma_start3A_91] : memref<12x80x16xf32, #tpu.memory_space<vmem>> -> memref<1x80x16xf32, #tpu.memory_space<vmem>>
    %dma_start3A_93 = tpu.memref_squeeze %dma_start3A_92 : memref<1x80x16xf32, #tpu.memory_space<vmem>> -> memref<80x16xf32, #tpu.memory_space<vmem>>
    %dma_start3A_94 = arith.constant 0 : i32
    %dma_start3A_95 = tpu.memref_slice %arg5[%dma_start3A_87, %dma_start3A_94] : memref<125x80xi32, #tpu.memory_space<vmem>> -> memref<1x80xi32, #tpu.memory_space<vmem>>
    %dma_start3A_96 = tpu.memref_squeeze %dma_start3A_95 : memref<1x80xi32, #tpu.memory_space<vmem>> -> memref<80xi32, #tpu.memory_space<vmem>>
    %dma_start3A_97 = arith.constant 0 : i32
    %dma_start3A_98 = arith.constant 0 : i32
    %dma_start3A_99 = tpu.memref_slice %arg2[%dma_start3A_97, %dma_start3A_98] : memref<10000x16xf32, #tpu.memory_space<hbm>> -> memref<10000x16xf32, #tpu.memory_space<hbm>>
    %dma_start3A_100 = tpu.memref_slice %arg10[%dma_start3A_89] : memref<12x!tpu.dma_semaphore, #tpu.memory_space<semaphore_mem>> -> memref<1x!tpu.dma_semaphore, #tpu.memory_space<semaphore_mem>>
    %dma_start3A_101 = tpu.memref_squeeze %dma_start3A_100 : memref<1x!tpu.dma_semaphore, #tpu.memory_space<semaphore_mem>> -> memref<!tpu.dma_semaphore, #tpu.memory_space<semaphore_mem>>
    tpu.enqueue_indirect_dma source(%dma_start3A_99 : memref<10000x16xf32, #tpu.memory_space<hbm>>) target(%dma_start3A_93 : memref<80x16xf32, #tpu.memory_space<vmem>>) offsets(%dma_start3A_96 : memref<80xi32, #tpu.memory_space<vmem>>) semaphore(%dma_start3A_101 : memref<!tpu.dma_semaphore, #tpu.memory_space<semaphore_mem>>)
    %dma_start3A_102 = arith.constant 1 : i32
    %dma_start3A_103 = arith.constant 1 : i32
    %dma_start3A_104 = arith.constant 1 : i32
    %dma_start3A_105 = arith.constant 0 : i32
    %dma_start3A_106 = arith.constant 0 : i32
    %dma_start3A_107 = tpu.memref_slice %arg7[%dma_start3A_103, %dma_start3A_105, %dma_start3A_106] : memref<12x80x16xf32, #tpu.memory_space<vmem>> -> memref<1x80x16xf32, #tpu.memory_space<vmem>>
    %dma_start3A_108 = tpu.memref_squeeze %dma_start3A_107 : memref<1x80x16xf32, #tpu.memory_space<vmem>> -> memref<80x16xf32, #tpu.memory_space<vmem>>
    %dma_start3A_109 = arith.constant 0 : i32
    %dma_start3A_110 = tpu.memref_slice %arg5[%dma_start3A_102, %dma_start3A_109] : memref<125x80xi32, #tpu.memory_space<vmem>> -> memref<1x80xi32, #tpu.memory_space<vmem>>
    %dma_start3A_111 = tpu.memref_squeeze %dma_start3A_110 : memref<1x80xi32, #tpu.memory_space<vmem>> -> memref<80xi32, #tpu.memory_space<vmem>>
    %dma_start3A_112 = arith.constant 0 : i32
    %dma_start3A_113 = arith.constant 0 : i32
    %dma_start3A_114 = tpu.memref_slice %arg2[%dma_start3A_112, %dma_start3A_113] : memref<10000x16xf32, #tpu.memory_space<hbm>> -> memref<10000x16xf32, #tpu.memory_space<hbm>>
    %dma_start3A_115 = tpu.memref_slice %arg10[%dma_start3A_104] : memref<12x!tpu.dma_semaphore, #tpu.memory_space<semaphore_mem>> -> memref<1x!tpu.dma_semaphore, #tpu.memory_space<semaphore_mem>>
    %dma_start3A_116 = tpu.memref_squeeze %dma_start3A_115 : memref<1x!tpu.dma_semaphore, #tpu.memory_space<semaphore_mem>> -> memref<!tpu.dma_semaphore, #tpu.memory_space<semaphore_mem>>
    tpu.enqueue_indirect_dma source(%dma_start3A_114 : memref<10000x16xf32, #tpu.memory_space<hbm>>) target(%dma_start3A_108 : memref<80x16xf32, #tpu.memory_space<vmem>>) offsets(%dma_start3A_111 : memref<80xi32, #tpu.memory_space<vmem>>) semaphore(%dma_start3A_116 : memref<!tpu.dma_semaphore, #tpu.memory_space<semaphore_mem>>)
    %dma_start3A_117 = arith.constant 2 : i32
    %dma_start3A_118 = arith.constant 2 : i32
    %dma_start3A_119 = arith.constant 2 : i32
    %dma_start3A_120 = arith.constant 0 : i32
    %dma_start3A_121 = arith.constant 0 : i32
    %dma_start3A_122 = tpu.memref_slice %arg7[%dma_start3A_118, %dma_start3A_120, %dma_start3A_121] : memref<12x80x16xf32, #tpu.memory_space<vmem>> -> memref<1x80x16xf32, #tpu.memory_space<vmem>>
    %dma_start3A_123 = tpu.memref_squeeze %dma_start3A_122 : memref<1x80x16xf32, #tpu.memory_space<vmem>> -> memref<80x16xf32, #tpu.memory_space<vmem>>
    %dma_start3A_124 = arith.constant 0 : i32
    %dma_start3A_125 = tpu.memref_slice %arg5[%dma_start3A_117, %dma_start3A_124] : memref<125x80xi32, #tpu.memory_space<vmem>> -> memref<1x80xi32, #tpu.memory_space<vmem>>
    %dma_start3A_126 = tpu.memref_squeeze %dma_start3A_125 : memref<1x80xi32, #tpu.memory_space<vmem>> -> memref<80xi32, #tpu.memory_space<vmem>>
    %dma_start3A_127 = arith.constant 0 : i32
    %dma_start3A_128 = arith.constant 0 : i32
    %dma_start3A_129 = tpu.memref_slice %arg2[%dma_start3A_127, %dma_start3A_128] : memref<10000x16xf32, #tpu.memory_space<hbm>> -> memref<10000x16xf32, #tpu.memory_space<hbm>>
    %dma_start3A_130 = tpu.memref_slice %arg10[%dma_start3A_119] : memref<12x!tpu.dma_semaphore, #tpu.memory_space<semaphore_mem>> -> memref<1x!tpu.dma_semaphore, #tpu.memory_space<semaphore_mem>>
    %dma_start3A_131 = tpu.memref_squeeze %dma_start3A_130 : memref<1x!tpu.dma_semaphore, #tpu.memory_space<semaphore_mem>> -> memref<!tpu.dma_semaphore, #tpu.memory_space<semaphore_mem>>
    tpu.enqueue_indirect_dma source(%dma_start3A_129 : memref<10000x16xf32, #tpu.memory_space<hbm>>) target(%dma_start3A_123 : memref<80x16xf32, #tpu.memory_space<vmem>>) offsets(%dma_start3A_126 : memref<80xi32, #tpu.memory_space<vmem>>) semaphore(%dma_start3A_131 : memref<!tpu.dma_semaphore, #tpu.memory_space<semaphore_mem>>)
    %dma_start3A_132 = arith.constant 3 : i32
    %dma_start3A_133 = arith.constant 3 : i32
    %dma_start3A_134 = arith.constant 3 : i32
    %dma_start3A_135 = arith.constant 0 : i32
    %dma_start3A_136 = arith.constant 0 : i32
    %dma_start3A_137 = tpu.memref_slice %arg7[%dma_start3A_133, %dma_start3A_135, %dma_start3A_136] : memref<12x80x16xf32, #tpu.memory_space<vmem>> -> memref<1x80x16xf32, #tpu.memory_space<vmem>>
    %dma_start3A_138 = tpu.memref_squeeze %dma_start3A_137 : memref<1x80x16xf32, #tpu.memory_space<vmem>> -> memref<80x16xf32, #tpu.memory_space<vmem>>
    %dma_start3A_139 = arith.constant 0 : i32
    %dma_start3A_140 = tpu.memref_slice %arg5[%dma_start3A_132, %dma_start3A_139] : memref<125x80xi32, #tpu.memory_space<vmem>> -> memref<1x80xi32, #tpu.memory_space<vmem>>
    %dma_start3A_141 = tpu.memref_squeeze %dma_start3A_140 : memref<1x80xi32, #tpu.memory_space<vmem>> -> memref<80xi32, #tpu.memory_space<vmem>>
    %dma_start3A_142 = arith.constant 0 : i32
    %dma_start3A_143 = arith.constant 0 : i32
    %dma_start3A_144 = tpu.memref_slice %arg2[%dma_start3A_142, %dma_start3A_143] : memref<10000x16xf32, #tpu.memory_space<hbm>> -> memref<10000x16xf32, #tpu.memory_space<hbm>>
    %dma_start3A_145 = tpu.memref_slice %arg10[%dma_start3A_134] : memref<12x!tpu.dma_semaphore, #tpu.memory_space<semaphore_mem>> -> memref<1x!tpu.dma_semaphore, #tpu.memory_space<semaphore_mem>>
    %dma_start3A_146 = tpu.memref_squeeze %dma_start3A_145 : memref<1x!tpu.dma_semaphore, #tpu.memory_space<semaphore_mem>> -> memref<!tpu.dma_semaphore, #tpu.memory_space<semaphore_mem>>
    tpu.enqueue_indirect_dma source(%dma_start3A_144 : memref<10000x16xf32, #tpu.memory_space<hbm>>) target(%dma_start3A_138 : memref<80x16xf32, #tpu.memory_space<vmem>>) offsets(%dma_start3A_141 : memref<80xi32, #tpu.memory_space<vmem>>) semaphore(%dma_start3A_146 : memref<!tpu.dma_semaphore, #tpu.memory_space<semaphore_mem>>)
    %dma_start3A_147 = arith.constant 4 : i32
    %dma_start3A_148 = arith.constant 4 : i32
    %dma_start3A_149 = arith.constant 4 : i32
    %dma_start3A_150 = arith.constant 0 : i32
    %dma_start3A_151 = arith.constant 0 : i32
    %dma_start3A_152 = tpu.memref_slice %arg7[%dma_start3A_148, %dma_start3A_150, %dma_start3A_151] : memref<12x80x16xf32, #tpu.memory_space<vmem>> -> memref<1x80x16xf32, #tpu.memory_space<vmem>>
    %dma_start3A_153 = tpu.memref_squeeze %dma_start3A_152 : memref<1x80x16xf32, #tpu.memory_space<vmem>> -> memref<80x16xf32, #tpu.memory_space<vmem>>
    %dma_start3A_154 = arith.constant 0 : i32
    %dma_start3A_155 = tpu.memref_slice %arg5[%dma_start3A_147, %dma_start3A_154] : memref<125x80xi32, #tpu.memory_space<vmem>> -> memref<1x80xi32, #tpu.memory_space<vmem>>
    %dma_start3A_156 = tpu.memref_squeeze %dma_start3A_155 : memref<1x80xi32, #tpu.memory_space<vmem>> -> memref<80xi32, #tpu.memory_space<vmem>>
    %dma_start3A_157 = arith.constant 0 : i32
    %dma_start3A_158 = arith.constant 0 : i32
    %dma_start3A_159 = tpu.memref_slice %arg2[%dma_start3A_157, %dma_start3A_158] : memref<10000x16xf32, #tpu.memory_space<hbm>> -> memref<10000x16xf32, #tpu.memory_space<hbm>>
    %dma_start3A_160 = tpu.memref_slice %arg10[%dma_start3A_149] : memref<12x!tpu.dma_semaphore, #tpu.memory_space<semaphore_mem>> -> memref<1x!tpu.dma_semaphore, #tpu.memory_space<semaphore_mem>>
    %dma_start3A_161 = tpu.memref_squeeze %dma_start3A_160 : memref<1x!tpu.dma_semaphore, #tpu.memory_space<semaphore_mem>> -> memref<!tpu.dma_semaphore, #tpu.memory_space<semaphore_mem>>
    tpu.enqueue_indirect_dma source(%dma_start3A_159 : memref<10000x16xf32, #tpu.memory_space<hbm>>) target(%dma_start3A_153 : memref<80x16xf32, #tpu.memory_space<vmem>>) offsets(%dma_start3A_156 : memref<80xi32, #tpu.memory_space<vmem>>) semaphore(%dma_start3A_161 : memref<!tpu.dma_semaphore, #tpu.memory_space<semaphore_mem>>)
    %dma_start3A_162 = arith.constant 5 : i32
    %dma_start3A_163 = arith.constant 5 : i32
    %dma_start3A_164 = arith.constant 5 : i32
    %dma_start3A_165 = arith.constant 0 : i32
    %dma_start3A_166 = arith.constant 0 : i32
    %dma_start3A_167 = tpu.memref_slice %arg7[%dma_start3A_163, %dma_start3A_165, %dma_start3A_166] : memref<12x80x16xf32, #tpu.memory_space<vmem>> -> memref<1x80x16xf32, #tpu.memory_space<vmem>>
    %dma_start3A_168 = tpu.memref_squeeze %dma_start3A_167 : memref<1x80x16xf32, #tpu.memory_space<vmem>> -> memref<80x16xf32, #tpu.memory_space<vmem>>
    %dma_start3A_169 = arith.constant 0 : i32
    %dma_start3A_170 = tpu.memref_slice %arg5[%dma_start3A_162, %dma_start3A_169] : memref<125x80xi32, #tpu.memory_space<vmem>> -> memref<1x80xi32, #tpu.memory_space<vmem>>
    %dma_start3A_171 = tpu.memref_squeeze %dma_start3A_170 : memref<1x80xi32, #tpu.memory_space<vmem>> -> memref<80xi32, #tpu.memory_space<vmem>>
    %dma_start3A_172 = arith.constant 0 : i32
    %dma_start3A_173 = arith.constant 0 : i32
    %dma_start3A_174 = tpu.memref_slice %arg2[%dma_start3A_172, %dma_start3A_173] : memref<10000x16xf32, #tpu.memory_space<hbm>> -> memref<10000x16xf32, #tpu.memory_space<hbm>>
    %dma_start3A_175 = tpu.memref_slice %arg10[%dma_start3A_164] : memref<12x!tpu.dma_semaphore, #tpu.memory_space<semaphore_mem>> -> memref<1x!tpu.dma_semaphore, #tpu.memory_space<semaphore_mem>>
    %dma_start3A_176 = tpu.memref_squeeze %dma_start3A_175 : memref<1x!tpu.dma_semaphore, #tpu.memory_space<semaphore_mem>> -> memref<!tpu.dma_semaphore, #tpu.memory_space<semaphore_mem>>
    tpu.enqueue_indirect_dma source(%dma_start3A_174 : memref<10000x16xf32, #tpu.memory_space<hbm>>) target(%dma_start3A_168 : memref<80x16xf32, #tpu.memory_space<vmem>>) offsets(%dma_start3A_171 : memref<80xi32, #tpu.memory_space<vmem>>) semaphore(%dma_start3A_176 : memref<!tpu.dma_semaphore, #tpu.memory_space<semaphore_mem>>)
    %dma_start3A_177 = arith.constant 6 : i32
    %dma_start3A_178 = arith.constant 6 : i32
    %dma_start3A_179 = arith.constant 6 : i32
    %dma_start3A_180 = arith.constant 0 : i32
    %dma_start3A_181 = arith.constant 0 : i32
    %dma_start3A_182 = tpu.memref_slice %arg7[%dma_start3A_178, %dma_start3A_180, %dma_start3A_181] : memref<12x80x16xf32, #tpu.memory_space<vmem>> -> memref<1x80x16xf32, #tpu.memory_space<vmem>>
    %dma_start3A_183 = tpu.memref_squeeze %dma_start3A_182 : memref<1x80x16xf32, #tpu.memory_space<vmem>> -> memref<80x16xf32, #tpu.memory_space<vmem>>
    %dma_start3A_184 = arith.constant 0 : i32
    %dma_start3A_185 = tpu.memref_slice %arg5[%dma_start3A_177, %dma_start3A_184] : memref<125x80xi32, #tpu.memory_space<vmem>> -> memref<1x80xi32, #tpu.memory_space<vmem>>
    %dma_start3A_186 = tpu.memref_squeeze %dma_start3A_185 : memref<1x80xi32, #tpu.memory_space<vmem>> -> memref<80xi32, #tpu.memory_space<vmem>>
    %dma_start3A_187 = arith.constant 0 : i32
    %dma_start3A_188 = arith.constant 0 : i32
    %dma_start3A_189 = tpu.memref_slice %arg2[%dma_start3A_187, %dma_start3A_188] : memref<10000x16xf32, #tpu.memory_space<hbm>> -> memref<10000x16xf32, #tpu.memory_space<hbm>>
    %dma_start3A_190 = tpu.memref_slice %arg10[%dma_start3A_179] : memref<12x!tpu.dma_semaphore, #tpu.memory_space<semaphore_mem>> -> memref<1x!tpu.dma_semaphore, #tpu.memory_space<semaphore_mem>>
    %dma_start3A_191 = tpu.memref_squeeze %dma_start3A_190 : memref<1x!tpu.dma_semaphore, #tpu.memory_space<semaphore_mem>> -> memref<!tpu.dma_semaphore, #tpu.memory_space<semaphore_mem>>
    tpu.enqueue_indirect_dma source(%dma_start3A_189 : memref<10000x16xf32, #tpu.memory_space<hbm>>) target(%dma_start3A_183 : memref<80x16xf32, #tpu.memory_space<vmem>>) offsets(%dma_start3A_186 : memref<80xi32, #tpu.memory_space<vmem>>) semaphore(%dma_start3A_191 : memref<!tpu.dma_semaphore, #tpu.memory_space<semaphore_mem>>)
    %dma_start3A_192 = arith.constant 7 : i32
    %dma_start3A_193 = arith.constant 7 : i32
    %dma_start3A_194 = arith.constant 7 : i32
    %dma_start3A_195 = arith.constant 0 : i32
    %dma_start3A_196 = arith.constant 0 : i32
    %dma_start3A_197 = tpu.memref_slice %arg7[%dma_start3A_193, %dma_start3A_195, %dma_start3A_196] : memref<12x80x16xf32, #tpu.memory_space<vmem>> -> memref<1x80x16xf32, #tpu.memory_space<vmem>>
    %dma_start3A_198 = tpu.memref_squeeze %dma_start3A_197 : memref<1x80x16xf32, #tpu.memory_space<vmem>> -> memref<80x16xf32, #tpu.memory_space<vmem>>
    %dma_start3A_199 = arith.constant 0 : i32
    %dma_start3A_200 = tpu.memref_slice %arg5[%dma_start3A_192, %dma_start3A_199] : memref<125x80xi32, #tpu.memory_space<vmem>> -> memref<1x80xi32, #tpu.memory_space<vmem>>
    %dma_start3A_201 = tpu.memref_squeeze %dma_start3A_200 : memref<1x80xi32, #tpu.memory_space<vmem>> -> memref<80xi32, #tpu.memory_space<vmem>>
    %dma_start3A_202 = arith.constant 0 : i32
    %dma_start3A_203 = arith.constant 0 : i32
    %dma_start3A_204 = tpu.memref_slice %arg2[%dma_start3A_202, %dma_start3A_203] : memref<10000x16xf32, #tpu.memory_space<hbm>> -> memref<10000x16xf32, #tpu.memory_space<hbm>>
    %dma_start3A_205 = tpu.memref_slice %arg10[%dma_start3A_194] : memref<12x!tpu.dma_semaphore, #tpu.memory_space<semaphore_mem>> -> memref<1x!tpu.dma_semaphore, #tpu.memory_space<semaphore_mem>>
    %dma_start3A_206 = tpu.memref_squeeze %dma_start3A_205 : memref<1x!tpu.dma_semaphore, #tpu.memory_space<semaphore_mem>> -> memref<!tpu.dma_semaphore, #tpu.memory_space<semaphore_mem>>
    tpu.enqueue_indirect_dma source(%dma_start3A_204 : memref<10000x16xf32, #tpu.memory_space<hbm>>) target(%dma_start3A_198 : memref<80x16xf32, #tpu.memory_space<vmem>>) offsets(%dma_start3A_201 : memref<80xi32, #tpu.memory_space<vmem>>) semaphore(%dma_start3A_206 : memref<!tpu.dma_semaphore, #tpu.memory_space<semaphore_mem>>)
    %dma_wait3A_207 = arith.constant 0 : i32
    %dma_wait3A_208 = tpu.memref_slice %arg9[%mul3A_82, %dma_wait3A_207] : memref<10240x16xf32, #tpu.memory_space<vmem_shared>> -> memref<640x16xf32, #tpu.memory_space<vmem_shared>>
    %dma_wait3A_209 = arith.constant 0 : i32
    %dma_wait3A_210 = tpu.memref_slice %arg9[%mul3A_82, %dma_wait3A_209] : memref<10240x16xf32, #tpu.memory_space<vmem_shared>> -> memref<640x16xf32, #tpu.memory_space<vmem_shared>>
    tpu.wait_dma2 semaphore(%arg12 : memref<!tpu.dma_semaphore, #tpu.memory_space<semaphore_mem>>) src(%arg8 : memref<640x16xf32, #tpu.memory_space<vmem>>) dst(%dma_wait3A_210 : memref<640x16xf32, #tpu.memory_space<vmem_shared>>)
    %barrier3A = arith.constant 0 : index
    tpu.barrier barrier_id(%barrier3A)
    %scan3A_211 = arith.constant 0 : i32
    %scan3A_212 = arith.constant 0 : i32
    %scan3A_213 = arith.constant 4 : i32
    %scan3A_214 = arith.addi %scan3A_212, %scan3A_213 : i32
    %scan3A_215 = arith.constant 1 : i32
    %scan3A_216 = scf.for %scan3A_453 = %scan3A_212 to %scan3A_214 step %scan3A_215 iter_args(%scan3A_454 = %scan3A_211) -> (i32)  : i32 {
      %rem3A = arith.constant 12 : i32
      %rem3A_455 = arith.remsi %scan3A_453, %rem3A : i32
      %dma_wait3A_456 = arith.constant 0 : i32
      %dma_wait3A_457 = arith.constant 0 : i32
      %dma_wait3A_458 = tpu.memref_slice %arg7[%rem3A_455, %dma_wait3A_456, %dma_wait3A_457] : memref<12x80x16xf32, #tpu.memory_space<vmem>> -> memref<1x80x16xf32, #tpu.memory_space<vmem>>
      %dma_wait3A_459 = tpu.memref_squeeze %dma_wait3A_458 : memref<1x80x16xf32, #tpu.memory_space<vmem>> -> memref<80x16xf32, #tpu.memory_space<vmem>>
      %dma_wait3A_460 = arith.constant 0 : i32
      %dma_wait3A_461 = arith.constant 0 : i32
      %dma_wait3A_462 = tpu.memref_slice %arg2[%dma_wait3A_460, %dma_wait3A_461] : memref<10000x16xf32, #tpu.memory_space<hbm>> -> memref<80x16xf32, #tpu.memory_space<hbm>>
      %dma_wait3A_463 = tpu.memref_slice %arg10[%rem3A_455] : memref<12x!tpu.dma_semaphore, #tpu.memory_space<semaphore_mem>> -> memref<1x!tpu.dma_semaphore, #tpu.memory_space<semaphore_mem>>
      %dma_wait3A_464 = tpu.memref_squeeze %dma_wait3A_463 : memref<1x!tpu.dma_semaphore, #tpu.memory_space<semaphore_mem>> -> memref<!tpu.dma_semaphore, #tpu.memory_space<semaphore_mem>>
      %dma_wait3A_465 = arith.constant 0 : i32
      %dma_wait3A_466 = arith.constant 0 : i32
      %dma_wait3A_467 = tpu.memref_slice %arg7[%rem3A_455, %dma_wait3A_465, %dma_wait3A_466] : memref<12x80x16xf32, #tpu.memory_space<vmem>> -> memref<1x80x16xf32, #tpu.memory_space<vmem>>
      %dma_wait3A_468 = tpu.memref_squeeze %dma_wait3A_467 : memref<1x80x16xf32, #tpu.memory_space<vmem>> -> memref<80x16xf32, #tpu.memory_space<vmem>>
      %dma_wait3A_469 = arith.constant 0 : i32
      %dma_wait3A_470 = arith.constant 0 : i32
      %dma_wait3A_471 = tpu.memref_slice %arg2[%dma_wait3A_469, %dma_wait3A_470] : memref<10000x16xf32, #tpu.memory_space<hbm>> -> memref<80x16xf32, #tpu.memory_space<hbm>>
      tpu.wait_dma2 semaphore(%dma_wait3A_464 : memref<!tpu.dma_semaphore, #tpu.memory_space<semaphore_mem>>) src(%dma_wait3A_471 : memref<80x16xf32, #tpu.memory_space<hbm>>) dst(%dma_wait3A_468 : memref<80x16xf32, #tpu.memory_space<vmem>>)
      %dma_start3A_472 = arith.constant 0 : i32
      %dma_start3A_473 = arith.constant 0 : i32
      %dma_start3A_474 = tpu.memref_slice %arg7[%rem3A_455, %dma_start3A_472, %dma_start3A_473] : memref<12x80x16xf32, #tpu.memory_space<vmem>> -> memref<1x80x16xf32, #tpu.memory_space<vmem>>
      %dma_start3A_475 = tpu.memref_squeeze %dma_start3A_474 : memref<1x80x16xf32, #tpu.memory_space<vmem>> -> memref<80x16xf32, #tpu.memory_space<vmem>>
      %dma_start3A_476 = arith.constant 0 : i32
      %dma_start3A_477 = tpu.memref_slice %arg6[%scan3A_453, %dma_start3A_476] : memref<125x80xi32, #tpu.memory_space<vmem>> -> memref<1x80xi32, #tpu.memory_space<vmem>>
      %dma_start3A_478 = tpu.memref_squeeze %dma_start3A_477 : memref<1x80xi32, #tpu.memory_space<vmem>> -> memref<80xi32, #tpu.memory_space<vmem>>
      %dma_start3A_479 = arith.constant 0 : i32
      %dma_start3A_480 = arith.constant 0 : i32
      %dma_start3A_481 = tpu.memref_slice %arg9[%dma_start3A_479, %dma_start3A_480] : memref<10240x16xf32, #tpu.memory_space<vmem_shared>> -> memref<10240x16xf32, #tpu.memory_space<vmem_shared>>
      %dma_start3A_482 = tpu.memref_slice %arg11[%rem3A_455] : memref<12x!tpu.dma_semaphore, #tpu.memory_space<semaphore_mem>> -> memref<1x!tpu.dma_semaphore, #tpu.memory_space<semaphore_mem>>
      %dma_start3A_483 = tpu.memref_squeeze %dma_start3A_482 : memref<1x!tpu.dma_semaphore, #tpu.memory_space<semaphore_mem>> -> memref<!tpu.dma_semaphore, #tpu.memory_space<semaphore_mem>>
      tpu.enqueue_indirect_dma source(%dma_start3A_475 : memref<80x16xf32, #tpu.memory_space<vmem>>) target(%dma_start3A_481 : memref<10240x16xf32, #tpu.memory_space<vmem_shared>>) offsets(%dma_start3A_478 : memref<80xi32, #tpu.memory_space<vmem>>) semaphore(%dma_start3A_483 : memref<!tpu.dma_semaphore, #tpu.memory_space<semaphore_mem>>) {add = true}
      %add3A_484 = arith.constant 8 : i32
      %add3A_485 = arith.addi %scan3A_453, %add3A_484 : i32
      %rem3A_486 = arith.constant 12 : i32
      %rem3A_487 = arith.remsi %add3A_485, %rem3A_486 : i32
      %dma_start3A_488 = arith.constant 0 : i32
      %dma_start3A_489 = arith.constant 0 : i32
      %dma_start3A_490 = tpu.memref_slice %arg7[%rem3A_487, %dma_start3A_488, %dma_start3A_489] : memref<12x80x16xf32, #tpu.memory_space<vmem>> -> memref<1x80x16xf32, #tpu.memory_space<vmem>>
      %dma_start3A_491 = tpu.memref_squeeze %dma_start3A_490 : memref<1x80x16xf32, #tpu.memory_space<vmem>> -> memref<80x16xf32, #tpu.memory_space<vmem>>
      %dma_start3A_492 = arith.constant 0 : i32
      %dma_start3A_493 = tpu.memref_slice %arg5[%add3A_485, %dma_start3A_492] : memref<125x80xi32, #tpu.memory_space<vmem>> -> memref<1x80xi32, #tpu.memory_space<vmem>>
      %dma_start3A_494 = tpu.memref_squeeze %dma_start3A_493 : memref<1x80xi32, #tpu.memory_space<vmem>> -> memref<80xi32, #tpu.memory_space<vmem>>
      %dma_start3A_495 = arith.constant 0 : i32
      %dma_start3A_496 = arith.constant 0 : i32
      %dma_start3A_497 = tpu.memref_slice %arg2[%dma_start3A_495, %dma_start3A_496] : memref<10000x16xf32, #tpu.memory_space<hbm>> -> memref<10000x16xf32, #tpu.memory_space<hbm>>
      %dma_start3A_498 = tpu.memref_slice %arg10[%rem3A_487] : memref<12x!tpu.dma_semaphore, #tpu.memory_space<semaphore_mem>> -> memref<1x!tpu.dma_semaphore, #tpu.memory_space<semaphore_mem>>
      %dma_start3A_499 = tpu.memref_squeeze %dma_start3A_498 : memref<1x!tpu.dma_semaphore, #tpu.memory_space<semaphore_mem>> -> memref<!tpu.dma_semaphore, #tpu.memory_space<semaphore_mem>>
      tpu.enqueue_indirect_dma source(%dma_start3A_497 : memref<10000x16xf32, #tpu.memory_space<hbm>>) target(%dma_start3A_491 : memref<80x16xf32, #tpu.memory_space<vmem>>) offsets(%dma_start3A_494 : memref<80xi32, #tpu.memory_space<vmem>>) semaphore(%dma_start3A_499 : memref<!tpu.dma_semaphore, #tpu.memory_space<semaphore_mem>>)
      %scan3A_500 = arith.constant 0 : i32
      scf.yield %scan3A_500 : i32
    }
    %scan3A_217 = arith.constant 4 : i32
    %scan3A_218 = arith.constant 0 : i32
    %scan3A_219 = arith.constant 4 : i32
    %scan3A_220 = arith.constant 113 : i32
    %scan3A_221 = arith.addi %scan3A_219, %scan3A_220 : i32
    %scan3A_222 = arith.constant 1 : i32
    %scan3A_223 = scf.for %scan3A_453 = %scan3A_219 to %scan3A_221 step %scan3A_222 iter_args(%scan3A_454 = %scan3A_218) -> (i32)  : i32 {
      %rem3A = arith.constant 12 : i32
      %rem3A_455 = arith.remsi %scan3A_453, %rem3A : i32
      %dma_wait3A_456 = arith.constant 0 : i32
      %dma_wait3A_457 = arith.constant 0 : i32
      %dma_wait3A_458 = tpu.memref_slice %arg7[%rem3A_455, %dma_wait3A_456, %dma_wait3A_457] : memref<12x80x16xf32, #tpu.memory_space<vmem>> -> memref<1x80x16xf32, #tpu.memory_space<vmem>>
      %dma_wait3A_459 = tpu.memref_squeeze %dma_wait3A_458 : memref<1x80x16xf32, #tpu.memory_space<vmem>> -> memref<80x16xf32, #tpu.memory_space<vmem>>
      %dma_wait3A_460 = arith.constant 0 : i32
      %dma_wait3A_461 = arith.constant 0 : i32
      %dma_wait3A_462 = tpu.memref_slice %arg2[%dma_wait3A_460, %dma_wait3A_461] : memref<10000x16xf32, #tpu.memory_space<hbm>> -> memref<80x16xf32, #tpu.memory_space<hbm>>
      %dma_wait3A_463 = tpu.memref_slice %arg10[%rem3A_455] : memref<12x!tpu.dma_semaphore, #tpu.memory_space<semaphore_mem>> -> memref<1x!tpu.dma_semaphore, #tpu.memory_space<semaphore_mem>>
      %dma_wait3A_464 = tpu.memref_squeeze %dma_wait3A_463 : memref<1x!tpu.dma_semaphore, #tpu.memory_space<semaphore_mem>> -> memref<!tpu.dma_semaphore, #tpu.memory_space<semaphore_mem>>
      %dma_wait3A_465 = arith.constant 0 : i32
      %dma_wait3A_466 = arith.constant 0 : i32
      %dma_wait3A_467 = tpu.memref_slice %arg7[%rem3A_455, %dma_wait3A_465, %dma_wait3A_466] : memref<12x80x16xf32, #tpu.memory_space<vmem>> -> memref<1x80x16xf32, #tpu.memory_space<vmem>>
      %dma_wait3A_468 = tpu.memref_squeeze %dma_wait3A_467 : memref<1x80x16xf32, #tpu.memory_space<vmem>> -> memref<80x16xf32, #tpu.memory_space<vmem>>
      %dma_wait3A_469 = arith.constant 0 : i32
      %dma_wait3A_470 = arith.constant 0 : i32
      %dma_wait3A_471 = tpu.memref_slice %arg2[%dma_wait3A_469, %dma_wait3A_470] : memref<10000x16xf32, #tpu.memory_space<hbm>> -> memref<80x16xf32, #tpu.memory_space<hbm>>
      tpu.wait_dma2 semaphore(%dma_wait3A_464 : memref<!tpu.dma_semaphore, #tpu.memory_space<semaphore_mem>>) src(%dma_wait3A_471 : memref<80x16xf32, #tpu.memory_space<hbm>>) dst(%dma_wait3A_468 : memref<80x16xf32, #tpu.memory_space<vmem>>)
      %dma_start3A_472 = arith.constant 0 : i32
      %dma_start3A_473 = arith.constant 0 : i32
      %dma_start3A_474 = tpu.memref_slice %arg7[%rem3A_455, %dma_start3A_472, %dma_start3A_473] : memref<12x80x16xf32, #tpu.memory_space<vmem>> -> memref<1x80x16xf32, #tpu.memory_space<vmem>>
      %dma_start3A_475 = tpu.memref_squeeze %dma_start3A_474 : memref<1x80x16xf32, #tpu.memory_space<vmem>> -> memref<80x16xf32, #tpu.memory_space<vmem>>
      %dma_start3A_476 = arith.constant 0 : i32
      %dma_start3A_477 = tpu.memref_slice %arg6[%scan3A_453, %dma_start3A_476] : memref<125x80xi32, #tpu.memory_space<vmem>> -> memref<1x80xi32, #tpu.memory_space<vmem>>
      %dma_start3A_478 = tpu.memref_squeeze %dma_start3A_477 : memref<1x80xi32, #tpu.memory_space<vmem>> -> memref<80xi32, #tpu.memory_space<vmem>>
      %dma_start3A_479 = arith.constant 0 : i32
      %dma_start3A_480 = arith.constant 0 : i32
      %dma_start3A_481 = tpu.memref_slice %arg9[%dma_start3A_479, %dma_start3A_480] : memref<10240x16xf32, #tpu.memory_space<vmem_shared>> -> memref<10240x16xf32, #tpu.memory_space<vmem_shared>>
      %dma_start3A_482 = tpu.memref_slice %arg11[%rem3A_455] : memref<12x!tpu.dma_semaphore, #tpu.memory_space<semaphore_mem>> -> memref<1x!tpu.dma_semaphore, #tpu.memory_space<semaphore_mem>>
      %dma_start3A_483 = tpu.memref_squeeze %dma_start3A_482 : memref<1x!tpu.dma_semaphore, #tpu.memory_space<semaphore_mem>> -> memref<!tpu.dma_semaphore, #tpu.memory_space<semaphore_mem>>
      tpu.enqueue_indirect_dma source(%dma_start3A_475 : memref<80x16xf32, #tpu.memory_space<vmem>>) target(%dma_start3A_481 : memref<10240x16xf32, #tpu.memory_space<vmem_shared>>) offsets(%dma_start3A_478 : memref<80xi32, #tpu.memory_space<vmem>>) semaphore(%dma_start3A_483 : memref<!tpu.dma_semaphore, #tpu.memory_space<semaphore_mem>>) {add = true}
      %add3A_484 = arith.constant 8 : i32
      %add3A_485 = arith.addi %scan3A_453, %add3A_484 : i32
      %rem3A_486 = arith.constant 12 : i32
      %rem3A_487 = arith.remsi %add3A_485, %rem3A_486 : i32
      %dma_wait3A_488 = arith.constant 0 : i32
      %dma_wait3A_489 = arith.constant 0 : i32
      %dma_wait3A_490 = tpu.memref_slice %arg7[%rem3A_487, %dma_wait3A_488, %dma_wait3A_489] : memref<12x80x16xf32, #tpu.memory_space<vmem>> -> memref<1x80x16xf32, #tpu.memory_space<vmem>>
      %dma_wait3A_491 = tpu.memref_squeeze %dma_wait3A_490 : memref<1x80x16xf32, #tpu.memory_space<vmem>> -> memref<80x16xf32, #tpu.memory_space<vmem>>
      %dma_wait3A_492 = arith.constant 0 : i32
      %dma_wait3A_493 = arith.constant 0 : i32
      %dma_wait3A_494 = tpu.memref_slice %arg2[%dma_wait3A_492, %dma_wait3A_493] : memref<10000x16xf32, #tpu.memory_space<hbm>> -> memref<80x16xf32, #tpu.memory_space<hbm>>
      %dma_wait3A_495 = tpu.memref_slice %arg11[%rem3A_487] : memref<12x!tpu.dma_semaphore, #tpu.memory_space<semaphore_mem>> -> memref<1x!tpu.dma_semaphore, #tpu.memory_space<semaphore_mem>>
      %dma_wait3A_496 = tpu.memref_squeeze %dma_wait3A_495 : memref<1x!tpu.dma_semaphore, #tpu.memory_space<semaphore_mem>> -> memref<!tpu.dma_semaphore, #tpu.memory_space<semaphore_mem>>
      %dma_wait3A_497 = arith.constant 0 : i32
      %dma_wait3A_498 = arith.constant 0 : i32
      %dma_wait3A_499 = tpu.memref_slice %arg7[%rem3A_487, %dma_wait3A_497, %dma_wait3A_498] : memref<12x80x16xf32, #tpu.memory_space<vmem>> -> memref<1x80x16xf32, #tpu.memory_space<vmem>>
      %dma_wait3A_500 = tpu.memref_squeeze %dma_wait3A_499 : memref<1x80x16xf32, #tpu.memory_space<vmem>> -> memref<80x16xf32, #tpu.memory_space<vmem>>
      %dma_wait3A_501 = arith.constant 0 : i32
      %dma_wait3A_502 = arith.constant 0 : i32
      %dma_wait3A_503 = tpu.memref_slice %arg2[%dma_wait3A_501, %dma_wait3A_502] : memref<10000x16xf32, #tpu.memory_space<hbm>> -> memref<80x16xf32, #tpu.memory_space<hbm>>
      tpu.wait_dma2 semaphore(%dma_wait3A_496 : memref<!tpu.dma_semaphore, #tpu.memory_space<semaphore_mem>>) src(%dma_wait3A_503 : memref<80x16xf32, #tpu.memory_space<hbm>>) dst(%dma_wait3A_500 : memref<80x16xf32, #tpu.memory_space<vmem>>)
      %dma_start3A_504 = arith.constant 0 : i32
      %dma_start3A_505 = arith.constant 0 : i32
      %dma_start3A_506 = tpu.memref_slice %arg7[%rem3A_487, %dma_start3A_504, %dma_start3A_505] : memref<12x80x16xf32, #tpu.memory_space<vmem>> -> memref<1x80x16xf32, #tpu.memory_space<vmem>>
      %dma_start3A_507 = tpu.memref_squeeze %dma_start3A_506 : memref<1x80x16xf32, #tpu.memory_space<vmem>> -> memref<80x16xf32, #tpu.memory_space<vmem>>
      %dma_start3A_508 = arith.constant 0 : i32
      %dma_start3A_509 = tpu.memref_slice %arg5[%add3A_485, %dma_start3A_508] : memref<125x80xi32, #tpu.memory_space<vmem>> -> memref<1x80xi32, #tpu.memory_space<vmem>>
      %dma_start3A_510 = tpu.memref_squeeze %dma_start3A_509 : memref<1x80xi32, #tpu.memory_space<vmem>> -> memref<80xi32, #tpu.memory_space<vmem>>
      %dma_start3A_511 = arith.constant 0 : i32
      %dma_start3A_512 = arith.constant 0 : i32
      %dma_start3A_513 = tpu.memref_slice %arg2[%dma_start3A_511, %dma_start3A_512] : memref<10000x16xf32, #tpu.memory_space<hbm>> -> memref<10000x16xf32, #tpu.memory_space<hbm>>
      %dma_start3A_514 = tpu.memref_slice %arg10[%rem3A_487] : memref<12x!tpu.dma_semaphore, #tpu.memory_space<semaphore_mem>> -> memref<1x!tpu.dma_semaphore, #tpu.memory_space<semaphore_mem>>
      %dma_start3A_515 = tpu.memref_squeeze %dma_start3A_514 : memref<1x!tpu.dma_semaphore, #tpu.memory_space<semaphore_mem>> -> memref<!tpu.dma_semaphore, #tpu.memory_space<semaphore_mem>>
      tpu.enqueue_indirect_dma source(%dma_start3A_513 : memref<10000x16xf32, #tpu.memory_space<hbm>>) target(%dma_start3A_507 : memref<80x16xf32, #tpu.memory_space<vmem>>) offsets(%dma_start3A_510 : memref<80xi32, #tpu.memory_space<vmem>>) semaphore(%dma_start3A_515 : memref<!tpu.dma_semaphore, #tpu.memory_space<semaphore_mem>>)
      %scan3A_516 = arith.constant 0 : i32
      scf.yield %scan3A_516 : i32
    }
    %scan3A_224 = arith.constant 113 : i32
    %scan3A_225 = arith.constant 0 : i32
    %scan3A_226 = arith.constant 117 : i32
    %scan3A_227 = arith.constant 8 : i32
    %scan3A_228 = arith.addi %scan3A_226, %scan3A_227 : i32
    %scan3A_229 = arith.constant 1 : i32
    %scan3A_230 = scf.for %scan3A_453 = %scan3A_226 to %scan3A_228 step %scan3A_229 iter_args(%scan3A_454 = %scan3A_225) -> (i32)  : i32 {
      %rem3A = arith.constant 12 : i32
      %rem3A_455 = arith.remsi %scan3A_453, %rem3A : i32
      %dma_wait3A_456 = arith.constant 0 : i32
      %dma_wait3A_457 = arith.constant 0 : i32
      %dma_wait3A_458 = tpu.memref_slice %arg7[%rem3A_455, %dma_wait3A_456, %dma_wait3A_457] : memref<12x80x16xf32, #tpu.memory_space<vmem>> -> memref<1x80x16xf32, #tpu.memory_space<vmem>>
      %dma_wait3A_459 = tpu.memref_squeeze %dma_wait3A_458 : memref<1x80x16xf32, #tpu.memory_space<vmem>> -> memref<80x16xf32, #tpu.memory_space<vmem>>
      %dma_wait3A_460 = arith.constant 0 : i32
      %dma_wait3A_461 = arith.constant 0 : i32
      %dma_wait3A_462 = tpu.memref_slice %arg2[%dma_wait3A_460, %dma_wait3A_461] : memref<10000x16xf32, #tpu.memory_space<hbm>> -> memref<80x16xf32, #tpu.memory_space<hbm>>
      %dma_wait3A_463 = tpu.memref_slice %arg10[%rem3A_455] : memref<12x!tpu.dma_semaphore, #tpu.memory_space<semaphore_mem>> -> memref<1x!tpu.dma_semaphore, #tpu.memory_space<semaphore_mem>>
      %dma_wait3A_464 = tpu.memref_squeeze %dma_wait3A_463 : memref<1x!tpu.dma_semaphore, #tpu.memory_space<semaphore_mem>> -> memref<!tpu.dma_semaphore, #tpu.memory_space<semaphore_mem>>
      %dma_wait3A_465 = arith.constant 0 : i32
      %dma_wait3A_466 = arith.constant 0 : i32
      %dma_wait3A_467 = tpu.memref_slice %arg7[%rem3A_455, %dma_wait3A_465, %dma_wait3A_466] : memref<12x80x16xf32, #tpu.memory_space<vmem>> -> memref<1x80x16xf32, #tpu.memory_space<vmem>>
      %dma_wait3A_468 = tpu.memref_squeeze %dma_wait3A_467 : memref<1x80x16xf32, #tpu.memory_space<vmem>> -> memref<80x16xf32, #tpu.memory_space<vmem>>
      %dma_wait3A_469 = arith.constant 0 : i32
      %dma_wait3A_470 = arith.constant 0 : i32
      %dma_wait3A_471 = tpu.memref_slice %arg2[%dma_wait3A_469, %dma_wait3A_470] : memref<10000x16xf32, #tpu.memory_space<hbm>> -> memref<80x16xf32, #tpu.memory_space<hbm>>
      tpu.wait_dma2 semaphore(%dma_wait3A_464 : memref<!tpu.dma_semaphore, #tpu.memory_space<semaphore_mem>>) src(%dma_wait3A_471 : memref<80x16xf32, #tpu.memory_space<hbm>>) dst(%dma_wait3A_468 : memref<80x16xf32, #tpu.memory_space<vmem>>)
      %dma_start3A_472 = arith.constant 0 : i32
      %dma_start3A_473 = arith.constant 0 : i32
      %dma_start3A_474 = tpu.memref_slice %arg7[%rem3A_455, %dma_start3A_472, %dma_start3A_473] : memref<12x80x16xf32, #tpu.memory_space<vmem>> -> memref<1x80x16xf32, #tpu.memory_space<vmem>>
      %dma_start3A_475 = tpu.memref_squeeze %dma_start3A_474 : memref<1x80x16xf32, #tpu.memory_space<vmem>> -> memref<80x16xf32, #tpu.memory_space<vmem>>
      %dma_start3A_476 = arith.constant 0 : i32
      %dma_start3A_477 = tpu.memref_slice %arg6[%scan3A_453, %dma_start3A_476] : memref<125x80xi32, #tpu.memory_space<vmem>> -> memref<1x80xi32, #tpu.memory_space<vmem>>
      %dma_start3A_478 = tpu.memref_squeeze %dma_start3A_477 : memref<1x80xi32, #tpu.memory_space<vmem>> -> memref<80xi32, #tpu.memory_space<vmem>>
      %dma_start3A_479 = arith.constant 0 : i32
      %dma_start3A_480 = arith.constant 0 : i32
      %dma_start3A_481 = tpu.memref_slice %arg9[%dma_start3A_479, %dma_start3A_480] : memref<10240x16xf32, #tpu.memory_space<vmem_shared>> -> memref<10240x16xf32, #tpu.memory_space<vmem_shared>>
      %dma_start3A_482 = tpu.memref_slice %arg11[%rem3A_455] : memref<12x!tpu.dma_semaphore, #tpu.memory_space<semaphore_mem>> -> memref<1x!tpu.dma_semaphore, #tpu.memory_space<semaphore_mem>>
      %dma_start3A_483 = tpu.memref_squeeze %dma_start3A_482 : memref<1x!tpu.dma_semaphore, #tpu.memory_space<semaphore_mem>> -> memref<!tpu.dma_semaphore, #tpu.memory_space<semaphore_mem>>
      tpu.enqueue_indirect_dma source(%dma_start3A_475 : memref<80x16xf32, #tpu.memory_space<vmem>>) target(%dma_start3A_481 : memref<10240x16xf32, #tpu.memory_space<vmem_shared>>) offsets(%dma_start3A_478 : memref<80xi32, #tpu.memory_space<vmem>>) semaphore(%dma_start3A_483 : memref<!tpu.dma_semaphore, #tpu.memory_space<semaphore_mem>>) {add = true}
      %scan3A_484 = arith.constant 0 : i32
      scf.yield %scan3A_484 : i32
    }
    %scan3A_231 = arith.constant 8 : i32
    %dma_wait3A_232 = arith.constant 5 : i32
    %dma_wait3A_233 = arith.constant 5 : i32
    %dma_wait3A_234 = arith.constant 0 : i32
    %dma_wait3A_235 = arith.constant 0 : i32
    %dma_wait3A_236 = tpu.memref_slice %arg7[%dma_wait3A_232, %dma_wait3A_234, %dma_wait3A_235] : memref<12x80x16xf32, #tpu.memory_space<vmem>> -> memref<1x80x16xf32, #tpu.memory_space<vmem>>
    %dma_wait3A_237 = tpu.memref_squeeze %dma_wait3A_236 : memref<1x80x16xf32, #tpu.memory_space<vmem>> -> memref<80x16xf32, #tpu.memory_space<vmem>>
    %dma_wait3A_238 = arith.constant 0 : i32
    %dma_wait3A_239 = arith.constant 0 : i32
    %dma_wait3A_240 = tpu.memref_slice %arg2[%dma_wait3A_238, %dma_wait3A_239] : memref<10000x16xf32, #tpu.memory_space<hbm>> -> memref<80x16xf32, #tpu.memory_space<hbm>>
    %dma_wait3A_241 = tpu.memref_slice %arg11[%dma_wait3A_233] : memref<12x!tpu.dma_semaphore, #tpu.memory_space<semaphore_mem>> -> memref<1x!tpu.dma_semaphore, #tpu.memory_space<semaphore_mem>>
    %dma_wait3A_242 = tpu.memref_squeeze %dma_wait3A_241 : memref<1x!tpu.dma_semaphore, #tpu.memory_space<semaphore_mem>> -> memref<!tpu.dma_semaphore, #tpu.memory_space<semaphore_mem>>
    %dma_wait3A_243 = arith.constant 0 : i32
    %dma_wait3A_244 = arith.constant 0 : i32
    %dma_wait3A_245 = tpu.memref_slice %arg7[%dma_wait3A_232, %dma_wait3A_243, %dma_wait3A_244] : memref<12x80x16xf32, #tpu.memory_space<vmem>> -> memref<1x80x16xf32, #tpu.memory_space<vmem>>
    %dma_wait3A_246 = tpu.memref_squeeze %dma_wait3A_245 : memref<1x80x16xf32, #tpu.memory_space<vmem>> -> memref<80x16xf32, #tpu.memory_space<vmem>>
    %dma_wait3A_247 = arith.constant 0 : i32
    %dma_wait3A_248 = arith.constant 0 : i32
    %dma_wait3A_249 = tpu.memref_slice %arg2[%dma_wait3A_247, %dma_wait3A_248] : memref<10000x16xf32, #tpu.memory_space<hbm>> -> memref<80x16xf32, #tpu.memory_space<hbm>>
    tpu.wait_dma2 semaphore(%dma_wait3A_242 : memref<!tpu.dma_semaphore, #tpu.memory_space<semaphore_mem>>) src(%dma_wait3A_249 : memref<80x16xf32, #tpu.memory_space<hbm>>) dst(%dma_wait3A_246 : memref<80x16xf32, #tpu.memory_space<vmem>>)
    %dma_wait3A_250 = arith.constant 6 : i32
    %dma_wait3A_251 = arith.constant 6 : i32
    %dma_wait3A_252 = arith.constant 0 : i32
    %dma_wait3A_253 = arith.constant 0 : i32
    %dma_wait3A_254 = tpu.memref_slice %arg7[%dma_wait3A_250, %dma_wait3A_252, %dma_wait3A_253] : memref<12x80x16xf32, #tpu.memory_space<vmem>> -> memref<1x80x16xf32, #tpu.memory_space<vmem>>
    %dma_wait3A_255 = tpu.memref_squeeze %dma_wait3A_254 : memref<1x80x16xf32, #tpu.memory_space<vmem>> -> memref<80x16xf32, #tpu.memory_space<vmem>>
    %dma_wait3A_256 = arith.constant 0 : i32
    %dma_wait3A_257 = arith.constant 0 : i32
    %dma_wait3A_258 = tpu.memref_slice %arg2[%dma_wait3A_256, %dma_wait3A_257] : memref<10000x16xf32, #tpu.memory_space<hbm>> -> memref<80x16xf32, #tpu.memory_space<hbm>>
    %dma_wait3A_259 = tpu.memref_slice %arg11[%dma_wait3A_251] : memref<12x!tpu.dma_semaphore, #tpu.memory_space<semaphore_mem>> -> memref<1x!tpu.dma_semaphore, #tpu.memory_space<semaphore_mem>>
    %dma_wait3A_260 = tpu.memref_squeeze %dma_wait3A_259 : memref<1x!tpu.dma_semaphore, #tpu.memory_space<semaphore_mem>> -> memref<!tpu.dma_semaphore, #tpu.memory_space<semaphore_mem>>
    %dma_wait3A_261 = arith.constant 0 : i32
    %dma_wait3A_262 = arith.constant 0 : i32
    %dma_wait3A_263 = tpu.memref_slice %arg7[%dma_wait3A_250, %dma_wait3A_261, %dma_wait3A_262] : memref<12x80x16xf32, #tpu.memory_space<vmem>> -> memref<1x80x16xf32, #tpu.memory_space<vmem>>
    %dma_wait3A_264 = tpu.memref_squeeze %dma_wait3A_263 : memref<1x80x16xf32, #tpu.memory_space<vmem>> -> memref<80x16xf32, #tpu.memory_space<vmem>>
    %dma_wait3A_265 = arith.constant 0 : i32
    %dma_wait3A_266 = arith.constant 0 : i32
    %dma_wait3A_267 = tpu.memref_slice %arg2[%dma_wait3A_265, %dma_wait3A_266] : memref<10000x16xf32, #tpu.memory_space<hbm>> -> memref<80x16xf32, #tpu.memory_space<hbm>>
    tpu.wait_dma2 semaphore(%dma_wait3A_260 : memref<!tpu.dma_semaphore, #tpu.memory_space<semaphore_mem>>) src(%dma_wait3A_267 : memref<80x16xf32, #tpu.memory_space<hbm>>) dst(%dma_wait3A_264 : memref<80x16xf32, #tpu.memory_space<vmem>>)
    %dma_wait3A_268 = arith.constant 7 : i32
    %dma_wait3A_269 = arith.constant 7 : i32
    %dma_wait3A_270 = arith.constant 0 : i32
    %dma_wait3A_271 = arith.constant 0 : i32
    %dma_wait3A_272 = tpu.memref_slice %arg7[%dma_wait3A_268, %dma_wait3A_270, %dma_wait3A_271] : memref<12x80x16xf32, #tpu.memory_space<vmem>> -> memref<1x80x16xf32, #tpu.memory_space<vmem>>
    %dma_wait3A_273 = tpu.memref_squeeze %dma_wait3A_272 : memref<1x80x16xf32, #tpu.memory_space<vmem>> -> memref<80x16xf32, #tpu.memory_space<vmem>>
    %dma_wait3A_274 = arith.constant 0 : i32
    %dma_wait3A_275 = arith.constant 0 : i32
    %dma_wait3A_276 = tpu.memref_slice %arg2[%dma_wait3A_274, %dma_wait3A_275] : memref<10000x16xf32, #tpu.memory_space<hbm>> -> memref<80x16xf32, #tpu.memory_space<hbm>>
    %dma_wait3A_277 = tpu.memref_slice %arg11[%dma_wait3A_269] : memref<12x!tpu.dma_semaphore, #tpu.memory_space<semaphore_mem>> -> memref<1x!tpu.dma_semaphore, #tpu.memory_space<semaphore_mem>>
    %dma_wait3A_278 = tpu.memref_squeeze %dma_wait3A_277 : memref<1x!tpu.dma_semaphore, #tpu.memory_space<semaphore_mem>> -> memref<!tpu.dma_semaphore, #tpu.memory_space<semaphore_mem>>
    %dma_wait3A_279 = arith.constant 0 : i32
    %dma_wait3A_280 = arith.constant 0 : i32
    %dma_wait3A_281 = tpu.memref_slice %arg7[%dma_wait3A_268, %dma_wait3A_279, %dma_wait3A_280] : memref<12x80x16xf32, #tpu.memory_space<vmem>> -> memref<1x80x16xf32, #tpu.memory_space<vmem>>
    %dma_wait3A_282 = tpu.memref_squeeze %dma_wait3A_281 : memref<1x80x16xf32, #tpu.memory_space<vmem>> -> memref<80x16xf32, #tpu.memory_space<vmem>>
    %dma_wait3A_283 = arith.constant 0 : i32
    %dma_wait3A_284 = arith.constant 0 : i32
    %dma_wait3A_285 = tpu.memref_slice %arg2[%dma_wait3A_283, %dma_wait3A_284] : memref<10000x16xf32, #tpu.memory_space<hbm>> -> memref<80x16xf32, #tpu.memory_space<hbm>>
    tpu.wait_dma2 semaphore(%dma_wait3A_278 : memref<!tpu.dma_semaphore, #tpu.memory_space<semaphore_mem>>) src(%dma_wait3A_285 : memref<80x16xf32, #tpu.memory_space<hbm>>) dst(%dma_wait3A_282 : memref<80x16xf32, #tpu.memory_space<vmem>>)
    %dma_wait3A_286 = arith.constant 8 : i32
    %dma_wait3A_287 = arith.constant 8 : i32
    %dma_wait3A_288 = arith.constant 0 : i32
    %dma_wait3A_289 = arith.constant 0 : i32
    %dma_wait3A_290 = tpu.memref_slice %arg7[%dma_wait3A_286, %dma_wait3A_288, %dma_wait3A_289] : memref<12x80x16xf32, #tpu.memory_space<vmem>> -> memref<1x80x16xf32, #tpu.memory_space<vmem>>
    %dma_wait3A_291 = tpu.memref_squeeze %dma_wait3A_290 : memref<1x80x16xf32, #tpu.memory_space<vmem>> -> memref<80x16xf32, #tpu.memory_space<vmem>>
    %dma_wait3A_292 = arith.constant 0 : i32
    %dma_wait3A_293 = arith.constant 0 : i32
    %dma_wait3A_294 = tpu.memref_slice %arg2[%dma_wait3A_292, %dma_wait3A_293] : memref<10000x16xf32, #tpu.memory_space<hbm>> -> memref<80x16xf32, #tpu.memory_space<hbm>>
    %dma_wait3A_295 = tpu.memref_slice %arg11[%dma_wait3A_287] : memref<12x!tpu.dma_semaphore, #tpu.memory_space<semaphore_mem>> -> memref<1x!tpu.dma_semaphore, #tpu.memory_space<semaphore_mem>>
    %dma_wait3A_296 = tpu.memref_squeeze %dma_wait3A_295 : memref<1x!tpu.dma_semaphore, #tpu.memory_space<semaphore_mem>> -> memref<!tpu.dma_semaphore, #tpu.memory_space<semaphore_mem>>
    %dma_wait3A_297 = arith.constant 0 : i32
    %dma_wait3A_298 = arith.constant 0 : i32
    %dma_wait3A_299 = tpu.memref_slice %arg7[%dma_wait3A_286, %dma_wait3A_297, %dma_wait3A_298] : memref<12x80x16xf32, #tpu.memory_space<vmem>> -> memref<1x80x16xf32, #tpu.memory_space<vmem>>
    %dma_wait3A_300 = tpu.memref_squeeze %dma_wait3A_299 : memref<1x80x16xf32, #tpu.memory_space<vmem>> -> memref<80x16xf32, #tpu.memory_space<vmem>>
    %dma_wait3A_301 = arith.constant 0 : i32
    %dma_wait3A_302 = arith.constant 0 : i32
    %dma_wait3A_303 = tpu.memref_slice %arg2[%dma_wait3A_301, %dma_wait3A_302] : memref<10000x16xf32, #tpu.memory_space<hbm>> -> memref<80x16xf32, #tpu.memory_space<hbm>>
    tpu.wait_dma2 semaphore(%dma_wait3A_296 : memref<!tpu.dma_semaphore, #tpu.memory_space<semaphore_mem>>) src(%dma_wait3A_303 : memref<80x16xf32, #tpu.memory_space<hbm>>) dst(%dma_wait3A_300 : memref<80x16xf32, #tpu.memory_space<vmem>>)
    %dma_wait3A_304 = arith.constant 9 : i32
    %dma_wait3A_305 = arith.constant 9 : i32
    %dma_wait3A_306 = arith.constant 0 : i32
    %dma_wait3A_307 = arith.constant 0 : i32
    %dma_wait3A_308 = tpu.memref_slice %arg7[%dma_wait3A_304, %dma_wait3A_306, %dma_wait3A_307] : memref<12x80x16xf32, #tpu.memory_space<vmem>> -> memref<1x80x16xf32, #tpu.memory_space<vmem>>
    %dma_wait3A_309 = tpu.memref_squeeze %dma_wait3A_308 : memref<1x80x16xf32, #tpu.memory_space<vmem>> -> memref<80x16xf32, #tpu.memory_space<vmem>>
    %dma_wait3A_310 = arith.constant 0 : i32
    %dma_wait3A_311 = arith.constant 0 : i32
    %dma_wait3A_312 = tpu.memref_slice %arg2[%dma_wait3A_310, %dma_wait3A_311] : memref<10000x16xf32, #tpu.memory_space<hbm>> -> memref<80x16xf32, #tpu.memory_space<hbm>>
    %dma_wait3A_313 = tpu.memref_slice %arg11[%dma_wait3A_305] : memref<12x!tpu.dma_semaphore, #tpu.memory_space<semaphore_mem>> -> memref<1x!tpu.dma_semaphore, #tpu.memory_space<semaphore_mem>>
    %dma_wait3A_314 = tpu.memref_squeeze %dma_wait3A_313 : memref<1x!tpu.dma_semaphore, #tpu.memory_space<semaphore_mem>> -> memref<!tpu.dma_semaphore, #tpu.memory_space<semaphore_mem>>
    %dma_wait3A_315 = arith.constant 0 : i32
    %dma_wait3A_316 = arith.constant 0 : i32
    %dma_wait3A_317 = tpu.memref_slice %arg7[%dma_wait3A_304, %dma_wait3A_315, %dma_wait3A_316] : memref<12x80x16xf32, #tpu.memory_space<vmem>> -> memref<1x80x16xf32, #tpu.memory_space<vmem>>
    %dma_wait3A_318 = tpu.memref_squeeze %dma_wait3A_317 : memref<1x80x16xf32, #tpu.memory_space<vmem>> -> memref<80x16xf32, #tpu.memory_space<vmem>>
    %dma_wait3A_319 = arith.constant 0 : i32
    %dma_wait3A_320 = arith.constant 0 : i32
    %dma_wait3A_321 = tpu.memref_slice %arg2[%dma_wait3A_319, %dma_wait3A_320] : memref<10000x16xf32, #tpu.memory_space<hbm>> -> memref<80x16xf32, #tpu.memory_space<hbm>>
    tpu.wait_dma2 semaphore(%dma_wait3A_314 : memref<!tpu.dma_semaphore, #tpu.memory_space<semaphore_mem>>) src(%dma_wait3A_321 : memref<80x16xf32, #tpu.memory_space<hbm>>) dst(%dma_wait3A_318 : memref<80x16xf32, #tpu.memory_space<vmem>>)
    %dma_wait3A_322 = arith.constant 10 : i32
    %dma_wait3A_323 = arith.constant 10 : i32
    %dma_wait3A_324 = arith.constant 0 : i32
    %dma_wait3A_325 = arith.constant 0 : i32
    %dma_wait3A_326 = tpu.memref_slice %arg7[%dma_wait3A_322, %dma_wait3A_324, %dma_wait3A_325] : memref<12x80x16xf32, #tpu.memory_space<vmem>> -> memref<1x80x16xf32, #tpu.memory_space<vmem>>
    %dma_wait3A_327 = tpu.memref_squeeze %dma_wait3A_326 : memref<1x80x16xf32, #tpu.memory_space<vmem>> -> memref<80x16xf32, #tpu.memory_space<vmem>>
    %dma_wait3A_328 = arith.constant 0 : i32
    %dma_wait3A_329 = arith.constant 0 : i32
    %dma_wait3A_330 = tpu.memref_slice %arg2[%dma_wait3A_328, %dma_wait3A_329] : memref<10000x16xf32, #tpu.memory_space<hbm>> -> memref<80x16xf32, #tpu.memory_space<hbm>>
    %dma_wait3A_331 = tpu.memref_slice %arg11[%dma_wait3A_323] : memref<12x!tpu.dma_semaphore, #tpu.memory_space<semaphore_mem>> -> memref<1x!tpu.dma_semaphore, #tpu.memory_space<semaphore_mem>>
    %dma_wait3A_332 = tpu.memref_squeeze %dma_wait3A_331 : memref<1x!tpu.dma_semaphore, #tpu.memory_space<semaphore_mem>> -> memref<!tpu.dma_semaphore, #tpu.memory_space<semaphore_mem>>
    %dma_wait3A_333 = arith.constant 0 : i32
    %dma_wait3A_334 = arith.constant 0 : i32
    %dma_wait3A_335 = tpu.memref_slice %arg7[%dma_wait3A_322, %dma_wait3A_333, %dma_wait3A_334] : memref<12x80x16xf32, #tpu.memory_space<vmem>> -> memref<1x80x16xf32, #tpu.memory_space<vmem>>
    %dma_wait3A_336 = tpu.memref_squeeze %dma_wait3A_335 : memref<1x80x16xf32, #tpu.memory_space<vmem>> -> memref<80x16xf32, #tpu.memory_space<vmem>>
    %dma_wait3A_337 = arith.constant 0 : i32
    %dma_wait3A_338 = arith.constant 0 : i32
    %dma_wait3A_339 = tpu.memref_slice %arg2[%dma_wait3A_337, %dma_wait3A_338] : memref<10000x16xf32, #tpu.memory_space<hbm>> -> memref<80x16xf32, #tpu.memory_space<hbm>>
    tpu.wait_dma2 semaphore(%dma_wait3A_332 : memref<!tpu.dma_semaphore, #tpu.memory_space<semaphore_mem>>) src(%dma_wait3A_339 : memref<80x16xf32, #tpu.memory_space<hbm>>) dst(%dma_wait3A_336 : memref<80x16xf32, #tpu.memory_space<vmem>>)
    %dma_wait3A_340 = arith.constant 11 : i32
    %dma_wait3A_341 = arith.constant 11 : i32
    %dma_wait3A_342 = arith.constant 0 : i32
    %dma_wait3A_343 = arith.constant 0 : i32
    %dma_wait3A_344 = tpu.memref_slice %arg7[%dma_wait3A_340, %dma_wait3A_342, %dma_wait3A_343] : memref<12x80x16xf32, #tpu.memory_space<vmem>> -> memref<1x80x16xf32, #tpu.memory_space<vmem>>
    %dma_wait3A_345 = tpu.memref_squeeze %dma_wait3A_344 : memref<1x80x16xf32, #tpu.memory_space<vmem>> -> memref<80x16xf32, #tpu.memory_space<vmem>>
    %dma_wait3A_346 = arith.constant 0 : i32
    %dma_wait3A_347 = arith.constant 0 : i32
    %dma_wait3A_348 = tpu.memref_slice %arg2[%dma_wait3A_346, %dma_wait3A_347] : memref<10000x16xf32, #tpu.memory_space<hbm>> -> memref<80x16xf32, #tpu.memory_space<hbm>>
    %dma_wait3A_349 = tpu.memref_slice %arg11[%dma_wait3A_341] : memref<12x!tpu.dma_semaphore, #tpu.memory_space<semaphore_mem>> -> memref<1x!tpu.dma_semaphore, #tpu.memory_space<semaphore_mem>>
    %dma_wait3A_350 = tpu.memref_squeeze %dma_wait3A_349 : memref<1x!tpu.dma_semaphore, #tpu.memory_space<semaphore_mem>> -> memref<!tpu.dma_semaphore, #tpu.memory_space<semaphore_mem>>
    %dma_wait3A_351 = arith.constant 0 : i32
    %dma_wait3A_352 = arith.constant 0 : i32
    %dma_wait3A_353 = tpu.memref_slice %arg7[%dma_wait3A_340, %dma_wait3A_351, %dma_wait3A_352] : memref<12x80x16xf32, #tpu.memory_space<vmem>> -> memref<1x80x16xf32, #tpu.memory_space<vmem>>
    %dma_wait3A_354 = tpu.memref_squeeze %dma_wait3A_353 : memref<1x80x16xf32, #tpu.memory_space<vmem>> -> memref<80x16xf32, #tpu.memory_space<vmem>>
    %dma_wait3A_355 = arith.constant 0 : i32
    %dma_wait3A_356 = arith.constant 0 : i32
    %dma_wait3A_357 = tpu.memref_slice %arg2[%dma_wait3A_355, %dma_wait3A_356] : memref<10000x16xf32, #tpu.memory_space<hbm>> -> memref<80x16xf32, #tpu.memory_space<hbm>>
    tpu.wait_dma2 semaphore(%dma_wait3A_350 : memref<!tpu.dma_semaphore, #tpu.memory_space<semaphore_mem>>) src(%dma_wait3A_357 : memref<80x16xf32, #tpu.memory_space<hbm>>) dst(%dma_wait3A_354 : memref<80x16xf32, #tpu.memory_space<vmem>>)
    %dma_wait3A_358 = arith.constant 0 : i32
    %dma_wait3A_359 = arith.constant 0 : i32
    %dma_wait3A_360 = arith.constant 0 : i32
    %dma_wait3A_361 = arith.constant 0 : i32
    %dma_wait3A_362 = tpu.memref_slice %arg7[%dma_wait3A_358, %dma_wait3A_360, %dma_wait3A_361] : memref<12x80x16xf32, #tpu.memory_space<vmem>> -> memref<1x80x16xf32, #tpu.memory_space<vmem>>
    %dma_wait3A_363 = tpu.memref_squeeze %dma_wait3A_362 : memref<1x80x16xf32, #tpu.memory_space<vmem>> -> memref<80x16xf32, #tpu.memory_space<vmem>>
    %dma_wait3A_364 = arith.constant 0 : i32
    %dma_wait3A_365 = arith.constant 0 : i32
    %dma_wait3A_366 = tpu.memref_slice %arg2[%dma_wait3A_364, %dma_wait3A_365] : memref<10000x16xf32, #tpu.memory_space<hbm>> -> memref<80x16xf32, #tpu.memory_space<hbm>>
    %dma_wait3A_367 = tpu.memref_slice %arg11[%dma_wait3A_359] : memref<12x!tpu.dma_semaphore, #tpu.memory_space<semaphore_mem>> -> memref<1x!tpu.dma_semaphore, #tpu.memory_space<semaphore_mem>>
    %dma_wait3A_368 = tpu.memref_squeeze %dma_wait3A_367 : memref<1x!tpu.dma_semaphore, #tpu.memory_space<semaphore_mem>> -> memref<!tpu.dma_semaphore, #tpu.memory_space<semaphore_mem>>
    %dma_wait3A_369 = arith.constant 0 : i32
    %dma_wait3A_370 = arith.constant 0 : i32
    %dma_wait3A_371 = tpu.memref_slice %arg7[%dma_wait3A_358, %dma_wait3A_369, %dma_wait3A_370] : memref<12x80x16xf32, #tpu.memory_space<vmem>> -> memref<1x80x16xf32, #tpu.memory_space<vmem>>
    %dma_wait3A_372 = tpu.memref_squeeze %dma_wait3A_371 : memref<1x80x16xf32, #tpu.memory_space<vmem>> -> memref<80x16xf32, #tpu.memory_space<vmem>>
    %dma_wait3A_373 = arith.constant 0 : i32
    %dma_wait3A_374 = arith.constant 0 : i32
    %dma_wait3A_375 = tpu.memref_slice %arg2[%dma_wait3A_373, %dma_wait3A_374] : memref<10000x16xf32, #tpu.memory_space<hbm>> -> memref<80x16xf32, #tpu.memory_space<hbm>>
    tpu.wait_dma2 semaphore(%dma_wait3A_368 : memref<!tpu.dma_semaphore, #tpu.memory_space<semaphore_mem>>) src(%dma_wait3A_375 : memref<80x16xf32, #tpu.memory_space<hbm>>) dst(%dma_wait3A_372 : memref<80x16xf32, #tpu.memory_space<vmem>>)
    %dma_wait3A_376 = arith.constant 1 : i32
    %dma_wait3A_377 = arith.constant 1 : i32
    %dma_wait3A_378 = arith.constant 0 : i32
    %dma_wait3A_379 = arith.constant 0 : i32
    %dma_wait3A_380 = tpu.memref_slice %arg7[%dma_wait3A_376, %dma_wait3A_378, %dma_wait3A_379] : memref<12x80x16xf32, #tpu.memory_space<vmem>> -> memref<1x80x16xf32, #tpu.memory_space<vmem>>
    %dma_wait3A_381 = tpu.memref_squeeze %dma_wait3A_380 : memref<1x80x16xf32, #tpu.memory_space<vmem>> -> memref<80x16xf32, #tpu.memory_space<vmem>>
    %dma_wait3A_382 = arith.constant 0 : i32
    %dma_wait3A_383 = arith.constant 0 : i32
    %dma_wait3A_384 = tpu.memref_slice %arg2[%dma_wait3A_382, %dma_wait3A_383] : memref<10000x16xf32, #tpu.memory_space<hbm>> -> memref<80x16xf32, #tpu.memory_space<hbm>>
    %dma_wait3A_385 = tpu.memref_slice %arg11[%dma_wait3A_377] : memref<12x!tpu.dma_semaphore, #tpu.memory_space<semaphore_mem>> -> memref<1x!tpu.dma_semaphore, #tpu.memory_space<semaphore_mem>>
    %dma_wait3A_386 = tpu.memref_squeeze %dma_wait3A_385 : memref<1x!tpu.dma_semaphore, #tpu.memory_space<semaphore_mem>> -> memref<!tpu.dma_semaphore, #tpu.memory_space<semaphore_mem>>
    %dma_wait3A_387 = arith.constant 0 : i32
    %dma_wait3A_388 = arith.constant 0 : i32
    %dma_wait3A_389 = tpu.memref_slice %arg7[%dma_wait3A_376, %dma_wait3A_387, %dma_wait3A_388] : memref<12x80x16xf32, #tpu.memory_space<vmem>> -> memref<1x80x16xf32, #tpu.memory_space<vmem>>
    %dma_wait3A_390 = tpu.memref_squeeze %dma_wait3A_389 : memref<1x80x16xf32, #tpu.memory_space<vmem>> -> memref<80x16xf32, #tpu.memory_space<vmem>>
    %dma_wait3A_391 = arith.constant 0 : i32
    %dma_wait3A_392 = arith.constant 0 : i32
    %dma_wait3A_393 = tpu.memref_slice %arg2[%dma_wait3A_391, %dma_wait3A_392] : memref<10000x16xf32, #tpu.memory_space<hbm>> -> memref<80x16xf32, #tpu.memory_space<hbm>>
    tpu.wait_dma2 semaphore(%dma_wait3A_386 : memref<!tpu.dma_semaphore, #tpu.memory_space<semaphore_mem>>) src(%dma_wait3A_393 : memref<80x16xf32, #tpu.memory_space<hbm>>) dst(%dma_wait3A_390 : memref<80x16xf32, #tpu.memory_space<vmem>>)
    %dma_wait3A_394 = arith.constant 2 : i32
    %dma_wait3A_395 = arith.constant 2 : i32
    %dma_wait3A_396 = arith.constant 0 : i32
    %dma_wait3A_397 = arith.constant 0 : i32
    %dma_wait3A_398 = tpu.memref_slice %arg7[%dma_wait3A_394, %dma_wait3A_396, %dma_wait3A_397] : memref<12x80x16xf32, #tpu.memory_space<vmem>> -> memref<1x80x16xf32, #tpu.memory_space<vmem>>
    %dma_wait3A_399 = tpu.memref_squeeze %dma_wait3A_398 : memref<1x80x16xf32, #tpu.memory_space<vmem>> -> memref<80x16xf32, #tpu.memory_space<vmem>>
    %dma_wait3A_400 = arith.constant 0 : i32
    %dma_wait3A_401 = arith.constant 0 : i32
    %dma_wait3A_402 = tpu.memref_slice %arg2[%dma_wait3A_400, %dma_wait3A_401] : memref<10000x16xf32, #tpu.memory_space<hbm>> -> memref<80x16xf32, #tpu.memory_space<hbm>>
    %dma_wait3A_403 = tpu.memref_slice %arg11[%dma_wait3A_395] : memref<12x!tpu.dma_semaphore, #tpu.memory_space<semaphore_mem>> -> memref<1x!tpu.dma_semaphore, #tpu.memory_space<semaphore_mem>>
    %dma_wait3A_404 = tpu.memref_squeeze %dma_wait3A_403 : memref<1x!tpu.dma_semaphore, #tpu.memory_space<semaphore_mem>> -> memref<!tpu.dma_semaphore, #tpu.memory_space<semaphore_mem>>
    %dma_wait3A_405 = arith.constant 0 : i32
    %dma_wait3A_406 = arith.constant 0 : i32
    %dma_wait3A_407 = tpu.memref_slice %arg7[%dma_wait3A_394, %dma_wait3A_405, %dma_wait3A_406] : memref<12x80x16xf32, #tpu.memory_space<vmem>> -> memref<1x80x16xf32, #tpu.memory_space<vmem>>
    %dma_wait3A_408 = tpu.memref_squeeze %dma_wait3A_407 : memref<1x80x16xf32, #tpu.memory_space<vmem>> -> memref<80x16xf32, #tpu.memory_space<vmem>>
    %dma_wait3A_409 = arith.constant 0 : i32
    %dma_wait3A_410 = arith.constant 0 : i32
    %dma_wait3A_411 = tpu.memref_slice %arg2[%dma_wait3A_409, %dma_wait3A_410] : memref<10000x16xf32, #tpu.memory_space<hbm>> -> memref<80x16xf32, #tpu.memory_space<hbm>>
    tpu.wait_dma2 semaphore(%dma_wait3A_404 : memref<!tpu.dma_semaphore, #tpu.memory_space<semaphore_mem>>) src(%dma_wait3A_411 : memref<80x16xf32, #tpu.memory_space<hbm>>) dst(%dma_wait3A_408 : memref<80x16xf32, #tpu.memory_space<vmem>>)
    %dma_wait3A_412 = arith.constant 3 : i32
    %dma_wait3A_413 = arith.constant 3 : i32
    %dma_wait3A_414 = arith.constant 0 : i32
    %dma_wait3A_415 = arith.constant 0 : i32
    %dma_wait3A_416 = tpu.memref_slice %arg7[%dma_wait3A_412, %dma_wait3A_414, %dma_wait3A_415] : memref<12x80x16xf32, #tpu.memory_space<vmem>> -> memref<1x80x16xf32, #tpu.memory_space<vmem>>
    %dma_wait3A_417 = tpu.memref_squeeze %dma_wait3A_416 : memref<1x80x16xf32, #tpu.memory_space<vmem>> -> memref<80x16xf32, #tpu.memory_space<vmem>>
    %dma_wait3A_418 = arith.constant 0 : i32
    %dma_wait3A_419 = arith.constant 0 : i32
    %dma_wait3A_420 = tpu.memref_slice %arg2[%dma_wait3A_418, %dma_wait3A_419] : memref<10000x16xf32, #tpu.memory_space<hbm>> -> memref<80x16xf32, #tpu.memory_space<hbm>>
    %dma_wait3A_421 = tpu.memref_slice %arg11[%dma_wait3A_413] : memref<12x!tpu.dma_semaphore, #tpu.memory_space<semaphore_mem>> -> memref<1x!tpu.dma_semaphore, #tpu.memory_space<semaphore_mem>>
    %dma_wait3A_422 = tpu.memref_squeeze %dma_wait3A_421 : memref<1x!tpu.dma_semaphore, #tpu.memory_space<semaphore_mem>> -> memref<!tpu.dma_semaphore, #tpu.memory_space<semaphore_mem>>
    %dma_wait3A_423 = arith.constant 0 : i32
    %dma_wait3A_424 = arith.constant 0 : i32
    %dma_wait3A_425 = tpu.memref_slice %arg7[%dma_wait3A_412, %dma_wait3A_423, %dma_wait3A_424] : memref<12x80x16xf32, #tpu.memory_space<vmem>> -> memref<1x80x16xf32, #tpu.memory_space<vmem>>
    %dma_wait3A_426 = tpu.memref_squeeze %dma_wait3A_425 : memref<1x80x16xf32, #tpu.memory_space<vmem>> -> memref<80x16xf32, #tpu.memory_space<vmem>>
    %dma_wait3A_427 = arith.constant 0 : i32
    %dma_wait3A_428 = arith.constant 0 : i32
    %dma_wait3A_429 = tpu.memref_slice %arg2[%dma_wait3A_427, %dma_wait3A_428] : memref<10000x16xf32, #tpu.memory_space<hbm>> -> memref<80x16xf32, #tpu.memory_space<hbm>>
    tpu.wait_dma2 semaphore(%dma_wait3A_422 : memref<!tpu.dma_semaphore, #tpu.memory_space<semaphore_mem>>) src(%dma_wait3A_429 : memref<80x16xf32, #tpu.memory_space<hbm>>) dst(%dma_wait3A_426 : memref<80x16xf32, #tpu.memory_space<vmem>>)
    %dma_wait3A_430 = arith.constant 4 : i32
    %dma_wait3A_431 = arith.constant 4 : i32
    %dma_wait3A_432 = arith.constant 0 : i32
    %dma_wait3A_433 = arith.constant 0 : i32
    %dma_wait3A_434 = tpu.memref_slice %arg7[%dma_wait3A_430, %dma_wait3A_432, %dma_wait3A_433] : memref<12x80x16xf32, #tpu.memory_space<vmem>> -> memref<1x80x16xf32, #tpu.memory_space<vmem>>
    %dma_wait3A_435 = tpu.memref_squeeze %dma_wait3A_434 : memref<1x80x16xf32, #tpu.memory_space<vmem>> -> memref<80x16xf32, #tpu.memory_space<vmem>>
    %dma_wait3A_436 = arith.constant 0 : i32
    %dma_wait3A_437 = arith.constant 0 : i32
    %dma_wait3A_438 = tpu.memref_slice %arg2[%dma_wait3A_436, %dma_wait3A_437] : memref<10000x16xf32, #tpu.memory_space<hbm>> -> memref<80x16xf32, #tpu.memory_space<hbm>>
    %dma_wait3A_439 = tpu.memref_slice %arg11[%dma_wait3A_431] : memref<12x!tpu.dma_semaphore, #tpu.memory_space<semaphore_mem>> -> memref<1x!tpu.dma_semaphore, #tpu.memory_space<semaphore_mem>>
    %dma_wait3A_440 = tpu.memref_squeeze %dma_wait3A_439 : memref<1x!tpu.dma_semaphore, #tpu.memory_space<semaphore_mem>> -> memref<!tpu.dma_semaphore, #tpu.memory_space<semaphore_mem>>
    %dma_wait3A_441 = arith.constant 0 : i32
    %dma_wait3A_442 = arith.constant 0 : i32
    %dma_wait3A_443 = tpu.memref_slice %arg7[%dma_wait3A_430, %dma_wait3A_441, %dma_wait3A_442] : memref<12x80x16xf32, #tpu.memory_space<vmem>> -> memref<1x80x16xf32, #tpu.memory_space<vmem>>
    %dma_wait3A_444 = tpu.memref_squeeze %dma_wait3A_443 : memref<1x80x16xf32, #tpu.memory_space<vmem>> -> memref<80x16xf32, #tpu.memory_space<vmem>>
    %dma_wait3A_445 = arith.constant 0 : i32
    %dma_wait3A_446 = arith.constant 0 : i32
    %dma_wait3A_447 = tpu.memref_slice %arg2[%dma_wait3A_445, %dma_wait3A_446] : memref<10000x16xf32, #tpu.memory_space<hbm>> -> memref<80x16xf32, #tpu.memory_space<hbm>>
    tpu.wait_dma2 semaphore(%dma_wait3A_440 : memref<!tpu.dma_semaphore, #tpu.memory_space<semaphore_mem>>) src(%dma_wait3A_447 : memref<80x16xf32, #tpu.memory_space<hbm>>) dst(%dma_wait3A_444 : memref<80x16xf32, #tpu.memory_space<vmem>>)
    %barrier3A_448 = arith.constant 0 : index
    tpu.barrier barrier_id(%barrier3A_448)
    %mul3A_449 = arith.constant 640 : i32
    %mul3A_450 = arith.muli %arg1, %mul3A_449 : i32
    %mul3A_451 = arith.constant 640 : i32
    %mul3A_452 = arith.muli %add3A, %mul3A_451 : i32
    "tpu.region"() ({
      %run_scoped3A = tpu.sem_alloc : memref<!tpu.dma_semaphore, #tpu.memory_space<semaphore_mem>>
      %dma_start3A_453 = arith.constant 0 : i32
      %dma_start3A_454 = tpu.memref_slice %arg4[%mul3A_452, %dma_start3A_453] : memref<20480x16xf32, #tpu.memory_space<hbm>> -> memref<640x16xf32, #tpu.memory_space<hbm>>
      %dma_start3A_455 = arith.constant 0 : i32
      %dma_start3A_456 = tpu.memref_slice %arg9[%mul3A_450, %dma_start3A_455] : memref<10240x16xf32, #tpu.memory_space<vmem_shared>> -> memref<640x16xf32, #tpu.memory_space<vmem_shared>>
      tpu.enqueue_dma source(%dma_start3A_456 : memref<640x16xf32, #tpu.memory_space<vmem_shared>>) target(%dma_start3A_454 : memref<640x16xf32, #tpu.memory_space<hbm>>) target_semaphore(%run_scoped3A : memref<!tpu.dma_semaphore, #tpu.memory_space<semaphore_mem>>)
      %dma_wait3A_457 = arith.constant 0 : i32
      %dma_wait3A_458 = tpu.memref_slice %arg4[%mul3A_452, %dma_wait3A_457] : memref<20480x16xf32, #tpu.memory_space<hbm>> -> memref<640x16xf32, #tpu.memory_space<hbm>>
      %dma_wait3A_459 = arith.constant 0 : i32
      %dma_wait3A_460 = tpu.memref_slice %arg9[%mul3A_450, %dma_wait3A_459] : memref<10240x16xf32, #tpu.memory_space<vmem_shared>> -> memref<640x16xf32, #tpu.memory_space<vmem_shared>>
      tpu.wait_dma2 semaphore(%run_scoped3A : memref<!tpu.dma_semaphore, #tpu.memory_space<semaphore_mem>>) src(%dma_wait3A_460 : memref<640x16xf32, #tpu.memory_space<vmem_shared>>) dst(%dma_wait3A_458 : memref<640x16xf32, #tpu.memory_space<hbm>>)
      tpu.yield
    }) : () -> ()
    return
  }
}

module attributes {stable_mosaic.version = 14 : i64} {
  func.func @_tc1_body(%arg0: memref<2560x128xf32, #tpu.memory_space<vmem>>, %arg1: memref<1250x8x128xf32, #tpu.memory_space<vmem>>, %arg2: memref<128x16xf32, #tpu.memory_space<vmem>>, %arg3: memref<1250x128xf32, #tpu.memory_space<vmem>>, %arg4: memref<1250x128xf32, #tpu.memory_space<vmem>>) attributes {dimension_semantics = [], scalar_prefetch = 0 : i64, scratch_operands = 0 : i64, tpu.core_type = #tpu.core_type<tc>} {
    %get3A = arith.constant 0 : index
    %get3A_0 = arith.constant 0 : index
    %get3A_1 = vector.load %arg0[%get3A, %get3A_0] : memref<2560x128xf32, #tpu.memory_space<vmem>>, vector<1250x128xf32>
    %get3A_2 = arith.constant 1280 : index
    %get3A_3 = arith.constant 0 : index
    %get3A_4 = vector.load %arg0[%get3A_2, %get3A_3] : memref<2560x128xf32, #tpu.memory_space<vmem>>, vector<1250x128xf32>
    %add3A = arith.addf %get3A_1, %get3A_4 : vector<1250x128xf32>
    %add3A_5 = arith.constant 1.000000e+00 : f32
    %add3A_6 = vector.broadcast %add3A_5 : f32 to vector<1250x128xf32>
    %add3A_7 = arith.addf %add3A, %add3A_6 : vector<1250x128xf32>
    %rsqrt3A = math.rsqrt %add3A_7 : vector<1250x128xf32>
    %swap3A = arith.constant 0 : index
    %swap3A_8 = arith.constant 0 : index
    %swap3A_9 = vector.load %arg3[%swap3A, %swap3A_8] : memref<1250x128xf32, #tpu.memory_space<vmem>>, vector<1250x128xf32>
    tpu.vector_store %arg3[%swap3A, %swap3A_8], %rsqrt3A {strides = array<i32>} : memref<1250x128xf32, #tpu.memory_space<vmem>>, vector<1250x128xf32>,
    %get3A_10 = arith.constant 0 : index
    %get3A_11 = arith.constant 0 : index
    %get3A_12 = arith.constant 0 : index
    %get3A_13 = vector.load %arg1[%get3A_10, %get3A_11, %get3A_12] : memref<1250x8x128xf32, #tpu.memory_space<vmem>>, vector<1250x1x128xf32>
    %get3A_14 = vector.shape_cast %get3A_13 : vector<1250x1x128xf32> to vector<1250x128xf32>
    %get3A_15 = arith.constant 0 : index
    %get3A_16 = arith.constant 0 : index
    %get3A_17 = vector.load %arg2[%get3A_15, %get3A_16] : memref<128x16xf32, #tpu.memory_space<vmem>>, vector<128x16xf32>
    %dot_general3A = arith.constant dense<0.000000e+00> : vector<1250x16xf32>
    %dot_general3A_18 = tpu.matmul %get3A_14, %get3A_17, %dot_general3A {dimension_numbers = #tpu.dot_dimension_numbers<[1], [0], [0], [1], [0, 0, 1, 1], [], []>, transpose_lhs_hint = false} : vector<1250x128xf32>, vector<128x16xf32>, vector<1250x16xf32> -> vector<1250x16xf32>
    %slice3A = vector.extract_strided_slice %rsqrt3A {offsets = [0, 0], sizes = [1250, 16], strides = [1, 1]} : vector<1250x128xf32> to vector<1250x16xf32>
    %mul3A = arith.mulf %dot_general3A_18, %slice3A : vector<1250x16xf32>
    %swap3A_19 = arith.constant 0 : index
    %swap3A_20 = arith.constant 0 : index
    %swap3A_21 = vector.load %arg4[%swap3A_19, %swap3A_20] : memref<1250x128xf32, #tpu.memory_space<vmem>>, vector<1250x16xf32>
    tpu.vector_store %arg4[%swap3A_19, %swap3A_20], %mul3A {strides = array<i32>} : memref<1250x128xf32, #tpu.memory_space<vmem>>, vector<1250x16xf32>,
    %get3A_22 = arith.constant 0 : index
    %get3A_23 = arith.constant 1 : index
    %get3A_24 = arith.constant 0 : index
    %get3A_25 = vector.load %arg1[%get3A_22, %get3A_23, %get3A_24] : memref<1250x8x128xf32, #tpu.memory_space<vmem>>, vector<1250x1x128xf32>
    %get3A_26 = vector.shape_cast %get3A_25 : vector<1250x1x128xf32> to vector<1250x128xf32>
    %get3A_27 = arith.constant 0 : index
    %get3A_28 = arith.constant 0 : index
    %get3A_29 = vector.load %arg2[%get3A_27, %get3A_28] : memref<128x16xf32, #tpu.memory_space<vmem>>, vector<128x16xf32>
    %dot_general3A_30 = arith.constant dense<0.000000e+00> : vector<1250x16xf32>
    %dot_general3A_31 = tpu.matmul %get3A_26, %get3A_29, %dot_general3A_30 {dimension_numbers = #tpu.dot_dimension_numbers<[1], [0], [0], [1], [0, 0, 1, 1], [], []>, transpose_lhs_hint = false} : vector<1250x128xf32>, vector<128x16xf32>, vector<1250x16xf32> -> vector<1250x16xf32>
    %slice3A_32 = vector.extract_strided_slice %rsqrt3A {offsets = [0, 16], sizes = [1250, 16], strides = [1, 1]} : vector<1250x128xf32> to vector<1250x16xf32>
    %mul3A_33 = arith.mulf %dot_general3A_31, %slice3A_32 : vector<1250x16xf32>
    %swap3A_34 = arith.constant 0 : index
    %swap3A_35 = arith.constant 16 : index
    %swap3A_36 = vector.load %arg4[%swap3A_34, %swap3A_35] : memref<1250x128xf32, #tpu.memory_space<vmem>>, vector<1250x16xf32>
    tpu.vector_store %arg4[%swap3A_34, %swap3A_35], %mul3A_33 {strides = array<i32>} : memref<1250x128xf32, #tpu.memory_space<vmem>>, vector<1250x16xf32>,
    %get3A_37 = arith.constant 0 : index
    %get3A_38 = arith.constant 2 : index
    %get3A_39 = arith.constant 0 : index
    %get3A_40 = vector.load %arg1[%get3A_37, %get3A_38, %get3A_39] : memref<1250x8x128xf32, #tpu.memory_space<vmem>>, vector<1250x1x128xf32>
    %get3A_41 = vector.shape_cast %get3A_40 : vector<1250x1x128xf32> to vector<1250x128xf32>
    %get3A_42 = arith.constant 0 : index
    %get3A_43 = arith.constant 0 : index
    %get3A_44 = vector.load %arg2[%get3A_42, %get3A_43] : memref<128x16xf32, #tpu.memory_space<vmem>>, vector<128x16xf32>
    %dot_general3A_45 = arith.constant dense<0.000000e+00> : vector<1250x16xf32>
    %dot_general3A_46 = tpu.matmul %get3A_41, %get3A_44, %dot_general3A_45 {dimension_numbers = #tpu.dot_dimension_numbers<[1], [0], [0], [1], [0, 0, 1, 1], [], []>, transpose_lhs_hint = false} : vector<1250x128xf32>, vector<128x16xf32>, vector<1250x16xf32> -> vector<1250x16xf32>
    %slice3A_47 = vector.extract_strided_slice %rsqrt3A {offsets = [0, 32], sizes = [1250, 16], strides = [1, 1]} : vector<1250x128xf32> to vector<1250x16xf32>
    %mul3A_48 = arith.mulf %dot_general3A_46, %slice3A_47 : vector<1250x16xf32>
    %swap3A_49 = arith.constant 0 : index
    %swap3A_50 = arith.constant 32 : index
    %swap3A_51 = vector.load %arg4[%swap3A_49, %swap3A_50] : memref<1250x128xf32, #tpu.memory_space<vmem>>, vector<1250x16xf32>
    tpu.vector_store %arg4[%swap3A_49, %swap3A_50], %mul3A_48 {strides = array<i32>} : memref<1250x128xf32, #tpu.memory_space<vmem>>, vector<1250x16xf32>,
    %get3A_52 = arith.constant 0 : index
    %get3A_53 = arith.constant 3 : index
    %get3A_54 = arith.constant 0 : index
    %get3A_55 = vector.load %arg1[%get3A_52, %get3A_53, %get3A_54] : memref<1250x8x128xf32, #tpu.memory_space<vmem>>, vector<1250x1x128xf32>
    %get3A_56 = vector.shape_cast %get3A_55 : vector<1250x1x128xf32> to vector<1250x128xf32>
    %get3A_57 = arith.constant 0 : index
    %get3A_58 = arith.constant 0 : index
    %get3A_59 = vector.load %arg2[%get3A_57, %get3A_58] : memref<128x16xf32, #tpu.memory_space<vmem>>, vector<128x16xf32>
    %dot_general3A_60 = arith.constant dense<0.000000e+00> : vector<1250x16xf32>
    %dot_general3A_61 = tpu.matmul %get3A_56, %get3A_59, %dot_general3A_60 {dimension_numbers = #tpu.dot_dimension_numbers<[1], [0], [0], [1], [0, 0, 1, 1], [], []>, transpose_lhs_hint = false} : vector<1250x128xf32>, vector<128x16xf32>, vector<1250x16xf32> -> vector<1250x16xf32>
    %slice3A_62 = vector.extract_strided_slice %rsqrt3A {offsets = [0, 48], sizes = [1250, 16], strides = [1, 1]} : vector<1250x128xf32> to vector<1250x16xf32>
    %mul3A_63 = arith.mulf %dot_general3A_61, %slice3A_62 : vector<1250x16xf32>
    %swap3A_64 = arith.constant 0 : index
    %swap3A_65 = arith.constant 48 : index
    %swap3A_66 = vector.load %arg4[%swap3A_64, %swap3A_65] : memref<1250x128xf32, #tpu.memory_space<vmem>>, vector<1250x16xf32>
    tpu.vector_store %arg4[%swap3A_64, %swap3A_65], %mul3A_63 {strides = array<i32>} : memref<1250x128xf32, #tpu.memory_space<vmem>>, vector<1250x16xf32>,
    %get3A_67 = arith.constant 0 : index
    %get3A_68 = arith.constant 4 : index
    %get3A_69 = arith.constant 0 : index
    %get3A_70 = vector.load %arg1[%get3A_67, %get3A_68, %get3A_69] : memref<1250x8x128xf32, #tpu.memory_space<vmem>>, vector<1250x1x128xf32>
    %get3A_71 = vector.shape_cast %get3A_70 : vector<1250x1x128xf32> to vector<1250x128xf32>
    %get3A_72 = arith.constant 0 : index
    %get3A_73 = arith.constant 0 : index
    %get3A_74 = vector.load %arg2[%get3A_72, %get3A_73] : memref<128x16xf32, #tpu.memory_space<vmem>>, vector<128x16xf32>
    %dot_general3A_75 = arith.constant dense<0.000000e+00> : vector<1250x16xf32>
    %dot_general3A_76 = tpu.matmul %get3A_71, %get3A_74, %dot_general3A_75 {dimension_numbers = #tpu.dot_dimension_numbers<[1], [0], [0], [1], [0, 0, 1, 1], [], []>, transpose_lhs_hint = false} : vector<1250x128xf32>, vector<128x16xf32>, vector<1250x16xf32> -> vector<1250x16xf32>
    %slice3A_77 = vector.extract_strided_slice %rsqrt3A {offsets = [0, 64], sizes = [1250, 16], strides = [1, 1]} : vector<1250x128xf32> to vector<1250x16xf32>
    %mul3A_78 = arith.mulf %dot_general3A_76, %slice3A_77 : vector<1250x16xf32>
    %swap3A_79 = arith.constant 0 : index
    %swap3A_80 = arith.constant 64 : index
    %swap3A_81 = vector.load %arg4[%swap3A_79, %swap3A_80] : memref<1250x128xf32, #tpu.memory_space<vmem>>, vector<1250x16xf32>
    tpu.vector_store %arg4[%swap3A_79, %swap3A_80], %mul3A_78 {strides = array<i32>} : memref<1250x128xf32, #tpu.memory_space<vmem>>, vector<1250x16xf32>,
    %get3A_82 = arith.constant 0 : index
    %get3A_83 = arith.constant 5 : index
    %get3A_84 = arith.constant 0 : index
    %get3A_85 = vector.load %arg1[%get3A_82, %get3A_83, %get3A_84] : memref<1250x8x128xf32, #tpu.memory_space<vmem>>, vector<1250x1x128xf32>
    %get3A_86 = vector.shape_cast %get3A_85 : vector<1250x1x128xf32> to vector<1250x128xf32>
    %get3A_87 = arith.constant 0 : index
    %get3A_88 = arith.constant 0 : index
    %get3A_89 = vector.load %arg2[%get3A_87, %get3A_88] : memref<128x16xf32, #tpu.memory_space<vmem>>, vector<128x16xf32>
    %dot_general3A_90 = arith.constant dense<0.000000e+00> : vector<1250x16xf32>
    %dot_general3A_91 = tpu.matmul %get3A_86, %get3A_89, %dot_general3A_90 {dimension_numbers = #tpu.dot_dimension_numbers<[1], [0], [0], [1], [0, 0, 1, 1], [], []>, transpose_lhs_hint = false} : vector<1250x128xf32>, vector<128x16xf32>, vector<1250x16xf32> -> vector<1250x16xf32>
    %slice3A_92 = vector.extract_strided_slice %rsqrt3A {offsets = [0, 80], sizes = [1250, 16], strides = [1, 1]} : vector<1250x128xf32> to vector<1250x16xf32>
    %mul3A_93 = arith.mulf %dot_general3A_91, %slice3A_92 : vector<1250x16xf32>
    %swap3A_94 = arith.constant 0 : index
    %swap3A_95 = arith.constant 80 : index
    %swap3A_96 = vector.load %arg4[%swap3A_94, %swap3A_95] : memref<1250x128xf32, #tpu.memory_space<vmem>>, vector<1250x16xf32>
    tpu.vector_store %arg4[%swap3A_94, %swap3A_95], %mul3A_93 {strides = array<i32>} : memref<1250x128xf32, #tpu.memory_space<vmem>>, vector<1250x16xf32>,
    %get3A_97 = arith.constant 0 : index
    %get3A_98 = arith.constant 6 : index
    %get3A_99 = arith.constant 0 : index
    %get3A_100 = vector.load %arg1[%get3A_97, %get3A_98, %get3A_99] : memref<1250x8x128xf32, #tpu.memory_space<vmem>>, vector<1250x1x128xf32>
    %get3A_101 = vector.shape_cast %get3A_100 : vector<1250x1x128xf32> to vector<1250x128xf32>
    %get3A_102 = arith.constant 0 : index
    %get3A_103 = arith.constant 0 : index
    %get3A_104 = vector.load %arg2[%get3A_102, %get3A_103] : memref<128x16xf32, #tpu.memory_space<vmem>>, vector<128x16xf32>
    %dot_general3A_105 = arith.constant dense<0.000000e+00> : vector<1250x16xf32>
    %dot_general3A_106 = tpu.matmul %get3A_101, %get3A_104, %dot_general3A_105 {dimension_numbers = #tpu.dot_dimension_numbers<[1], [0], [0], [1], [0, 0, 1, 1], [], []>, transpose_lhs_hint = false} : vector<1250x128xf32>, vector<128x16xf32>, vector<1250x16xf32> -> vector<1250x16xf32>
    %slice3A_107 = vector.extract_strided_slice %rsqrt3A {offsets = [0, 96], sizes = [1250, 16], strides = [1, 1]} : vector<1250x128xf32> to vector<1250x16xf32>
    %mul3A_108 = arith.mulf %dot_general3A_106, %slice3A_107 : vector<1250x16xf32>
    %swap3A_109 = arith.constant 0 : index
    %swap3A_110 = arith.constant 96 : index
    %swap3A_111 = vector.load %arg4[%swap3A_109, %swap3A_110] : memref<1250x128xf32, #tpu.memory_space<vmem>>, vector<1250x16xf32>
    tpu.vector_store %arg4[%swap3A_109, %swap3A_110], %mul3A_108 {strides = array<i32>} : memref<1250x128xf32, #tpu.memory_space<vmem>>, vector<1250x16xf32>,
    %get3A_112 = arith.constant 0 : index
    %get3A_113 = arith.constant 7 : index
    %get3A_114 = arith.constant 0 : index
    %get3A_115 = vector.load %arg1[%get3A_112, %get3A_113, %get3A_114] : memref<1250x8x128xf32, #tpu.memory_space<vmem>>, vector<1250x1x128xf32>
    %get3A_116 = vector.shape_cast %get3A_115 : vector<1250x1x128xf32> to vector<1250x128xf32>
    %get3A_117 = arith.constant 0 : index
    %get3A_118 = arith.constant 0 : index
    %get3A_119 = vector.load %arg2[%get3A_117, %get3A_118] : memref<128x16xf32, #tpu.memory_space<vmem>>, vector<128x16xf32>
    %dot_general3A_120 = arith.constant dense<0.000000e+00> : vector<1250x16xf32>
    %dot_general3A_121 = tpu.matmul %get3A_116, %get3A_119, %dot_general3A_120 {dimension_numbers = #tpu.dot_dimension_numbers<[1], [0], [0], [1], [0, 0, 1, 1], [], []>, transpose_lhs_hint = false} : vector<1250x128xf32>, vector<128x16xf32>, vector<1250x16xf32> -> vector<1250x16xf32>
    %slice3A_122 = vector.extract_strided_slice %rsqrt3A {offsets = [0, 112], sizes = [1250, 16], strides = [1, 1]} : vector<1250x128xf32> to vector<1250x16xf32>
    %mul3A_123 = arith.mulf %dot_general3A_121, %slice3A_122 : vector<1250x16xf32>
    %swap3A_124 = arith.constant 0 : index
    %swap3A_125 = arith.constant 112 : index
    %swap3A_126 = vector.load %arg4[%swap3A_124, %swap3A_125] : memref<1250x128xf32, #tpu.memory_space<vmem>>, vector<1250x16xf32>
    tpu.vector_store %arg4[%swap3A_124, %swap3A_125], %mul3A_123 {strides = array<i32>} : memref<1250x128xf32, #tpu.memory_space<vmem>>, vector<1250x16xf32>,
    return
  }
}

module attributes {stable_mosaic.version = 14 : i64} {
  func.func @_tc_mid_body(%arg0: memref<2560x128xf32, #tpu.memory_space<vmem>>, %arg1: memref<1250x128xf32, #tpu.memory_space<vmem>>, %arg2: memref<1250x128xf32, #tpu.memory_space<vmem>>, %arg3: memref<16xf32, #tpu.memory_space<vmem>>, %arg4: memref<16xf32, #tpu.memory_space<vmem>>, %arg5: memref<16xf32, #tpu.memory_space<vmem>>, %arg6: memref<128x128xf32, #tpu.memory_space<vmem>>, %arg7: memref<128x128xf32, #tpu.memory_space<vmem>>, %arg8: memref<1250x128xf32, #tpu.memory_space<vmem>>) attributes {dimension_semantics = [], scalar_prefetch = 0 : i64, scratch_operands = 0 : i64, tpu.core_type = #tpu.core_type<tc>} {
    %get3A = arith.constant 0 : index
    %get3A_0 = arith.constant 0 : index
    %get3A_1 = vector.load %arg2[%get3A, %get3A_0] : memref<1250x128xf32, #tpu.memory_space<vmem>>, vector<1250x128xf32>
    %get3A_2 = arith.constant 0 : index
    %get3A_3 = arith.constant 0 : index
    %get3A_4 = vector.load %arg0[%get3A_2, %get3A_3] : memref<2560x128xf32, #tpu.memory_space<vmem>>, vector<1250x128xf32>
    %get3A_5 = arith.constant 1280 : index
    %get3A_6 = arith.constant 0 : index
    %get3A_7 = vector.load %arg0[%get3A_5, %get3A_6] : memref<2560x128xf32, #tpu.memory_space<vmem>>, vector<1250x128xf32>
    %add3A = arith.addf %get3A_4, %get3A_7 : vector<1250x128xf32>
    %get3A_8 = arith.constant 0 : index
    %get3A_9 = arith.constant 0 : index
    %get3A_10 = vector.load %arg1[%get3A_8, %get3A_9] : memref<1250x128xf32, #tpu.memory_space<vmem>>, vector<1250x128xf32>
    %add3A_11 = arith.addf %add3A, %get3A_10 : vector<1250x128xf32>
    %mul3A = arith.mulf %add3A_11, %get3A_1 : vector<1250x128xf32>
    %get3A_12 = arith.constant 0 : index
    %get3A_13 = vector.load %arg3[%get3A_12] : memref<16xf32, #tpu.memory_space<vmem>>, vector<16xf32>
    %concatenate3A = tpu.concatenate %get3A_13, %get3A_13, %get3A_13, %get3A_13, %get3A_13, %get3A_13, %get3A_13, %get3A_13 in 0 : vector<16xf32>, vector<16xf32>, vector<16xf32>, vector<16xf32>, vector<16xf32>, vector<16xf32>, vector<16xf32>, vector<16xf32> -> vector<128xf32>
    %broadcast_in_dim3A = vector.shape_cast %concatenate3A : vector<128xf32> to vector<1x128xf32>
    %add3A_14 = vector.broadcast %broadcast_in_dim3A : vector<1x128xf32> to vector<1250x128xf32>
    %add3A_15 = arith.addf %mul3A, %add3A_14 : vector<1250x128xf32>
    %get3A_16 = arith.constant 0 : index
    %get3A_17 = arith.constant 0 : index
    %get3A_18 = vector.load %arg7[%get3A_16, %get3A_17] : memref<128x128xf32, #tpu.memory_space<vmem>>, vector<128x128xf32>
    %dot_general3A = arith.constant dense<0.000000e+00> : vector<1250x128xf32>
    %dot_general3A_19 = tpu.matmul %add3A_15, %get3A_18, %dot_general3A {dimension_numbers = #tpu.dot_dimension_numbers<[1], [0], [0], [1], [0, 0, 1, 1], [], []>, precision = #tpu.contract_precision<fp32>, transpose_lhs_hint = false} : vector<1250x128xf32>, vector<128x128xf32>, vector<1250x128xf32> -> vector<1250x128xf32>
    %sub3A = arith.subf %add3A_15, %dot_general3A_19 : vector<1250x128xf32>
    %mul3A_20 = arith.mulf %sub3A, %sub3A : vector<1250x128xf32>
    %dot_general3A_21 = arith.constant dense<0.000000e+00> : vector<1250x128xf32>
    %dot_general3A_22 = tpu.matmul %mul3A_20, %get3A_18, %dot_general3A_21 {dimension_numbers = #tpu.dot_dimension_numbers<[1], [0], [0], [1], [0, 0, 1, 1], [], []>, precision = #tpu.contract_precision<fp32>, transpose_lhs_hint = false} : vector<1250x128xf32>, vector<128x128xf32>, vector<1250x128xf32> -> vector<1250x128xf32>
    %add3A_23 = arith.constant 9.99999974E-6 : f32
    %add3A_24 = vector.broadcast %add3A_23 : f32 to vector<1250x128xf32>
    %add3A_25 = arith.addf %dot_general3A_22, %add3A_24 : vector<1250x128xf32>
    %rsqrt3A = math.rsqrt %add3A_25 : vector<1250x128xf32>
    %mul3A_26 = arith.mulf %sub3A, %rsqrt3A : vector<1250x128xf32>
    %get3A_27 = arith.constant 0 : index
    %get3A_28 = vector.load %arg4[%get3A_27] : memref<16xf32, #tpu.memory_space<vmem>>, vector<16xf32>
    %concatenate3A_29 = tpu.concatenate %get3A_28, %get3A_28, %get3A_28, %get3A_28, %get3A_28, %get3A_28, %get3A_28, %get3A_28 in 0 : vector<16xf32>, vector<16xf32>, vector<16xf32>, vector<16xf32>, vector<16xf32>, vector<16xf32>, vector<16xf32>, vector<16xf32> -> vector<128xf32>
    %broadcast_in_dim3A_30 = vector.shape_cast %concatenate3A_29 : vector<128xf32> to vector<1x128xf32>
    %mul3A_31 = vector.broadcast %broadcast_in_dim3A_30 : vector<1x128xf32> to vector<1250x128xf32>
    %mul3A_32 = arith.mulf %mul3A_26, %mul3A_31 : vector<1250x128xf32>
    %get3A_33 = arith.constant 0 : index
    %get3A_34 = vector.load %arg5[%get3A_33] : memref<16xf32, #tpu.memory_space<vmem>>, vector<16xf32>
    %concatenate3A_35 = tpu.concatenate %get3A_34, %get3A_34, %get3A_34, %get3A_34, %get3A_34, %get3A_34, %get3A_34, %get3A_34 in 0 : vector<16xf32>, vector<16xf32>, vector<16xf32>, vector<16xf32>, vector<16xf32>, vector<16xf32>, vector<16xf32>, vector<16xf32> -> vector<128xf32>
    %broadcast_in_dim3A_36 = vector.shape_cast %concatenate3A_35 : vector<128xf32> to vector<1x128xf32>
    %add3A_37 = vector.broadcast %broadcast_in_dim3A_36 : vector<1x128xf32> to vector<1250x128xf32>
    %add3A_38 = arith.addf %mul3A_32, %add3A_37 : vector<1250x128xf32>
    %max3A = arith.constant 0.000000e+00 : f32
    %max3A_39 = vector.broadcast %max3A : f32 to vector<1250x128xf32>
    %max3A_40 = arith.maximumf %add3A_38, %max3A_39 : vector<1250x128xf32>
    %get3A_41 = arith.constant 0 : index
    %get3A_42 = arith.constant 0 : index
    %get3A_43 = vector.load %arg6[%get3A_41, %get3A_42] : memref<128x128xf32, #tpu.memory_space<vmem>>, vector<128x128xf32>
    %dot_general3A_44 = arith.constant dense<0.000000e+00> : vector<1250x128xf32>
    %dot_general3A_45 = tpu.matmul %max3A_40, %get3A_43, %dot_general3A_44 {dimension_numbers = #tpu.dot_dimension_numbers<[1], [0], [0], [1], [0, 0, 1, 1], [], []>, transpose_lhs_hint = false} : vector<1250x128xf32>, vector<128x128xf32>, vector<1250x128xf32> -> vector<1250x128xf32>
    %mul3A_46 = arith.mulf %dot_general3A_45, %get3A_1 : vector<1250x128xf32>
    %swap3A = arith.constant 0 : index
    %swap3A_47 = arith.constant 0 : index
    %swap3A_48 = vector.load %arg8[%swap3A, %swap3A_47] : memref<1250x128xf32, #tpu.memory_space<vmem>>, vector<1250x128xf32>
    tpu.vector_store %arg8[%swap3A, %swap3A_47], %mul3A_46 {strides = array<i32>} : memref<1250x128xf32, #tpu.memory_space<vmem>>, vector<1250x128xf32>,
    return
  }
}

module attributes {stable_mosaic.version = 14 : i64} {
  func.func @_tc_final_body(%arg0: memref<2560x128xf32, #tpu.memory_space<vmem>>, %arg1: memref<1250x128xf32, #tpu.memory_space<vmem>>, %arg2: memref<1250x128xf32, #tpu.memory_space<vmem>>, %arg3: memref<16xf32, #tpu.memory_space<vmem>>, %arg4: memref<16xf32, #tpu.memory_space<vmem>>, %arg5: memref<16xf32, #tpu.memory_space<vmem>>, %arg6: memref<128x128xf32, #tpu.memory_space<vmem>>, %arg7: memref<128x16xf32, #tpu.memory_space<vmem>>, %arg8: memref<16x25xf32, #tpu.memory_space<vmem>>, %arg9: memref<25xf32, #tpu.memory_space<vmem>>, %arg10: memref<1x25xf32, #tpu.memory_space<vmem>>) attributes {dimension_semantics = [], scalar_prefetch = 0 : i64, scratch_operands = 0 : i64, tpu.core_type = #tpu.core_type<tc>} {
    %get3A = arith.constant 0 : index
    %get3A_0 = arith.constant 0 : index
    %get3A_1 = vector.load %arg0[%get3A, %get3A_0] : memref<2560x128xf32, #tpu.memory_space<vmem>>, vector<1250x128xf32>
    %get3A_2 = arith.constant 1280 : index
    %get3A_3 = arith.constant 0 : index
    %get3A_4 = vector.load %arg0[%get3A_2, %get3A_3] : memref<2560x128xf32, #tpu.memory_space<vmem>>, vector<1250x128xf32>
    %add3A = arith.addf %get3A_1, %get3A_4 : vector<1250x128xf32>
    %get3A_5 = arith.constant 0 : index
    %get3A_6 = arith.constant 0 : index
    %get3A_7 = vector.load %arg1[%get3A_5, %get3A_6] : memref<1250x128xf32, #tpu.memory_space<vmem>>, vector<1250x128xf32>
    %add3A_8 = arith.addf %add3A, %get3A_7 : vector<1250x128xf32>
    %get3A_9 = arith.constant 0 : index
    %get3A_10 = arith.constant 0 : index
    %get3A_11 = vector.load %arg2[%get3A_9, %get3A_10] : memref<1250x128xf32, #tpu.memory_space<vmem>>, vector<1250x128xf32>
    %mul3A = arith.mulf %add3A_8, %get3A_11 : vector<1250x128xf32>
    %get3A_12 = arith.constant 0 : index
    %get3A_13 = vector.load %arg3[%get3A_12] : memref<16xf32, #tpu.memory_space<vmem>>, vector<16xf32>
    %concatenate3A = tpu.concatenate %get3A_13, %get3A_13, %get3A_13, %get3A_13, %get3A_13, %get3A_13, %get3A_13, %get3A_13 in 0 : vector<16xf32>, vector<16xf32>, vector<16xf32>, vector<16xf32>, vector<16xf32>, vector<16xf32>, vector<16xf32>, vector<16xf32> -> vector<128xf32>
    %broadcast_in_dim3A = vector.shape_cast %concatenate3A : vector<128xf32> to vector<1x128xf32>
    %add3A_14 = vector.broadcast %broadcast_in_dim3A : vector<1x128xf32> to vector<1250x128xf32>
    %add3A_15 = arith.addf %mul3A, %add3A_14 : vector<1250x128xf32>
    %get3A_16 = arith.constant 0 : index
    %get3A_17 = arith.constant 0 : index
    %get3A_18 = vector.load %arg6[%get3A_16, %get3A_17] : memref<128x128xf32, #tpu.memory_space<vmem>>, vector<128x128xf32>
    %dot_general3A = arith.constant dense<0.000000e+00> : vector<1250x128xf32>
    %dot_general3A_19 = tpu.matmul %add3A_15, %get3A_18, %dot_general3A {dimension_numbers = #tpu.dot_dimension_numbers<[1], [0], [0], [1], [0, 0, 1, 1], [], []>, precision = #tpu.contract_precision<fp32>, transpose_lhs_hint = false} : vector<1250x128xf32>, vector<128x128xf32>, vector<1250x128xf32> -> vector<1250x128xf32>
    %sub3A = arith.subf %add3A_15, %dot_general3A_19 : vector<1250x128xf32>
    %mul3A_20 = arith.mulf %sub3A, %sub3A : vector<1250x128xf32>
    %dot_general3A_21 = arith.constant dense<0.000000e+00> : vector<1250x128xf32>
    %dot_general3A_22 = tpu.matmul %mul3A_20, %get3A_18, %dot_general3A_21 {dimension_numbers = #tpu.dot_dimension_numbers<[1], [0], [0], [1], [0, 0, 1, 1], [], []>, precision = #tpu.contract_precision<fp32>, transpose_lhs_hint = false} : vector<1250x128xf32>, vector<128x128xf32>, vector<1250x128xf32> -> vector<1250x128xf32>
    %add3A_23 = arith.constant 9.99999974E-6 : f32
    %add3A_24 = vector.broadcast %add3A_23 : f32 to vector<1250x128xf32>
    %add3A_25 = arith.addf %dot_general3A_22, %add3A_24 : vector<1250x128xf32>
    %rsqrt3A = math.rsqrt %add3A_25 : vector<1250x128xf32>
    %mul3A_26 = arith.mulf %sub3A, %rsqrt3A : vector<1250x128xf32>
    %get3A_27 = arith.constant 0 : index
    %get3A_28 = vector.load %arg4[%get3A_27] : memref<16xf32, #tpu.memory_space<vmem>>, vector<16xf32>
    %concatenate3A_29 = tpu.concatenate %get3A_28, %get3A_28, %get3A_28, %get3A_28, %get3A_28, %get3A_28, %get3A_28, %get3A_28 in 0 : vector<16xf32>, vector<16xf32>, vector<16xf32>, vector<16xf32>, vector<16xf32>, vector<16xf32>, vector<16xf32>, vector<16xf32> -> vector<128xf32>
    %broadcast_in_dim3A_30 = vector.shape_cast %concatenate3A_29 : vector<128xf32> to vector<1x128xf32>
    %mul3A_31 = vector.broadcast %broadcast_in_dim3A_30 : vector<1x128xf32> to vector<1250x128xf32>
    %mul3A_32 = arith.mulf %mul3A_26, %mul3A_31 : vector<1250x128xf32>
    %get3A_33 = arith.constant 0 : index
    %get3A_34 = vector.load %arg5[%get3A_33] : memref<16xf32, #tpu.memory_space<vmem>>, vector<16xf32>
    %concatenate3A_35 = tpu.concatenate %get3A_34, %get3A_34, %get3A_34, %get3A_34, %get3A_34, %get3A_34, %get3A_34, %get3A_34 in 0 : vector<16xf32>, vector<16xf32>, vector<16xf32>, vector<16xf32>, vector<16xf32>, vector<16xf32>, vector<16xf32>, vector<16xf32> -> vector<128xf32>
    %broadcast_in_dim3A_36 = vector.shape_cast %concatenate3A_35 : vector<128xf32> to vector<1x128xf32>
    %add3A_37 = vector.broadcast %broadcast_in_dim3A_36 : vector<1x128xf32> to vector<1250x128xf32>
    %add3A_38 = arith.addf %mul3A_32, %add3A_37 : vector<1250x128xf32>
    %max3A = arith.constant 0.000000e+00 : f32
    %max3A_39 = vector.broadcast %max3A : f32 to vector<1250x128xf32>
    %max3A_40 = arith.maximumf %add3A_38, %max3A_39 : vector<1250x128xf32>
    %reduce_sum3A = arith.constant dense<0.000000e+00> : vector<128xf32>
    %reduce_sum3A_41 = vector.multi_reduction <add>, %max3A_40, %reduce_sum3A [0] : vector<1250x128xf32> to vector<128xf32>
    %broadcast_in_dim3A_42 = vector.shape_cast %reduce_sum3A_41 : vector<128xf32> to vector<1x128xf32>
    %get3A_43 = arith.constant 0 : index
    %get3A_44 = arith.constant 0 : index
    %get3A_45 = vector.load %arg7[%get3A_43, %get3A_44] : memref<128x16xf32, #tpu.memory_space<vmem>>, vector<128x16xf32>
    %dot_general3A_46 = arith.constant dense<0.000000e+00> : vector<1x16xf32>
    %dot_general3A_47 = tpu.matmul %broadcast_in_dim3A_42, %get3A_45, %dot_general3A_46 {dimension_numbers = #tpu.dot_dimension_numbers<[1], [0], [0], [1], [0, 0, 1, 1], [], []>, precision = #tpu.contract_precision<fp32>, transpose_lhs_hint = false} : vector<1x128xf32>, vector<128x16xf32>, vector<1x16xf32> -> vector<1x16xf32>
    %mul3A_48 = arith.constant 9.99999974E-5 : f32
    %mul3A_49 = vector.broadcast %mul3A_48 : f32 to vector<1x16xf32>
    %mul3A_50 = arith.mulf %dot_general3A_47, %mul3A_49 : vector<1x16xf32>
    %get3A_51 = arith.constant 0 : index
    %get3A_52 = arith.constant 0 : index
    %get3A_53 = vector.load %arg8[%get3A_51, %get3A_52] : memref<16x25xf32, #tpu.memory_space<vmem>>, vector<16x25xf32>
    %dot_general3A_54 = arith.constant dense<0.000000e+00> : vector<1x25xf32>
    %dot_general3A_55 = tpu.matmul %mul3A_50, %get3A_53, %dot_general3A_54 {dimension_numbers = #tpu.dot_dimension_numbers<[1], [0], [0], [1], [0, 0, 1, 1], [], []>, transpose_lhs_hint = false} : vector<1x16xf32>, vector<16x25xf32>, vector<1x25xf32> -> vector<1x25xf32>
    %get3A_56 = arith.constant 0 : index
    %get3A_57 = vector.load %arg9[%get3A_56] : memref<25xf32, #tpu.memory_space<vmem>>, vector<25xf32>
    %broadcast_in_dim3A_58 = vector.shape_cast %get3A_57 : vector<25xf32> to vector<1x25xf32>
    %add3A_59 = arith.addf %dot_general3A_55, %broadcast_in_dim3A_58 : vector<1x25xf32>
    %swap3A = arith.constant 0 : index
    %swap3A_60 = arith.constant 0 : index
    %swap3A_61 = vector.load %arg10[%swap3A, %swap3A_60] : memref<1x25xf32, #tpu.memory_space<vmem>>, vector<1x25xf32>
    tpu.vector_store %arg10[%swap3A, %swap3A_60], %add3A_59 {strides = array<i32>} : memref<1x25xf32, #tpu.memory_space<vmem>>, vector<1x25xf32>,
    return
  }
}

</mosaic_0001>

<sc_bundles>
// kernel: kernel.10.cloned.1.call-start
scs
__scs_entry_jumppad:
0x0: {  	(pc) =	sbr.rel $0x88, $3  }
0x1: {  	(tag) =	ssettag $0x0;
	lr =	simm.s32 $0x1  }
0x2: {  	[smem:$0x3F91] =	sst lr;
	_ =	strace $0xD0000000  }
0x3: {  	_ = 	snop  }
0x4: {  	_ = 	snop  }
0x5: {  	_ = 	snop  }
0x6: {  	_ = 	snop  }
0x7: {  	_ = 	snop  }
__scs_overlays_trampoline_lowered:
0x8: {  	[smem:$0x3FA0] =	sst s0  }
0x9: {  	[smem:$0x3FA1] =	sst s1  }
0xa: {  	[smem:$0x3FA2] =	sst s2  }
0xb: {  	[smem:$0x3FA3] =	sst s3  }
0xc: {  	[smem:$0x3FA4] =	sst s4  }
0xd: {  	[smem:$0x3FA5] =	sst s5  }
0xe: {  	[smem:$0x3FA6] =	sst s6  }
0xf: {  	[smem:$0x3FA7] =	sst s7  }
0x10: {  	[smem:$0x3FA8] =	sst s8  }
0x11: {  	[smem:$0x3FA9] =	sst s9;
	s0 =	simm.s32 @!p0 $0x0  }
0x12: {  	s1 =	sld [smem:$0x3F8F];
	s0 =	simm.s32 @p0 $0x1  }
0x13: {  	[smem:$0x3FAA] =	sst s0;
	s0 =	simm.s32 @!p1 $0x0  }
0x14: {  	s2 =	sld [smem:$0x3F8E];
	s0 =	simm.s32 @p1 $0x1  }
0x15: {  	[smem:$0x3FAB] =	sst s0;
	s0 =	simm.s32 @!p2 $0x0  }
0x16: {  	s3 =	sld [smem:$0x3FDB];
	s0 =	simm.s32 @p2 $0x1  }
0x17: {  	s4 =	simm.s32 $0x1BF5;
	[smem:$0x3FAD] =	sst s0  }
0x18: {  	s0 =	sld [smem:$0x3F90];
	_ =	swait.ge [sflag:s4], $0x0  }
0x19: {  	s7 =	sld [smem:$0x3F91]  }
0x1a: {  	s8 =	sadd.s32 $0xFFFFE003, lr  }
0x1b: {  	s9 =	sadd.s32 $0xFFFFFEF7, lr;
	s5 =	simm.s32 $0xFFFFFFFF;
	p2 =	slt.u32 s8, $0xFFFFF086  }
0x1c: {  	p1 =	slt.u32 s9, $0xF7A;
	s5 =	simm.s32 @!p2 $0x0  }
0x1d: {  	s5 =	simm.s32 @p1 $0x1;
	p0 =	seq.s32 s7, s2  }
0x1e: {  	s7 =	smul.u32 @!p0 $0xF7A, s2;
	p2 =	seq.s32 @!p0 s5, $0x0  }
0x1f: {  	s9 =	smul.u32 $0xF7A, s1;
	s8 =	simm.s32 @!p0 $0x1BF5;
	p2 =	por !p2, p0  }
0x20: {  	[sflag:s8] =	ssyncset.s32 @!p0 $0xFFFFF086;
	s6 =	sadd.s32 @!p0 s3, s7;
	s7 =	simm.s32 @!p0 $0x108  }
0x21: {  	s3 =	sadd.s32 s3, s9;
	s6 =	sadd.s32 @!p0 $0x88, s6;
	s7 =	simm.s32 @p2 $0x1082  }
0x22: {  	[simem:s7], [sflag:s8] =	dma.local @!p0 [hbm:s6], $0xF7A  }
0x23: {  	s9 =	sor.u32 $0xD0000000, s2;
	s6 =	simm.s32 $0x108;
	_ =	swait.ge @!p0 [sflag:s8], $0x0  }
0x24: {  	s3 =	sadd.s32 $0x88, s3;
	s6 =	simm.s32 @!p1 $0x1082;
	[sflag:s4] =	ssyncset.s32 $0xFFFFF086  }
0x25: {  	[simem:s6], [sflag:s4] =	dma.local [hbm:s3], $0xF7A  }
0x26: {  	[smem:$0x3F91] =	sst s1;
	(tag) =	ssettag s2;
	_ =	strace s9  }
0x27: {  	s1 =	sld [smem:$0x3FA1]  }
0x28: {  	s2 =	sld [smem:$0x3FA2]  }
0x29: {  	s4 =	sld [smem:$0x3FA4]  }
0x2a: {  	p0 =	seq.s32 s5, $0x0;
	s5 =	sld [smem:$0x3FA5]  }
0x2b: {  	s6 =	sld [smem:$0x3FA6]  }
0x2c: {  	s7 =	sld [smem:$0x3FA7]  }
0x2d: {  	s3 =	simm.s32 $0x108;
	s8 =	sld [smem:$0x3FA8]  }
0x2e: {  	s3 =	simm.s32 @!p0 $0x1082;
	s9 =	sld [smem:$0x3FA9]  }
0x2f: {  	lr =	sadd.s32 s0, s3;
	s0 =	sld [smem:$0x3FA0]  }
0x30: {  	s3 =	sld [smem:$0x3FA3]  }
0x31: {  	[smem:$0x3FAC] =	sst s10  }
0x32: {  	s10 =	sld [smem:$0x3FAA];
	_ =	sdelay $0x3  }
0x33: {  	p0 =	seq.s32 s10, $0x1;
	s10 =	sld [smem:$0x3FAC];
	_ =	sdelay $0x3  }
0x34: {  	[smem:$0x3FAC] =	sst s10  }
0x35: {  	s10 =	sld [smem:$0x3FAB];
	_ =	sdelay $0x3  }
0x36: {  	p1 =	seq.s32 s10, $0x1;
	s10 =	sld [smem:$0x3FAC];
	_ =	sdelay $0x3  }
0x37: {  	[smem:$0x3FAC] =	sst s10  }
0x38: {  	s10 =	sld [smem:$0x3FAD]  }
0x39: {  	_ = 	snop;
	(pc) =	sbr.ind lr, $3  }
0x3a: {  	_ = 	snop  }
0x3b: {  	_ = 	snop  }
0x3c: {  	p2 =	seq.s32 s10, $0x1;
	s10 =	sld [smem:$0x3FAC]  }
0x3d: {  	_ =	shalt  }
0x3e: {  	_ =	shalt  }
0x3f: {  	_ =	shalt  }
0x40: {  	_ =	shalt  }
0x41: {  	_ =	shalt  }
0x42: {  	_ =	shalt  }
0x43: {  	_ =	shalt  }
0x44: {  	_ =	shalt  }
0x45: {  	_ =	shalt  }
0x46: {  	_ =	shalt  }
0x47: {  	_ =	shalt  }
0x48: {  	_ =	shalt  }
0x49: {  	_ =	shalt  }
0x4a: {  	_ =	shalt  }
0x4b: {  	_ =	shalt  }
0x4c: {  	_ =	shalt  }
0x4d: {  	_ =	shalt  }
0x4e: {  	_ =	shalt  }
0x4f: {  	_ =	shalt  }
0x50: {  	_ =	shalt  }
0x51: {  	_ =	shalt  }
0x52: {  	_ =	shalt  }
0x53: {  	_ =	shalt  }
0x54: {  	_ =	shalt  }
0x55: {  	_ =	shalt  }
0x56: {  	_ =	shalt  }
0x57: {  	_ =	shalt  }
0x58: {  	_ =	shalt  }
0x59: {  	_ =	shalt  }
0x5a: {  	_ =	shalt  }
0x5b: {  	_ =	shalt  }
0x5c: {  	_ =	shalt  }
0x5d: {  	_ =	shalt  }
0x5e: {  	_ =	shalt  }
0x5f: {  	_ =	shalt  }
0x60: {  	_ =	shalt  }
0x61: {  	_ =	shalt  }
0x62: {  	_ =	shalt  }
0x63: {  	_ =	shalt  }
0x64: {  	_ =	shalt  }
0x65: {  	_ =	shalt  }
0x66: {  	_ =	shalt  }
0x67: {  	_ =	shalt  }
0x68: {  	_ =	shalt  }
0x69: {  	_ =	shalt  }
0x6a: {  	_ =	shalt  }
0x6b: {  	_ =	shalt  }
0x6c: {  	_ =	shalt  }
0x6d: {  	_ =	shalt  }
0x6e: {  	_ =	shalt  }
0x6f: {  	_ =	shalt  }
0x70: {  	_ =	shalt  }
0x71: {  	_ =	shalt  }
0x72: {  	_ =	shalt  }
0x73: {  	_ =	shalt  }
0x74: {  	_ =	shalt  }
0x75: {  	_ =	shalt  }
0x76: {  	_ =	shalt  }
0x77: {  	_ =	shalt  }
0x78: {  	_ =	shalt  }
0x79: {  	_ =	shalt  }
0x7a: {  	_ =	shalt  }
0x7b: {  	_ =	shalt  }
0x7c: {  	_ =	shalt  }
0x7d: {  	_ =	shalt  }
0x7e: {  	_ =	shalt  }
0x7f: {  	_ =	shalt  }
0x80: {  	_ =	shalt  }
0x81: {  	_ =	shalt  }
0x82: {  	_ =	shalt  }
0x83: {  	_ =	shalt  }
0x84: {  	_ =	shalt  }
0x85: {  	_ =	shalt  }
0x86: {  	_ =	shalt  }
0x87: {  	_ =	shalt  }
.Lfunc_end0:
.L_simem_size_0:
called_computation_lowered:
.L_overlay_start_0:
0x88: {  	s2 =	sld [smem:$0x3FD9]  }
0x89: {  	s3 =	sld [smem:$0x3FFE];
	_ =	sdelay $0x1  }
0x8a: {  	s1 =	srdreg.scid  }
0x8b: {  	s0 =	sand.u32 $0x1, s1  }
0x8c: {  	s16 =	sshll.u32 s0, $0xA;
	s2 =	sadd.s32 s3, s2  }
0x8d: {  	s2 =	sadd.s32 s2, s16  }
0x8e: {  	[smem:$0x3FB8] =	sst s2  }
0x8f: {  	_ = 	snop  }
0x90: {  	(tm) =	ssettm $0x1  }
0x91: {  	s17 =	sld [smem:$0x3FFB];
	_ =	sdelay $0x3  }
0x92: {  	_ =	strace s17  }
0x93: {  	s2 =	sld [smem:$0x3FFC];
	_ =	sdelay $0x3  }
0x94: {  	_ =	strace s2  }
0x95: {  	s2 =	sld [smem:$0x3FFD];
	_ =	sdelay $0x3  }
0x96: {  	_ =	strace s2  }
0x97: {  	_ =	strace $0x8FFFFFFF  }
0x98: {  	s18 =	sld [smem:$0x3FDB];
	_ =	sdelay $0x1  }
0x99: {  	s19 =	simm.s32 $_scs_section_size  }
0x9a: {  	s4 =	simm.s32 $_size__tile_overlayer_lowered;
	s5 =	simm.s32 $_tile_overlayer_lowered  }
0x9b: {  	s22 =	simm.s32 $0x1BFF;
	s21 =	sshll.u32 s5, $0x1;
	s2 =	sadd.s32 s19, s18  }
0x9c: {  	s6 =	simm.s32 $0x0;
	s20 =	sshll.u32 s4, $0x1;
	s4 =	sadd.s32 s21, s2  }
0x9d: {  	[timem:s6], [sflag:s22] =	dma.local [hbm:s4], s20  }
0x9e: {  	_ =	swait.ge [sflag:s22], s20  }
0x9f: {  	s3 =	ssub.s32 $0x0, s20;
	[sflag:s22] =	ssyncset.done $0x0  }
0xa0: {  	[sflag:s22] =	ssyncadd.s32 s3;
	_ =	sdelay $0x1  }
0xa1: {  	s23 =	simm.s32 $0x1B8B  }
0xa2: {  	_ =	swait.ge [sflag:s23], $0x1  }
0xa3: {  	[sflag:s23] =	ssyncset.done $0x0  }
0xa4: {  	s25 =	simm.s32 $0x1B8E;
	s24 =	sld [smem:$0x3FFE];
	[sflag:s23] =	ssyncadd.s32 $0xFFFFFFFF  }
0xa5: {  	s26 =	simm.s32 $execute0_lowered;
	[smem:$0x3FD2] =	sst s25  }
0xa6: {  	s4 =	sshll.u32 s26, $0x1;
	_ =	strace $0x80000046;
	[dreg:$0x1] =	wrdreg $0xFFFFFFFF  }
0xa7: {  	s28 =	simm.s32 $_size_execute0_lowered;
	s2 =	sadd.s32 s2, s4;
	[dreg:$0x0] =	wrdreg $0x0  }
0xa8: {  	s4 =	sshll.u32 s28, $0x1;
	[dreg:$0x2] =	wrdreg s2  }
0xa9: {  	[dreg:$0x3] =	wrdreg s4  }
0xaa: {  	[dreg:$0x4] =	wrdreg $0xC0  }
0xab: {  	_ =	task [dreg:s6], $0x5FFFF  }
0xac: {  	[dreg:$0x1] =	wrdreg $0xFFFFFFFF  }
0xad: {  	[dreg:$0x0] =	wrdreg $0x60  }
0xae: {  	[dreg:$0x2] =	wrdreg s24  }
0xaf: {  	[dreg:$0x3] =	wrdreg $0x54100  }
0xb0: {  	[dreg:$0x4] =	wrdreg $0x9  }
0xb1: {  	_ =	task.clear_ibuf [dreg:s6], $0x5FFFF;
	_ =	strace $0x90000046  }
0xb2: {  	s29 =	simm.s32 $0x9;
	_ =	strace $0x80000048  }
0xb3: {  	_ =	swait.ge [sflag:s29], $0x1  }
0xb4: {  	[sflag:s29] =	ssyncadd.s32 $0xFFFFFFFF  }
0xb5: {  	_ =	strace $0x90000048  }
0xb6: {  	_ =	sfence  }
0xb7: {  	s30 =	sld [smem:$0x0];
	_ =	sdelay $0x2  }
0xb8: {  	s31 =	sshll.u32 s1, $0xD;
	s1 =	sshrl.u32 s1, $0x2  }
0xb9: {  	s3 =	sand.u32 $0x4000, s31;
	s1 =	sadd.s32 s1, s30  }
0xba: {  	s0 =	sor.u32 s3, s0;
	s1 =	sshll.u32 s1, $0x11  }
0xbb: {  	s0 =	sor.u32 s1, s0  }
0xbc: {  	s0 =	sadd.s32 $0x8F2B, s0  }
0xbd: {  	[sflag:s0] =	ssyncadd.remote.s32 $0x1  }
0xbe: {  	_ =	sfence.sel $0xFFFF  }
0xbf: {  	[dreg:$0x0] =	wrdreg $0xFFFFFFFF;
	(pc) =	sbr.abs _section_cstart, $3  }
0xc0: {  	[dreg:$0x1] =	wrdreg $0xFFFFFFFF  }
0xc1: {  	_ =	task.clear_ibuf [dreg:s6], $0x2FFFF;
	_ =	strace $0x9FFFFFFF  }
0xc2: {  	(tm) =	ssettm $0x7FFFFFFF  }
0xc3: {  	_ =	shalt  }
tec
execute0_lowered:
.L_overlay_start_1:
0x0: {  	(tag) =	ssettag $0x1  }
0x1: {  	s5 =	rddreg [dreg:$0x0]  }
0x2: {  	s0 =	srdreg.scid;
	s2 =	rddreg [dreg:$0x1];
	s3 =	simm.s32 $0x0  }
0x3: {  	s10 =	simm.s32 $0x1;
	s11 =	simm.s32 $0x50;
	s12 =	simm.s32 $0x2710  }
0x4: {  	s13 =	simm.s32 $0xA0;
	s14 =	simm.s32 $0xF0;
	s15 =	simm.s32 $0x140  }
0x5: {  	s16 =	simm.s32 $0x190;
	s17 =	simm.s32 $0x1E0;
	s18 =	simm.s32 $0x230  }
0x6: {  	s19 =	simm.s32 $0x280;
	s20 =	simm.s32 $0x2D0;
	s4 =	sand.u32 $0x1, s0  }
0x7: {  	s21 =	simm.s32 $0x320;
	s0 =	stileid.u32;
	s1 =	sshll.u32 s4, $0x4  }
0x8: {  	s22 =	simm.s32 $0x370;
	s8 =	smul.u32 $0xA000, s0;
	s6 =	sor.u32 s0, s1  }
0x9: {  	s23 =	simm.s32 $0x0;
	[smem:$0x7FF] =	sst s3;
	s7 =	smul.u32 $0x4E2, s6  }
0xa: {  	s4 =	ssub.s32 $0x2, s4;
	s1 =	rddreg [dreg:$0x2];
	s6 =	smul.u32 $0x500, s6  }
0xb: {  	_ =	strace $0x80000047;
	s31 =	sshrl.u32 s4, $0x1;
	s8 =	sshrl.u32 s8, $0x2  }
0xc: {  	s9 =	ssub.s32 s4, s31;
	s7 =	sadd.s32 s7, s5;
	s6 =	sadd.s32 s6, s5  }
0xd: {  	s5 =	sadd.s32 s8, s2;
	s8 =	simm.s32 $0x2C10;
	s4 =	sadd.s32 $0xE840, s7  }
0xe: {  	v0 =	vimm.f32 $0.0e+00;
	v1 =	vimm.f32 $1.000000000e+00;
	s6 =	sadd.s32 $0x18600, s6;
	s7 =	smax.u32 s9, $0x1;
	s9 =	simm.s32 $0x2  }
.LBB2_1:
0xf: {  	[tilespmem:s3], [sflag:$0x1] =	stream.linear.gather [hbm4b:s4+s3], $0x2710, $0x38;
	[tilespmem:$0x7C10] =	vst v63  }
0x10: {  	s24 =	simm.s32 $0x0  }
.LBB2_2:
0x11: {  	p0 =	sne.s32 s24, $0x9FC0  }
.Ltmp0:
0x12: {  	_ = 	snop;
	(pc) =	sbr.rel @p0 .LBB2_2-.Ltmp0, $3  }
0x13: {  	_ =	sdelay $0x1  }
0x14: {  	s25 =	sshra.s32 s24, $0x2  }
0x15: {  	s24 =	sadd.s32 $0x40, s24;
	[tilespmem:s25+$0x2C10] =	vst v0  }
0x16: {  	s24 =	simm.s32 $0x40;
	s25 =	simm.s32 $0x0  }
.LBB2_4:
0x17: {  	p0 =	sne.s32 s24, $0x13C0;
	[tilespmem:s25+$0x2710] =	vst v1;
	s25 =	smov.u32 s24;
	s24 =	sadd.s32 $0x40, s24  }
.Ltmp1:
0x18: {  	(pc) =	sbr.rel @p0 .LBB2_4-.Ltmp1, $2  }
0x19: {  	_ =	sdelay $0x2  }
0x1a: {  	s25 =	sshra.s32 s25, $0x2  }
0x1b: {  	[tilespmem:s25+$0x2710] =	vst v1  }
0x1c: {  	[spmem:s5] =	stream.linear.scatter [tilespmem:s8], [sflag:$0x2], $0x2800, $0x38;
	[tilespmem:$0x7C10] =	vst v63  }
0x1d: {  	_ =	swait.ge [sflag:s9], $0x2800  }
0x1e: {  	[sflag:s9] =	ssyncset.done $0x0  }
0x1f: {  	[sflag:s9] =	ssyncadd.s32 $0xFFFFD800  }
0x20: {  	_ =	swait.ge [sflag:s10], $0x2710  }
0x21: {  	[sflag:s10] =	ssyncset.done $0x0  }
0x22: {  	[sflag:s10] =	ssyncadd.s32 $0xFFFFD8F0  }
0x23: {  	[bflag:$0x0] =	sbarrier.arrive $0xFFFF  }
0x24: {  	[spmem:s2] =	stream.indirect.scatter.add.f32 [tilespmem:s12], [sflag:$0x1], $0x10, s3, s11, $0xb8;
	[tilespmem:$0x7C10] =	vst v63  }
0x25: {  	_ = 	snop  }
0x26: {  	[spmem:s2] =	stream.indirect.scatter.add.f32 [tilespmem:s12], [sflag:$0x1], $0x10, s11, s11, $0xb8;
	[tilespmem:$0x7C10] =	vst v63  }
0x27: {  	_ = 	snop  }
0x28: {  	[spmem:s2] =	stream.indirect.scatter.add.f32 [tilespmem:s12], [sflag:$0x1], $0x10, s13, s11, $0xb8;
	[tilespmem:$0x7C10] =	vst v63  }
0x29: {  	_ = 	snop  }
0x2a: {  	[spmem:s2] =	stream.indirect.scatter.add.f32 [tilespmem:s12], [sflag:$0x1], $0x10, s14, s11, $0xb8;
	[tilespmem:$0x7C10] =	vst v63  }
0x2b: {  	_ = 	snop  }
0x2c: {  	[spmem:s2] =	stream.indirect.scatter.add.f32 [tilespmem:s12], [sflag:$0x1], $0x10, s15, s11, $0xb8;
	[tilespmem:$0x7C10] =	vst v63  }
0x2d: {  	_ = 	snop  }
0x2e: {  	[spmem:s2] =	stream.indirect.scatter.add.f32 [tilespmem:s12], [sflag:$0x1], $0x10, s16, s11, $0xb8;
	[tilespmem:$0x7C10] =	vst v63  }
0x2f: {  	_ = 	snop  }
0x30: {  	[spmem:s2] =	stream.indirect.scatter.add.f32 [tilespmem:s12], [sflag:$0x1], $0x10, s17, s11, $0xb8;
	[tilespmem:$0x7C10] =	vst v63  }
0x31: {  	_ = 	snop  }
0x32: {  	[spmem:s2] =	stream.indirect.scatter.add.f32 [tilespmem:s12], [sflag:$0x1], $0x10, s18, s11, $0xb8;
	[tilespmem:$0x7C10] =	vst v63  }
0x33: {  	_ = 	snop  }
0x34: {  	[spmem:s2] =	stream.indirect.scatter.add.f32 [tilespmem:s12], [sflag:$0x1], $0x10, s19, s11, $0xb8;
	[tilespmem:$0x7C10] =	vst v63  }
0x35: {  	_ = 	snop  }
0x36: {  	[spmem:s2] =	stream.indirect.scatter.add.f32 [tilespmem:s12], [sflag:$0x1], $0x10, s20, s11, $0xb8;
	[tilespmem:$0x7C10] =	vst v63  }
0x37: {  	_ = 	snop  }
0x38: {  	[spmem:s2] =	stream.indirect.scatter.add.f32 [tilespmem:s12], [sflag:$0x1], $0x10, s21, s11, $0xb8;
	[tilespmem:$0x7C10] =	vst v63  }
0x39: {  	_ = 	snop  }
0x3a: {  	[spmem:s2] =	stream.indirect.scatter.add.f32 [tilespmem:s12], [sflag:$0x1], $0x10, s22, s11, $0xb8;
	[tilespmem:$0x7C10] =	vst v63  }
0x3b: {  	s24 =	simm.s32 $0x3C0  }
0x3c: {  	[spmem:s2] =	stream.indirect.scatter.add.f32 [tilespmem:s12], [sflag:$0x1], $0x10, s24, s11, $0xb8;
	[tilespmem:$0x7C10] =	vst v63  }
0x3d: {  	_ =	swait.ge [sflag:s10], $0x500  }
0x3e: {  	s24 =	simm.s32 $0x1040;
	[sflag:s10] =	ssyncset.done $0x0  }
.LBB2_6:
0x3f: {  	s25 =	sshra.s32 s24, $0x2;
	[sflag:s10] =	ssyncadd.s32 $0xFFFFFB00;
	p0 =	sne.s32 s24, $0x9B00  }
0x40: {  	[spmem:s2] =	stream.indirect.scatter.add.f32 [tilespmem:s12], [sflag:$0x1], $0x10, s25, s11, $0xb8;
	[tilespmem:$0x7C10] =	vst v63  }
.Ltmp2:
0x41: {  	_ = 	snop;
	(pc) =	sbr.rel @p0 .LBB2_6-.Ltmp2, $4  }
0x42: {  	_ = 	snop  }
0x43: {  	s24 =	sadd.s32 $0x140, s24  }
0x44: {  	_ =	swait.ge [sflag:s10], $0x500  }
0x45: {  	[sflag:s10] =	ssyncset.done $0x0  }
0x46: {  	[sflag:s10] =	ssyncadd.s32 $0xFFFFFB00  }
0x47: {  	_ =	swait.ge [sflag:s10], $0x500  }
0x48: {  	[sflag:s10] =	ssyncset.done $0x0  }
0x49: {  	[sflag:s10] =	ssyncadd.s32 $0xFFFFFB00  }
0x4a: {  	_ =	swait.ge [sflag:s10], $0x500  }
0x4b: {  	[sflag:s10] =	ssyncset.done $0x0  }
0x4c: {  	[sflag:s10] =	ssyncadd.s32 $0xFFFFFB00  }
0x4d: {  	_ =	swait.ge [sflag:s10], $0x500  }
0x4e: {  	[sflag:s10] =	ssyncset.done $0x0  }
0x4f: {  	[sflag:s10] =	ssyncadd.s32 $0xFFFFFB00  }
0x50: {  	_ =	swait.ge [sflag:s10], $0x500  }
0x51: {  	[sflag:s10] =	ssyncset.done $0x0  }
0x52: {  	[sflag:s10] =	ssyncadd.s32 $0xFFFFFB00  }
0x53: {  	_ =	swait.ge [sflag:s10], $0x500  }
0x54: {  	[sflag:s10] =	ssyncset.done $0x0  }
0x55: {  	[sflag:s10] =	ssyncadd.s32 $0xFFFFFB00  }
0x56: {  	_ =	swait.ge [sflag:s10], $0x500  }
0x57: {  	[sflag:s10] =	ssyncset.done $0x0  }
0x58: {  	[sflag:s10] =	ssyncadd.s32 $0xFFFFFB00  }
0x59: {  	_ =	swait.ge [sflag:s10], $0x500  }
0x5a: {  	[sflag:s10] =	ssyncset.done $0x0  }
0x5b: {  	[sflag:s10] =	ssyncadd.s32 $0xFFFFFB00  }
0x5c: {  	_ =	swait.ge [sflag:s10], $0x500  }
0x5d: {  	[sflag:s10] =	ssyncset.done $0x0  }
0x5e: {  	[sflag:s10] =	ssyncadd.s32 $0xFFFFFB00  }
0x5f: {  	_ =	swait.ge [sflag:s10], $0x500  }
0x60: {  	[sflag:s10] =	ssyncset.done $0x0  }
0x61: {  	[sflag:s10] =	ssyncadd.s32 $0xFFFFFB00  }
0x62: {  	_ =	swait.ge [sflag:s10], $0x500  }
0x63: {  	[sflag:s10] =	ssyncset.done $0x0  }
0x64: {  	[sflag:s10] =	ssyncadd.s32 $0xFFFFFB00  }
0x65: {  	_ =	swait.ge [sflag:s10], $0x500  }
0x66: {  	[sflag:s10] =	ssyncset.done $0x0  }
0x67: {  	[sflag:s10] =	ssyncadd.s32 $0xFFFFFB00  }
0x68: {  	_ =	swait.ge [sflag:s10], $0x500  }
0x69: {  	s24 =	sshll.u32 s0, $0x6;
	s23 =	sadd.s32 $0x1, s23;
	[sflag:s10] =	ssyncset.done $0x0  }
0x6a: {  	s25 =	sshrl.u32 s5, $0x3;
	p0 =	sne.s32 s23, s7;
	[sflag:s10] =	ssyncadd.s32 $0xFFFFFB00  }
.Ltmp3:
0x6b: {  	s24 =	sor.u32 $0x1C02, s24;
	[bflag:$0x0] =	sbarrier.arrive $0xFFFF;
	(pc) =	sbr.rel @p0 .LBB2_1-.Ltmp3, $4  }
0x6c: {  	[hbm:s6], [sflag:s24] =	dma.local [spmem:s25], $0x500  }
0x6d: {  	_ =	swait.ge [sflag:s9], $0x500  }
0x6e: {  	[sflag:s9] =	ssyncset.done $0x0  }
0x6f: {  	[sflag:s9] =	ssyncadd.s32 $0xFFFFFB00  }
0x70: {  	_ =	sfence.sel $0x180000  }
0x71: {  	[bflag:$0x0] =	sbarrier.arrive $0xFFFF  }
0x72: {  	p0 =	sne.s32 s0, $0x0;
	_ =	strace $0x90000047  }
0x73: {  	s0 =	sadd.s32 @!p0 $0x100000, s1;
	[bflag:$0x2] =	sbarrier.arrive $0xFFFF  }
0x74: {  	[sflag:s0] =	ssyncadd.tile.s32 @!p0 $0x1;
	_ =	shalt  }
.Lfunc_end2:
_tile_overlayer_lowered:
.L_overlay_start_2:
0x75: {  	(tag) =	ssettag $0x2  }
0x76: {  	s0 =	rddreg [dreg:$0x0];
	s2 =	stileid.u32  }
0x77: {  	s1 =	rddreg [dreg:$0x1];
	p0 =	sne.s32 s2, $0x0  }
0x78: {  	s3 =	rddreg [dreg:$0x2];
	[bflag:$0x3] =	sbarrier.arrive $0xFFFF;
	s2 =	simm.s32 @!p0 $0x1C02  }
0x79: {  	[timem:s3], [sflag:s2] =	dma.local @!p0 [hbm:s0], s1  }
0x7a: {  	s0 =	simm.s32 @!p0 $0x2  }
0x7b: {  	_ =	swait.ge @!p0 [sflag:s0], s1  }
0x7c: {  	s1 =	ssub.s32 @!p0 $0x0, s1;
	[sflag:s0] =	ssyncset.done @!p0 $0x0  }
0x7d: {  	[sflag:s0] =	ssyncadd.s32 @!p0 s1  }
0x7e: {  	[bflag:$0x3] =	sbarrier.arrive $0xFFFF  }
0x7f: {  	_ =	shalt  }

// kernel: kernel.13.cloned.1.call-start
scs
__scs_entry_jumppad:
0x0: {  	(pc) =	sbr.rel $0x88, $3  }
0x1: {  	(tag) =	ssettag $0x0;
	lr =	simm.s32 $0x1  }
0x2: {  	[smem:$0x3F91] =	sst lr;
	_ =	strace $0xD0000000  }
0x3: {  	_ = 	snop  }
0x4: {  	_ = 	snop  }
0x5: {  	_ = 	snop  }
0x6: {  	_ = 	snop  }
0x7: {  	_ = 	snop  }
__scs_overlays_trampoline_lowered:
0x8: {  	[smem:$0x3FA0] =	sst s0  }
0x9: {  	[smem:$0x3FA1] =	sst s1  }
0xa: {  	[smem:$0x3FA2] =	sst s2  }
0xb: {  	[smem:$0x3FA3] =	sst s3  }
0xc: {  	[smem:$0x3FA4] =	sst s4  }
0xd: {  	[smem:$0x3FA5] =	sst s5  }
0xe: {  	[smem:$0x3FA6] =	sst s6  }
0xf: {  	[smem:$0x3FA7] =	sst s7  }
0x10: {  	[smem:$0x3FA8] =	sst s8  }
0x11: {  	[smem:$0x3FA9] =	sst s9;
	s0 =	simm.s32 @!p0 $0x0  }
0x12: {  	s1 =	sld [smem:$0x3F8F];
	s0 =	simm.s32 @p0 $0x1  }
0x13: {  	[smem:$0x3FAA] =	sst s0;
	s0 =	simm.s32 @!p1 $0x0  }
0x14: {  	s2 =	sld [smem:$0x3F8E];
	s0 =	simm.s32 @p1 $0x1  }
0x15: {  	[smem:$0x3FAB] =	sst s0;
	s0 =	simm.s32 @!p2 $0x0  }
0x16: {  	s3 =	sld [smem:$0x3FDB];
	s0 =	simm.s32 @p2 $0x1  }
0x17: {  	s4 =	simm.s32 $0x1BF5;
	[smem:$0x3FAD] =	sst s0  }
0x18: {  	s0 =	sld [smem:$0x3F90];
	_ =	swait.ge [sflag:s4], $0x0  }
0x19: {  	s7 =	sld [smem:$0x3F91]  }
0x1a: {  	s8 =	sadd.s32 $0xFFFFE003, lr  }
0x1b: {  	s9 =	sadd.s32 $0xFFFFFEF7, lr;
	s5 =	simm.s32 $0xFFFFFFFF;
	p2 =	slt.u32 s8, $0xFFFFF086  }
0x1c: {  	p1 =	slt.u32 s9, $0xF7A;
	s5 =	simm.s32 @!p2 $0x0  }
0x1d: {  	s5 =	simm.s32 @p1 $0x1;
	p0 =	seq.s32 s7, s2  }
0x1e: {  	s7 =	smul.u32 @!p0 $0xF7A, s2;
	p2 =	seq.s32 @!p0 s5, $0x0  }
0x1f: {  	s9 =	smul.u32 $0xF7A, s1;
	s8 =	simm.s32 @!p0 $0x1BF5;
	p2 =	por !p2, p0  }
0x20: {  	[sflag:s8] =	ssyncset.s32 @!p0 $0xFFFFF086;
	s6 =	sadd.s32 @!p0 s3, s7;
	s7 =	simm.s32 @!p0 $0x108  }
0x21: {  	s3 =	sadd.s32 s3, s9;
	s6 =	sadd.s32 @!p0 $0x88, s6;
	s7 =	simm.s32 @p2 $0x1082  }
0x22: {  	[simem:s7], [sflag:s8] =	dma.local @!p0 [hbm:s6], $0xF7A  }
0x23: {  	s9 =	sor.u32 $0xD0000000, s2;
	s6 =	simm.s32 $0x108;
	_ =	swait.ge @!p0 [sflag:s8], $0x0  }
0x24: {  	s3 =	sadd.s32 $0x88, s3;
	s6 =	simm.s32 @!p1 $0x1082;
	[sflag:s4] =	ssyncset.s32 $0xFFFFF086  }
0x25: {  	[simem:s6], [sflag:s4] =	dma.local [hbm:s3], $0xF7A  }
0x26: {  	[smem:$0x3F91] =	sst s1;
	(tag) =	ssettag s2;
	_ =	strace s9  }
0x27: {  	s1 =	sld [smem:$0x3FA1]  }
0x28: {  	s2 =	sld [smem:$0x3FA2]  }
0x29: {  	s4 =	sld [smem:$0x3FA4]  }
0x2a: {  	p0 =	seq.s32 s5, $0x0;
	s5 =	sld [smem:$0x3FA5]  }
0x2b: {  	s6 =	sld [smem:$0x3FA6]  }
0x2c: {  	s7 =	sld [smem:$0x3FA7]  }
0x2d: {  	s3 =	simm.s32 $0x108;
	s8 =	sld [smem:$0x3FA8]  }
0x2e: {  	s3 =	simm.s32 @!p0 $0x1082;
	s9 =	sld [smem:$0x3FA9]  }
0x2f: {  	lr =	sadd.s32 s0, s3;
	s0 =	sld [smem:$0x3FA0]  }
0x30: {  	s3 =	sld [smem:$0x3FA3]  }
0x31: {  	[smem:$0x3FAC] =	sst s10  }
0x32: {  	s10 =	sld [smem:$0x3FAA];
	_ =	sdelay $0x3  }
0x33: {  	p0 =	seq.s32 s10, $0x1;
	s10 =	sld [smem:$0x3FAC];
	_ =	sdelay $0x3  }
0x34: {  	[smem:$0x3FAC] =	sst s10  }
0x35: {  	s10 =	sld [smem:$0x3FAB];
	_ =	sdelay $0x3  }
0x36: {  	p1 =	seq.s32 s10, $0x1;
	s10 =	sld [smem:$0x3FAC];
	_ =	sdelay $0x3  }
0x37: {  	[smem:$0x3FAC] =	sst s10  }
0x38: {  	s10 =	sld [smem:$0x3FAD]  }
0x39: {  	_ = 	snop;
	(pc) =	sbr.ind lr, $3  }
0x3a: {  	_ = 	snop  }
0x3b: {  	_ = 	snop  }
0x3c: {  	p2 =	seq.s32 s10, $0x1;
	s10 =	sld [smem:$0x3FAC]  }
0x3d: {  	_ =	shalt  }
0x3e: {  	_ =	shalt  }
0x3f: {  	_ =	shalt  }
0x40: {  	_ =	shalt  }
0x41: {  	_ =	shalt  }
0x42: {  	_ =	shalt  }
0x43: {  	_ =	shalt  }
0x44: {  	_ =	shalt  }
0x45: {  	_ =	shalt  }
0x46: {  	_ =	shalt  }
0x47: {  	_ =	shalt  }
0x48: {  	_ =	shalt  }
0x49: {  	_ =	shalt  }
0x4a: {  	_ =	shalt  }
0x4b: {  	_ =	shalt  }
0x4c: {  	_ =	shalt  }
0x4d: {  	_ =	shalt  }
0x4e: {  	_ =	shalt  }
0x4f: {  	_ =	shalt  }
0x50: {  	_ =	shalt  }
0x51: {  	_ =	shalt  }
0x52: {  	_ =	shalt  }
0x53: {  	_ =	shalt  }
0x54: {  	_ =	shalt  }
0x55: {  	_ =	shalt  }
0x56: {  	_ =	shalt  }
0x57: {  	_ =	shalt  }
0x58: {  	_ =	shalt  }
0x59: {  	_ =	shalt  }
0x5a: {  	_ =	shalt  }
0x5b: {  	_ =	shalt  }
0x5c: {  	_ =	shalt  }
0x5d: {  	_ =	shalt  }
0x5e: {  	_ =	shalt  }
0x5f: {  	_ =	shalt  }
0x60: {  	_ =	shalt  }
0x61: {  	_ =	shalt  }
0x62: {  	_ =	shalt  }
0x63: {  	_ =	shalt  }
0x64: {  	_ =	shalt  }
0x65: {  	_ =	shalt  }
0x66: {  	_ =	shalt  }
0x67: {  	_ =	shalt  }
0x68: {  	_ =	shalt  }
0x69: {  	_ =	shalt  }
0x6a: {  	_ =	shalt  }
0x6b: {  	_ =	shalt  }
0x6c: {  	_ =	shalt  }
0x6d: {  	_ =	shalt  }
0x6e: {  	_ =	shalt  }
0x6f: {  	_ =	shalt  }
0x70: {  	_ =	shalt  }
0x71: {  	_ =	shalt  }
0x72: {  	_ =	shalt  }
0x73: {  	_ =	shalt  }
0x74: {  	_ =	shalt  }
0x75: {  	_ =	shalt  }
0x76: {  	_ =	shalt  }
0x77: {  	_ =	shalt  }
0x78: {  	_ =	shalt  }
0x79: {  	_ =	shalt  }
0x7a: {  	_ =	shalt  }
0x7b: {  	_ =	shalt  }
0x7c: {  	_ =	shalt  }
0x7d: {  	_ =	shalt  }
0x7e: {  	_ =	shalt  }
0x7f: {  	_ =	shalt  }
0x80: {  	_ =	shalt  }
0x81: {  	_ =	shalt  }
0x82: {  	_ =	shalt  }
0x83: {  	_ =	shalt  }
0x84: {  	_ =	shalt  }
0x85: {  	_ =	shalt  }
0x86: {  	_ =	shalt  }
0x87: {  	_ =	shalt  }
.Lfunc_end0:
.L_simem_size_0:
called_computation.1_lowered:
.L_overlay_start_0:
0x88: {  	s2 =	sld [smem:$0x3FD9]  }
0x89: {  	s3 =	sld [smem:$0x3FFE];
	_ =	sdelay $0x1  }
0x8a: {  	s1 =	srdreg.scid  }
0x8b: {  	s0 =	sand.u32 $0x1, s1  }
0x8c: {  	s16 =	sshll.u32 s0, $0xA;
	s2 =	sadd.s32 s3, s2  }
0x8d: {  	s2 =	sadd.s32 s2, s16  }
0x8e: {  	[smem:$0x3FB8] =	sst s2  }
0x8f: {  	_ = 	snop  }
0x90: {  	(tm) =	ssettm $0x1  }
0x91: {  	s17 =	sld [smem:$0x3FFB];
	_ =	sdelay $0x3  }
0x92: {  	_ =	strace s17  }
0x93: {  	s2 =	sld [smem:$0x3FFC];
	_ =	sdelay $0x3  }
0x94: {  	_ =	strace s2  }
0x95: {  	s2 =	sld [smem:$0x3FFD];
	_ =	sdelay $0x3  }
0x96: {  	_ =	strace s2  }
0x97: {  	_ =	strace $0x8FFFFFFF  }
0x98: {  	s18 =	sld [smem:$0x3FDB];
	_ =	sdelay $0x1  }
0x99: {  	s19 =	simm.s32 $_scs_section_size  }
0x9a: {  	s4 =	simm.s32 $_size__tile_overlayer_lowered;
	s5 =	simm.s32 $_tile_overlayer_lowered  }
0x9b: {  	s22 =	simm.s32 $0x1BFF;
	s21 =	sshll.u32 s5, $0x1;
	s2 =	sadd.s32 s19, s18  }
0x9c: {  	s6 =	simm.s32 $0x0;
	s20 =	sshll.u32 s4, $0x1;
	s4 =	sadd.s32 s21, s2  }
0x9d: {  	[timem:s6], [sflag:s22] =	dma.local [hbm:s4], s20  }
0x9e: {  	_ =	swait.ge [sflag:s22], s20  }
0x9f: {  	s3 =	ssub.s32 $0x0, s20;
	[sflag:s22] =	ssyncset.done $0x0  }
0xa0: {  	[sflag:s22] =	ssyncadd.s32 s3;
	_ =	sdelay $0x1  }
0xa1: {  	s23 =	simm.s32 $0x1B8B  }
0xa2: {  	_ =	swait.ge [sflag:s23], $0x1  }
0xa3: {  	[sflag:s23] =	ssyncset.done $0x0  }
0xa4: {  	s25 =	simm.s32 $0x1B8E;
	s24 =	sld [smem:$0x3FFE];
	[sflag:s23] =	ssyncadd.s32 $0xFFFFFFFF  }
0xa5: {  	s26 =	simm.s32 $execute0_lowered;
	[smem:$0x3FD2] =	sst s25  }
0xa6: {  	s4 =	sshll.u32 s26, $0x1;
	_ =	strace $0x80000049;
	[dreg:$0x1] =	wrdreg $0xFFFFFFFF  }
0xa7: {  	s28 =	simm.s32 $_size_execute0_lowered;
	s2 =	sadd.s32 s2, s4;
	[dreg:$0x0] =	wrdreg $0x0  }
0xa8: {  	s4 =	sshll.u32 s28, $0x1;
	[dreg:$0x2] =	wrdreg s2  }
0xa9: {  	[dreg:$0x3] =	wrdreg s4  }
0xaa: {  	[dreg:$0x4] =	wrdreg $0xC0  }
0xab: {  	_ =	task [dreg:s6], $0x5FFFF  }
0xac: {  	[dreg:$0x1] =	wrdreg $0xFFFFFFFF  }
0xad: {  	[dreg:$0x0] =	wrdreg $0x60  }
0xae: {  	[dreg:$0x2] =	wrdreg s24  }
0xaf: {  	[dreg:$0x3] =	wrdreg $0xB2200  }
0xb0: {  	[dreg:$0x4] =	wrdreg $0x9  }
0xb1: {  	_ =	task.clear_ibuf [dreg:s6], $0x5FFFF;
	_ =	strace $0x90000049  }
0xb2: {  	s29 =	simm.s32 $0x9;
	_ =	strace $0x8000004B  }
0xb3: {  	_ =	swait.ge [sflag:s29], $0x1  }
0xb4: {  	[sflag:s29] =	ssyncadd.s32 $0xFFFFFFFF  }
0xb5: {  	_ =	strace $0x9000004B  }
0xb6: {  	_ =	sfence  }
0xb7: {  	s30 =	sld [smem:$0x0];
	_ =	sdelay $0x2  }
0xb8: {  	s31 =	sshll.u32 s1, $0xD;
	s1 =	sshrl.u32 s1, $0x2  }
0xb9: {  	s3 =	sand.u32 $0x4000, s31;
	s1 =	sadd.s32 s1, s30  }
0xba: {  	s0 =	sor.u32 s3, s0;
	s1 =	sshll.u32 s1, $0x11  }
0xbb: {  	s0 =	sor.u32 s1, s0  }
0xbc: {  	s0 =	sadd.s32 $0x8F2B, s0  }
0xbd: {  	[sflag:s0] =	ssyncadd.remote.s32 $0x1  }
0xbe: {  	_ =	sfence.sel $0xFFFF  }
0xbf: {  	[dreg:$0x0] =	wrdreg $0xFFFFFFFF;
	(pc) =	sbr.abs _section_cstart, $3  }
0xc0: {  	[dreg:$0x1] =	wrdreg $0xFFFFFFFF  }
0xc1: {  	_ =	task.clear_ibuf [dreg:s6], $0x2FFFF;
	_ =	strace $0x9FFFFFFF  }
0xc2: {  	(tm) =	ssettm $0x7FFFFFFF  }
0xc3: {  	_ =	shalt  }
tec
execute0_lowered:
.L_overlay_start_1:
0x0: {  	(tag) =	ssettag $0x1  }
0x1: {  	s0 =	srdreg.scid;
	s1 =	rddreg [dreg:$0x0]  }
0x2: {  	s2 =	rddreg [dreg:$0x1];
	s6 =	stileid.u32  }
0x3: {  	s10 =	simm.s32 $0x0;
	s11 =	simm.s32 $0x19;
	s13 =	simm.s32 $0x50  }
0x4: {  	s15 =	simm.s32 $0x4E20;
	s17 =	simm.s32 $0x5320;
	s19 =	simm.s32 $0x5820  }
0x5: {  	s20 =	simm.s32 $0x5D20;
	s22 =	simm.s32 $0x6220;
	s29 =	simm.s32 $0x1  }
0x6: {  	s18 =	simm.s32 $0x3;
	s24 =	simm.s32 $0x4;
	s30 =	simm.s32 $0x8520  }
0x7: {  	s8 =	simm.s32 $0xD;
	s9 =	simm.s32 $0xE;
	s21 =	simm.s32 $0xF  }
0x8: {  	s16 =	simm.s32 $0x10;
	s23 =	simm.s32 $0x11;
	s0 =	sand.u32 $0x1, s0  }
0x9: {  	s28 =	simm.s32 $0x1A;
	[smem:$0x7FF] =	sst s10;
	s3 =	sshll.u32 s0, $0x4  }
0xa: {  	s0 =	ssub.s32 $0x2, s0;
	s3 =	sor.u32 s6, s3;
	s6 =	smul.u32 $0xA000, s6  }
0xb: {  	s4 =	sadd.s32 $0x18600, s1;
	s25 =	sshrl.u32 s0, $0x1;
	s5 =	smul.u32 $0x4E2, s3  }
0xc: {  	_ =	strace $0x8000004A;
	s3 =	smul.u32 $0x500, s3;
	s0 =	ssub.s32 s0, s25  }
0xd: {  	s25 =	simm.s32 $0x7B20;
	s31 =	sshrl.u32 s6, $0x2;
	s0 =	smax.u32 s0, $0x1  }
0xe: {  	s6 =	simm.s32 $0x18;
	s5 =	sadd.s32 s5, s1;
	s1 =	sadd.s32 s3, s1  }
0xf: {  	s7 =	sadd.s32 s31, s2;
	[dreg:$0x6] =	wrdreg s0;
	s26 =	sadd.s32 $0x4C00, s5  }
0x10: {  	s0 =	simm.s32 $0x2;
	s5 =	sadd.s32 $0xE840, s5;
	[dreg:$0x3] =	wrdreg s26  }
0x11: {  	s3 =	simm.s32 $0x0;
	s1 =	sadd.s32 $0x1D600, s1;
	[dreg:$0x4] =	wrdreg s5  }
0x12: {  	v0 =	vimm.f32 $0.0e+00;
	[dreg:$0x5] =	wrdreg s1;
	s5 =	simm.s32 $0x2710;
	s26 =	simm.s32 $0x8020  }
.LBB2_1:
0x13: {  	s1 =	rddreg [dreg:$0x3]  }
0x14: {  	[tilespmem:s10], [sflag:$0x19] =	stream.linear.gather [hbm4b:s1+s10], $0x2710, $0x38;
	[tilespmem:$0xDA20] =	vst v63  }
0x15: {  	s31 =	rddreg [dreg:$0x4];
	s12 =	simm.s32 $0x40;
	s14 =	simm.s32 $0x0  }
0x16: {  	[tilespmem:s5], [sflag:$0x19] =	stream.linear.gather [hbm4b:s31+s10], $0x2710, $0x38;
	[tilespmem:$0xDA20] =	vst v63  }
.LBB2_2:
0x17: {  	p0 =	sne.s32 s12, $0x9FC0;
	[tilespmem:s14+$0x8A20] =	vst v0;
	s14 =	smov.u32 s12;
	s12 =	sadd.s32 $0x40, s12  }
.Ltmp0:
0x18: {  	(pc) =	sbr.rel @p0 .LBB2_2-.Ltmp0, $2  }
0x19: {  	_ =	sdelay $0x2  }
0x1a: {  	s14 =	sshra.s32 s14, $0x2  }
0x1b: {  	[tilespmem:s14+$0x8A20] =	vst v0  }
0x1c: {  	_ =	swait.ge [sflag:s11], $0x2710  }
0x1d: {  	[sflag:s11] =	ssyncset.done $0x0  }
0x1e: {  	[sflag:s11] =	ssyncadd.s32 $0xFFFFD8F0  }
0x1f: {  	_ =	swait.ge [sflag:s11], $0x2710  }
0x20: {  	[sflag:s11] =	ssyncset.done $0x0  }
0x21: {  	s1 =	simm.s32 $0x8A20;
	[sflag:s11] =	ssyncadd.s32 $0xFFFFD8F0  }
0x22: {  	[spmem:s7] =	stream.linear.scatter [tilespmem:s1], [sflag:$0x19], $0x2800, $0x38;
	[tilespmem:$0xDA20] =	vst v63  }
0x23: {  	_ = 	snop  }
0x24: {  	[tilespmem:s15], [sflag:$0x1] =	stream.indirect.gather [hbm4b:s4+s13], $0x10, s10, s13, $0xb8;
	[tilespmem:$0xDA20] =	vst v63  }
0x25: {  	_ = 	snop  }
0x26: {  	[tilespmem:s17], [sflag:$0x2] =	stream.indirect.gather [hbm4b:s4+s13], $0x10, s13, s13, $0xb8;
	[tilespmem:$0xDA20] =	vst v63  }
0x27: {  	s10 =	simm.s32 $0xA0  }
0x28: {  	[tilespmem:s19], [sflag:$0x3] =	stream.indirect.gather [hbm4b:s4+s13], $0x10, s10, s13, $0xb8;
	[tilespmem:$0xDA20] =	vst v63  }
0x29: {  	s12 =	simm.s32 $0xF0  }
0x2a: {  	[tilespmem:s20], [sflag:$0x4] =	stream.indirect.gather [hbm4b:s4+s13], $0x10, s12, s13, $0xb8;
	[tilespmem:$0xDA20] =	vst v63  }
0x2b: {  	s14 =	simm.s32 $0x140  }
0x2c: {  	[tilespmem:s22], [sflag:$0x5] =	stream.indirect.gather [hbm4b:s4+s13], $0x10, s14, s13, $0xb8;
	[tilespmem:$0xDA20] =	vst v63  }
0x2d: {  	s31 =	simm.s32 $0x6720;
	s22 =	simm.s32 $0x190  }
0x2e: {  	[tilespmem:s31], [sflag:$0x6] =	stream.indirect.gather [hbm4b:s4+s13], $0x10, s22, s13, $0xb8;
	[tilespmem:$0xDA20] =	vst v63  }
0x2f: {  	s12 =	simm.s32 $0x1E0;
	s14 =	simm.s32 $0x6C20  }
0x30: {  	[tilespmem:s14], [sflag:$0x7] =	stream.indirect.gather [hbm4b:s4+s13], $0x10, s12, s13, $0xb8;
	[tilespmem:$0xDA20] =	vst v63  }
0x31: {  	s22 =	simm.s32 $0x230;
	s31 =	simm.s32 $0x7120  }
0x32: {  	[tilespmem:s31], [sflag:$0x8] =	stream.indirect.gather [hbm4b:s4+s13], $0x10, s22, s13, $0xb8;
	[tilespmem:$0xDA20] =	vst v63  }
0x33: {  	_ =	swait.ge [sflag:s11], $0x2800  }
0x34: {  	[sflag:s11] =	ssyncset.done $0x0  }
0x35: {  	[sflag:s11] =	ssyncadd.s32 $0xFFFFD800  }
0x36: {  	[bflag:$0x0] =	sbarrier.arrive $0xFFFF  }
0x37: {  	_ =	swait.ge [sflag:s29], $0x500  }
0x38: {  	[sflag:s29] =	ssyncset.done $0x0  }
0x39: {  	[sflag:s29] =	ssyncadd.s32 $0xFFFFFB00  }
0x3a: {  	[spmem:s2] =	stream.indirect.scatter.add.f32 [tilespmem:s15], [sflag:$0xD], $0x10, s5, s13, $0xb8;
	[tilespmem:$0xDA20] =	vst v63  }
0x3b: {  	s12 =	simm.s32 $0x280;
	s14 =	simm.s32 $0x7620  }
0x3c: {  	[tilespmem:s14], [sflag:$0x9] =	stream.indirect.gather [hbm4b:s4+s13], $0x10, s12, s13, $0xb8;
	[tilespmem:$0xDA20] =	vst v63  }
0x3d: {  	_ =	swait.ge [sflag:s0], $0x500  }
0x3e: {  	s10 =	simm.s32 $0x2850;
	[sflag:s0] =	ssyncset.done $0x0  }
0x3f: {  	s15 =	simm.s32 $0x2760;
	s12 =	simm.s32 $0xC;
	[sflag:s0] =	ssyncadd.s32 $0xFFFFFB00  }
0x40: {  	[spmem:s2] =	stream.indirect.scatter.add.f32 [tilespmem:s17], [sflag:$0xE], $0x10, s15, s13, $0xb8;
	[tilespmem:$0xDA20] =	vst v63  }
0x41: {  	s22 =	simm.s32 $0x27B0;
	s12 =	smul.u32 $0xAB, s12;
	s17 =	simm.s32 $0x2D0  }
0x42: {  	[tilespmem:s25], [sflag:$0xA] =	stream.indirect.gather [hbm4b:s4+s13], $0x10, s17, s13, $0xb8;
	[tilespmem:$0xDA20] =	vst v63  }
0x43: {  	s1 =	sadd.s32 $0xFFFFFAA8, s12;
	s12 =	sshrl.u32 s12, $0xB;
	_ =	swait.ge [sflag:s18], $0x500  }
0x44: {  	s14 =	sshrl.u32 s1, $0xB;
	s12 =	sand.u32 $0x1F, s12;
	[sflag:s18] =	ssyncset.done $0x0  }
0x45: {  	s14 =	sand.u32 $0x1F, s14;
	s12 =	smul.u32 $0xC, s12;
	[sflag:s18] =	ssyncadd.s32 $0xFFFFFB00  }
0x46: {  	[spmem:s2] =	stream.indirect.scatter.add.f32 [tilespmem:s19], [sflag:$0xF], $0x10, s22, s13, $0xb8;
	[tilespmem:$0xDA20] =	vst v63  }
0x47: {  	s31 =	simm.s32 $0x370;
	s25 =	simm.s32 $0x320;
	s14 =	smul.u32 $0xC, s14  }
0x48: {  	[tilespmem:s26], [sflag:$0xB] =	stream.indirect.gather [hbm4b:s4+s13], $0x10, s25, s13, $0xb8;
	[tilespmem:$0xDA20] =	vst v63  }
0x49: {  	s17 =	simm.s32 $0x28A0;
	s12 =	ssub.s32 $0xC, s12;
	_ =	swait.ge [sflag:s24], $0x500  }
0x4a: {  	s5 =	ssub.s32 $0xC, s14;
	s12 =	sand.u32 $0xFF, s12;
	[sflag:s24] =	ssyncset.done $0x0  }
0x4b: {  	s15 =	sadd.s32 $0xFFFFFFF8, s5;
	s26 =	simm.s32 $0x2800;
	[sflag:s24] =	ssyncadd.s32 $0xFFFFFB00  }
0x4c: {  	[spmem:s2] =	stream.indirect.scatter.add.f32 [tilespmem:s20], [sflag:$0x10], $0x10, s26, s13, $0xb8;
	[tilespmem:$0xDA20] =	vst v63  }
0x4d: {  	s14 =	simm.s32 $0x3C0;
	s1 =	smul.u32 $0x1400, s12;
	s25 =	sand.u32 $0xFF, s15  }
0x4e: {  	[tilespmem:s30], [sflag:$0xC] =	stream.indirect.gather [hbm4b:s4+s13], $0x10, s31, s13, $0xb8;
	[tilespmem:$0xDA20] =	vst v63  }
0x4f: {  	s15 =	simm.s32 $0xD;
	s26 =	sadd.s32 $0x1, s25;
	s31 =	smul.u32 $0x1400, s25  }
0x50: {  	s5 =	sshrl.u32 s1, $0x2;
	s30 =	smul.u32 $0xAB, s15;
	_ =	swait.ge [sflag:s26], $0x500  }
0x51: {  	s19 =	sadd.s32 $0xD, s25;
	s22 =	sshrl.u32 s31, $0x2;
	[sflag:s26] =	ssyncset.done $0x0  }
0x52: {  	s25 =	sadd.s32 $0xFFFFFAA8, s30;
	s22 =	sadd.s32 $0x4E20, s22;
	[sflag:s26] =	ssyncadd.s32 $0xFFFFFB00  }
0x53: {  	[spmem:s2] =	stream.indirect.scatter.add.f32 [tilespmem:s22], [sflag:s19], $0x10, s10, s13, $0xb8;
	[tilespmem:$0xDA20] =	vst v63  }
0x54: {  	s31 =	sadd.s32 $0xD, s12;
	s26 =	sshrl.u32 s25, $0xB;
	s22 =	simm.s32 $0xE  }
0x55: {  	s19 =	sadd.s32 $0x1, s12;
	s10 =	sshrl.u32 s30, $0xB;
	_ =	swait.ge [sflag:s31], $0x500  }
0x56: {  	s12 =	sadd.s32 $0x4E20, s5;
	s30 =	sand.u32 $0x1F, s10;
	[sflag:s31] =	ssyncset.done $0x0  }
0x57: {  	s20 =	smul.u32 $0xC, s30;
	s30 =	simm.s32 $0x3C0;
	[sflag:s31] =	ssyncadd.s32 $0xFFFFFB00  }
.LBB2_4:
0x58: {  	s26 =	sand.u32 $0x1F, s26;
	s14 =	sadd.s32 $0x50, s14  }
0x59: {  	s31 =	smov.u32 s22;
	s1 =	sadd.s32 $0x1, s22;
	s25 =	smov.u32 s17  }
0x5a: {  	p0 =	sne.s32 s22, $0x7C;
	s22 =	smul.u32 $0xC, s26;
	s20 =	ssub.s32 s15, s20  }
0x5b: {  	[tilespmem:s12], [sflag:s19] =	stream.indirect.gather [hbm4b:s4+s13], $0x10, s30, s13, $0xb8;
	[tilespmem:$0xDA20] =	vst v63  }
0x5c: {  	s20 =	sand.u32 $0xFF, s20;
	s12 =	ssub.s32 s15, s22;
	s15 =	smov.u32 s31  }
0x5d: {  	s22 =	smul.u32 $0x1400, s20;
	s19 =	sadd.s32 $0x1, s20;
	s12 =	sadd.s32 $0xFFFFFFF8, s12  }
0x5e: {  	s17 =	sadd.s32 $0x50, s17;
	s30 =	smov.u32 s14;
	s12 =	sand.u32 $0xFF, s12  }
0x5f: {  	s22 =	sshrl.u32 s22, $0x2;
	s26 =	sadd.s32 $0x1, s12;
	s31 =	smul.u32 $0x1400, s12  }
0x60: {  	s10 =	sadd.s32 $0xD, s20;
	s5 =	smul.u32 $0xAB, s15;
	_ =	swait.ge [sflag:s26], $0x500  }
0x61: {  	s12 =	sadd.s32 $0xD, s12;
	s20 =	sshrl.u32 s31, $0x2;
	[sflag:s26] =	ssyncset.done $0x0  }
0x62: {  	s20 =	sadd.s32 $0x4E20, s20;
	[sflag:s26] =	ssyncadd.s32 $0xFFFFFB00  }
0x63: {  	[spmem:s2] =	stream.indirect.scatter.add.f32 [tilespmem:s20], [sflag:s12], $0x10, s25, s13, $0xb8;
	[tilespmem:$0xDA20] =	vst v63  }
.Ltmp1:
0x64: {  	_ = 	snop;
	(pc) =	sbr.rel @p0 .LBB2_4-.Ltmp1, $4  }
0x65: {  	s20 =	sshrl.u32 s5, $0xB  }
0x66: {  	s12 =	sadd.s32 $0x4E20, s22;
	s5 =	sadd.s32 $0xFFFFFAA8, s5;
	_ =	swait.ge [sflag:s10], $0x500  }
0x67: {  	s22 =	smov.u32 s1;
	s20 =	sand.u32 $0x1F, s20;
	[sflag:s10] =	ssyncset.done $0x0  }
0x68: {  	s26 =	sshrl.u32 s5, $0xB;
	s20 =	smul.u32 $0xC, s20;
	[sflag:s10] =	ssyncadd.s32 $0xFFFFFB00  }
0x69: {  	s1 =	sand.u32 $0x1F, s26  }
0x6a: {  	s1 =	smul.u32 $0xC, s1  }
0x6b: {  	[tilespmem:s12], [sflag:s19] =	stream.indirect.gather [hbm4b:s4+s13], $0x10, s30, s13, $0xb8;
	[tilespmem:$0xDA20] =	vst v63  }
0x6c: {  	s1 =	ssub.s32 s15, s1  }
0x6d: {  	s1 =	sadd.s32 $0xFFFFFFF8, s1  }
0x6e: {  	s1 =	sand.u32 $0xFF, s1  }
0x6f: {  	s5 =	sadd.s32 $0x1, s1;
	s10 =	smul.u32 $0x1400, s1  }
0x70: {  	_ =	swait.ge [sflag:s5], $0x500  }
0x71: {  	s25 =	ssub.s32 s15, s20;
	s10 =	sshrl.u32 s10, $0x2;
	[sflag:s5] =	ssyncset.done $0x0  }
0x72: {  	s1 =	sadd.s32 $0xD, s1;
	[sflag:s5] =	ssyncadd.s32 $0xFFFFFB00;
	s22 =	sadd.s32 $0x4E20, s10  }
0x73: {  	[spmem:s2] =	stream.indirect.scatter.add.f32 [tilespmem:s22], [sflag:s1], $0x10, s17, s13, $0xb8;
	[tilespmem:$0xDA20] =	vst v63  }
0x74: {  	s1 =	sand.u32 $0xFF, s25  }
0x75: {  	s26 =	sadd.s32 $0xD, s1;
	s31 =	smul.u32 $0x1400, s1  }
0x76: {  	s14 =	sadd.s32 $0x50, s14;
	_ =	swait.ge [sflag:s26], $0x500  }
0x77: {  	s15 =	simm.s32 $0xA;
	[sflag:s26] =	ssyncset.done $0x0;
	s12 =	sshrl.u32 s31, $0x2  }
0x78: {  	s1 =	sadd.s32 $0x1, s1;
	[sflag:s26] =	ssyncadd.s32 $0xFFFFFB00;
	s5 =	sadd.s32 $0x4E20, s12  }
0x79: {  	[tilespmem:s5], [sflag:s1] =	stream.indirect.gather [hbm4b:s4+s13], $0x10, s14, s13, $0xb8;
	[tilespmem:$0xDA20] =	vst v63  }
0x7a: {  	_ =	swait.ge [sflag:s15], $0x500  }
0x7b: {  	s19 =	simm.s32 $0xB;
	[sflag:s15] =	ssyncset.done $0x0  }
0x7c: {  	s25 =	simm.s32 $0x7B20;
	s17 =	simm.s32 $0x4BA0;
	[sflag:s15] =	ssyncadd.s32 $0xFFFFFB00  }
0x7d: {  	[spmem:s2] =	stream.indirect.scatter.add.f32 [tilespmem:s25], [sflag:$0x16], $0x10, s17, s13, $0xb8;
	[tilespmem:$0xDA20] =	vst v63  }
0x7e: {  	_ =	swait.ge [sflag:s19], $0x500  }
0x7f: {  	s20 =	simm.s32 $0x4BF0;
	[sflag:s19] =	ssyncset.done $0x0  }
0x80: {  	s22 =	simm.s32 $0xC;
	s26 =	simm.s32 $0x8020;
	[sflag:s19] =	ssyncadd.s32 $0xFFFFFB00  }
0x81: {  	[spmem:s2] =	stream.indirect.scatter.add.f32 [tilespmem:s26], [sflag:$0x17], $0x10, s20, s13, $0xb8;
	[tilespmem:$0xDA20] =	vst v63  }
0x82: {  	_ =	swait.ge [sflag:s22], $0x500  }
0x83: {  	[sflag:s22] =	ssyncset.done $0x0  }
0x84: {  	s30 =	simm.s32 $0x8520;
	s31 =	simm.s32 $0x4C40;
	[sflag:s22] =	ssyncadd.s32 $0xFFFFFB00  }
0x85: {  	[spmem:s2] =	stream.indirect.scatter.add.f32 [tilespmem:s30], [sflag:$0x18], $0x10, s31, s13, $0xb8;
	[tilespmem:$0xDA20] =	vst v63  }
0x86: {  	_ =	swait.ge [sflag:s29], $0x500  }
0x87: {  	[sflag:s29] =	ssyncset.done $0x0  }
0x88: {  	s5 =	simm.s32 $0x4C90;
	s15 =	simm.s32 $0x4E20;
	[sflag:s29] =	ssyncadd.s32 $0xFFFFFB00  }
0x89: {  	[spmem:s2] =	stream.indirect.scatter.add.f32 [tilespmem:s15], [sflag:$0xD], $0x10, s5, s13, $0xb8;
	[tilespmem:$0xDA20] =	vst v63  }
0x8a: {  	_ =	swait.ge [sflag:s0], $0x500  }
0x8b: {  	[sflag:s0] =	ssyncset.done $0x0  }
0x8c: {  	s10 =	simm.s32 $0x4CE0;
	s17 =	simm.s32 $0x5320;
	[sflag:s0] =	ssyncadd.s32 $0xFFFFFB00  }
0x8d: {  	[spmem:s2] =	stream.indirect.scatter.add.f32 [tilespmem:s17], [sflag:$0xE], $0x10, s10, s13, $0xb8;
	[tilespmem:$0xDA20] =	vst v63  }
0x8e: {  	_ =	swait.ge [sflag:s18], $0x500  }
0x8f: {  	[sflag:s18] =	ssyncset.done $0x0  }
0x90: {  	s12 =	simm.s32 $0x4D30;
	s19 =	simm.s32 $0x5820;
	[sflag:s18] =	ssyncadd.s32 $0xFFFFFB00  }
0x91: {  	[spmem:s2] =	stream.indirect.scatter.add.f32 [tilespmem:s19], [sflag:$0xF], $0x10, s12, s13, $0xb8;
	[tilespmem:$0xDA20] =	vst v63  }
0x92: {  	_ =	swait.ge [sflag:s24], $0x500  }
0x93: {  	s14 =	simm.s32 $0x4D80;
	[sflag:s24] =	ssyncset.done $0x0  }
0x94: {  	s20 =	simm.s32 $0x5D20;
	s22 =	simm.s32 $0x5;
	[sflag:s24] =	ssyncadd.s32 $0xFFFFFB00  }
0x95: {  	[spmem:s2] =	stream.indirect.scatter.add.f32 [tilespmem:s20], [sflag:$0x10], $0x10, s14, s13, $0xb8;
	[tilespmem:$0xDA20] =	vst v63  }
0x96: {  	_ =	swait.ge [sflag:s22], $0x500  }
0x97: {  	s31 =	simm.s32 $0x4DD0;
	[sflag:s22] =	ssyncset.done $0x0  }
0x98: {  	s5 =	simm.s32 $0x12;
	[sflag:s22] =	ssyncadd.s32 $0xFFFFFB00;
	s22 =	simm.s32 $0x6220  }
0x99: {  	[spmem:s2] =	stream.indirect.scatter.add.f32 [tilespmem:s22], [sflag:$0x11], $0x10, s31, s13, $0xb8;
	[tilespmem:$0xDA20] =	vst v63  }
0x9a: {  	_ =	swait.ge [sflag:s5], $0x500  }
0x9b: {  	[sflag:s5] =	ssyncset.done $0x0  }
0x9c: {  	s10 =	simm.s32 $0x13;
	[sflag:s5] =	ssyncadd.s32 $0xFFFFFB00  }
0x9d: {  	_ =	swait.ge [sflag:s10], $0x500  }
0x9e: {  	[sflag:s10] =	ssyncset.done $0x0  }
0x9f: {  	s12 =	simm.s32 $0x14;
	[sflag:s10] =	ssyncadd.s32 $0xFFFFFB00  }
0xa0: {  	_ =	swait.ge [sflag:s12], $0x500  }
0xa1: {  	[sflag:s12] =	ssyncset.done $0x0  }
0xa2: {  	s14 =	simm.s32 $0x15;
	[sflag:s12] =	ssyncadd.s32 $0xFFFFFB00  }
0xa3: {  	_ =	swait.ge [sflag:s14], $0x500  }
0xa4: {  	[sflag:s14] =	ssyncset.done $0x0  }
0xa5: {  	s31 =	simm.s32 $0x16;
	[sflag:s14] =	ssyncadd.s32 $0xFFFFFB00  }
0xa6: {  	_ =	swait.ge [sflag:s31], $0x500  }
0xa7: {  	[sflag:s31] =	ssyncset.done $0x0  }
0xa8: {  	s5 =	simm.s32 $0x17;
	[sflag:s31] =	ssyncadd.s32 $0xFFFFFB00  }
0xa9: {  	_ =	swait.ge [sflag:s5], $0x500  }
0xaa: {  	[sflag:s5] =	ssyncset.done $0x0  }
0xab: {  	[sflag:s5] =	ssyncadd.s32 $0xFFFFFB00  }
0xac: {  	_ =	swait.ge [sflag:s6], $0x500  }
0xad: {  	[sflag:s6] =	ssyncset.done $0x0  }
0xae: {  	[sflag:s6] =	ssyncadd.s32 $0xFFFFFB00  }
0xaf: {  	_ =	swait.ge [sflag:s8], $0x500  }
0xb0: {  	[sflag:s8] =	ssyncset.done $0x0  }
0xb1: {  	[sflag:s8] =	ssyncadd.s32 $0xFFFFFB00  }
0xb2: {  	_ =	swait.ge [sflag:s9], $0x500  }
0xb3: {  	[sflag:s9] =	ssyncset.done $0x0  }
0xb4: {  	[sflag:s9] =	ssyncadd.s32 $0xFFFFFB00  }
0xb5: {  	_ =	swait.ge [sflag:s21], $0x500  }
0xb6: {  	[sflag:s21] =	ssyncset.done $0x0  }
0xb7: {  	[sflag:s21] =	ssyncadd.s32 $0xFFFFFB00  }
0xb8: {  	_ =	swait.ge [sflag:s16], $0x500  }
0xb9: {  	[sflag:s16] =	ssyncset.done $0x0  }
0xba: {  	[sflag:s16] =	ssyncadd.s32 $0xFFFFFB00  }
0xbb: {  	_ =	swait.ge [sflag:s23], $0x500  }
0xbc: {  	[sflag:s23] =	ssyncset.done $0x0  }
0xbd: {  	s10 =	stileid.u32;
	[sflag:s23] =	ssyncadd.s32 $0xFFFFFB00  }
0xbe: {  	s1 =	sshll.u32 s10, $0x6;
	[bflag:$0x0] =	sbarrier.arrive $0xFFFF  }
0xbf: {  	s1 =	sor.u32 $0x1C1A, s1;
	s12 =	sshrl.u32 s7, $0x3;
	s14 =	rddreg [dreg:$0x5]  }
0xc0: {  	[hbm:s14], [sflag:s1] =	dma.local [spmem:s12], $0x500  }
0xc1: {  	_ =	swait.ge [sflag:s28], $0x500  }
0xc2: {  	s3 =	sadd.s32 $0x1, s3;
	s31 =	rddreg [dreg:$0x6]  }
0xc3: {  	p0 =	sne.s32 s3, s31  }
.Ltmp2:
0xc4: {  	_ = 	snop;
	(pc) =	sbr.rel @p0 .LBB2_1-.Ltmp2, $3  }
0xc5: {  	_ =	sdelay $0x1  }
0xc6: {  	[sflag:s28] =	ssyncset.done $0x0  }
0xc7: {  	s10 =	simm.s32 $0x0;
	s5 =	simm.s32 $0x2710;
	[sflag:s28] =	ssyncadd.s32 $0xFFFFFB00  }
0xc8: {  	_ =	sfence.sel $0x180000  }
0xc9: {  	[bflag:$0x0] =	sbarrier.arrive $0xFFFF  }
0xca: {  	_ =	strace $0x9000004A  }
0xcb: {  	s0 =	stileid.u32;
	[bflag:$0x2] =	sbarrier.arrive $0xFFFF  }
0xcc: {  	p0 =	sne.s32 s0, $0x0;
	s0 =	rddreg [dreg:$0x2]  }
0xcd: {  	s0 =	sadd.s32 @!p0 $0x100000, s0  }
0xce: {  	[sflag:s0] =	ssyncadd.tile.s32 @!p0 $0x1;
	_ =	shalt  }
.Lfunc_end2:
_tile_overlayer_lowered:
.L_overlay_start_2:
0xcf: {  	(tag) =	ssettag $0x2  }
0xd0: {  	s0 =	rddreg [dreg:$0x0];
	s2 =	stileid.u32  }
0xd1: {  	s1 =	rddreg [dreg:$0x1];
	p0 =	sne.s32 s2, $0x0  }
0xd2: {  	s3 =	rddreg [dreg:$0x2];
	[bflag:$0x3] =	sbarrier.arrive $0xFFFF;
	s2 =	simm.s32 @!p0 $0x1C1A  }
0xd3: {  	[timem:s3], [sflag:s2] =	dma.local @!p0 [hbm:s0], s1  }
0xd4: {  	s0 =	simm.s32 @!p0 $0x1A  }
0xd5: {  	_ =	swait.ge @!p0 [sflag:s0], s1  }
0xd6: {  	s1 =	ssub.s32 @!p0 $0x0, s1;
	[sflag:s0] =	ssyncset.done @!p0 $0x0  }
0xd7: {  	[sflag:s0] =	ssyncadd.s32 @!p0 s1  }
0xd8: {  	[bflag:$0x3] =	sbarrier.arrive $0xFFFF  }
0xd9: {  	_ =	shalt  }

// kernel: kernel.16.cloned.1.call-start
scs
__scs_entry_jumppad:
0x0: {  	(pc) =	sbr.rel $0x88, $3  }
0x1: {  	(tag) =	ssettag $0x0;
	lr =	simm.s32 $0x1  }
0x2: {  	[smem:$0x3F91] =	sst lr;
	_ =	strace $0xD0000000  }
0x3: {  	_ = 	snop  }
0x4: {  	_ = 	snop  }
0x5: {  	_ = 	snop  }
0x6: {  	_ = 	snop  }
0x7: {  	_ = 	snop  }
__scs_overlays_trampoline_lowered:
0x8: {  	[smem:$0x3FA0] =	sst s0  }
0x9: {  	[smem:$0x3FA1] =	sst s1  }
0xa: {  	[smem:$0x3FA2] =	sst s2  }
0xb: {  	[smem:$0x3FA3] =	sst s3  }
0xc: {  	[smem:$0x3FA4] =	sst s4  }
0xd: {  	[smem:$0x3FA5] =	sst s5  }
0xe: {  	[smem:$0x3FA6] =	sst s6  }
0xf: {  	[smem:$0x3FA7] =	sst s7  }
0x10: {  	[smem:$0x3FA8] =	sst s8  }
0x11: {  	[smem:$0x3FA9] =	sst s9;
	s0 =	simm.s32 @!p0 $0x0  }
0x12: {  	s1 =	sld [smem:$0x3F8F];
	s0 =	simm.s32 @p0 $0x1  }
0x13: {  	[smem:$0x3FAA] =	sst s0;
	s0 =	simm.s32 @!p1 $0x0  }
0x14: {  	s2 =	sld [smem:$0x3F8E];
	s0 =	simm.s32 @p1 $0x1  }
0x15: {  	[smem:$0x3FAB] =	sst s0;
	s0 =	simm.s32 @!p2 $0x0  }
0x16: {  	s3 =	sld [smem:$0x3FDB];
	s0 =	simm.s32 @p2 $0x1  }
0x17: {  	s4 =	simm.s32 $0x1BF5;
	[smem:$0x3FAD] =	sst s0  }
0x18: {  	s0 =	sld [smem:$0x3F90];
	_ =	swait.ge [sflag:s4], $0x0  }
0x19: {  	s7 =	sld [smem:$0x3F91]  }
0x1a: {  	s8 =	sadd.s32 $0xFFFFE003, lr  }
0x1b: {  	s9 =	sadd.s32 $0xFFFFFEF7, lr;
	s5 =	simm.s32 $0xFFFFFFFF;
	p2 =	slt.u32 s8, $0xFFFFF086  }
0x1c: {  	p1 =	slt.u32 s9, $0xF7A;
	s5 =	simm.s32 @!p2 $0x0  }
0x1d: {  	s5 =	simm.s32 @p1 $0x1;
	p0 =	seq.s32 s7, s2  }
0x1e: {  	s7 =	smul.u32 @!p0 $0xF7A, s2;
	p2 =	seq.s32 @!p0 s5, $0x0  }
0x1f: {  	s9 =	smul.u32 $0xF7A, s1;
	s8 =	simm.s32 @!p0 $0x1BF5;
	p2 =	por !p2, p0  }
0x20: {  	[sflag:s8] =	ssyncset.s32 @!p0 $0xFFFFF086;
	s6 =	sadd.s32 @!p0 s3, s7;
	s7 =	simm.s32 @!p0 $0x108  }
0x21: {  	s3 =	sadd.s32 s3, s9;
	s6 =	sadd.s32 @!p0 $0x88, s6;
	s7 =	simm.s32 @p2 $0x1082  }
0x22: {  	[simem:s7], [sflag:s8] =	dma.local @!p0 [hbm:s6], $0xF7A  }
0x23: {  	s9 =	sor.u32 $0xD0000000, s2;
	s6 =	simm.s32 $0x108;
	_ =	swait.ge @!p0 [sflag:s8], $0x0  }
0x24: {  	s3 =	sadd.s32 $0x88, s3;
	s6 =	simm.s32 @!p1 $0x1082;
	[sflag:s4] =	ssyncset.s32 $0xFFFFF086  }
0x25: {  	[simem:s6], [sflag:s4] =	dma.local [hbm:s3], $0xF7A  }
0x26: {  	[smem:$0x3F91] =	sst s1;
	(tag) =	ssettag s2;
	_ =	strace s9  }
0x27: {  	s1 =	sld [smem:$0x3FA1]  }
0x28: {  	s2 =	sld [smem:$0x3FA2]  }
0x29: {  	s4 =	sld [smem:$0x3FA4]  }
0x2a: {  	p0 =	seq.s32 s5, $0x0;
	s5 =	sld [smem:$0x3FA5]  }
0x2b: {  	s6 =	sld [smem:$0x3FA6]  }
0x2c: {  	s7 =	sld [smem:$0x3FA7]  }
0x2d: {  	s3 =	simm.s32 $0x108;
	s8 =	sld [smem:$0x3FA8]  }
0x2e: {  	s3 =	simm.s32 @!p0 $0x1082;
	s9 =	sld [smem:$0x3FA9]  }
0x2f: {  	lr =	sadd.s32 s0, s3;
	s0 =	sld [smem:$0x3FA0]  }
0x30: {  	s3 =	sld [smem:$0x3FA3]  }
0x31: {  	[smem:$0x3FAC] =	sst s10  }
0x32: {  	s10 =	sld [smem:$0x3FAA];
	_ =	sdelay $0x3  }
0x33: {  	p0 =	seq.s32 s10, $0x1;
	s10 =	sld [smem:$0x3FAC];
	_ =	sdelay $0x3  }
0x34: {  	[smem:$0x3FAC] =	sst s10  }
0x35: {  	s10 =	sld [smem:$0x3FAB];
	_ =	sdelay $0x3  }
0x36: {  	p1 =	seq.s32 s10, $0x1;
	s10 =	sld [smem:$0x3FAC];
	_ =	sdelay $0x3  }
0x37: {  	[smem:$0x3FAC] =	sst s10  }
0x38: {  	s10 =	sld [smem:$0x3FAD]  }
0x39: {  	_ = 	snop;
	(pc) =	sbr.ind lr, $3  }
0x3a: {  	_ = 	snop  }
0x3b: {  	_ = 	snop  }
0x3c: {  	p2 =	seq.s32 s10, $0x1;
	s10 =	sld [smem:$0x3FAC]  }
0x3d: {  	_ =	shalt  }
0x3e: {  	_ =	shalt  }
0x3f: {  	_ =	shalt  }
0x40: {  	_ =	shalt  }
0x41: {  	_ =	shalt  }
0x42: {  	_ =	shalt  }
0x43: {  	_ =	shalt  }
0x44: {  	_ =	shalt  }
0x45: {  	_ =	shalt  }
0x46: {  	_ =	shalt  }
0x47: {  	_ =	shalt  }
0x48: {  	_ =	shalt  }
0x49: {  	_ =	shalt  }
0x4a: {  	_ =	shalt  }
0x4b: {  	_ =	shalt  }
0x4c: {  	_ =	shalt  }
0x4d: {  	_ =	shalt  }
0x4e: {  	_ =	shalt  }
0x4f: {  	_ =	shalt  }
0x50: {  	_ =	shalt  }
0x51: {  	_ =	shalt  }
0x52: {  	_ =	shalt  }
0x53: {  	_ =	shalt  }
0x54: {  	_ =	shalt  }
0x55: {  	_ =	shalt  }
0x56: {  	_ =	shalt  }
0x57: {  	_ =	shalt  }
0x58: {  	_ =	shalt  }
0x59: {  	_ =	shalt  }
0x5a: {  	_ =	shalt  }
0x5b: {  	_ =	shalt  }
0x5c: {  	_ =	shalt  }
0x5d: {  	_ =	shalt  }
0x5e: {  	_ =	shalt  }
0x5f: {  	_ =	shalt  }
0x60: {  	_ =	shalt  }
0x61: {  	_ =	shalt  }
0x62: {  	_ =	shalt  }
0x63: {  	_ =	shalt  }
0x64: {  	_ =	shalt  }
0x65: {  	_ =	shalt  }
0x66: {  	_ =	shalt  }
0x67: {  	_ =	shalt  }
0x68: {  	_ =	shalt  }
0x69: {  	_ =	shalt  }
0x6a: {  	_ =	shalt  }
0x6b: {  	_ =	shalt  }
0x6c: {  	_ =	shalt  }
0x6d: {  	_ =	shalt  }
0x6e: {  	_ =	shalt  }
0x6f: {  	_ =	shalt  }
0x70: {  	_ =	shalt  }
0x71: {  	_ =	shalt  }
0x72: {  	_ =	shalt  }
0x73: {  	_ =	shalt  }
0x74: {  	_ =	shalt  }
0x75: {  	_ =	shalt  }
0x76: {  	_ =	shalt  }
0x77: {  	_ =	shalt  }
0x78: {  	_ =	shalt  }
0x79: {  	_ =	shalt  }
0x7a: {  	_ =	shalt  }
0x7b: {  	_ =	shalt  }
0x7c: {  	_ =	shalt  }
0x7d: {  	_ =	shalt  }
0x7e: {  	_ =	shalt  }
0x7f: {  	_ =	shalt  }
0x80: {  	_ =	shalt  }
0x81: {  	_ =	shalt  }
0x82: {  	_ =	shalt  }
0x83: {  	_ =	shalt  }
0x84: {  	_ =	shalt  }
0x85: {  	_ =	shalt  }
0x86: {  	_ =	shalt  }
0x87: {  	_ =	shalt  }
.Lfunc_end0:
.L_simem_size_0:
called_computation.2_lowered:
.L_overlay_start_0:
0x88: {  	s2 =	sld [smem:$0x3FD9]  }
0x89: {  	s3 =	sld [smem:$0x3FFE];
	_ =	sdelay $0x1  }
0x8a: {  	s1 =	srdreg.scid  }
0x8b: {  	s0 =	sand.u32 $0x1, s1  }
0x8c: {  	s16 =	sshll.u32 s0, $0xA;
	s2 =	sadd.s32 s3, s2  }
0x8d: {  	s2 =	sadd.s32 s2, s16  }
0x8e: {  	[smem:$0x3FB8] =	sst s2  }
0x8f: {  	_ = 	snop  }
0x90: {  	(tm) =	ssettm $0x1  }
0x91: {  	s17 =	sld [smem:$0x3FFB];
	_ =	sdelay $0x3  }
0x92: {  	_ =	strace s17  }
0x93: {  	s2 =	sld [smem:$0x3FFC];
	_ =	sdelay $0x3  }
0x94: {  	_ =	strace s2  }
0x95: {  	s2 =	sld [smem:$0x3FFD];
	_ =	sdelay $0x3  }
0x96: {  	_ =	strace s2  }
0x97: {  	_ =	strace $0x8FFFFFFF  }
0x98: {  	s18 =	sld [smem:$0x3FDB];
	_ =	sdelay $0x1  }
0x99: {  	s19 =	simm.s32 $_scs_section_size  }
0x9a: {  	s4 =	simm.s32 $_size__tile_overlayer_lowered;
	s5 =	simm.s32 $_tile_overlayer_lowered  }
0x9b: {  	s22 =	simm.s32 $0x1BFF;
	s21 =	sshll.u32 s5, $0x1;
	s2 =	sadd.s32 s19, s18  }
0x9c: {  	s6 =	simm.s32 $0x0;
	s20 =	sshll.u32 s4, $0x1;
	s4 =	sadd.s32 s21, s2  }
0x9d: {  	[timem:s6], [sflag:s22] =	dma.local [hbm:s4], s20  }
0x9e: {  	_ =	swait.ge [sflag:s22], s20  }
0x9f: {  	s3 =	ssub.s32 $0x0, s20;
	[sflag:s22] =	ssyncset.done $0x0  }
0xa0: {  	[sflag:s22] =	ssyncadd.s32 s3;
	_ =	sdelay $0x1  }
0xa1: {  	s23 =	simm.s32 $0x1B8B  }
0xa2: {  	_ =	swait.ge [sflag:s23], $0x1  }
0xa3: {  	[sflag:s23] =	ssyncset.done $0x0  }
0xa4: {  	s25 =	simm.s32 $0x1B8E;
	s24 =	sld [smem:$0x3FFE];
	[sflag:s23] =	ssyncadd.s32 $0xFFFFFFFF  }
0xa5: {  	s26 =	simm.s32 $execute0_lowered;
	[smem:$0x3FD2] =	sst s25  }
0xa6: {  	s4 =	sshll.u32 s26, $0x1;
	_ =	strace $0x8000004C;
	[dreg:$0x1] =	wrdreg $0xFFFFFFFF  }
0xa7: {  	s28 =	simm.s32 $_size_execute0_lowered;
	s2 =	sadd.s32 s2, s4;
	[dreg:$0x0] =	wrdreg $0x0  }
0xa8: {  	s4 =	sshll.u32 s28, $0x1;
	[dreg:$0x2] =	wrdreg s2  }
0xa9: {  	[dreg:$0x3] =	wrdreg s4  }
0xaa: {  	[dreg:$0x4] =	wrdreg $0xC0  }
0xab: {  	_ =	task [dreg:s6], $0x5FFFF  }
0xac: {  	[dreg:$0x1] =	wrdreg $0xFFFFFFFF  }
0xad: {  	[dreg:$0x0] =	wrdreg $0x60  }
0xae: {  	[dreg:$0x2] =	wrdreg s24  }
0xaf: {  	[dreg:$0x3] =	wrdreg $0xB2200  }
0xb0: {  	[dreg:$0x4] =	wrdreg $0x9  }
0xb1: {  	_ =	task.clear_ibuf [dreg:s6], $0x5FFFF;
	_ =	strace $0x9000004C  }
0xb2: {  	s29 =	simm.s32 $0x9;
	_ =	strace $0x8000004E  }
0xb3: {  	_ =	swait.ge [sflag:s29], $0x1  }
0xb4: {  	[sflag:s29] =	ssyncadd.s32 $0xFFFFFFFF  }
0xb5: {  	_ =	strace $0x9000004E  }
0xb6: {  	_ =	sfence  }
0xb7: {  	s30 =	sld [smem:$0x0];
	_ =	sdelay $0x2  }
0xb8: {  	s31 =	sshll.u32 s1, $0xD;
	s1 =	sshrl.u32 s1, $0x2  }
0xb9: {  	s3 =	sand.u32 $0x4000, s31;
	s1 =	sadd.s32 s1, s30  }
0xba: {  	s0 =	sor.u32 s3, s0;
	s1 =	sshll.u32 s1, $0x11  }
0xbb: {  	s0 =	sor.u32 s1, s0  }
0xbc: {  	s0 =	sadd.s32 $0x8F2B, s0  }
0xbd: {  	[sflag:s0] =	ssyncadd.remote.s32 $0x1  }
0xbe: {  	_ =	sfence.sel $0xFFFF  }
0xbf: {  	[dreg:$0x0] =	wrdreg $0xFFFFFFFF;
	(pc) =	sbr.abs _section_cstart, $3  }
0xc0: {  	[dreg:$0x1] =	wrdreg $0xFFFFFFFF  }
0xc1: {  	_ =	task.clear_ibuf [dreg:s6], $0x2FFFF;
	_ =	strace $0x9FFFFFFF  }
0xc2: {  	(tm) =	ssettm $0x7FFFFFFF  }
0xc3: {  	_ =	shalt  }
tec
execute0_lowered:
.L_overlay_start_1:
0x0: {  	(tag) =	ssettag $0x1  }
0x1: {  	s0 =	srdreg.scid;
	s1 =	rddreg [dreg:$0x0]  }
0x2: {  	s2 =	rddreg [dreg:$0x1];
	s6 =	stileid.u32  }
0x3: {  	s10 =	simm.s32 $0x0;
	s11 =	simm.s32 $0x19;
	s13 =	simm.s32 $0x50  }
0x4: {  	s15 =	simm.s32 $0x4E20;
	s17 =	simm.s32 $0x5320;
	s19 =	simm.s32 $0x5820  }
0x5: {  	s20 =	simm.s32 $0x5D20;
	s22 =	simm.s32 $0x6220;
	s29 =	simm.s32 $0x1  }
0x6: {  	s18 =	simm.s32 $0x3;
	s24 =	simm.s32 $0x4;
	s30 =	simm.s32 $0x8520  }
0x7: {  	s8 =	simm.s32 $0xD;
	s9 =	simm.s32 $0xE;
	s21 =	simm.s32 $0xF  }
0x8: {  	s16 =	simm.s32 $0x10;
	s23 =	simm.s32 $0x11;
	s0 =	sand.u32 $0x1, s0  }
0x9: {  	s28 =	simm.s32 $0x1A;
	[smem:$0x7FF] =	sst s10;
	s3 =	sshll.u32 s0, $0x4  }
0xa: {  	s0 =	ssub.s32 $0x2, s0;
	s3 =	sor.u32 s6, s3;
	s6 =	smul.u32 $0xA000, s6  }
0xb: {  	s4 =	sadd.s32 $0x18600, s1;
	s25 =	sshrl.u32 s0, $0x1;
	s5 =	smul.u32 $0x4E2, s3  }
0xc: {  	_ =	strace $0x8000004D;
	s3 =	smul.u32 $0x500, s3;
	s0 =	ssub.s32 s0, s25  }
0xd: {  	s25 =	simm.s32 $0x7B20;
	s31 =	sshrl.u32 s6, $0x2;
	s0 =	smax.u32 s0, $0x1  }
0xe: {  	s6 =	simm.s32 $0x18;
	s5 =	sadd.s32 s5, s1;
	s1 =	sadd.s32 s3, s1  }
0xf: {  	s7 =	sadd.s32 s31, s2;
	[dreg:$0x6] =	wrdreg s0;
	s26 =	sadd.s32 $0x4C00, s5  }
0x10: {  	s0 =	simm.s32 $0x2;
	s5 =	sadd.s32 $0xE840, s5;
	[dreg:$0x3] =	wrdreg s26  }
0x11: {  	s3 =	simm.s32 $0x0;
	s1 =	sadd.s32 $0x1D600, s1;
	[dreg:$0x4] =	wrdreg s5  }
0x12: {  	v0 =	vimm.f32 $0.0e+00;
	[dreg:$0x5] =	wrdreg s1;
	s5 =	simm.s32 $0x2710;
	s26 =	simm.s32 $0x8020  }
.LBB2_1:
0x13: {  	s1 =	rddreg [dreg:$0x3]  }
0x14: {  	[tilespmem:s10], [sflag:$0x19] =	stream.linear.gather [hbm4b:s1+s10], $0x2710, $0x38;
	[tilespmem:$0xDA20] =	vst v63  }
0x15: {  	s31 =	rddreg [dreg:$0x4];
	s12 =	simm.s32 $0x40;
	s14 =	simm.s32 $0x0  }
0x16: {  	[tilespmem:s5], [sflag:$0x19] =	stream.linear.gather [hbm4b:s31+s10], $0x2710, $0x38;
	[tilespmem:$0xDA20] =	vst v63  }
.LBB2_2:
0x17: {  	p0 =	sne.s32 s12, $0x9FC0;
	[tilespmem:s14+$0x8A20] =	vst v0;
	s14 =	smov.u32 s12;
	s12 =	sadd.s32 $0x40, s12  }
.Ltmp0:
0x18: {  	(pc) =	sbr.rel @p0 .LBB2_2-.Ltmp0, $2  }
0x19: {  	_ =	sdelay $0x2  }
0x1a: {  	s14 =	sshra.s32 s14, $0x2  }
0x1b: {  	[tilespmem:s14+$0x8A20] =	vst v0  }
0x1c: {  	_ =	swait.ge [sflag:s11], $0x2710  }
0x1d: {  	[sflag:s11] =	ssyncset.done $0x0  }
0x1e: {  	[sflag:s11] =	ssyncadd.s32 $0xFFFFD8F0  }
0x1f: {  	_ =	swait.ge [sflag:s11], $0x2710  }
0x20: {  	[sflag:s11] =	ssyncset.done $0x0  }
0x21: {  	s1 =	simm.s32 $0x8A20;
	[sflag:s11] =	ssyncadd.s32 $0xFFFFD8F0  }
0x22: {  	[spmem:s7] =	stream.linear.scatter [tilespmem:s1], [sflag:$0x19], $0x2800, $0x38;
	[tilespmem:$0xDA20] =	vst v63  }
0x23: {  	_ = 	snop  }
0x24: {  	[tilespmem:s15], [sflag:$0x1] =	stream.indirect.gather [hbm4b:s4+s13], $0x10, s10, s13, $0xb8;
	[tilespmem:$0xDA20] =	vst v63  }
0x25: {  	_ = 	snop  }
0x26: {  	[tilespmem:s17], [sflag:$0x2] =	stream.indirect.gather [hbm4b:s4+s13], $0x10, s13, s13, $0xb8;
	[tilespmem:$0xDA20] =	vst v63  }
0x27: {  	s10 =	simm.s32 $0xA0  }
0x28: {  	[tilespmem:s19], [sflag:$0x3] =	stream.indirect.gather [hbm4b:s4+s13], $0x10, s10, s13, $0xb8;
	[tilespmem:$0xDA20] =	vst v63  }
0x29: {  	s12 =	simm.s32 $0xF0  }
0x2a: {  	[tilespmem:s20], [sflag:$0x4] =	stream.indirect.gather [hbm4b:s4+s13], $0x10, s12, s13, $0xb8;
	[tilespmem:$0xDA20] =	vst v63  }
0x2b: {  	s14 =	simm.s32 $0x140  }
0x2c: {  	[tilespmem:s22], [sflag:$0x5] =	stream.indirect.gather [hbm4b:s4+s13], $0x10, s14, s13, $0xb8;
	[tilespmem:$0xDA20] =	vst v63  }
0x2d: {  	s31 =	simm.s32 $0x6720;
	s22 =	simm.s32 $0x190  }
0x2e: {  	[tilespmem:s31], [sflag:$0x6] =	stream.indirect.gather [hbm4b:s4+s13], $0x10, s22, s13, $0xb8;
	[tilespmem:$0xDA20] =	vst v63  }
0x2f: {  	s12 =	simm.s32 $0x1E0;
	s14 =	simm.s32 $0x6C20  }
0x30: {  	[tilespmem:s14], [sflag:$0x7] =	stream.indirect.gather [hbm4b:s4+s13], $0x10, s12, s13, $0xb8;
	[tilespmem:$0xDA20] =	vst v63  }
0x31: {  	s22 =	simm.s32 $0x230;
	s31 =	simm.s32 $0x7120  }
0x32: {  	[tilespmem:s31], [sflag:$0x8] =	stream.indirect.gather [hbm4b:s4+s13], $0x10, s22, s13, $0xb8;
	[tilespmem:$0xDA20] =	vst v63  }
0x33: {  	_ =	swait.ge [sflag:s11], $0x2800  }
0x34: {  	[sflag:s11] =	ssyncset.done $0x0  }
0x35: {  	[sflag:s11] =	ssyncadd.s32 $0xFFFFD800  }
0x36: {  	[bflag:$0x0] =	sbarrier.arrive $0xFFFF  }
0x37: {  	_ =	swait.ge [sflag:s29], $0x500  }
0x38: {  	[sflag:s29] =	ssyncset.done $0x0  }
0x39: {  	[sflag:s29] =	ssyncadd.s32 $0xFFFFFB00  }
0x3a: {  	[spmem:s2] =	stream.indirect.scatter.add.f32 [tilespmem:s15], [sflag:$0xD], $0x10, s5, s13, $0xb8;
	[tilespmem:$0xDA20] =	vst v63  }
0x3b: {  	s12 =	simm.s32 $0x280;
	s14 =	simm.s32 $0x7620  }
0x3c: {  	[tilespmem:s14], [sflag:$0x9] =	stream.indirect.gather [hbm4b:s4+s13], $0x10, s12, s13, $0xb8;
	[tilespmem:$0xDA20] =	vst v63  }
0x3d: {  	_ =	swait.ge [sflag:s0], $0x500  }
0x3e: {  	s10 =	simm.s32 $0x2850;
	[sflag:s0] =	ssyncset.done $0x0  }
0x3f: {  	s15 =	simm.s32 $0x2760;
	s12 =	simm.s32 $0xC;
	[sflag:s0] =	ssyncadd.s32 $0xFFFFFB00  }
0x40: {  	[spmem:s2] =	stream.indirect.scatter.add.f32 [tilespmem:s17], [sflag:$0xE], $0x10, s15, s13, $0xb8;
	[tilespmem:$0xDA20] =	vst v63  }
0x41: {  	s22 =	simm.s32 $0x27B0;
	s12 =	smul.u32 $0xAB, s12;
	s17 =	simm.s32 $0x2D0  }
0x42: {  	[tilespmem:s25], [sflag:$0xA] =	stream.indirect.gather [hbm4b:s4+s13], $0x10, s17, s13, $0xb8;
	[tilespmem:$0xDA20] =	vst v63  }
0x43: {  	s1 =	sadd.s32 $0xFFFFFAA8, s12;
	s12 =	sshrl.u32 s12, $0xB;
	_ =	swait.ge [sflag:s18], $0x500  }
0x44: {  	s14 =	sshrl.u32 s1, $0xB;
	s12 =	sand.u32 $0x1F, s12;
	[sflag:s18] =	ssyncset.done $0x0  }
0x45: {  	s14 =	sand.u32 $0x1F, s14;
	s12 =	smul.u32 $0xC, s12;
	[sflag:s18] =	ssyncadd.s32 $0xFFFFFB00  }
0x46: {  	[spmem:s2] =	stream.indirect.scatter.add.f32 [tilespmem:s19], [sflag:$0xF], $0x10, s22, s13, $0xb8;
	[tilespmem:$0xDA20] =	vst v63  }
0x47: {  	s31 =	simm.s32 $0x370;
	s25 =	simm.s32 $0x320;
	s14 =	smul.u32 $0xC, s14  }
0x48: {  	[tilespmem:s26], [sflag:$0xB] =	stream.indirect.gather [hbm4b:s4+s13], $0x10, s25, s13, $0xb8;
	[tilespmem:$0xDA20] =	vst v63  }
0x49: {  	s17 =	simm.s32 $0x28A0;
	s12 =	ssub.s32 $0xC, s12;
	_ =	swait.ge [sflag:s24], $0x500  }
0x4a: {  	s5 =	ssub.s32 $0xC, s14;
	s12 =	sand.u32 $0xFF, s12;
	[sflag:s24] =	ssyncset.done $0x0  }
0x4b: {  	s15 =	sadd.s32 $0xFFFFFFF8, s5;
	s26 =	simm.s32 $0x2800;
	[sflag:s24] =	ssyncadd.s32 $0xFFFFFB00  }
0x4c: {  	[spmem:s2] =	stream.indirect.scatter.add.f32 [tilespmem:s20], [sflag:$0x10], $0x10, s26, s13, $0xb8;
	[tilespmem:$0xDA20] =	vst v63  }
0x4d: {  	s14 =	simm.s32 $0x3C0;
	s1 =	smul.u32 $0x1400, s12;
	s25 =	sand.u32 $0xFF, s15  }
0x4e: {  	[tilespmem:s30], [sflag:$0xC] =	stream.indirect.gather [hbm4b:s4+s13], $0x10, s31, s13, $0xb8;
	[tilespmem:$0xDA20] =	vst v63  }
0x4f: {  	s15 =	simm.s32 $0xD;
	s26 =	sadd.s32 $0x1, s25;
	s31 =	smul.u32 $0x1400, s25  }
0x50: {  	s5 =	sshrl.u32 s1, $0x2;
	s30 =	smul.u32 $0xAB, s15;
	_ =	swait.ge [sflag:s26], $0x500  }
0x51: {  	s19 =	sadd.s32 $0xD, s25;
	s22 =	sshrl.u32 s31, $0x2;
	[sflag:s26] =	ssyncset.done $0x0  }
0x52: {  	s25 =	sadd.s32 $0xFFFFFAA8, s30;
	s22 =	sadd.s32 $0x4E20, s22;
	[sflag:s26] =	ssyncadd.s32 $0xFFFFFB00  }
0x53: {  	[spmem:s2] =	stream.indirect.scatter.add.f32 [tilespmem:s22], [sflag:s19], $0x10, s10, s13, $0xb8;
	[tilespmem:$0xDA20] =	vst v63  }
0x54: {  	s31 =	sadd.s32 $0xD, s12;
	s26 =	sshrl.u32 s25, $0xB;
	s22 =	simm.s32 $0xE  }
0x55: {  	s19 =	sadd.s32 $0x1, s12;
	s10 =	sshrl.u32 s30, $0xB;
	_ =	swait.ge [sflag:s31], $0x500  }
0x56: {  	s12 =	sadd.s32 $0x4E20, s5;
	s30 =	sand.u32 $0x1F, s10;
	[sflag:s31] =	ssyncset.done $0x0  }
0x57: {  	s20 =	smul.u32 $0xC, s30;
	s30 =	simm.s32 $0x3C0;
	[sflag:s31] =	ssyncadd.s32 $0xFFFFFB00  }
.LBB2_4:
0x58: {  	s26 =	sand.u32 $0x1F, s26;
	s14 =	sadd.s32 $0x50, s14  }
0x59: {  	s31 =	smov.u32 s22;
	s1 =	sadd.s32 $0x1, s22;
	s25 =	smov.u32 s17  }
0x5a: {  	p0 =	sne.s32 s22, $0x7C;
	s22 =	smul.u32 $0xC, s26;
	s20 =	ssub.s32 s15, s20  }
0x5b: {  	[tilespmem:s12], [sflag:s19] =	stream.indirect.gather [hbm4b:s4+s13], $0x10, s30, s13, $0xb8;
	[tilespmem:$0xDA20] =	vst v63  }
0x5c: {  	s20 =	sand.u32 $0xFF, s20;
	s12 =	ssub.s32 s15, s22;
	s15 =	smov.u32 s31  }
0x5d: {  	s22 =	smul.u32 $0x1400, s20;
	s19 =	sadd.s32 $0x1, s20;
	s12 =	sadd.s32 $0xFFFFFFF8, s12  }
0x5e: {  	s17 =	sadd.s32 $0x50, s17;
	s30 =	smov.u32 s14;
	s12 =	sand.u32 $0xFF, s12  }
0x5f: {  	s22 =	sshrl.u32 s22, $0x2;
	s26 =	sadd.s32 $0x1, s12;
	s31 =	smul.u32 $0x1400, s12  }
0x60: {  	s10 =	sadd.s32 $0xD, s20;
	s5 =	smul.u32 $0xAB, s15;
	_ =	swait.ge [sflag:s26], $0x500  }
0x61: {  	s12 =	sadd.s32 $0xD, s12;
	s20 =	sshrl.u32 s31, $0x2;
	[sflag:s26] =	ssyncset.done $0x0  }
0x62: {  	s20 =	sadd.s32 $0x4E20, s20;
	[sflag:s26] =	ssyncadd.s32 $0xFFFFFB00  }
0x63: {  	[spmem:s2] =	stream.indirect.scatter.add.f32 [tilespmem:s20], [sflag:s12], $0x10, s25, s13, $0xb8;
	[tilespmem:$0xDA20] =	vst v63  }
.Ltmp1:
0x64: {  	_ = 	snop;
	(pc) =	sbr.rel @p0 .LBB2_4-.Ltmp1, $4  }
0x65: {  	s20 =	sshrl.u32 s5, $0xB  }
0x66: {  	s12 =	sadd.s32 $0x4E20, s22;
	s5 =	sadd.s32 $0xFFFFFAA8, s5;
	_ =	swait.ge [sflag:s10], $0x500  }
0x67: {  	s22 =	smov.u32 s1;
	s20 =	sand.u32 $0x1F, s20;
	[sflag:s10] =	ssyncset.done $0x0  }
0x68: {  	s26 =	sshrl.u32 s5, $0xB;
	s20 =	smul.u32 $0xC, s20;
	[sflag:s10] =	ssyncadd.s32 $0xFFFFFB00  }
0x69: {  	s1 =	sand.u32 $0x1F, s26  }
0x6a: {  	s1 =	smul.u32 $0xC, s1  }
0x6b: {  	[tilespmem:s12], [sflag:s19] =	stream.indirect.gather [hbm4b:s4+s13], $0x10, s30, s13, $0xb8;
	[tilespmem:$0xDA20] =	vst v63  }
0x6c: {  	s1 =	ssub.s32 s15, s1  }
0x6d: {  	s1 =	sadd.s32 $0xFFFFFFF8, s1  }
0x6e: {  	s1 =	sand.u32 $0xFF, s1  }
0x6f: {  	s5 =	sadd.s32 $0x1, s1;
	s10 =	smul.u32 $0x1400, s1  }
0x70: {  	_ =	swait.ge [sflag:s5], $0x500  }
0x71: {  	s25 =	ssub.s32 s15, s20;
	s10 =	sshrl.u32 s10, $0x2;
	[sflag:s5] =	ssyncset.done $0x0  }
0x72: {  	s1 =	sadd.s32 $0xD, s1;
	[sflag:s5] =	ssyncadd.s32 $0xFFFFFB00;
	s22 =	sadd.s32 $0x4E20, s10  }
0x73: {  	[spmem:s2] =	stream.indirect.scatter.add.f32 [tilespmem:s22], [sflag:s1], $0x10, s17, s13, $0xb8;
	[tilespmem:$0xDA20] =	vst v63  }
0x74: {  	s1 =	sand.u32 $0xFF, s25  }
0x75: {  	s26 =	sadd.s32 $0xD, s1;
	s31 =	smul.u32 $0x1400, s1  }
0x76: {  	s14 =	sadd.s32 $0x50, s14;
	_ =	swait.ge [sflag:s26], $0x500  }
0x77: {  	s15 =	simm.s32 $0xA;
	[sflag:s26] =	ssyncset.done $0x0;
	s12 =	sshrl.u32 s31, $0x2  }
0x78: {  	s1 =	sadd.s32 $0x1, s1;
	[sflag:s26] =	ssyncadd.s32 $0xFFFFFB00;
	s5 =	sadd.s32 $0x4E20, s12  }
0x79: {  	[tilespmem:s5], [sflag:s1] =	stream.indirect.gather [hbm4b:s4+s13], $0x10, s14, s13, $0xb8;
	[tilespmem:$0xDA20] =	vst v63  }
0x7a: {  	_ =	swait.ge [sflag:s15], $0x500  }
0x7b: {  	s19 =	simm.s32 $0xB;
	[sflag:s15] =	ssyncset.done $0x0  }
0x7c: {  	s25 =	simm.s32 $0x7B20;
	s17 =	simm.s32 $0x4BA0;
	[sflag:s15] =	ssyncadd.s32 $0xFFFFFB00  }
0x7d: {  	[spmem:s2] =	stream.indirect.scatter.add.f32 [tilespmem:s25], [sflag:$0x16], $0x10, s17, s13, $0xb8;
	[tilespmem:$0xDA20] =	vst v63  }
0x7e: {  	_ =	swait.ge [sflag:s19], $0x500  }
0x7f: {  	s20 =	simm.s32 $0x4BF0;
	[sflag:s19] =	ssyncset.done $0x0  }
0x80: {  	s22 =	simm.s32 $0xC;
	s26 =	simm.s32 $0x8020;
	[sflag:s19] =	ssyncadd.s32 $0xFFFFFB00  }
0x81: {  	[spmem:s2] =	stream.indirect.scatter.add.f32 [tilespmem:s26], [sflag:$0x17], $0x10, s20, s13, $0xb8;
	[tilespmem:$0xDA20] =	vst v63  }
0x82: {  	_ =	swait.ge [sflag:s22], $0x500  }
0x83: {  	[sflag:s22] =	ssyncset.done $0x0  }
0x84: {  	s30 =	simm.s32 $0x8520;
	s31 =	simm.s32 $0x4C40;
	[sflag:s22] =	ssyncadd.s32 $0xFFFFFB00  }
0x85: {  	[spmem:s2] =	stream.indirect.scatter.add.f32 [tilespmem:s30], [sflag:$0x18], $0x10, s31, s13, $0xb8;
	[tilespmem:$0xDA20] =	vst v63  }
0x86: {  	_ =	swait.ge [sflag:s29], $0x500  }
0x87: {  	[sflag:s29] =	ssyncset.done $0x0  }
0x88: {  	s5 =	simm.s32 $0x4C90;
	s15 =	simm.s32 $0x4E20;
	[sflag:s29] =	ssyncadd.s32 $0xFFFFFB00  }
0x89: {  	[spmem:s2] =	stream.indirect.scatter.add.f32 [tilespmem:s15], [sflag:$0xD], $0x10, s5, s13, $0xb8;
	[tilespmem:$0xDA20] =	vst v63  }
0x8a: {  	_ =	swait.ge [sflag:s0], $0x500  }
0x8b: {  	[sflag:s0] =	ssyncset.done $0x0  }
0x8c: {  	s10 =	simm.s32 $0x4CE0;
	s17 =	simm.s32 $0x5320;
	[sflag:s0] =	ssyncadd.s32 $0xFFFFFB00  }
0x8d: {  	[spmem:s2] =	stream.indirect.scatter.add.f32 [tilespmem:s17], [sflag:$0xE], $0x10, s10, s13, $0xb8;
	[tilespmem:$0xDA20] =	vst v63  }
0x8e: {  	_ =	swait.ge [sflag:s18], $0x500  }
0x8f: {  	[sflag:s18] =	ssyncset.done $0x0  }
0x90: {  	s12 =	simm.s32 $0x4D30;
	s19 =	simm.s32 $0x5820;
	[sflag:s18] =	ssyncadd.s32 $0xFFFFFB00  }
0x91: {  	[spmem:s2] =	stream.indirect.scatter.add.f32 [tilespmem:s19], [sflag:$0xF], $0x10, s12, s13, $0xb8;
	[tilespmem:$0xDA20] =	vst v63  }
0x92: {  	_ =	swait.ge [sflag:s24], $0x500  }
0x93: {  	s14 =	simm.s32 $0x4D80;
	[sflag:s24] =	ssyncset.done $0x0  }
0x94: {  	s20 =	simm.s32 $0x5D20;
	s22 =	simm.s32 $0x5;
	[sflag:s24] =	ssyncadd.s32 $0xFFFFFB00  }
0x95: {  	[spmem:s2] =	stream.indirect.scatter.add.f32 [tilespmem:s20], [sflag:$0x10], $0x10, s14, s13, $0xb8;
	[tilespmem:$0xDA20] =	vst v63  }
0x96: {  	_ =	swait.ge [sflag:s22], $0x500  }
0x97: {  	s31 =	simm.s32 $0x4DD0;
	[sflag:s22] =	ssyncset.done $0x0  }
0x98: {  	s5 =	simm.s32 $0x12;
	[sflag:s22] =	ssyncadd.s32 $0xFFFFFB00;
	s22 =	simm.s32 $0x6220  }
0x99: {  	[spmem:s2] =	stream.indirect.scatter.add.f32 [tilespmem:s22], [sflag:$0x11], $0x10, s31, s13, $0xb8;
	[tilespmem:$0xDA20] =	vst v63  }
0x9a: {  	_ =	swait.ge [sflag:s5], $0x500  }
0x9b: {  	[sflag:s5] =	ssyncset.done $0x0  }
0x9c: {  	s10 =	simm.s32 $0x13;
	[sflag:s5] =	ssyncadd.s32 $0xFFFFFB00  }
0x9d: {  	_ =	swait.ge [sflag:s10], $0x500  }
0x9e: {  	[sflag:s10] =	ssyncset.done $0x0  }
0x9f: {  	s12 =	simm.s32 $0x14;
	[sflag:s10] =	ssyncadd.s32 $0xFFFFFB00  }
0xa0: {  	_ =	swait.ge [sflag:s12], $0x500  }
0xa1: {  	[sflag:s12] =	ssyncset.done $0x0  }
0xa2: {  	s14 =	simm.s32 $0x15;
	[sflag:s12] =	ssyncadd.s32 $0xFFFFFB00  }
0xa3: {  	_ =	swait.ge [sflag:s14], $0x500  }
0xa4: {  	[sflag:s14] =	ssyncset.done $0x0  }
0xa5: {  	s31 =	simm.s32 $0x16;
	[sflag:s14] =	ssyncadd.s32 $0xFFFFFB00  }
0xa6: {  	_ =	swait.ge [sflag:s31], $0x500  }
0xa7: {  	[sflag:s31] =	ssyncset.done $0x0  }
0xa8: {  	s5 =	simm.s32 $0x17;
	[sflag:s31] =	ssyncadd.s32 $0xFFFFFB00  }
0xa9: {  	_ =	swait.ge [sflag:s5], $0x500  }
0xaa: {  	[sflag:s5] =	ssyncset.done $0x0  }
0xab: {  	[sflag:s5] =	ssyncadd.s32 $0xFFFFFB00  }
0xac: {  	_ =	swait.ge [sflag:s6], $0x500  }
0xad: {  	[sflag:s6] =	ssyncset.done $0x0  }
0xae: {  	[sflag:s6] =	ssyncadd.s32 $0xFFFFFB00  }
0xaf: {  	_ =	swait.ge [sflag:s8], $0x500  }
0xb0: {  	[sflag:s8] =	ssyncset.done $0x0  }
0xb1: {  	[sflag:s8] =	ssyncadd.s32 $0xFFFFFB00  }
0xb2: {  	_ =	swait.ge [sflag:s9], $0x500  }
0xb3: {  	[sflag:s9] =	ssyncset.done $0x0  }
0xb4: {  	[sflag:s9] =	ssyncadd.s32 $0xFFFFFB00  }
0xb5: {  	_ =	swait.ge [sflag:s21], $0x500  }
0xb6: {  	[sflag:s21] =	ssyncset.done $0x0  }
0xb7: {  	[sflag:s21] =	ssyncadd.s32 $0xFFFFFB00  }
0xb8: {  	_ =	swait.ge [sflag:s16], $0x500  }
0xb9: {  	[sflag:s16] =	ssyncset.done $0x0  }
0xba: {  	[sflag:s16] =	ssyncadd.s32 $0xFFFFFB00  }
0xbb: {  	_ =	swait.ge [sflag:s23], $0x500  }
0xbc: {  	[sflag:s23] =	ssyncset.done $0x0  }
0xbd: {  	s10 =	stileid.u32;
	[sflag:s23] =	ssyncadd.s32 $0xFFFFFB00  }
0xbe: {  	s1 =	sshll.u32 s10, $0x6;
	[bflag:$0x0] =	sbarrier.arrive $0xFFFF  }
0xbf: {  	s1 =	sor.u32 $0x1C1A, s1;
	s12 =	sshrl.u32 s7, $0x3;
	s14 =	rddreg [dreg:$0x5]  }
0xc0: {  	[hbm:s14], [sflag:s1] =	dma.local [spmem:s12], $0x500  }
0xc1: {  	_ =	swait.ge [sflag:s28], $0x500  }
0xc2: {  	s3 =	sadd.s32 $0x1, s3;
	s31 =	rddreg [dreg:$0x6]  }
0xc3: {  	p0 =	sne.s32 s3, s31  }
.Ltmp2:
0xc4: {  	_ = 	snop;
	(pc) =	sbr.rel @p0 .LBB2_1-.Ltmp2, $3  }
0xc5: {  	_ =	sdelay $0x1  }
0xc6: {  	[sflag:s28] =	ssyncset.done $0x0  }
0xc7: {  	s10 =	simm.s32 $0x0;
	s5 =	simm.s32 $0x2710;
	[sflag:s28] =	ssyncadd.s32 $0xFFFFFB00  }
0xc8: {  	_ =	sfence.sel $0x180000  }
0xc9: {  	[bflag:$0x0] =	sbarrier.arrive $0xFFFF  }
0xca: {  	_ =	strace $0x9000004D  }
0xcb: {  	s0 =	stileid.u32;
	[bflag:$0x2] =	sbarrier.arrive $0xFFFF  }
0xcc: {  	p0 =	sne.s32 s0, $0x0;
	s0 =	rddreg [dreg:$0x2]  }
0xcd: {  	s0 =	sadd.s32 @!p0 $0x100000, s0  }
0xce: {  	[sflag:s0] =	ssyncadd.tile.s32 @!p0 $0x1;
	_ =	shalt  }
.Lfunc_end2:
_tile_overlayer_lowered:
.L_overlay_start_2:
0xcf: {  	(tag) =	ssettag $0x2  }
0xd0: {  	s0 =	rddreg [dreg:$0x0];
	s2 =	stileid.u32  }
0xd1: {  	s1 =	rddreg [dreg:$0x1];
	p0 =	sne.s32 s2, $0x0  }
0xd2: {  	s3 =	rddreg [dreg:$0x2];
	[bflag:$0x3] =	sbarrier.arrive $0xFFFF;
	s2 =	simm.s32 @!p0 $0x1C1A  }
0xd3: {  	[timem:s3], [sflag:s2] =	dma.local @!p0 [hbm:s0], s1  }
0xd4: {  	s0 =	simm.s32 @!p0 $0x1A  }
0xd5: {  	_ =	swait.ge @!p0 [sflag:s0], s1  }
0xd6: {  	s1 =	ssub.s32 @!p0 $0x0, s1;
	[sflag:s0] =	ssyncset.done @!p0 $0x0  }
0xd7: {  	[sflag:s0] =	ssyncadd.s32 @!p0 s1  }
0xd8: {  	[bflag:$0x3] =	sbarrier.arrive $0xFFFF  }
0xd9: {  	_ =	shalt  }

// kernel: kernel.19.cloned.1.call-start
scs
__scs_entry_jumppad:
0x0: {  	(pc) =	sbr.rel $0x88, $3  }
0x1: {  	(tag) =	ssettag $0x0;
	lr =	simm.s32 $0x1  }
0x2: {  	[smem:$0x3F91] =	sst lr;
	_ =	strace $0xD0000000  }
0x3: {  	_ = 	snop  }
0x4: {  	_ = 	snop  }
0x5: {  	_ = 	snop  }
0x6: {  	_ = 	snop  }
0x7: {  	_ = 	snop  }
__scs_overlays_trampoline_lowered:
0x8: {  	[smem:$0x3FA0] =	sst s0  }
0x9: {  	[smem:$0x3FA1] =	sst s1  }
0xa: {  	[smem:$0x3FA2] =	sst s2  }
0xb: {  	[smem:$0x3FA3] =	sst s3  }
0xc: {  	[smem:$0x3FA4] =	sst s4  }
0xd: {  	[smem:$0x3FA5] =	sst s5  }
0xe: {  	[smem:$0x3FA6] =	sst s6  }
0xf: {  	[smem:$0x3FA7] =	sst s7  }
0x10: {  	[smem:$0x3FA8] =	sst s8  }
0x11: {  	[smem:$0x3FA9] =	sst s9;
	s0 =	simm.s32 @!p0 $0x0  }
0x12: {  	s1 =	sld [smem:$0x3F8F];
	s0 =	simm.s32 @p0 $0x1  }
0x13: {  	[smem:$0x3FAA] =	sst s0;
	s0 =	simm.s32 @!p1 $0x0  }
0x14: {  	s2 =	sld [smem:$0x3F8E];
	s0 =	simm.s32 @p1 $0x1  }
0x15: {  	[smem:$0x3FAB] =	sst s0;
	s0 =	simm.s32 @!p2 $0x0  }
0x16: {  	s3 =	sld [smem:$0x3FDB];
	s0 =	simm.s32 @p2 $0x1  }
0x17: {  	s4 =	simm.s32 $0x1BF5;
	[smem:$0x3FAD] =	sst s0  }
0x18: {  	s0 =	sld [smem:$0x3F90];
	_ =	swait.ge [sflag:s4], $0x0  }
0x19: {  	s7 =	sld [smem:$0x3F91]  }
0x1a: {  	s8 =	sadd.s32 $0xFFFFE003, lr  }
0x1b: {  	s9 =	sadd.s32 $0xFFFFFEF7, lr;
	s5 =	simm.s32 $0xFFFFFFFF;
	p2 =	slt.u32 s8, $0xFFFFF086  }
0x1c: {  	p1 =	slt.u32 s9, $0xF7A;
	s5 =	simm.s32 @!p2 $0x0  }
0x1d: {  	s5 =	simm.s32 @p1 $0x1;
	p0 =	seq.s32 s7, s2  }
0x1e: {  	s7 =	smul.u32 @!p0 $0xF7A, s2;
	p2 =	seq.s32 @!p0 s5, $0x0  }
0x1f: {  	s9 =	smul.u32 $0xF7A, s1;
	s8 =	simm.s32 @!p0 $0x1BF5;
	p2 =	por !p2, p0  }
0x20: {  	[sflag:s8] =	ssyncset.s32 @!p0 $0xFFFFF086;
	s6 =	sadd.s32 @!p0 s3, s7;
	s7 =	simm.s32 @!p0 $0x108  }
0x21: {  	s3 =	sadd.s32 s3, s9;
	s6 =	sadd.s32 @!p0 $0x88, s6;
	s7 =	simm.s32 @p2 $0x1082  }
0x22: {  	[simem:s7], [sflag:s8] =	dma.local @!p0 [hbm:s6], $0xF7A  }
0x23: {  	s9 =	sor.u32 $0xD0000000, s2;
	s6 =	simm.s32 $0x108;
	_ =	swait.ge @!p0 [sflag:s8], $0x0  }
0x24: {  	s3 =	sadd.s32 $0x88, s3;
	s6 =	simm.s32 @!p1 $0x1082;
	[sflag:s4] =	ssyncset.s32 $0xFFFFF086  }
0x25: {  	[simem:s6], [sflag:s4] =	dma.local [hbm:s3], $0xF7A  }
0x26: {  	[smem:$0x3F91] =	sst s1;
	(tag) =	ssettag s2;
	_ =	strace s9  }
0x27: {  	s1 =	sld [smem:$0x3FA1]  }
0x28: {  	s2 =	sld [smem:$0x3FA2]  }
0x29: {  	s4 =	sld [smem:$0x3FA4]  }
0x2a: {  	p0 =	seq.s32 s5, $0x0;
	s5 =	sld [smem:$0x3FA5]  }
0x2b: {  	s6 =	sld [smem:$0x3FA6]  }
0x2c: {  	s7 =	sld [smem:$0x3FA7]  }
0x2d: {  	s3 =	simm.s32 $0x108;
	s8 =	sld [smem:$0x3FA8]  }
0x2e: {  	s3 =	simm.s32 @!p0 $0x1082;
	s9 =	sld [smem:$0x3FA9]  }
0x2f: {  	lr =	sadd.s32 s0, s3;
	s0 =	sld [smem:$0x3FA0]  }
0x30: {  	s3 =	sld [smem:$0x3FA3]  }
0x31: {  	[smem:$0x3FAC] =	sst s10  }
0x32: {  	s10 =	sld [smem:$0x3FAA];
	_ =	sdelay $0x3  }
0x33: {  	p0 =	seq.s32 s10, $0x1;
	s10 =	sld [smem:$0x3FAC];
	_ =	sdelay $0x3  }
0x34: {  	[smem:$0x3FAC] =	sst s10  }
0x35: {  	s10 =	sld [smem:$0x3FAB];
	_ =	sdelay $0x3  }
0x36: {  	p1 =	seq.s32 s10, $0x1;
	s10 =	sld [smem:$0x3FAC];
	_ =	sdelay $0x3  }
0x37: {  	[smem:$0x3FAC] =	sst s10  }
0x38: {  	s10 =	sld [smem:$0x3FAD]  }
0x39: {  	_ = 	snop;
	(pc) =	sbr.ind lr, $3  }
0x3a: {  	_ = 	snop  }
0x3b: {  	_ = 	snop  }
0x3c: {  	p2 =	seq.s32 s10, $0x1;
	s10 =	sld [smem:$0x3FAC]  }
0x3d: {  	_ =	shalt  }
0x3e: {  	_ =	shalt  }
0x3f: {  	_ =	shalt  }
0x40: {  	_ =	shalt  }
0x41: {  	_ =	shalt  }
0x42: {  	_ =	shalt  }
0x43: {  	_ =	shalt  }
0x44: {  	_ =	shalt  }
0x45: {  	_ =	shalt  }
0x46: {  	_ =	shalt  }
0x47: {  	_ =	shalt  }
0x48: {  	_ =	shalt  }
0x49: {  	_ =	shalt  }
0x4a: {  	_ =	shalt  }
0x4b: {  	_ =	shalt  }
0x4c: {  	_ =	shalt  }
0x4d: {  	_ =	shalt  }
0x4e: {  	_ =	shalt  }
0x4f: {  	_ =	shalt  }
0x50: {  	_ =	shalt  }
0x51: {  	_ =	shalt  }
0x52: {  	_ =	shalt  }
0x53: {  	_ =	shalt  }
0x54: {  	_ =	shalt  }
0x55: {  	_ =	shalt  }
0x56: {  	_ =	shalt  }
0x57: {  	_ =	shalt  }
0x58: {  	_ =	shalt  }
0x59: {  	_ =	shalt  }
0x5a: {  	_ =	shalt  }
0x5b: {  	_ =	shalt  }
0x5c: {  	_ =	shalt  }
0x5d: {  	_ =	shalt  }
0x5e: {  	_ =	shalt  }
0x5f: {  	_ =	shalt  }
0x60: {  	_ =	shalt  }
0x61: {  	_ =	shalt  }
0x62: {  	_ =	shalt  }
0x63: {  	_ =	shalt  }
0x64: {  	_ =	shalt  }
0x65: {  	_ =	shalt  }
0x66: {  	_ =	shalt  }
0x67: {  	_ =	shalt  }
0x68: {  	_ =	shalt  }
0x69: {  	_ =	shalt  }
0x6a: {  	_ =	shalt  }
0x6b: {  	_ =	shalt  }
0x6c: {  	_ =	shalt  }
0x6d: {  	_ =	shalt  }
0x6e: {  	_ =	shalt  }
0x6f: {  	_ =	shalt  }
0x70: {  	_ =	shalt  }
0x71: {  	_ =	shalt  }
0x72: {  	_ =	shalt  }
0x73: {  	_ =	shalt  }
0x74: {  	_ =	shalt  }
0x75: {  	_ =	shalt  }
0x76: {  	_ =	shalt  }
0x77: {  	_ =	shalt  }
0x78: {  	_ =	shalt  }
0x79: {  	_ =	shalt  }
0x7a: {  	_ =	shalt  }
0x7b: {  	_ =	shalt  }
0x7c: {  	_ =	shalt  }
0x7d: {  	_ =	shalt  }
0x7e: {  	_ =	shalt  }
0x7f: {  	_ =	shalt  }
0x80: {  	_ =	shalt  }
0x81: {  	_ =	shalt  }
0x82: {  	_ =	shalt  }
0x83: {  	_ =	shalt  }
0x84: {  	_ =	shalt  }
0x85: {  	_ =	shalt  }
0x86: {  	_ =	shalt  }
0x87: {  	_ =	shalt  }
.Lfunc_end0:
.L_simem_size_0:
called_computation.3_lowered:
.L_overlay_start_0:
0x88: {  	s2 =	sld [smem:$0x3FD9]  }
0x89: {  	s3 =	sld [smem:$0x3FFE];
	_ =	sdelay $0x1  }
0x8a: {  	s1 =	srdreg.scid  }
0x8b: {  	s0 =	sand.u32 $0x1, s1  }
0x8c: {  	s16 =	sshll.u32 s0, $0xA;
	s2 =	sadd.s32 s3, s2  }
0x8d: {  	s2 =	sadd.s32 s2, s16  }
0x8e: {  	[smem:$0x3FB8] =	sst s2  }
0x8f: {  	_ = 	snop  }
0x90: {  	(tm) =	ssettm $0x1  }
0x91: {  	s17 =	sld [smem:$0x3FFB];
	_ =	sdelay $0x3  }
0x92: {  	_ =	strace s17  }
0x93: {  	s2 =	sld [smem:$0x3FFC];
	_ =	sdelay $0x3  }
0x94: {  	_ =	strace s2  }
0x95: {  	s2 =	sld [smem:$0x3FFD];
	_ =	sdelay $0x3  }
0x96: {  	_ =	strace s2  }
0x97: {  	_ =	strace $0x8FFFFFFF  }
0x98: {  	s18 =	sld [smem:$0x3FDB];
	_ =	sdelay $0x1  }
0x99: {  	s19 =	simm.s32 $_scs_section_size  }
0x9a: {  	s4 =	simm.s32 $_size__tile_overlayer_lowered;
	s5 =	simm.s32 $_tile_overlayer_lowered  }
0x9b: {  	s22 =	simm.s32 $0x1BFF;
	s21 =	sshll.u32 s5, $0x1;
	s2 =	sadd.s32 s19, s18  }
0x9c: {  	s6 =	simm.s32 $0x0;
	s20 =	sshll.u32 s4, $0x1;
	s4 =	sadd.s32 s21, s2  }
0x9d: {  	[timem:s6], [sflag:s22] =	dma.local [hbm:s4], s20  }
0x9e: {  	_ =	swait.ge [sflag:s22], s20  }
0x9f: {  	s3 =	ssub.s32 $0x0, s20;
	[sflag:s22] =	ssyncset.done $0x0  }
0xa0: {  	[sflag:s22] =	ssyncadd.s32 s3;
	_ =	sdelay $0x1  }
0xa1: {  	s23 =	simm.s32 $0x1B8B  }
0xa2: {  	_ =	swait.ge [sflag:s23], $0x1  }
0xa3: {  	[sflag:s23] =	ssyncset.done $0x0  }
0xa4: {  	s25 =	simm.s32 $0x1B8E;
	s24 =	sld [smem:$0x3FFE];
	[sflag:s23] =	ssyncadd.s32 $0xFFFFFFFF  }
0xa5: {  	s26 =	simm.s32 $execute0_lowered;
	[smem:$0x3FD2] =	sst s25  }
0xa6: {  	s4 =	sshll.u32 s26, $0x1;
	_ =	strace $0x8000004F;
	[dreg:$0x1] =	wrdreg $0xFFFFFFFF  }
0xa7: {  	s28 =	simm.s32 $_size_execute0_lowered;
	s2 =	sadd.s32 s2, s4;
	[dreg:$0x0] =	wrdreg $0x0  }
0xa8: {  	s4 =	sshll.u32 s28, $0x1;
	[dreg:$0x2] =	wrdreg s2  }
0xa9: {  	[dreg:$0x3] =	wrdreg s4  }
0xaa: {  	[dreg:$0x4] =	wrdreg $0xC0  }
0xab: {  	_ =	task [dreg:s6], $0x5FFFF  }
0xac: {  	[dreg:$0x1] =	wrdreg $0xFFFFFFFF  }
0xad: {  	[dreg:$0x0] =	wrdreg $0x60  }
0xae: {  	[dreg:$0x2] =	wrdreg s24  }
0xaf: {  	[dreg:$0x3] =	wrdreg $0xB2200  }
0xb0: {  	[dreg:$0x4] =	wrdreg $0x9  }
0xb1: {  	_ =	task.clear_ibuf [dreg:s6], $0x5FFFF;
	_ =	strace $0x9000004F  }
0xb2: {  	s29 =	simm.s32 $0x9;
	_ =	strace $0x80000051  }
0xb3: {  	_ =	swait.ge [sflag:s29], $0x1  }
0xb4: {  	[sflag:s29] =	ssyncadd.s32 $0xFFFFFFFF  }
0xb5: {  	_ =	strace $0x90000051  }
0xb6: {  	_ =	sfence  }
0xb7: {  	s30 =	sld [smem:$0x0];
	_ =	sdelay $0x2  }
0xb8: {  	s31 =	sshll.u32 s1, $0xD;
	s1 =	sshrl.u32 s1, $0x2  }
0xb9: {  	s3 =	sand.u32 $0x4000, s31;
	s1 =	sadd.s32 s1, s30  }
0xba: {  	s0 =	sor.u32 s3, s0;
	s1 =	sshll.u32 s1, $0x11  }
0xbb: {  	s0 =	sor.u32 s1, s0  }
0xbc: {  	s0 =	sadd.s32 $0x8F2B, s0  }
0xbd: {  	[sflag:s0] =	ssyncadd.remote.s32 $0x1  }
0xbe: {  	_ =	sfence.sel $0xFFFF  }
0xbf: {  	[dreg:$0x0] =	wrdreg $0xFFFFFFFF;
	(pc) =	sbr.abs _section_cstart, $3  }
0xc0: {  	[dreg:$0x1] =	wrdreg $0xFFFFFFFF  }
0xc1: {  	_ =	task.clear_ibuf [dreg:s6], $0x2FFFF;
	_ =	strace $0x9FFFFFFF  }
0xc2: {  	(tm) =	ssettm $0x7FFFFFFF  }
0xc3: {  	_ =	shalt  }
tec
execute0_lowered:
.L_overlay_start_1:
0x0: {  	(tag) =	ssettag $0x1  }
0x1: {  	s0 =	srdreg.scid;
	s1 =	rddreg [dreg:$0x0]  }
0x2: {  	s2 =	rddreg [dreg:$0x1];
	s6 =	stileid.u32  }
0x3: {  	s10 =	simm.s32 $0x0;
	s11 =	simm.s32 $0x19;
	s13 =	simm.s32 $0x50  }
0x4: {  	s15 =	simm.s32 $0x4E20;
	s17 =	simm.s32 $0x5320;
	s19 =	simm.s32 $0x5820  }
0x5: {  	s20 =	simm.s32 $0x5D20;
	s22 =	simm.s32 $0x6220;
	s29 =	simm.s32 $0x1  }
0x6: {  	s18 =	simm.s32 $0x3;
	s24 =	simm.s32 $0x4;
	s30 =	simm.s32 $0x8520  }
0x7: {  	s8 =	simm.s32 $0xD;
	s9 =	simm.s32 $0xE;
	s21 =	simm.s32 $0xF  }
0x8: {  	s16 =	simm.s32 $0x10;
	s23 =	simm.s32 $0x11;
	s0 =	sand.u32 $0x1, s0  }
0x9: {  	s28 =	simm.s32 $0x1A;
	[smem:$0x7FF] =	sst s10;
	s3 =	sshll.u32 s0, $0x4  }
0xa: {  	s0 =	ssub.s32 $0x2, s0;
	s3 =	sor.u32 s6, s3;
	s6 =	smul.u32 $0xA000, s6  }
0xb: {  	s4 =	sadd.s32 $0x18600, s1;
	s25 =	sshrl.u32 s0, $0x1;
	s5 =	smul.u32 $0x4E2, s3  }
0xc: {  	_ =	strace $0x80000050;
	s3 =	smul.u32 $0x500, s3;
	s0 =	ssub.s32 s0, s25  }
0xd: {  	s25 =	simm.s32 $0x7B20;
	s31 =	sshrl.u32 s6, $0x2;
	s0 =	smax.u32 s0, $0x1  }
0xe: {  	s6 =	simm.s32 $0x18;
	s5 =	sadd.s32 s5, s1;
	s1 =	sadd.s32 s3, s1  }
0xf: {  	s7 =	sadd.s32 s31, s2;
	[dreg:$0x6] =	wrdreg s0;
	s26 =	sadd.s32 $0x4C00, s5  }
0x10: {  	s0 =	simm.s32 $0x2;
	s5 =	sadd.s32 $0xE840, s5;
	[dreg:$0x3] =	wrdreg s26  }
0x11: {  	s3 =	simm.s32 $0x0;
	s1 =	sadd.s32 $0x1D600, s1;
	[dreg:$0x4] =	wrdreg s5  }
0x12: {  	v0 =	vimm.f32 $0.0e+00;
	[dreg:$0x5] =	wrdreg s1;
	s5 =	simm.s32 $0x2710;
	s26 =	simm.s32 $0x8020  }
.LBB2_1:
0x13: {  	s1 =	rddreg [dreg:$0x3]  }
0x14: {  	[tilespmem:s10], [sflag:$0x19] =	stream.linear.gather [hbm4b:s1+s10], $0x2710, $0x38;
	[tilespmem:$0xDA20] =	vst v63  }
0x15: {  	s31 =	rddreg [dreg:$0x4];
	s12 =	simm.s32 $0x40;
	s14 =	simm.s32 $0x0  }
0x16: {  	[tilespmem:s5], [sflag:$0x19] =	stream.linear.gather [hbm4b:s31+s10], $0x2710, $0x38;
	[tilespmem:$0xDA20] =	vst v63  }
.LBB2_2:
0x17: {  	p0 =	sne.s32 s12, $0x9FC0;
	[tilespmem:s14+$0x8A20] =	vst v0;
	s14 =	smov.u32 s12;
	s12 =	sadd.s32 $0x40, s12  }
.Ltmp0:
0x18: {  	(pc) =	sbr.rel @p0 .LBB2_2-.Ltmp0, $2  }
0x19: {  	_ =	sdelay $0x2  }
0x1a: {  	s14 =	sshra.s32 s14, $0x2  }
0x1b: {  	[tilespmem:s14+$0x8A20] =	vst v0  }
0x1c: {  	_ =	swait.ge [sflag:s11], $0x2710  }
0x1d: {  	[sflag:s11] =	ssyncset.done $0x0  }
0x1e: {  	[sflag:s11] =	ssyncadd.s32 $0xFFFFD8F0  }
0x1f: {  	_ =	swait.ge [sflag:s11], $0x2710  }
0x20: {  	[sflag:s11] =	ssyncset.done $0x0  }
0x21: {  	s1 =	simm.s32 $0x8A20;
	[sflag:s11] =	ssyncadd.s32 $0xFFFFD8F0  }
0x22: {  	[spmem:s7] =	stream.linear.scatter [tilespmem:s1], [sflag:$0x19], $0x2800, $0x38;
	[tilespmem:$0xDA20] =	vst v63  }
0x23: {  	_ = 	snop  }
0x24: {  	[tilespmem:s15], [sflag:$0x1] =	stream.indirect.gather [hbm4b:s4+s13], $0x10, s10, s13, $0xb8;
	[tilespmem:$0xDA20] =	vst v63  }
0x25: {  	_ = 	snop  }
0x26: {  	[tilespmem:s17], [sflag:$0x2] =	stream.indirect.gather [hbm4b:s4+s13], $0x10, s13, s13, $0xb8;
	[tilespmem:$0xDA20] =	vst v63  }
0x27: {  	s10 =	simm.s32 $0xA0  }
0x28: {  	[tilespmem:s19], [sflag:$0x3] =	stream.indirect.gather [hbm4b:s4+s13], $0x10, s10, s13, $0xb8;
	[tilespmem:$0xDA20] =	vst v63  }
0x29: {  	s12 =	simm.s32 $0xF0  }
0x2a: {  	[tilespmem:s20], [sflag:$0x4] =	stream.indirect.gather [hbm4b:s4+s13], $0x10, s12, s13, $0xb8;
	[tilespmem:$0xDA20] =	vst v63  }
0x2b: {  	s14 =	simm.s32 $0x140  }
0x2c: {  	[tilespmem:s22], [sflag:$0x5] =	stream.indirect.gather [hbm4b:s4+s13], $0x10, s14, s13, $0xb8;
	[tilespmem:$0xDA20] =	vst v63  }
0x2d: {  	s31 =	simm.s32 $0x6720;
	s22 =	simm.s32 $0x190  }
0x2e: {  	[tilespmem:s31], [sflag:$0x6] =	stream.indirect.gather [hbm4b:s4+s13], $0x10, s22, s13, $0xb8;
	[tilespmem:$0xDA20] =	vst v63  }
0x2f: {  	s12 =	simm.s32 $0x1E0;
	s14 =	simm.s32 $0x6C20  }
0x30: {  	[tilespmem:s14], [sflag:$0x7] =	stream.indirect.gather [hbm4b:s4+s13], $0x10, s12, s13, $0xb8;
	[tilespmem:$0xDA20] =	vst v63  }
0x31: {  	s22 =	simm.s32 $0x230;
	s31 =	simm.s32 $0x7120  }
0x32: {  	[tilespmem:s31], [sflag:$0x8] =	stream.indirect.gather [hbm4b:s4+s13], $0x10, s22, s13, $0xb8;
	[tilespmem:$0xDA20] =	vst v63  }
0x33: {  	_ =	swait.ge [sflag:s11], $0x2800  }
0x34: {  	[sflag:s11] =	ssyncset.done $0x0  }
0x35: {  	[sflag:s11] =	ssyncadd.s32 $0xFFFFD800  }
0x36: {  	[bflag:$0x0] =	sbarrier.arrive $0xFFFF  }
0x37: {  	_ =	swait.ge [sflag:s29], $0x500  }
0x38: {  	[sflag:s29] =	ssyncset.done $0x0  }
0x39: {  	[sflag:s29] =	ssyncadd.s32 $0xFFFFFB00  }
0x3a: {  	[spmem:s2] =	stream.indirect.scatter.add.f32 [tilespmem:s15], [sflag:$0xD], $0x10, s5, s13, $0xb8;
	[tilespmem:$0xDA20] =	vst v63  }
0x3b: {  	s12 =	simm.s32 $0x280;
	s14 =	simm.s32 $0x7620  }
0x3c: {  	[tilespmem:s14], [sflag:$0x9] =	stream.indirect.gather [hbm4b:s4+s13], $0x10, s12, s13, $0xb8;
	[tilespmem:$0xDA20] =	vst v63  }
0x3d: {  	_ =	swait.ge [sflag:s0], $0x500  }
0x3e: {  	s10 =	simm.s32 $0x2850;
	[sflag:s0] =	ssyncset.done $0x0  }
0x3f: {  	s15 =	simm.s32 $0x2760;
	s12 =	simm.s32 $0xC;
	[sflag:s0] =	ssyncadd.s32 $0xFFFFFB00  }
0x40: {  	[spmem:s2] =	stream.indirect.scatter.add.f32 [tilespmem:s17], [sflag:$0xE], $0x10, s15, s13, $0xb8;
	[tilespmem:$0xDA20] =	vst v63  }
0x41: {  	s22 =	simm.s32 $0x27B0;
	s12 =	smul.u32 $0xAB, s12;
	s17 =	simm.s32 $0x2D0  }
0x42: {  	[tilespmem:s25], [sflag:$0xA] =	stream.indirect.gather [hbm4b:s4+s13], $0x10, s17, s13, $0xb8;
	[tilespmem:$0xDA20] =	vst v63  }
0x43: {  	s1 =	sadd.s32 $0xFFFFFAA8, s12;
	s12 =	sshrl.u32 s12, $0xB;
	_ =	swait.ge [sflag:s18], $0x500  }
0x44: {  	s14 =	sshrl.u32 s1, $0xB;
	s12 =	sand.u32 $0x1F, s12;
	[sflag:s18] =	ssyncset.done $0x0  }
0x45: {  	s14 =	sand.u32 $0x1F, s14;
	s12 =	smul.u32 $0xC, s12;
	[sflag:s18] =	ssyncadd.s32 $0xFFFFFB00  }
0x46: {  	[spmem:s2] =	stream.indirect.scatter.add.f32 [tilespmem:s19], [sflag:$0xF], $0x10, s22, s13, $0xb8;
	[tilespmem:$0xDA20] =	vst v63  }
0x47: {  	s31 =	simm.s32 $0x370;
	s25 =	simm.s32 $0x320;
	s14 =	smul.u32 $0xC, s14  }
0x48: {  	[tilespmem:s26], [sflag:$0xB] =	stream.indirect.gather [hbm4b:s4+s13], $0x10, s25, s13, $0xb8;
	[tilespmem:$0xDA20] =	vst v63  }
0x49: {  	s17 =	simm.s32 $0x28A0;
	s12 =	ssub.s32 $0xC, s12;
	_ =	swait.ge [sflag:s24], $0x500  }
0x4a: {  	s5 =	ssub.s32 $0xC, s14;
	s12 =	sand.u32 $0xFF, s12;
	[sflag:s24] =	ssyncset.done $0x0  }
0x4b: {  	s15 =	sadd.s32 $0xFFFFFFF8, s5;
	s26 =	simm.s32 $0x2800;
	[sflag:s24] =	ssyncadd.s32 $0xFFFFFB00  }
0x4c: {  	[spmem:s2] =	stream.indirect.scatter.add.f32 [tilespmem:s20], [sflag:$0x10], $0x10, s26, s13, $0xb8;
	[tilespmem:$0xDA20] =	vst v63  }
0x4d: {  	s14 =	simm.s32 $0x3C0;
	s1 =	smul.u32 $0x1400, s12;
	s25 =	sand.u32 $0xFF, s15  }
0x4e: {  	[tilespmem:s30], [sflag:$0xC] =	stream.indirect.gather [hbm4b:s4+s13], $0x10, s31, s13, $0xb8;
	[tilespmem:$0xDA20] =	vst v63  }
0x4f: {  	s15 =	simm.s32 $0xD;
	s26 =	sadd.s32 $0x1, s25;
	s31 =	smul.u32 $0x1400, s25  }
0x50: {  	s5 =	sshrl.u32 s1, $0x2;
	s30 =	smul.u32 $0xAB, s15;
	_ =	swait.ge [sflag:s26], $0x500  }
0x51: {  	s19 =	sadd.s32 $0xD, s25;
	s22 =	sshrl.u32 s31, $0x2;
	[sflag:s26] =	ssyncset.done $0x0  }
0x52: {  	s25 =	sadd.s32 $0xFFFFFAA8, s30;
	s22 =	sadd.s32 $0x4E20, s22;
	[sflag:s26] =	ssyncadd.s32 $0xFFFFFB00  }
0x53: {  	[spmem:s2] =	stream.indirect.scatter.add.f32 [tilespmem:s22], [sflag:s19], $0x10, s10, s13, $0xb8;
	[tilespmem:$0xDA20] =	vst v63  }
0x54: {  	s31 =	sadd.s32 $0xD, s12;
	s26 =	sshrl.u32 s25, $0xB;
	s22 =	simm.s32 $0xE  }
0x55: {  	s19 =	sadd.s32 $0x1, s12;
	s10 =	sshrl.u32 s30, $0xB;
	_ =	swait.ge [sflag:s31], $0x500  }
0x56: {  	s12 =	sadd.s32 $0x4E20, s5;
	s30 =	sand.u32 $0x1F, s10;
	[sflag:s31] =	ssyncset.done $0x0  }
0x57: {  	s20 =	smul.u32 $0xC, s30;
	s30 =	simm.s32 $0x3C0;
	[sflag:s31] =	ssyncadd.s32 $0xFFFFFB00  }
.LBB2_4:
0x58: {  	s26 =	sand.u32 $0x1F, s26;
	s14 =	sadd.s32 $0x50, s14  }
0x59: {  	s31 =	smov.u32 s22;
	s1 =	sadd.s32 $0x1, s22;
	s25 =	smov.u32 s17  }
0x5a: {  	p0 =	sne.s32 s22, $0x7C;
	s22 =	smul.u32 $0xC, s26;
	s20 =	ssub.s32 s15, s20  }
0x5b: {  	[tilespmem:s12], [sflag:s19] =	stream.indirect.gather [hbm4b:s4+s13], $0x10, s30, s13, $0xb8;
	[tilespmem:$0xDA20] =	vst v63  }
0x5c: {  	s20 =	sand.u32 $0xFF, s20;
	s12 =	ssub.s32 s15, s22;
	s15 =	smov.u32 s31  }
0x5d: {  	s22 =	smul.u32 $0x1400, s20;
	s19 =	sadd.s32 $0x1, s20;
	s12 =	sadd.s32 $0xFFFFFFF8, s12  }
0x5e: {  	s17 =	sadd.s32 $0x50, s17;
	s30 =	smov.u32 s14;
	s12 =	sand.u32 $0xFF, s12  }
0x5f: {  	s22 =	sshrl.u32 s22, $0x2;
	s26 =	sadd.s32 $0x1, s12;
	s31 =	smul.u32 $0x1400, s12  }
0x60: {  	s10 =	sadd.s32 $0xD, s20;
	s5 =	smul.u32 $0xAB, s15;
	_ =	swait.ge [sflag:s26], $0x500  }
0x61: {  	s12 =	sadd.s32 $0xD, s12;
	s20 =	sshrl.u32 s31, $0x2;
	[sflag:s26] =	ssyncset.done $0x0  }
0x62: {  	s20 =	sadd.s32 $0x4E20, s20;
	[sflag:s26] =	ssyncadd.s32 $0xFFFFFB00  }
0x63: {  	[spmem:s2] =	stream.indirect.scatter.add.f32 [tilespmem:s20], [sflag:s12], $0x10, s25, s13, $0xb8;
	[tilespmem:$0xDA20] =	vst v63  }
.Ltmp1:
0x64: {  	_ = 	snop;
	(pc) =	sbr.rel @p0 .LBB2_4-.Ltmp1, $4  }
0x65: {  	s20 =	sshrl.u32 s5, $0xB  }
0x66: {  	s12 =	sadd.s32 $0x4E20, s22;
	s5 =	sadd.s32 $0xFFFFFAA8, s5;
	_ =	swait.ge [sflag:s10], $0x500  }
0x67: {  	s22 =	smov.u32 s1;
	s20 =	sand.u32 $0x1F, s20;
	[sflag:s10] =	ssyncset.done $0x0  }
0x68: {  	s26 =	sshrl.u32 s5, $0xB;
	s20 =	smul.u32 $0xC, s20;
	[sflag:s10] =	ssyncadd.s32 $0xFFFFFB00  }
0x69: {  	s1 =	sand.u32 $0x1F, s26  }
0x6a: {  	s1 =	smul.u32 $0xC, s1  }
0x6b: {  	[tilespmem:s12], [sflag:s19] =	stream.indirect.gather [hbm4b:s4+s13], $0x10, s30, s13, $0xb8;
	[tilespmem:$0xDA20] =	vst v63  }
0x6c: {  	s1 =	ssub.s32 s15, s1  }
0x6d: {  	s1 =	sadd.s32 $0xFFFFFFF8, s1  }
0x6e: {  	s1 =	sand.u32 $0xFF, s1  }
0x6f: {  	s5 =	sadd.s32 $0x1, s1;
	s10 =	smul.u32 $0x1400, s1  }
0x70: {  	_ =	swait.ge [sflag:s5], $0x500  }
0x71: {  	s25 =	ssub.s32 s15, s20;
	s10 =	sshrl.u32 s10, $0x2;
	[sflag:s5] =	ssyncset.done $0x0  }
0x72: {  	s1 =	sadd.s32 $0xD, s1;
	[sflag:s5] =	ssyncadd.s32 $0xFFFFFB00;
	s22 =	sadd.s32 $0x4E20, s10  }
0x73: {  	[spmem:s2] =	stream.indirect.scatter.add.f32 [tilespmem:s22], [sflag:s1], $0x10, s17, s13, $0xb8;
	[tilespmem:$0xDA20] =	vst v63  }
0x74: {  	s1 =	sand.u32 $0xFF, s25  }
0x75: {  	s26 =	sadd.s32 $0xD, s1;
	s31 =	smul.u32 $0x1400, s1  }
0x76: {  	s14 =	sadd.s32 $0x50, s14;
	_ =	swait.ge [sflag:s26], $0x500  }
0x77: {  	s15 =	simm.s32 $0xA;
	[sflag:s26] =	ssyncset.done $0x0;
	s12 =	sshrl.u32 s31, $0x2  }
0x78: {  	s1 =	sadd.s32 $0x1, s1;
	[sflag:s26] =	ssyncadd.s32 $0xFFFFFB00;
	s5 =	sadd.s32 $0x4E20, s12  }
0x79: {  	[tilespmem:s5], [sflag:s1] =	stream.indirect.gather [hbm4b:s4+s13], $0x10, s14, s13, $0xb8;
	[tilespmem:$0xDA20] =	vst v63  }
0x7a: {  	_ =	swait.ge [sflag:s15], $0x500  }
0x7b: {  	s19 =	simm.s32 $0xB;
	[sflag:s15] =	ssyncset.done $0x0  }
0x7c: {  	s25 =	simm.s32 $0x7B20;
	s17 =	simm.s32 $0x4BA0;
	[sflag:s15] =	ssyncadd.s32 $0xFFFFFB00  }
0x7d: {  	[spmem:s2] =	stream.indirect.scatter.add.f32 [tilespmem:s25], [sflag:$0x16], $0x10, s17, s13, $0xb8;
	[tilespmem:$0xDA20] =	vst v63  }
0x7e: {  	_ =	swait.ge [sflag:s19], $0x500  }
0x7f: {  	s20 =	simm.s32 $0x4BF0;
	[sflag:s19] =	ssyncset.done $0x0  }
0x80: {  	s22 =	simm.s32 $0xC;
	s26 =	simm.s32 $0x8020;
	[sflag:s19] =	ssyncadd.s32 $0xFFFFFB00  }
0x81: {  	[spmem:s2] =	stream.indirect.scatter.add.f32 [tilespmem:s26], [sflag:$0x17], $0x10, s20, s13, $0xb8;
	[tilespmem:$0xDA20] =	vst v63  }
0x82: {  	_ =	swait.ge [sflag:s22], $0x500  }
0x83: {  	[sflag:s22] =	ssyncset.done $0x0  }
0x84: {  	s30 =	simm.s32 $0x8520;
	s31 =	simm.s32 $0x4C40;
	[sflag:s22] =	ssyncadd.s32 $0xFFFFFB00  }
0x85: {  	[spmem:s2] =	stream.indirect.scatter.add.f32 [tilespmem:s30], [sflag:$0x18], $0x10, s31, s13, $0xb8;
	[tilespmem:$0xDA20] =	vst v63  }
0x86: {  	_ =	swait.ge [sflag:s29], $0x500  }
0x87: {  	[sflag:s29] =	ssyncset.done $0x0  }
0x88: {  	s5 =	simm.s32 $0x4C90;
	s15 =	simm.s32 $0x4E20;
	[sflag:s29] =	ssyncadd.s32 $0xFFFFFB00  }
0x89: {  	[spmem:s2] =	stream.indirect.scatter.add.f32 [tilespmem:s15], [sflag:$0xD], $0x10, s5, s13, $0xb8;
	[tilespmem:$0xDA20] =	vst v63  }
0x8a: {  	_ =	swait.ge [sflag:s0], $0x500  }
0x8b: {  	[sflag:s0] =	ssyncset.done $0x0  }
0x8c: {  	s10 =	simm.s32 $0x4CE0;
	s17 =	simm.s32 $0x5320;
	[sflag:s0] =	ssyncadd.s32 $0xFFFFFB00  }
0x8d: {  	[spmem:s2] =	stream.indirect.scatter.add.f32 [tilespmem:s17], [sflag:$0xE], $0x10, s10, s13, $0xb8;
	[tilespmem:$0xDA20] =	vst v63  }
0x8e: {  	_ =	swait.ge [sflag:s18], $0x500  }
0x8f: {  	[sflag:s18] =	ssyncset.done $0x0  }
0x90: {  	s12 =	simm.s32 $0x4D30;
	s19 =	simm.s32 $0x5820;
	[sflag:s18] =	ssyncadd.s32 $0xFFFFFB00  }
0x91: {  	[spmem:s2] =	stream.indirect.scatter.add.f32 [tilespmem:s19], [sflag:$0xF], $0x10, s12, s13, $0xb8;
	[tilespmem:$0xDA20] =	vst v63  }
0x92: {  	_ =	swait.ge [sflag:s24], $0x500  }
0x93: {  	s14 =	simm.s32 $0x4D80;
	[sflag:s24] =	ssyncset.done $0x0  }
0x94: {  	s20 =	simm.s32 $0x5D20;
	s22 =	simm.s32 $0x5;
	[sflag:s24] =	ssyncadd.s32 $0xFFFFFB00  }
0x95: {  	[spmem:s2] =	stream.indirect.scatter.add.f32 [tilespmem:s20], [sflag:$0x10], $0x10, s14, s13, $0xb8;
	[tilespmem:$0xDA20] =	vst v63  }
0x96: {  	_ =	swait.ge [sflag:s22], $0x500  }
0x97: {  	s31 =	simm.s32 $0x4DD0;
	[sflag:s22] =	ssyncset.done $0x0  }
0x98: {  	s5 =	simm.s32 $0x12;
	[sflag:s22] =	ssyncadd.s32 $0xFFFFFB00;
	s22 =	simm.s32 $0x6220  }
0x99: {  	[spmem:s2] =	stream.indirect.scatter.add.f32 [tilespmem:s22], [sflag:$0x11], $0x10, s31, s13, $0xb8;
	[tilespmem:$0xDA20] =	vst v63  }
0x9a: {  	_ =	swait.ge [sflag:s5], $0x500  }
0x9b: {  	[sflag:s5] =	ssyncset.done $0x0  }
0x9c: {  	s10 =	simm.s32 $0x13;
	[sflag:s5] =	ssyncadd.s32 $0xFFFFFB00  }
0x9d: {  	_ =	swait.ge [sflag:s10], $0x500  }
0x9e: {  	[sflag:s10] =	ssyncset.done $0x0  }
0x9f: {  	s12 =	simm.s32 $0x14;
	[sflag:s10] =	ssyncadd.s32 $0xFFFFFB00  }
0xa0: {  	_ =	swait.ge [sflag:s12], $0x500  }
0xa1: {  	[sflag:s12] =	ssyncset.done $0x0  }
0xa2: {  	s14 =	simm.s32 $0x15;
	[sflag:s12] =	ssyncadd.s32 $0xFFFFFB00  }
0xa3: {  	_ =	swait.ge [sflag:s14], $0x500  }
0xa4: {  	[sflag:s14] =	ssyncset.done $0x0  }
0xa5: {  	s31 =	simm.s32 $0x16;
	[sflag:s14] =	ssyncadd.s32 $0xFFFFFB00  }
0xa6: {  	_ =	swait.ge [sflag:s31], $0x500  }
0xa7: {  	[sflag:s31] =	ssyncset.done $0x0  }
0xa8: {  	s5 =	simm.s32 $0x17;
	[sflag:s31] =	ssyncadd.s32 $0xFFFFFB00  }
0xa9: {  	_ =	swait.ge [sflag:s5], $0x500  }
0xaa: {  	[sflag:s5] =	ssyncset.done $0x0  }
0xab: {  	[sflag:s5] =	ssyncadd.s32 $0xFFFFFB00  }
0xac: {  	_ =	swait.ge [sflag:s6], $0x500  }
0xad: {  	[sflag:s6] =	ssyncset.done $0x0  }
0xae: {  	[sflag:s6] =	ssyncadd.s32 $0xFFFFFB00  }
0xaf: {  	_ =	swait.ge [sflag:s8], $0x500  }
0xb0: {  	[sflag:s8] =	ssyncset.done $0x0  }
0xb1: {  	[sflag:s8] =	ssyncadd.s32 $0xFFFFFB00  }
0xb2: {  	_ =	swait.ge [sflag:s9], $0x500  }
0xb3: {  	[sflag:s9] =	ssyncset.done $0x0  }
0xb4: {  	[sflag:s9] =	ssyncadd.s32 $0xFFFFFB00  }
0xb5: {  	_ =	swait.ge [sflag:s21], $0x500  }
0xb6: {  	[sflag:s21] =	ssyncset.done $0x0  }
0xb7: {  	[sflag:s21] =	ssyncadd.s32 $0xFFFFFB00  }
0xb8: {  	_ =	swait.ge [sflag:s16], $0x500  }
0xb9: {  	[sflag:s16] =	ssyncset.done $0x0  }
0xba: {  	[sflag:s16] =	ssyncadd.s32 $0xFFFFFB00  }
0xbb: {  	_ =	swait.ge [sflag:s23], $0x500  }
0xbc: {  	[sflag:s23] =	ssyncset.done $0x0  }
0xbd: {  	s10 =	stileid.u32;
	[sflag:s23] =	ssyncadd.s32 $0xFFFFFB00  }
0xbe: {  	s1 =	sshll.u32 s10, $0x6;
	[bflag:$0x0] =	sbarrier.arrive $0xFFFF  }
0xbf: {  	s1 =	sor.u32 $0x1C1A, s1;
	s12 =	sshrl.u32 s7, $0x3;
	s14 =	rddreg [dreg:$0x5]  }
0xc0: {  	[hbm:s14], [sflag:s1] =	dma.local [spmem:s12], $0x500  }
0xc1: {  	_ =	swait.ge [sflag:s28], $0x500  }
0xc2: {  	s3 =	sadd.s32 $0x1, s3;
	s31 =	rddreg [dreg:$0x6]  }
0xc3: {  	p0 =	sne.s32 s3, s31  }
.Ltmp2:
0xc4: {  	_ = 	snop;
	(pc) =	sbr.rel @p0 .LBB2_1-.Ltmp2, $3  }
0xc5: {  	_ =	sdelay $0x1  }
0xc6: {  	[sflag:s28] =	ssyncset.done $0x0  }
0xc7: {  	s10 =	simm.s32 $0x0;
	s5 =	simm.s32 $0x2710;
	[sflag:s28] =	ssyncadd.s32 $0xFFFFFB00  }
0xc8: {  	_ =	sfence.sel $0x180000  }
0xc9: {  	[bflag:$0x0] =	sbarrier.arrive $0xFFFF  }
0xca: {  	_ =	strace $0x90000050  }
0xcb: {  	s0 =	stileid.u32;
	[bflag:$0x2] =	sbarrier.arrive $0xFFFF  }
0xcc: {  	p0 =	sne.s32 s0, $0x0;
	s0 =	rddreg [dreg:$0x2]  }
0xcd: {  	s0 =	sadd.s32 @!p0 $0x100000, s0  }
0xce: {  	[sflag:s0] =	ssyncadd.tile.s32 @!p0 $0x1;
	_ =	shalt  }
.Lfunc_end2:
_tile_overlayer_lowered:
.L_overlay_start_2:
0xcf: {  	(tag) =	ssettag $0x2  }
0xd0: {  	s0 =	rddreg [dreg:$0x0];
	s2 =	stileid.u32  }
0xd1: {  	s1 =	rddreg [dreg:$0x1];
	p0 =	sne.s32 s2, $0x0  }
0xd2: {  	s3 =	rddreg [dreg:$0x2];
	[bflag:$0x3] =	sbarrier.arrive $0xFFFF;
	s2 =	simm.s32 @!p0 $0x1C1A  }
0xd3: {  	[timem:s3], [sflag:s2] =	dma.local @!p0 [hbm:s0], s1  }
0xd4: {  	s0 =	simm.s32 @!p0 $0x1A  }
0xd5: {  	_ =	swait.ge @!p0 [sflag:s0], s1  }
0xd6: {  	s1 =	ssub.s32 @!p0 $0x0, s1;
	[sflag:s0] =	ssyncset.done @!p0 $0x0  }
0xd7: {  	[sflag:s0] =	ssyncadd.s32 @!p0 s1  }
0xd8: {  	[bflag:$0x3] =	sbarrier.arrive $0xFFFF  }
0xd9: {  	_ =	shalt  }

</sc_bundles>
